<compile_context>
chip_gen: v7x
topology: tpu7x:2x2x1
jax: 0.10.2.dev20260603
libtpu: 0.0.44.dev20260713+nightly
codegen_flags: <defaults>
</compile_context>

<pallas_src>
import functools

import jax
import jax.numpy as jnp
from jax import lax
from jax.experimental import pallas as pl
from jax.experimental.pallas import tpu as pltpu
from jax.experimental.pallas import tpu_sc as plsc

NC = 2
NS = 16
NW = NC * NS
CH = 128
LANES = 16


def _make_deg(n, nch, epw):
    dpt = -(-n // (NS * CH)) * CH
    n1 = dpt * NS
    mesh = plsc.VectorSubcoreMesh(core_axis_name="c", subcore_axis_name="s")

    @functools.partial(
        pl.kernel,
        out_type=jax.ShapeDtypeStruct((NC, n1), jnp.float32),
        mesh=mesh,
        scratch_types=[
            pltpu.VMEM_SHARED((n1,), jnp.float32),
            pltpu.VMEM((dpt,), jnp.float32),
            pltpu.VMEM((CH,), jnp.int32),
            pltpu.VMEM((CH,), jnp.float32),
        ],
    )
    def deg_kernel(dst_hbm, ew_hbm, out_hbm, acc_sh, zero_v, didx_v, ew_v):
        c = lax.axis_index("c")
        s = lax.axis_index("s")
        wid = s * NC + c
        for j in range(dpt // LANES):
            zero_v[pl.ds(j * LANES, LANES)] = jnp.zeros((LANES,), jnp.float32)
        pltpu.sync_copy(zero_v, acc_sh.at[pl.ds(s * dpt, dpt)])
        plsc.subcore_barrier()
        base = wid * epw

        def chunk(i, carry):
            b = base + i * CH
            pltpu.sync_copy(dst_hbm.at[pl.ds(b, CH)], didx_v)
            pltpu.sync_copy(ew_hbm.at[pl.ds(b, CH)], ew_v)
            pltpu.sync_copy(ew_v, acc_sh.at[didx_v], add=True)
            return carry

        lax.fori_loop(0, nch, chunk, 0)
        plsc.subcore_barrier()
        pltpu.sync_copy(acc_sh.at[pl.ds(s * dpt, dpt)],
                        out_hbm.at[c, pl.ds(s * dpt, dpt)])

    return deg_kernel, n1


def _make_edge(n, nch, epw, d):
    rpt = -(-n // (NS * CH)) * CH
    np_ = rpt * NS
    mesh = plsc.VectorSubcoreMesh(core_axis_name="c", subcore_axis_name="s")

    @functools.partial(
        pl.kernel,
        out_type=jax.ShapeDtypeStruct((NC, np_, d), jnp.float32),
        mesh=mesh,
        scratch_types=[
            pltpu.VMEM_SHARED((np_, d), jnp.float32),
            pltpu.VMEM((CH,), jnp.int32),
            pltpu.VMEM((CH,), jnp.int32),
            pltpu.VMEM((CH,), jnp.float32),
            pltpu.VMEM((CH, d), jnp.float32),
            pltpu.SemaphoreType.DMA,
        ],
        compiler_params=pltpu.CompilerParams(use_tc_tiling_on_sc=False),
    )
    def edge_kernel(src_hbm, dst_hbm, ew_hbm, g_hbm, out_hbm,
                    acc_sh, sidx_v, didx_v, ew_v, rows_v, sem):
        c = lax.axis_index("c")
        s = lax.axis_index("s")
        wid = s * NC + c

        def zrow(k, carry):
            for j in range(d // LANES):
                rows_v[k, pl.ds(j * LANES, LANES)] = jnp.zeros((LANES,),
                                                               jnp.float32)
            return carry

        lax.fori_loop(0, CH, zrow, 0)
        for t in range(rpt // CH):
            pltpu.sync_copy(rows_v, acc_sh.at[pl.ds(s * rpt + t * CH, CH)])
        plsc.subcore_barrier()
        base = wid * epw

        def chunk(i, carry):
            b = base + i * CH
            pltpu.sync_copy(src_hbm.at[pl.ds(b, CH)], sidx_v)
            pltpu.sync_copy(dst_hbm.at[pl.ds(b, CH)], didx_v)
            pltpu.sync_copy(ew_hbm.at[pl.ds(b, CH)], ew_v)
            pltpu.async_copy(g_hbm.at[sidx_v], rows_v, sem).wait()

            def scale(kb, carry2):
                ew16 = ew_v[pl.ds(kb * LANES, LANES)]
                for k in range(LANES):
                    w = jnp.full((LANES,), ew16[k], jnp.float32)
                    for j in range(d // LANES):
                        sl = pl.ds(j * LANES, LANES)
                        rows_v[kb * LANES + k, sl] = rows_v[kb * LANES + k, sl] * w
                return carry2

            lax.fori_loop(0, CH // LANES, scale, 0)
            pltpu.sync_copy(rows_v, acc_sh.at[didx_v], add=True)
            return carry

        lax.fori_loop(0, nch, chunk, 0)
        plsc.subcore_barrier()
        for t in range(rpt // CH):
            r0 = s * rpt + t * CH
            pltpu.sync_copy(acc_sh.at[pl.ds(r0, CH)], out_hbm.at[c, pl.ds(r0, CH)])

    return edge_kernel


def _tc_pre(d0, d1, x, w1):
    n, din = x.shape
    h1 = w1.shape[1]
    bn = 1000

    def body(d0_r, d1_r, x_r, w_r, g_r, dinv_r):
        dinv = lax.rsqrt(d0_r[...] + d1_r[...] + 1.0)
        dinv_r[...] = dinv
        g_r[...] = jnp.dot(x_r[...], w_r[...],
                           preferred_element_type=jnp.float32) * dinv

    return pl.pallas_call(
        body,
        grid=(n // bn,),
        in_specs=[
            pl.BlockSpec((bn, 1), lambda i: (i, 0)),
            pl.BlockSpec((bn, 1), lambda i: (i, 0)),
            pl.BlockSpec((bn, din), lambda i: (i, 0)),
            pl.BlockSpec((din, h1), lambda i: (0, 0)),
        ],
        out_specs=[
            pl.BlockSpec((bn, h1), lambda i: (i, 0)),
            pl.BlockSpec((bn, 1), lambda i: (i, 0)),
        ],
        out_shape=[
            jax.ShapeDtypeStruct((n, h1), jnp.float32),
            jax.ShapeDtypeStruct((n, 1), jnp.float32),
        ],
    )(d0, d1, x, w1)


def _tc_mid(pa, pb, g1, dinv, b1, w2):
    n, h1 = g1.shape
    h2 = w2.shape[1]
    bn = 1000

    def body(pa_r, pb_r, g_r, dv_r, b_r, w_r, o_r):
        h = jnp.maximum((pa_r[...] + pb_r[...] + g_r[...]) * dv_r[...] + b_r[...],
                        0.0)
        o_r[...] = jnp.dot(h, w_r[...],
                           preferred_element_type=jnp.float32) * dv_r[...]

    return pl.pallas_call(
        body,
        grid=(n // bn,),
        in_specs=[
            pl.BlockSpec((bn, h1), lambda i: (i, 0)),
            pl.BlockSpec((bn, h1), lambda i: (i, 0)),
            pl.BlockSpec((bn, h1), lambda i: (i, 0)),
            pl.BlockSpec((bn, 1), lambda i: (i, 0)),
            pl.BlockSpec((1, h1), lambda i: (0, 0)),
            pl.BlockSpec((h1, h2), lambda i: (0, 0)),
        ],
        out_specs=pl.BlockSpec((bn, h2), lambda i: (i, 0)),
        out_shape=jax.ShapeDtypeStruct((n, h2), jnp.float32),
    )(pa, pb, g1, dinv, b1, w2)


def _tc_out(pa, pb, g2, dinv, b2, wc, bc):
    n, h2 = g2.shape
    cdim = wc.shape[1]
    bn = 1000

    def body(pa_r, pb_r, g_r, dv_r, b_r, w_r, bc_r, o_r):
        o2 = (pa_r[...] + pb_r[...] + g_r[...]) * dv_r[...] + b_r[...]
        o_r[...] = jnp.dot(o2, w_r[...],
                           preferred_element_type=jnp.float32) + bc_r[...]

    return pl.pallas_call(
        body,
        grid=(n // bn,),
        in_specs=[
            pl.BlockSpec((bn, h2), lambda i: (i, 0)),
            pl.BlockSpec((bn, h2), lambda i: (i, 0)),
            pl.BlockSpec((bn, h2), lambda i: (i, 0)),
            pl.BlockSpec((bn, 1), lambda i: (i, 0)),
            pl.BlockSpec((1, h2), lambda i: (0, 0)),
            pl.BlockSpec((h2, cdim), lambda i: (0, 0)),
            pl.BlockSpec((1, cdim), lambda i: (0, 0)),
        ],
        out_specs=pl.BlockSpec((bn, cdim), lambda i: (i, 0)),
        out_shape=jax.ShapeDtypeStruct((n, cdim), jnp.float32),
    )(pa, pb, g2, dinv, b2, wc, bc)


def kernel(x, edge_index, edge_attr, W1, b1, W2, b2, Wc, bc):
    n = x.shape[0]
    e = edge_attr.shape[0]
    src = edge_index[0]
    dst = edge_index[1]

    epc = NW * CH
    ep = -(-e // epc) * epc
    pad = ep - e
    if pad:
        src = jnp.concatenate([src, jnp.zeros((pad,), src.dtype)])
        dst = jnp.concatenate([dst, jnp.zeros((pad,), dst.dtype)])
        ew = jnp.concatenate([edge_attr, jnp.zeros((pad,), edge_attr.dtype)])
    else:
        ew = edge_attr
    epw = ep // NW
    nch = epw // CH

    deg_kernel, _ = _make_deg(n, nch, epw)
    degp = deg_kernel(dst, ew)
    d0 = degp[0, :n, None]
    d1 = degp[1, :n, None]

    g1, dinv = _tc_pre(d0, d1, x, W1)
    p1 = _make_edge(n, nch, epw, W1.shape[1])(src, dst, ew, g1)
    g2 = _tc_mid(p1[0, :n], p1[1, :n], g1, dinv, b1[None, :], W2)
    p2 = _make_edge(n, nch, epw, W2.shape[1])(src, dst, ew, g2)
    return _tc_out(p2[0, :n], p2[1, :n], g2, dinv, b2[None, :], Wc, bc[None, :])

# --- scband reference (transcript-rebuilt; emitter-appended) ---
"""Pipeline reference for scband-emotional-graph-network-56023553409305 (READ-ONLY COPY).

The authoritative reference and input builder live on the scoring server;
editing this copy changes nothing except your own understanding.
"""

import jax, jax.numpy as jnp
import numpy as np

N = 10000
E = 320000
D = 128
H1 = 128
H2 = 64
C = 8


def setup_inputs(seed: int = 0) -> dict:
    key = jax.random.key(seed)
    ks = jax.random.split(key, 10)
    x = jax.random.normal(ks[0], (N, D), dtype=jnp.float32)
    edge_index = jax.random.randint(ks[1], (2, E), 0, N, dtype=jnp.int32)
    edge_attr = jax.random.uniform(ks[2], (E,), dtype=jnp.float32)
    W1 = jax.random.normal(ks[3], (D, H1), dtype=jnp.float32) * (1.0 / np.sqrt(D))
    b1 = jnp.zeros((H1,), dtype=jnp.float32)
    W2 = jax.random.normal(ks[4], (H1, H2), dtype=jnp.float32) * (1.0 / np.sqrt(H1))
    b2 = jnp.zeros((H2,), dtype=jnp.float32)
    Wc = jax.random.normal(ks[5], (H2, C), dtype=jnp.float32) * (1.0 / np.sqrt(H2))
    bc = jnp.zeros((C,), dtype=jnp.float32)
    return {"x": x, "edge_index": edge_index, "edge_attr": edge_attr,
            "W1": W1, "b1": b1, "W2": W2, "b2": b2, "Wc": Wc, "bc": bc}


def _gcn_conv(x, src, dst, ew, W, b):
    # PyG GCNConv semantics: add self loops (weight 1.0), symmetric normalization,
    # linear transform, scatter-add aggregation to dst, add bias.
    n = x.shape[0]
    loop = jnp.arange(n, dtype=src.dtype)
    src2 = jnp.concatenate([src, loop])
    dst2 = jnp.concatenate([dst, loop])
    ew2 = jnp.concatenate([ew, jnp.ones((n,), dtype=ew.dtype)])
    deg = jnp.zeros((n,), dtype=x.dtype).at[dst2].add(ew2)
    deg_safe = jnp.where(deg > 0, deg, 1.0)
    dinv = jnp.where(deg > 0, jax.lax.rsqrt(deg_safe), 0.0)
    norm = dinv[src2] * ew2 * dinv[dst2]
    h = x @ W
    out = jnp.zeros((n, W.shape[1]), dtype=x.dtype).at[dst2].add(norm[:, None] * h[src2])
    return out + b


def reference(x, edge_index, edge_attr, W1, b1, W2, b2, Wc, bc):
    src = edge_index[0]
    dst = edge_index[1]
    h = jax.nn.relu(_gcn_conv(x, src, dst, edge_attr, W1, b1))
    # F.dropout is identity in eval mode
    h = _gcn_conv(h, src, dst, edge_attr, W2, b2)
    return h @ Wc + bc

if __name__ == "__main__":
    import jax
    _d = setup_inputs()
    print(jax.jit(kernel)(*tuple(_d.values())))

</pallas_src>

<mosaic_0001>
#map = affine_map<(d0, d1) -> (0)>
#map1 = affine_map<(d0, d1) -> (0, 0)>
module attributes {stable_mosaic.version = 14 : i64} {
  func.func @deg_kernel(%arg0: i32, %arg1: i32, %arg2: memref<323584xi32, #tpu.memory_space<hbm>>, %arg3: memref<323584xf32, #tpu.memory_space<hbm>>, %arg4: memref<2x10240xf32, #tpu.memory_space<hbm>>, %arg5: memref<10240xf32, #tpu.memory_space<vmem_shared>>, %arg6: memref<640xf32, #tpu.memory_space<vmem>>, %arg7: memref<128xi32, #tpu.memory_space<vmem>>, %arg8: memref<128xf32, #tpu.memory_space<vmem>>) attributes {dimension_semantics = [#tpu.dimension_semantics<core_parallel>, #tpu.dimension_semantics<subcore_parallel>], iteration_bounds = array<i64: 2, 16>, scalar_prefetch = 0 : i64, scratch_operands = 4 : i64, tpu.core_type = #tpu.core_type<sc_vector_subcore>, window_params = [{transform_indices = #map}, {transform_indices = #map}, {transform_indices = #map1}]} {
    %mul3A = arith.constant 2 : i32
    %mul3A_0 = arith.muli %arg1, %mul3A : i32
    %add3A = arith.addi %mul3A_0, %arg0 : i32
    %broadcast_in_dim3A = arith.constant 0.000000e+00 : f32
    %broadcast_in_dim3A_1 = vector.broadcast %broadcast_in_dim3A : f32 to vector<16xf32>
    %swap3A = arith.constant 0 : index
    %swap3A_2 = tpu.vector_load %arg6[%swap3A] {strides = array<i32>} : memref<640xf32, #tpu.memory_space<vmem>>, vector<16xf32>,
    %swap3A_3 = vector.shape_cast %swap3A_2 : vector<16xf32> to vector<16xf32>
    %swap3A_4 = vector.shape_cast %broadcast_in_dim3A_1 : vector<16xf32> to vector<16xf32>
    tpu.vector_store %arg6[%swap3A], %swap3A_4 {strides = array<i32>} : memref<640xf32, #tpu.memory_space<vmem>>, vector<16xf32>,
    %broadcast_in_dim3A_5 = arith.constant 0.000000e+00 : f32
    %broadcast_in_dim3A_6 = vector.broadcast %broadcast_in_dim3A_5 : f32 to vector<16xf32>
    %swap3A_7 = arith.constant 16 : index
    %swap3A_8 = tpu.vector_load %arg6[%swap3A_7] {strides = array<i32>} : memref<640xf32, #tpu.memory_space<vmem>>, vector<16xf32>,
    %swap3A_9 = vector.shape_cast %swap3A_8 : vector<16xf32> to vector<16xf32>
    %swap3A_10 = vector.shape_cast %broadcast_in_dim3A_6 : vector<16xf32> to vector<16xf32>
    tpu.vector_store %arg6[%swap3A_7], %swap3A_10 {strides = array<i32>} : memref<640xf32, #tpu.memory_space<vmem>>, vector<16xf32>,
    %broadcast_in_dim3A_11 = arith.constant 0.000000e+00 : f32
    %broadcast_in_dim3A_12 = vector.broadcast %broadcast_in_dim3A_11 : f32 to vector<16xf32>
    %swap3A_13 = arith.constant 32 : index
    %swap3A_14 = tpu.vector_load %arg6[%swap3A_13] {strides = array<i32>} : memref<640xf32, #tpu.memory_space<vmem>>, vector<16xf32>,
    %swap3A_15 = vector.shape_cast %swap3A_14 : vector<16xf32> to vector<16xf32>
    %swap3A_16 = vector.shape_cast %broadcast_in_dim3A_12 : vector<16xf32> to vector<16xf32>
    tpu.vector_store %arg6[%swap3A_13], %swap3A_16 {strides = array<i32>} : memref<640xf32, #tpu.memory_space<vmem>>, vector<16xf32>,
    %broadcast_in_dim3A_17 = arith.constant 0.000000e+00 : f32
    %broadcast_in_dim3A_18 = vector.broadcast %broadcast_in_dim3A_17 : f32 to vector<16xf32>
    %swap3A_19 = arith.constant 48 : index
    %swap3A_20 = tpu.vector_load %arg6[%swap3A_19] {strides = array<i32>} : memref<640xf32, #tpu.memory_space<vmem>>, vector<16xf32>,
    %swap3A_21 = vector.shape_cast %swap3A_20 : vector<16xf32> to vector<16xf32>
    %swap3A_22 = vector.shape_cast %broadcast_in_dim3A_18 : vector<16xf32> to vector<16xf32>
    tpu.vector_store %arg6[%swap3A_19], %swap3A_22 {strides = array<i32>} : memref<640xf32, #tpu.memory_space<vmem>>, vector<16xf32>,
    %broadcast_in_dim3A_23 = arith.constant 0.000000e+00 : f32
    %broadcast_in_dim3A_24 = vector.broadcast %broadcast_in_dim3A_23 : f32 to vector<16xf32>
    %swap3A_25 = arith.constant 64 : index
    %swap3A_26 = tpu.vector_load %arg6[%swap3A_25] {strides = array<i32>} : memref<640xf32, #tpu.memory_space<vmem>>, vector<16xf32>,
    %swap3A_27 = vector.shape_cast %swap3A_26 : vector<16xf32> to vector<16xf32>
    %swap3A_28 = vector.shape_cast %broadcast_in_dim3A_24 : vector<16xf32> to vector<16xf32>
    tpu.vector_store %arg6[%swap3A_25], %swap3A_28 {strides = array<i32>} : memref<640xf32, #tpu.memory_space<vmem>>, vector<16xf32>,
    %broadcast_in_dim3A_29 = arith.constant 0.000000e+00 : f32
    %broadcast_in_dim3A_30 = vector.broadcast %broadcast_in_dim3A_29 : f32 to vector<16xf32>
    %swap3A_31 = arith.constant 80 : index
    %swap3A_32 = tpu.vector_load %arg6[%swap3A_31] {strides = array<i32>} : memref<640xf32, #tpu.memory_space<vmem>>, vector<16xf32>,
    %swap3A_33 = vector.shape_cast %swap3A_32 : vector<16xf32> to vector<16xf32>
    %swap3A_34 = vector.shape_cast %broadcast_in_dim3A_30 : vector<16xf32> to vector<16xf32>
    tpu.vector_store %arg6[%swap3A_31], %swap3A_34 {strides = array<i32>} : memref<640xf32, #tpu.memory_space<vmem>>, vector<16xf32>,
    %broadcast_in_dim3A_35 = arith.constant 0.000000e+00 : f32
    %broadcast_in_dim3A_36 = vector.broadcast %broadcast_in_dim3A_35 : f32 to vector<16xf32>
    %swap3A_37 = arith.constant 96 : index
    %swap3A_38 = tpu.vector_load %arg6[%swap3A_37] {strides = array<i32>} : memref<640xf32, #tpu.memory_space<vmem>>, vector<16xf32>,
    %swap3A_39 = vector.shape_cast %swap3A_38 : vector<16xf32> to vector<16xf32>
    %swap3A_40 = vector.shape_cast %broadcast_in_dim3A_36 : vector<16xf32> to vector<16xf32>
    tpu.vector_store %arg6[%swap3A_37], %swap3A_40 {strides = array<i32>} : memref<640xf32, #tpu.memory_space<vmem>>, vector<16xf32>,
    %broadcast_in_dim3A_41 = arith.constant 0.000000e+00 : f32
    %broadcast_in_dim3A_42 = vector.broadcast %broadcast_in_dim3A_41 : f32 to vector<16xf32>
    %swap3A_43 = arith.constant 112 : index
    %swap3A_44 = tpu.vector_load %arg6[%swap3A_43] {strides = array<i32>} : memref<640xf32, #tpu.memory_space<vmem>>, vector<16xf32>,
    %swap3A_45 = vector.shape_cast %swap3A_44 : vector<16xf32> to vector<16xf32>
    %swap3A_46 = vector.shape_cast %broadcast_in_dim3A_42 : vector<16xf32> to vector<16xf32>
    tpu.vector_store %arg6[%swap3A_43], %swap3A_46 {strides = array<i32>} : memref<640xf32, #tpu.memory_space<vmem>>, vector<16xf32>,
    %broadcast_in_dim3A_47 = arith.constant 0.000000e+00 : f32
    %broadcast_in_dim3A_48 = vector.broadcast %broadcast_in_dim3A_47 : f32 to vector<16xf32>
    %swap3A_49 = arith.constant 128 : index
    %swap3A_50 = tpu.vector_load %arg6[%swap3A_49] {strides = array<i32>} : memref<640xf32, #tpu.memory_space<vmem>>, vector<16xf32>,
    %swap3A_51 = vector.shape_cast %swap3A_50 : vector<16xf32> to vector<16xf32>
    %swap3A_52 = vector.shape_cast %broadcast_in_dim3A_48 : vector<16xf32> to vector<16xf32>
    tpu.vector_store %arg6[%swap3A_49], %swap3A_52 {strides = array<i32>} : memref<640xf32, #tpu.memory_space<vmem>>, vector<16xf32>,
    %broadcast_in_dim3A_53 = arith.constant 0.000000e+00 : f32
    %broadcast_in_dim3A_54 = vector.broadcast %broadcast_in_dim3A_53 : f32 to vector<16xf32>
    %swap3A_55 = arith.constant 144 : index
    %swap3A_56 = tpu.vector_load %arg6[%swap3A_55] {strides = array<i32>} : memref<640xf32, #tpu.memory_space<vmem>>, vector<16xf32>,
    %swap3A_57 = vector.shape_cast %swap3A_56 : vector<16xf32> to vector<16xf32>
    %swap3A_58 = vector.shape_cast %broadcast_in_dim3A_54 : vector<16xf32> to vector<16xf32>
    tpu.vector_store %arg6[%swap3A_55], %swap3A_58 {strides = array<i32>} : memref<640xf32, #tpu.memory_space<vmem>>, vector<16xf32>,
    %broadcast_in_dim3A_59 = arith.constant 0.000000e+00 : f32
    %broadcast_in_dim3A_60 = vector.broadcast %broadcast_in_dim3A_59 : f32 to vector<16xf32>
    %swap3A_61 = arith.constant 160 : index
    %swap3A_62 = tpu.vector_load %arg6[%swap3A_61] {strides = array<i32>} : memref<640xf32, #tpu.memory_space<vmem>>, vector<16xf32>,
    %swap3A_63 = vector.shape_cast %swap3A_62 : vector<16xf32> to vector<16xf32>
    %swap3A_64 = vector.shape_cast %broadcast_in_dim3A_60 : vector<16xf32> to vector<16xf32>
    tpu.vector_store %arg6[%swap3A_61], %swap3A_64 {strides = array<i32>} : memref<640xf32, #tpu.memory_space<vmem>>, vector<16xf32>,
    %broadcast_in_dim3A_65 = arith.constant 0.000000e+00 : f32
    %broadcast_in_dim3A_66 = vector.broadcast %broadcast_in_dim3A_65 : f32 to vector<16xf32>
    %swap3A_67 = arith.constant 176 : index
    %swap3A_68 = tpu.vector_load %arg6[%swap3A_67] {strides = array<i32>} : memref<640xf32, #tpu.memory_space<vmem>>, vector<16xf32>,
    %swap3A_69 = vector.shape_cast %swap3A_68 : vector<16xf32> to vector<16xf32>
    %swap3A_70 = vector.shape_cast %broadcast_in_dim3A_66 : vector<16xf32> to vector<16xf32>
    tpu.vector_store %arg6[%swap3A_67], %swap3A_70 {strides = array<i32>} : memref<640xf32, #tpu.memory_space<vmem>>, vector<16xf32>,
    %broadcast_in_dim3A_71 = arith.constant 0.000000e+00 : f32
    %broadcast_in_dim3A_72 = vector.broadcast %broadcast_in_dim3A_71 : f32 to vector<16xf32>
    %swap3A_73 = arith.constant 192 : index
    %swap3A_74 = tpu.vector_load %arg6[%swap3A_73] {strides = array<i32>} : memref<640xf32, #tpu.memory_space<vmem>>, vector<16xf32>,
    %swap3A_75 = vector.shape_cast %swap3A_74 : vector<16xf32> to vector<16xf32>
    %swap3A_76 = vector.shape_cast %broadcast_in_dim3A_72 : vector<16xf32> to vector<16xf32>
    tpu.vector_store %arg6[%swap3A_73], %swap3A_76 {strides = array<i32>} : memref<640xf32, #tpu.memory_space<vmem>>, vector<16xf32>,
    %broadcast_in_dim3A_77 = arith.constant 0.000000e+00 : f32
    %broadcast_in_dim3A_78 = vector.broadcast %broadcast_in_dim3A_77 : f32 to vector<16xf32>
    %swap3A_79 = arith.constant 208 : index
    %swap3A_80 = tpu.vector_load %arg6[%swap3A_79] {strides = array<i32>} : memref<640xf32, #tpu.memory_space<vmem>>, vector<16xf32>,
    %swap3A_81 = vector.shape_cast %swap3A_80 : vector<16xf32> to vector<16xf32>
    %swap3A_82 = vector.shape_cast %broadcast_in_dim3A_78 : vector<16xf32> to vector<16xf32>
    tpu.vector_store %arg6[%swap3A_79], %swap3A_82 {strides = array<i32>} : memref<640xf32, #tpu.memory_space<vmem>>, vector<16xf32>,
    %broadcast_in_dim3A_83 = arith.constant 0.000000e+00 : f32
    %broadcast_in_dim3A_84 = vector.broadcast %broadcast_in_dim3A_83 : f32 to vector<16xf32>
    %swap3A_85 = arith.constant 224 : index
    %swap3A_86 = tpu.vector_load %arg6[%swap3A_85] {strides = array<i32>} : memref<640xf32, #tpu.memory_space<vmem>>, vector<16xf32>,
    %swap3A_87 = vector.shape_cast %swap3A_86 : vector<16xf32> to vector<16xf32>
    %swap3A_88 = vector.shape_cast %broadcast_in_dim3A_84 : vector<16xf32> to vector<16xf32>
    tpu.vector_store %arg6[%swap3A_85], %swap3A_88 {strides = array<i32>} : memref<640xf32, #tpu.memory_space<vmem>>, vector<16xf32>,
    %broadcast_in_dim3A_89 = arith.constant 0.000000e+00 : f32
    %broadcast_in_dim3A_90 = vector.broadcast %broadcast_in_dim3A_89 : f32 to vector<16xf32>
    %swap3A_91 = arith.constant 240 : index
    %swap3A_92 = tpu.vector_load %arg6[%swap3A_91] {strides = array<i32>} : memref<640xf32, #tpu.memory_space<vmem>>, vector<16xf32>,
    %swap3A_93 = vector.shape_cast %swap3A_92 : vector<16xf32> to vector<16xf32>
    %swap3A_94 = vector.shape_cast %broadcast_in_dim3A_90 : vector<16xf32> to vector<16xf32>
    tpu.vector_store %arg6[%swap3A_91], %swap3A_94 {strides = array<i32>} : memref<640xf32, #tpu.memory_space<vmem>>, vector<16xf32>,
    %broadcast_in_dim3A_95 = arith.constant 0.000000e+00 : f32
    %broadcast_in_dim3A_96 = vector.broadcast %broadcast_in_dim3A_95 : f32 to vector<16xf32>
    %swap3A_97 = arith.constant 256 : index
    %swap3A_98 = tpu.vector_load %arg6[%swap3A_97] {strides = array<i32>} : memref<640xf32, #tpu.memory_space<vmem>>, vector<16xf32>,
    %swap3A_99 = vector.shape_cast %swap3A_98 : vector<16xf32> to vector<16xf32>
    %swap3A_100 = vector.shape_cast %broadcast_in_dim3A_96 : vector<16xf32> to vector<16xf32>
    tpu.vector_store %arg6[%swap3A_97], %swap3A_100 {strides = array<i32>} : memref<640xf32, #tpu.memory_space<vmem>>, vector<16xf32>,
    %broadcast_in_dim3A_101 = arith.constant 0.000000e+00 : f32
    %broadcast_in_dim3A_102 = vector.broadcast %broadcast_in_dim3A_101 : f32 to vector<16xf32>
    %swap3A_103 = arith.constant 272 : index
    %swap3A_104 = tpu.vector_load %arg6[%swap3A_103] {strides = array<i32>} : memref<640xf32, #tpu.memory_space<vmem>>, vector<16xf32>,
    %swap3A_105 = vector.shape_cast %swap3A_104 : vector<16xf32> to vector<16xf32>
    %swap3A_106 = vector.shape_cast %broadcast_in_dim3A_102 : vector<16xf32> to vector<16xf32>
    tpu.vector_store %arg6[%swap3A_103], %swap3A_106 {strides = array<i32>} : memref<640xf32, #tpu.memory_space<vmem>>, vector<16xf32>,
    %broadcast_in_dim3A_107 = arith.constant 0.000000e+00 : f32
    %broadcast_in_dim3A_108 = vector.broadcast %broadcast_in_dim3A_107 : f32 to vector<16xf32>
    %swap3A_109 = arith.constant 288 : index
    %swap3A_110 = tpu.vector_load %arg6[%swap3A_109] {strides = array<i32>} : memref<640xf32, #tpu.memory_space<vmem>>, vector<16xf32>,
    %swap3A_111 = vector.shape_cast %swap3A_110 : vector<16xf32> to vector<16xf32>
    %swap3A_112 = vector.shape_cast %broadcast_in_dim3A_108 : vector<16xf32> to vector<16xf32>
    tpu.vector_store %arg6[%swap3A_109], %swap3A_112 {strides = array<i32>} : memref<640xf32, #tpu.memory_space<vmem>>, vector<16xf32>,
    %broadcast_in_dim3A_113 = arith.constant 0.000000e+00 : f32
    %broadcast_in_dim3A_114 = vector.broadcast %broadcast_in_dim3A_113 : f32 to vector<16xf32>
    %swap3A_115 = arith.constant 304 : index
    %swap3A_116 = tpu.vector_load %arg6[%swap3A_115] {strides = array<i32>} : memref<640xf32, #tpu.memory_space<vmem>>, vector<16xf32>,
    %swap3A_117 = vector.shape_cast %swap3A_116 : vector<16xf32> to vector<16xf32>
    %swap3A_118 = vector.shape_cast %broadcast_in_dim3A_114 : vector<16xf32> to vector<16xf32>
    tpu.vector_store %arg6[%swap3A_115], %swap3A_118 {strides = array<i32>} : memref<640xf32, #tpu.memory_space<vmem>>, vector<16xf32>,
    %broadcast_in_dim3A_119 = arith.constant 0.000000e+00 : f32
    %broadcast_in_dim3A_120 = vector.broadcast %broadcast_in_dim3A_119 : f32 to vector<16xf32>
    %swap3A_121 = arith.constant 320 : index
    %swap3A_122 = tpu.vector_load %arg6[%swap3A_121] {strides = array<i32>} : memref<640xf32, #tpu.memory_space<vmem>>, vector<16xf32>,
    %swap3A_123 = vector.shape_cast %swap3A_122 : vector<16xf32> to vector<16xf32>
    %swap3A_124 = vector.shape_cast %broadcast_in_dim3A_120 : vector<16xf32> to vector<16xf32>
    tpu.vector_store %arg6[%swap3A_121], %swap3A_124 {strides = array<i32>} : memref<640xf32, #tpu.memory_space<vmem>>, vector<16xf32>,
    %broadcast_in_dim3A_125 = arith.constant 0.000000e+00 : f32
    %broadcast_in_dim3A_126 = vector.broadcast %broadcast_in_dim3A_125 : f32 to vector<16xf32>
    %swap3A_127 = arith.constant 336 : index
    %swap3A_128 = tpu.vector_load %arg6[%swap3A_127] {strides = array<i32>} : memref<640xf32, #tpu.memory_space<vmem>>, vector<16xf32>,
    %swap3A_129 = vector.shape_cast %swap3A_128 : vector<16xf32> to vector<16xf32>
    %swap3A_130 = vector.shape_cast %broadcast_in_dim3A_126 : vector<16xf32> to vector<16xf32>
    tpu.vector_store %arg6[%swap3A_127], %swap3A_130 {strides = array<i32>} : memref<640xf32, #tpu.memory_space<vmem>>, vector<16xf32>,
    %broadcast_in_dim3A_131 = arith.constant 0.000000e+00 : f32
    %broadcast_in_dim3A_132 = vector.broadcast %broadcast_in_dim3A_131 : f32 to vector<16xf32>
    %swap3A_133 = arith.constant 352 : index
    %swap3A_134 = tpu.vector_load %arg6[%swap3A_133] {strides = array<i32>} : memref<640xf32, #tpu.memory_space<vmem>>, vector<16xf32>,
    %swap3A_135 = vector.shape_cast %swap3A_134 : vector<16xf32> to vector<16xf32>
    %swap3A_136 = vector.shape_cast %broadcast_in_dim3A_132 : vector<16xf32> to vector<16xf32>
    tpu.vector_store %arg6[%swap3A_133], %swap3A_136 {strides = array<i32>} : memref<640xf32, #tpu.memory_space<vmem>>, vector<16xf32>,
    %broadcast_in_dim3A_137 = arith.constant 0.000000e+00 : f32
    %broadcast_in_dim3A_138 = vector.broadcast %broadcast_in_dim3A_137 : f32 to vector<16xf32>
    %swap3A_139 = arith.constant 368 : index
    %swap3A_140 = tpu.vector_load %arg6[%swap3A_139] {strides = array<i32>} : memref<640xf32, #tpu.memory_space<vmem>>, vector<16xf32>,
    %swap3A_141 = vector.shape_cast %swap3A_140 : vector<16xf32> to vector<16xf32>
    %swap3A_142 = vector.shape_cast %broadcast_in_dim3A_138 : vector<16xf32> to vector<16xf32>
    tpu.vector_store %arg6[%swap3A_139], %swap3A_142 {strides = array<i32>} : memref<640xf32, #tpu.memory_space<vmem>>, vector<16xf32>,
    %broadcast_in_dim3A_143 = arith.constant 0.000000e+00 : f32
    %broadcast_in_dim3A_144 = vector.broadcast %broadcast_in_dim3A_143 : f32 to vector<16xf32>
    %swap3A_145 = arith.constant 384 : index
    %swap3A_146 = tpu.vector_load %arg6[%swap3A_145] {strides = array<i32>} : memref<640xf32, #tpu.memory_space<vmem>>, vector<16xf32>,
    %swap3A_147 = vector.shape_cast %swap3A_146 : vector<16xf32> to vector<16xf32>
    %swap3A_148 = vector.shape_cast %broadcast_in_dim3A_144 : vector<16xf32> to vector<16xf32>
    tpu.vector_store %arg6[%swap3A_145], %swap3A_148 {strides = array<i32>} : memref<640xf32, #tpu.memory_space<vmem>>, vector<16xf32>,
    %broadcast_in_dim3A_149 = arith.constant 0.000000e+00 : f32
    %broadcast_in_dim3A_150 = vector.broadcast %broadcast_in_dim3A_149 : f32 to vector<16xf32>
    %swap3A_151 = arith.constant 400 : index
    %swap3A_152 = tpu.vector_load %arg6[%swap3A_151] {strides = array<i32>} : memref<640xf32, #tpu.memory_space<vmem>>, vector<16xf32>,
    %swap3A_153 = vector.shape_cast %swap3A_152 : vector<16xf32> to vector<16xf32>
    %swap3A_154 = vector.shape_cast %broadcast_in_dim3A_150 : vector<16xf32> to vector<16xf32>
    tpu.vector_store %arg6[%swap3A_151], %swap3A_154 {strides = array<i32>} : memref<640xf32, #tpu.memory_space<vmem>>, vector<16xf32>,
    %broadcast_in_dim3A_155 = arith.constant 0.000000e+00 : f32
    %broadcast_in_dim3A_156 = vector.broadcast %broadcast_in_dim3A_155 : f32 to vector<16xf32>
    %swap3A_157 = arith.constant 416 : index
    %swap3A_158 = tpu.vector_load %arg6[%swap3A_157] {strides = array<i32>} : memref<640xf32, #tpu.memory_space<vmem>>, vector<16xf32>,
    %swap3A_159 = vector.shape_cast %swap3A_158 : vector<16xf32> to vector<16xf32>
    %swap3A_160 = vector.shape_cast %broadcast_in_dim3A_156 : vector<16xf32> to vector<16xf32>
    tpu.vector_store %arg6[%swap3A_157], %swap3A_160 {strides = array<i32>} : memref<640xf32, #tpu.memory_space<vmem>>, vector<16xf32>,
    %broadcast_in_dim3A_161 = arith.constant 0.000000e+00 : f32
    %broadcast_in_dim3A_162 = vector.broadcast %broadcast_in_dim3A_161 : f32 to vector<16xf32>
    %swap3A_163 = arith.constant 432 : index
    %swap3A_164 = tpu.vector_load %arg6[%swap3A_163] {strides = array<i32>} : memref<640xf32, #tpu.memory_space<vmem>>, vector<16xf32>,
    %swap3A_165 = vector.shape_cast %swap3A_164 : vector<16xf32> to vector<16xf32>
    %swap3A_166 = vector.shape_cast %broadcast_in_dim3A_162 : vector<16xf32> to vector<16xf32>
    tpu.vector_store %arg6[%swap3A_163], %swap3A_166 {strides = array<i32>} : memref<640xf32, #tpu.memory_space<vmem>>, vector<16xf32>,
    %broadcast_in_dim3A_167 = arith.constant 0.000000e+00 : f32
    %broadcast_in_dim3A_168 = vector.broadcast %broadcast_in_dim3A_167 : f32 to vector<16xf32>
    %swap3A_169 = arith.constant 448 : index
    %swap3A_170 = tpu.vector_load %arg6[%swap3A_169] {strides = array<i32>} : memref<640xf32, #tpu.memory_space<vmem>>, vector<16xf32>,
    %swap3A_171 = vector.shape_cast %swap3A_170 : vector<16xf32> to vector<16xf32>
    %swap3A_172 = vector.shape_cast %broadcast_in_dim3A_168 : vector<16xf32> to vector<16xf32>
    tpu.vector_store %arg6[%swap3A_169], %swap3A_172 {strides = array<i32>} : memref<640xf32, #tpu.memory_space<vmem>>, vector<16xf32>,
    %broadcast_in_dim3A_173 = arith.constant 0.000000e+00 : f32
    %broadcast_in_dim3A_174 = vector.broadcast %broadcast_in_dim3A_173 : f32 to vector<16xf32>
    %swap3A_175 = arith.constant 464 : index
    %swap3A_176 = tpu.vector_load %arg6[%swap3A_175] {strides = array<i32>} : memref<640xf32, #tpu.memory_space<vmem>>, vector<16xf32>,
    %swap3A_177 = vector.shape_cast %swap3A_176 : vector<16xf32> to vector<16xf32>
    %swap3A_178 = vector.shape_cast %broadcast_in_dim3A_174 : vector<16xf32> to vector<16xf32>
    tpu.vector_store %arg6[%swap3A_175], %swap3A_178 {strides = array<i32>} : memref<640xf32, #tpu.memory_space<vmem>>, vector<16xf32>,
    %broadcast_in_dim3A_179 = arith.constant 0.000000e+00 : f32
    %broadcast_in_dim3A_180 = vector.broadcast %broadcast_in_dim3A_179 : f32 to vector<16xf32>
    %swap3A_181 = arith.constant 480 : index
    %swap3A_182 = tpu.vector_load %arg6[%swap3A_181] {strides = array<i32>} : memref<640xf32, #tpu.memory_space<vmem>>, vector<16xf32>,
    %swap3A_183 = vector.shape_cast %swap3A_182 : vector<16xf32> to vector<16xf32>
    %swap3A_184 = vector.shape_cast %broadcast_in_dim3A_180 : vector<16xf32> to vector<16xf32>
    tpu.vector_store %arg6[%swap3A_181], %swap3A_184 {strides = array<i32>} : memref<640xf32, #tpu.memory_space<vmem>>, vector<16xf32>,
    %broadcast_in_dim3A_185 = arith.constant 0.000000e+00 : f32
    %broadcast_in_dim3A_186 = vector.broadcast %broadcast_in_dim3A_185 : f32 to vector<16xf32>
    %swap3A_187 = arith.constant 496 : index
    %swap3A_188 = tpu.vector_load %arg6[%swap3A_187] {strides = array<i32>} : memref<640xf32, #tpu.memory_space<vmem>>, vector<16xf32>,
    %swap3A_189 = vector.shape_cast %swap3A_188 : vector<16xf32> to vector<16xf32>
    %swap3A_190 = vector.shape_cast %broadcast_in_dim3A_186 : vector<16xf32> to vector<16xf32>
    tpu.vector_store %arg6[%swap3A_187], %swap3A_190 {strides = array<i32>} : memref<640xf32, #tpu.memory_space<vmem>>, vector<16xf32>,
    %broadcast_in_dim3A_191 = arith.constant 0.000000e+00 : f32
    %broadcast_in_dim3A_192 = vector.broadcast %broadcast_in_dim3A_191 : f32 to vector<16xf32>
    %swap3A_193 = arith.constant 512 : index
    %swap3A_194 = tpu.vector_load %arg6[%swap3A_193] {strides = array<i32>} : memref<640xf32, #tpu.memory_space<vmem>>, vector<16xf32>,
    %swap3A_195 = vector.shape_cast %swap3A_194 : vector<16xf32> to vector<16xf32>
    %swap3A_196 = vector.shape_cast %broadcast_in_dim3A_192 : vector<16xf32> to vector<16xf32>
    tpu.vector_store %arg6[%swap3A_193], %swap3A_196 {strides = array<i32>} : memref<640xf32, #tpu.memory_space<vmem>>, vector<16xf32>,
    %broadcast_in_dim3A_197 = arith.constant 0.000000e+00 : f32
    %broadcast_in_dim3A_198 = vector.broadcast %broadcast_in_dim3A_197 : f32 to vector<16xf32>
    %swap3A_199 = arith.constant 528 : index
    %swap3A_200 = tpu.vector_load %arg6[%swap3A_199] {strides = array<i32>} : memref<640xf32, #tpu.memory_space<vmem>>, vector<16xf32>,
    %swap3A_201 = vector.shape_cast %swap3A_200 : vector<16xf32> to vector<16xf32>
    %swap3A_202 = vector.shape_cast %broadcast_in_dim3A_198 : vector<16xf32> to vector<16xf32>
    tpu.vector_store %arg6[%swap3A_199], %swap3A_202 {strides = array<i32>} : memref<640xf32, #tpu.memory_space<vmem>>, vector<16xf32>,
    %broadcast_in_dim3A_203 = arith.constant 0.000000e+00 : f32
    %broadcast_in_dim3A_204 = vector.broadcast %broadcast_in_dim3A_203 : f32 to vector<16xf32>
    %swap3A_205 = arith.constant 544 : index
    %swap3A_206 = tpu.vector_load %arg6[%swap3A_205] {strides = array<i32>} : memref<640xf32, #tpu.memory_space<vmem>>, vector<16xf32>,
    %swap3A_207 = vector.shape_cast %swap3A_206 : vector<16xf32> to vector<16xf32>
    %swap3A_208 = vector.shape_cast %broadcast_in_dim3A_204 : vector<16xf32> to vector<16xf32>
    tpu.vector_store %arg6[%swap3A_205], %swap3A_208 {strides = array<i32>} : memref<640xf32, #tpu.memory_space<vmem>>, vector<16xf32>,
    %broadcast_in_dim3A_209 = arith.constant 0.000000e+00 : f32
    %broadcast_in_dim3A_210 = vector.broadcast %broadcast_in_dim3A_209 : f32 to vector<16xf32>
    %swap3A_211 = arith.constant 560 : index
    %swap3A_212 = tpu.vector_load %arg6[%swap3A_211] {strides = array<i32>} : memref<640xf32, #tpu.memory_space<vmem>>, vector<16xf32>,
    %swap3A_213 = vector.shape_cast %swap3A_212 : vector<16xf32> to vector<16xf32>
    %swap3A_214 = vector.shape_cast %broadcast_in_dim3A_210 : vector<16xf32> to vector<16xf32>
    tpu.vector_store %arg6[%swap3A_211], %swap3A_214 {strides = array<i32>} : memref<640xf32, #tpu.memory_space<vmem>>, vector<16xf32>,
    %broadcast_in_dim3A_215 = arith.constant 0.000000e+00 : f32
    %broadcast_in_dim3A_216 = vector.broadcast %broadcast_in_dim3A_215 : f32 to vector<16xf32>
    %swap3A_217 = arith.constant 576 : index
    %swap3A_218 = tpu.vector_load %arg6[%swap3A_217] {strides = array<i32>} : memref<640xf32, #tpu.memory_space<vmem>>, vector<16xf32>,
    %swap3A_219 = vector.shape_cast %swap3A_218 : vector<16xf32> to vector<16xf32>
    %swap3A_220 = vector.shape_cast %broadcast_in_dim3A_216 : vector<16xf32> to vector<16xf32>
    tpu.vector_store %arg6[%swap3A_217], %swap3A_220 {strides = array<i32>} : memref<640xf32, #tpu.memory_space<vmem>>, vector<16xf32>,
    %broadcast_in_dim3A_221 = arith.constant 0.000000e+00 : f32
    %broadcast_in_dim3A_222 = vector.broadcast %broadcast_in_dim3A_221 : f32 to vector<16xf32>
    %swap3A_223 = arith.constant 592 : index
    %swap3A_224 = tpu.vector_load %arg6[%swap3A_223] {strides = array<i32>} : memref<640xf32, #tpu.memory_space<vmem>>, vector<16xf32>,
    %swap3A_225 = vector.shape_cast %swap3A_224 : vector<16xf32> to vector<16xf32>
    %swap3A_226 = vector.shape_cast %broadcast_in_dim3A_222 : vector<16xf32> to vector<16xf32>
    tpu.vector_store %arg6[%swap3A_223], %swap3A_226 {strides = array<i32>} : memref<640xf32, #tpu.memory_space<vmem>>, vector<16xf32>,
    %broadcast_in_dim3A_227 = arith.constant 0.000000e+00 : f32
    %broadcast_in_dim3A_228 = vector.broadcast %broadcast_in_dim3A_227 : f32 to vector<16xf32>
    %swap3A_229 = arith.constant 608 : index
    %swap3A_230 = tpu.vector_load %arg6[%swap3A_229] {strides = array<i32>} : memref<640xf32, #tpu.memory_space<vmem>>, vector<16xf32>,
    %swap3A_231 = vector.shape_cast %swap3A_230 : vector<16xf32> to vector<16xf32>
    %swap3A_232 = vector.shape_cast %broadcast_in_dim3A_228 : vector<16xf32> to vector<16xf32>
    tpu.vector_store %arg6[%swap3A_229], %swap3A_232 {strides = array<i32>} : memref<640xf32, #tpu.memory_space<vmem>>, vector<16xf32>,
    %broadcast_in_dim3A_233 = arith.constant 0.000000e+00 : f32
    %broadcast_in_dim3A_234 = vector.broadcast %broadcast_in_dim3A_233 : f32 to vector<16xf32>
    %swap3A_235 = arith.constant 624 : index
    %swap3A_236 = tpu.vector_load %arg6[%swap3A_235] {strides = array<i32>} : memref<640xf32, #tpu.memory_space<vmem>>, vector<16xf32>,
    %swap3A_237 = vector.shape_cast %swap3A_236 : vector<16xf32> to vector<16xf32>
    %swap3A_238 = vector.shape_cast %broadcast_in_dim3A_234 : vector<16xf32> to vector<16xf32>
    tpu.vector_store %arg6[%swap3A_235], %swap3A_238 {strides = array<i32>} : memref<640xf32, #tpu.memory_space<vmem>>, vector<16xf32>,
    %mul3A_239 = arith.constant 640 : i32
    %mul3A_240 = arith.muli %arg1, %mul3A_239 : i32
    "tpu.region"() ({
      %run_scoped3A = tpu.sem_alloc : memref<!tpu.dma_semaphore, #tpu.memory_space<semaphore_mem>>
      %dma_start3A = tpu.memref_slice %arg5[%mul3A_240] : memref<10240xf32, #tpu.memory_space<vmem_shared>> -> memref<640xf32, #tpu.memory_space<vmem_shared>>
      %dma_start3A_253 = tpu.memref_slice %arg5[%mul3A_240] : memref<10240xf32, #tpu.memory_space<vmem_shared>> -> memref<640xf32, #tpu.memory_space<vmem_shared>>
      tpu.enqueue_dma source(%arg6 : memref<640xf32, #tpu.memory_space<vmem>>) target(%dma_start3A_253 : memref<640xf32, #tpu.memory_space<vmem_shared>>) target_semaphore(%run_scoped3A : memref<!tpu.dma_semaphore, #tpu.memory_space<semaphore_mem>>)
      %dma_wait3A = tpu.memref_slice %arg5[%mul3A_240] : memref<10240xf32, #tpu.memory_space<vmem_shared>> -> memref<640xf32, #tpu.memory_space<vmem_shared>>
      %dma_wait3A_254 = tpu.memref_slice %arg5[%mul3A_240] : memref<10240xf32, #tpu.memory_space<vmem_shared>> -> memref<640xf32, #tpu.memory_space<vmem_shared>>
      tpu.wait_dma2 semaphore(%run_scoped3A : memref<!tpu.dma_semaphore, #tpu.memory_space<semaphore_mem>>) src(%arg6 : memref<640xf32, #tpu.memory_space<vmem>>) dst(%dma_wait3A_254 : memref<640xf32, #tpu.memory_space<vmem_shared>>)
      tpu.yield
    }) : () -> ()
    %barrier3A = arith.constant 0 : index
    tpu.barrier barrier_id(%barrier3A)
    %mul3A_241 = arith.constant 10112 : i32
    %mul3A_242 = arith.muli %add3A, %mul3A_241 : i32
    %scan3A = arith.constant 0 : i32
    %scan3A_243 = arith.constant 0 : i32
    %scan3A_244 = arith.constant 79 : i32
    %scan3A_245 = arith.addi %scan3A_243, %scan3A_244 : i32
    %scan3A_246 = arith.constant 1 : i32
    scf.for %scan3A_253 = %scan3A_243 to %scan3A_245 step %scan3A_246  : i32 {
      %mul3A_254 = arith.constant 128 : i32
      %mul3A_255 = arith.muli %scan3A_253, %mul3A_254 : i32
      %add3A_256 = arith.addi %mul3A_242, %mul3A_255 : i32
      "tpu.region"() ({
        %run_scoped3A = tpu.sem_alloc : memref<!tpu.dma_semaphore, #tpu.memory_space<semaphore_mem>>
        %dma_start3A = tpu.memref_slice %arg2[%add3A_256] : memref<323584xi32, #tpu.memory_space<hbm>> -> memref<128xi32, #tpu.memory_space<hbm>>
        %dma_start3A_257 = tpu.memref_slice %arg2[%add3A_256] : memref<323584xi32, #tpu.memory_space<hbm>> -> memref<128xi32, #tpu.memory_space<hbm>>
        tpu.enqueue_dma source(%dma_start3A_257 : memref<128xi32, #tpu.memory_space<hbm>>) target(%arg7 : memref<128xi32, #tpu.memory_space<vmem>>) target_semaphore(%run_scoped3A : memref<!tpu.dma_semaphore, #tpu.memory_space<semaphore_mem>>)
        %dma_wait3A = tpu.memref_slice %arg2[%add3A_256] : memref<323584xi32, #tpu.memory_space<hbm>> -> memref<128xi32, #tpu.memory_space<hbm>>
        %dma_wait3A_258 = tpu.memref_slice %arg2[%add3A_256] : memref<323584xi32, #tpu.memory_space<hbm>> -> memref<128xi32, #tpu.memory_space<hbm>>
        tpu.wait_dma2 semaphore(%run_scoped3A : memref<!tpu.dma_semaphore, #tpu.memory_space<semaphore_mem>>) src(%dma_wait3A_258 : memref<128xi32, #tpu.memory_space<hbm>>) dst(%arg7 : memref<128xi32, #tpu.memory_space<vmem>>)
        tpu.yield
      }) : () -> ()
      "tpu.region"() ({
        %run_scoped3A = tpu.sem_alloc : memref<!tpu.dma_semaphore, #tpu.memory_space<semaphore_mem>>
        %dma_start3A = tpu.memref_slice %arg3[%add3A_256] : memref<323584xf32, #tpu.memory_space<hbm>> -> memref<128xf32, #tpu.memory_space<hbm>>
        %dma_start3A_257 = tpu.memref_slice %arg3[%add3A_256] : memref<323584xf32, #tpu.memory_space<hbm>> -> memref<128xf32, #tpu.memory_space<hbm>>
        tpu.enqueue_dma source(%dma_start3A_257 : memref<128xf32, #tpu.memory_space<hbm>>) target(%arg8 : memref<128xf32, #tpu.memory_space<vmem>>) target_semaphore(%run_scoped3A : memref<!tpu.dma_semaphore, #tpu.memory_space<semaphore_mem>>)
        %dma_wait3A = tpu.memref_slice %arg3[%add3A_256] : memref<323584xf32, #tpu.memory_space<hbm>> -> memref<128xf32, #tpu.memory_space<hbm>>
        %dma_wait3A_258 = tpu.memref_slice %arg3[%add3A_256] : memref<323584xf32, #tpu.memory_space<hbm>> -> memref<128xf32, #tpu.memory_space<hbm>>
        tpu.wait_dma2 semaphore(%run_scoped3A : memref<!tpu.dma_semaphore, #tpu.memory_space<semaphore_mem>>) src(%dma_wait3A_258 : memref<128xf32, #tpu.memory_space<hbm>>) dst(%arg8 : memref<128xf32, #tpu.memory_space<vmem>>)
        tpu.yield
      }) : () -> ()
      "tpu.region"() ({
        %run_scoped3A = tpu.sem_alloc : memref<!tpu.dma_semaphore, #tpu.memory_space<semaphore_mem>>
        %dma_start3A = arith.constant 0 : i32
        %dma_start3A_257 = tpu.memref_slice %arg5[%dma_start3A] : memref<10240xf32, #tpu.memory_space<vmem_shared>> -> memref<10240xf32, #tpu.memory_space<vmem_shared>>
        tpu.enqueue_indirect_dma source(%arg8 : memref<128xf32, #tpu.memory_space<vmem>>) target(%dma_start3A_257 : memref<10240xf32, #tpu.memory_space<vmem_shared>>) offsets(%arg7 : memref<128xi32, #tpu.memory_space<vmem>>) semaphore(%run_scoped3A : memref<!tpu.dma_semaphore, #tpu.memory_space<semaphore_mem>>) {add = true}
        %dma_wait3A = arith.constant 0 : i32
        %dma_wait3A_258 = tpu.memref_slice %arg5[%dma_wait3A] : memref<10240xf32, #tpu.memory_space<vmem_shared>> -> memref<10240xf32, #tpu.memory_space<vmem_shared>>
        tpu.wait_indirect_dma semaphore(%run_scoped3A : memref<!tpu.dma_semaphore, #tpu.memory_space<semaphore_mem>>) src(%arg8 : memref<128xf32, #tpu.memory_space<vmem>>) dst(%dma_wait3A_258 : memref<10240xf32, #tpu.memory_space<vmem_shared>>)
        tpu.yield
      }) : () -> ()
    }
    %scan3A_247 = arith.constant 79 : i32
    %barrier3A_248 = arith.constant 0 : index
    tpu.barrier barrier_id(%barrier3A_248)
    %mul3A_249 = arith.constant 640 : i32
    %mul3A_250 = arith.muli %arg1, %mul3A_249 : i32
    %mul3A_251 = arith.constant 640 : i32
    %mul3A_252 = arith.muli %arg1, %mul3A_251 : i32
    "tpu.region"() ({
      %run_scoped3A = tpu.sem_alloc : memref<!tpu.dma_semaphore, #tpu.memory_space<semaphore_mem>>
      %dma_start3A = tpu.memref_slice %arg4[%arg0, %mul3A_252] : memref<2x10240xf32, #tpu.memory_space<hbm>> -> memref<1x640xf32, #tpu.memory_space<hbm>>
      %dma_start3A_253 = tpu.memref_squeeze %dma_start3A : memref<1x640xf32, #tpu.memory_space<hbm>> -> memref<640xf32, #tpu.memory_space<hbm>>
      %dma_start3A_254 = tpu.memref_slice %arg5[%mul3A_250] : memref<10240xf32, #tpu.memory_space<vmem_shared>> -> memref<640xf32, #tpu.memory_space<vmem_shared>>
      tpu.enqueue_dma source(%dma_start3A_254 : memref<640xf32, #tpu.memory_space<vmem_shared>>) target(%dma_start3A_253 : memref<640xf32, #tpu.memory_space<hbm>>) target_semaphore(%run_scoped3A : memref<!tpu.dma_semaphore, #tpu.memory_space<semaphore_mem>>)
      %dma_wait3A = tpu.memref_slice %arg4[%arg0, %mul3A_252] : memref<2x10240xf32, #tpu.memory_space<hbm>> -> memref<1x640xf32, #tpu.memory_space<hbm>>
      %dma_wait3A_255 = tpu.memref_squeeze %dma_wait3A : memref<1x640xf32, #tpu.memory_space<hbm>> -> memref<640xf32, #tpu.memory_space<hbm>>
      %dma_wait3A_256 = tpu.memref_slice %arg5[%mul3A_250] : memref<10240xf32, #tpu.memory_space<vmem_shared>> -> memref<640xf32, #tpu.memory_space<vmem_shared>>
      tpu.wait_dma2 semaphore(%run_scoped3A : memref<!tpu.dma_semaphore, #tpu.memory_space<semaphore_mem>>) src(%dma_wait3A_256 : memref<640xf32, #tpu.memory_space<vmem_shared>>) dst(%dma_wait3A_255 : memref<640xf32, #tpu.memory_space<hbm>>)
      tpu.yield
    }) : () -> ()
    return
  }
}

#map = affine_map<(d0, d1) -> (0)>
#map1 = affine_map<(d0, d1) -> (0, 0)>
#map2 = affine_map<(d0, d1) -> (0, 0, 0)>
module attributes {stable_mosaic.version = 14 : i64} {
  func.func @edge_kernel(%arg0: i32, %arg1: i32, %arg2: memref<323584xi32, #tpu.memory_space<hbm>>, %arg3: memref<323584xi32, #tpu.memory_space<hbm>>, %arg4: memref<323584xf32, #tpu.memory_space<hbm>>, %arg5: memref<10000x128xf32, #tpu.memory_space<hbm>>, %arg6: memref<2x10240x128xf32, #tpu.memory_space<hbm>>, %arg7: memref<10240x128xf32, #tpu.memory_space<vmem_shared>>, %arg8: memref<128xi32, #tpu.memory_space<vmem>>, %arg9: memref<128xi32, #tpu.memory_space<vmem>>, %arg10: memref<128xf32, #tpu.memory_space<vmem>>, %arg11: memref<128x128xf32, #tpu.memory_space<vmem>>, %arg12: memref<!tpu.dma_semaphore, #tpu.memory_space<semaphore_mem>>) attributes {dimension_semantics = [#tpu.dimension_semantics<core_parallel>, #tpu.dimension_semantics<subcore_parallel>], iteration_bounds = array<i64: 2, 16>, scalar_prefetch = 0 : i64, scratch_operands = 6 : i64, tpu.core_type = #tpu.core_type<sc_vector_subcore>, window_params = [{transform_indices = #map}, {transform_indices = #map}, {transform_indices = #map}, {transform_indices = #map1}, {transform_indices = #map2}]} {
    %mul3A = arith.constant 2 : i32
    %mul3A_0 = arith.muli %arg1, %mul3A : i32
    %add3A = arith.addi %mul3A_0, %arg0 : i32
    %scan3A = arith.constant 0 : i32
    %scan3A_1 = arith.constant 0 : i32
    %scan3A_2 = arith.constant 128 : i32
    %scan3A_3 = arith.addi %scan3A_1, %scan3A_2 : i32
    %scan3A_4 = arith.constant 1 : i32
    scf.for %scan3A_55 = %scan3A_1 to %scan3A_3 step %scan3A_4  : i32 {
      %broadcast_in_dim3A = arith.constant 0.000000e+00 : f32
      %broadcast_in_dim3A_56 = vector.broadcast %broadcast_in_dim3A : f32 to vector<16xf32>
      %swap3A = arith.index_cast %scan3A_55 : i32 to index
      %swap3A_57 = arith.constant 0 : index
      %swap3A_58 = tpu.vector_load %arg11[%swap3A, %swap3A_57] {strides = array<i32>} : memref<128x128xf32, #tpu.memory_space<vmem>>, vector<1x16xf32>,
      %swap3A_59 = vector.shape_cast %swap3A_58 : vector<1x16xf32> to vector<16xf32>
      %swap3A_60 = vector.shape_cast %broadcast_in_dim3A_56 : vector<16xf32> to vector<1x16xf32>
      tpu.vector_store %arg11[%swap3A, %swap3A_57], %swap3A_60 {strides = array<i32>} : memref<128x128xf32, #tpu.memory_space<vmem>>, vector<1x16xf32>,
      %broadcast_in_dim3A_61 = arith.constant 0.000000e+00 : f32
      %broadcast_in_dim3A_62 = vector.broadcast %broadcast_in_dim3A_61 : f32 to vector<16xf32>
      %swap3A_63 = arith.index_cast %scan3A_55 : i32 to index
      %swap3A_64 = arith.constant 16 : index
      %swap3A_65 = tpu.vector_load %arg11[%swap3A_63, %swap3A_64] {strides = array<i32>} : memref<128x128xf32, #tpu.memory_space<vmem>>, vector<1x16xf32>,
      %swap3A_66 = vector.shape_cast %swap3A_65 : vector<1x16xf32> to vector<16xf32>
      %swap3A_67 = vector.shape_cast %broadcast_in_dim3A_62 : vector<16xf32> to vector<1x16xf32>
      tpu.vector_store %arg11[%swap3A_63, %swap3A_64], %swap3A_67 {strides = array<i32>} : memref<128x128xf32, #tpu.memory_space<vmem>>, vector<1x16xf32>,
      %broadcast_in_dim3A_68 = arith.constant 0.000000e+00 : f32
      %broadcast_in_dim3A_69 = vector.broadcast %broadcast_in_dim3A_68 : f32 to vector<16xf32>
      %swap3A_70 = arith.index_cast %scan3A_55 : i32 to index
      %swap3A_71 = arith.constant 32 : index
      %swap3A_72 = tpu.vector_load %arg11[%swap3A_70, %swap3A_71] {strides = array<i32>} : memref<128x128xf32, #tpu.memory_space<vmem>>, vector<1x16xf32>,
      %swap3A_73 = vector.shape_cast %swap3A_72 : vector<1x16xf32> to vector<16xf32>
      %swap3A_74 = vector.shape_cast %broadcast_in_dim3A_69 : vector<16xf32> to vector<1x16xf32>
      tpu.vector_store %arg11[%swap3A_70, %swap3A_71], %swap3A_74 {strides = array<i32>} : memref<128x128xf32, #tpu.memory_space<vmem>>, vector<1x16xf32>,
      %broadcast_in_dim3A_75 = arith.constant 0.000000e+00 : f32
      %broadcast_in_dim3A_76 = vector.broadcast %broadcast_in_dim3A_75 : f32 to vector<16xf32>
      %swap3A_77 = arith.index_cast %scan3A_55 : i32 to index
      %swap3A_78 = arith.constant 48 : index
      %swap3A_79 = tpu.vector_load %arg11[%swap3A_77, %swap3A_78] {strides = array<i32>} : memref<128x128xf32, #tpu.memory_space<vmem>>, vector<1x16xf32>,
      %swap3A_80 = vector.shape_cast %swap3A_79 : vector<1x16xf32> to vector<16xf32>
      %swap3A_81 = vector.shape_cast %broadcast_in_dim3A_76 : vector<16xf32> to vector<1x16xf32>
      tpu.vector_store %arg11[%swap3A_77, %swap3A_78], %swap3A_81 {strides = array<i32>} : memref<128x128xf32, #tpu.memory_space<vmem>>, vector<1x16xf32>,
      %broadcast_in_dim3A_82 = arith.constant 0.000000e+00 : f32
      %broadcast_in_dim3A_83 = vector.broadcast %broadcast_in_dim3A_82 : f32 to vector<16xf32>
      %swap3A_84 = arith.index_cast %scan3A_55 : i32 to index
      %swap3A_85 = arith.constant 64 : index
      %swap3A_86 = tpu.vector_load %arg11[%swap3A_84, %swap3A_85] {strides = array<i32>} : memref<128x128xf32, #tpu.memory_space<vmem>>, vector<1x16xf32>,
      %swap3A_87 = vector.shape_cast %swap3A_86 : vector<1x16xf32> to vector<16xf32>
      %swap3A_88 = vector.shape_cast %broadcast_in_dim3A_83 : vector<16xf32> to vector<1x16xf32>
      tpu.vector_store %arg11[%swap3A_84, %swap3A_85], %swap3A_88 {strides = array<i32>} : memref<128x128xf32, #tpu.memory_space<vmem>>, vector<1x16xf32>,
      %broadcast_in_dim3A_89 = arith.constant 0.000000e+00 : f32
      %broadcast_in_dim3A_90 = vector.broadcast %broadcast_in_dim3A_89 : f32 to vector<16xf32>
      %swap3A_91 = arith.index_cast %scan3A_55 : i32 to index
      %swap3A_92 = arith.constant 80 : index
      %swap3A_93 = tpu.vector_load %arg11[%swap3A_91, %swap3A_92] {strides = array<i32>} : memref<128x128xf32, #tpu.memory_space<vmem>>, vector<1x16xf32>,
      %swap3A_94 = vector.shape_cast %swap3A_93 : vector<1x16xf32> to vector<16xf32>
      %swap3A_95 = vector.shape_cast %broadcast_in_dim3A_90 : vector<16xf32> to vector<1x16xf32>
      tpu.vector_store %arg11[%swap3A_91, %swap3A_92], %swap3A_95 {strides = array<i32>} : memref<128x128xf32, #tpu.memory_space<vmem>>, vector<1x16xf32>,
      %broadcast_in_dim3A_96 = arith.constant 0.000000e+00 : f32
      %broadcast_in_dim3A_97 = vector.broadcast %broadcast_in_dim3A_96 : f32 to vector<16xf32>
      %swap3A_98 = arith.index_cast %scan3A_55 : i32 to index
      %swap3A_99 = arith.constant 96 : index
      %swap3A_100 = tpu.vector_load %arg11[%swap3A_98, %swap3A_99] {strides = array<i32>} : memref<128x128xf32, #tpu.memory_space<vmem>>, vector<1x16xf32>,
      %swap3A_101 = vector.shape_cast %swap3A_100 : vector<1x16xf32> to vector<16xf32>
      %swap3A_102 = vector.shape_cast %broadcast_in_dim3A_97 : vector<16xf32> to vector<1x16xf32>
      tpu.vector_store %arg11[%swap3A_98, %swap3A_99], %swap3A_102 {strides = array<i32>} : memref<128x128xf32, #tpu.memory_space<vmem>>, vector<1x16xf32>,
      %broadcast_in_dim3A_103 = arith.constant 0.000000e+00 : f32
      %broadcast_in_dim3A_104 = vector.broadcast %broadcast_in_dim3A_103 : f32 to vector<16xf32>
      %swap3A_105 = arith.index_cast %scan3A_55 : i32 to index
      %swap3A_106 = arith.constant 112 : index
      %swap3A_107 = tpu.vector_load %arg11[%swap3A_105, %swap3A_106] {strides = array<i32>} : memref<128x128xf32, #tpu.memory_space<vmem>>, vector<1x16xf32>,
      %swap3A_108 = vector.shape_cast %swap3A_107 : vector<1x16xf32> to vector<16xf32>
      %swap3A_109 = vector.shape_cast %broadcast_in_dim3A_104 : vector<16xf32> to vector<1x16xf32>
      tpu.vector_store %arg11[%swap3A_105, %swap3A_106], %swap3A_109 {strides = array<i32>} : memref<128x128xf32, #tpu.memory_space<vmem>>, vector<1x16xf32>,
    }
    %scan3A_5 = arith.constant 128 : i32
    %mul3A_6 = arith.constant 640 : i32
    %mul3A_7 = arith.muli %arg1, %mul3A_6 : i32
    %add3A_8 = arith.constant 0 : i32
    %add3A_9 = arith.addi %mul3A_7, %add3A_8 : i32
    "tpu.region"() ({
      %run_scoped3A = tpu.sem_alloc : memref<!tpu.dma_semaphore, #tpu.memory_space<semaphore_mem>>
      %dma_start3A = arith.constant 0 : i32
      %dma_start3A_55 = tpu.memref_slice %arg7[%add3A_9, %dma_start3A] : memref<10240x128xf32, #tpu.memory_space<vmem_shared>> -> memref<128x128xf32, #tpu.memory_space<vmem_shared>>
      %dma_start3A_56 = arith.constant 0 : i32
      %dma_start3A_57 = tpu.memref_slice %arg7[%add3A_9, %dma_start3A_56] : memref<10240x128xf32, #tpu.memory_space<vmem_shared>> -> memref<128x128xf32, #tpu.memory_space<vmem_shared>>
      tpu.enqueue_dma source(%arg11 : memref<128x128xf32, #tpu.memory_space<vmem>>) target(%dma_start3A_57 : memref<128x128xf32, #tpu.memory_space<vmem_shared>>) target_semaphore(%run_scoped3A : memref<!tpu.dma_semaphore, #tpu.memory_space<semaphore_mem>>)
      %dma_wait3A = arith.constant 0 : i32
      %dma_wait3A_58 = tpu.memref_slice %arg7[%add3A_9, %dma_wait3A] : memref<10240x128xf32, #tpu.memory_space<vmem_shared>> -> memref<128x128xf32, #tpu.memory_space<vmem_shared>>
      %dma_wait3A_59 = arith.constant 0 : i32
      %dma_wait3A_60 = tpu.memref_slice %arg7[%add3A_9, %dma_wait3A_59] : memref<10240x128xf32, #tpu.memory_space<vmem_shared>> -> memref<128x128xf32, #tpu.memory_space<vmem_shared>>
      tpu.wait_dma2 semaphore(%run_scoped3A : memref<!tpu.dma_semaphore, #tpu.memory_space<semaphore_mem>>) src(%arg11 : memref<128x128xf32, #tpu.memory_space<vmem>>) dst(%dma_wait3A_60 : memref<128x128xf32, #tpu.memory_space<vmem_shared>>)
      tpu.yield
    }) : () -> ()
    %mul3A_10 = arith.constant 640 : i32
    %mul3A_11 = arith.muli %arg1, %mul3A_10 : i32
    %add3A_12 = arith.constant 128 : i32
    %add3A_13 = arith.addi %mul3A_11, %add3A_12 : i32
    "tpu.region"() ({
      %run_scoped3A = tpu.sem_alloc : memref<!tpu.dma_semaphore, #tpu.memory_space<semaphore_mem>>
      %dma_start3A = arith.constant 0 : i32
      %dma_start3A_55 = tpu.memref_slice %arg7[%add3A_13, %dma_start3A] : memref<10240x128xf32, #tpu.memory_space<vmem_shared>> -> memref<128x128xf32, #tpu.memory_space<vmem_shared>>
      %dma_start3A_56 = arith.constant 0 : i32
      %dma_start3A_57 = tpu.memref_slice %arg7[%add3A_13, %dma_start3A_56] : memref<10240x128xf32, #tpu.memory_space<vmem_shared>> -> memref<128x128xf32, #tpu.memory_space<vmem_shared>>
      tpu.enqueue_dma source(%arg11 : memref<128x128xf32, #tpu.memory_space<vmem>>) target(%dma_start3A_57 : memref<128x128xf32, #tpu.memory_space<vmem_shared>>) target_semaphore(%run_scoped3A : memref<!tpu.dma_semaphore, #tpu.memory_space<semaphore_mem>>)
      %dma_wait3A = arith.constant 0 : i32
      %dma_wait3A_58 = tpu.memref_slice %arg7[%add3A_13, %dma_wait3A] : memref<10240x128xf32, #tpu.memory_space<vmem_shared>> -> memref<128x128xf32, #tpu.memory_space<vmem_shared>>
      %dma_wait3A_59 = arith.constant 0 : i32
      %dma_wait3A_60 = tpu.memref_slice %arg7[%add3A_13, %dma_wait3A_59] : memref<10240x128xf32, #tpu.memory_space<vmem_shared>> -> memref<128x128xf32, #tpu.memory_space<vmem_shared>>
      tpu.wait_dma2 semaphore(%run_scoped3A : memref<!tpu.dma_semaphore, #tpu.memory_space<semaphore_mem>>) src(%arg11 : memref<128x128xf32, #tpu.memory_space<vmem>>) dst(%dma_wait3A_60 : memref<128x128xf32, #tpu.memory_space<vmem_shared>>)
      tpu.yield
    }) : () -> ()
    %mul3A_14 = arith.constant 640 : i32
    %mul3A_15 = arith.muli %arg1, %mul3A_14 : i32
    %add3A_16 = arith.constant 256 : i32
    %add3A_17 = arith.addi %mul3A_15, %add3A_16 : i32
    "tpu.region"() ({
      %run_scoped3A = tpu.sem_alloc : memref<!tpu.dma_semaphore, #tpu.memory_space<semaphore_mem>>
      %dma_start3A = arith.constant 0 : i32
      %dma_start3A_55 = tpu.memref_slice %arg7[%add3A_17, %dma_start3A] : memref<10240x128xf32, #tpu.memory_space<vmem_shared>> -> memref<128x128xf32, #tpu.memory_space<vmem_shared>>
      %dma_start3A_56 = arith.constant 0 : i32
      %dma_start3A_57 = tpu.memref_slice %arg7[%add3A_17, %dma_start3A_56] : memref<10240x128xf32, #tpu.memory_space<vmem_shared>> -> memref<128x128xf32, #tpu.memory_space<vmem_shared>>
      tpu.enqueue_dma source(%arg11 : memref<128x128xf32, #tpu.memory_space<vmem>>) target(%dma_start3A_57 : memref<128x128xf32, #tpu.memory_space<vmem_shared>>) target_semaphore(%run_scoped3A : memref<!tpu.dma_semaphore, #tpu.memory_space<semaphore_mem>>)
      %dma_wait3A = arith.constant 0 : i32
      %dma_wait3A_58 = tpu.memref_slice %arg7[%add3A_17, %dma_wait3A] : memref<10240x128xf32, #tpu.memory_space<vmem_shared>> -> memref<128x128xf32, #tpu.memory_space<vmem_shared>>
      %dma_wait3A_59 = arith.constant 0 : i32
      %dma_wait3A_60 = tpu.memref_slice %arg7[%add3A_17, %dma_wait3A_59] : memref<10240x128xf32, #tpu.memory_space<vmem_shared>> -> memref<128x128xf32, #tpu.memory_space<vmem_shared>>
      tpu.wait_dma2 semaphore(%run_scoped3A : memref<!tpu.dma_semaphore, #tpu.memory_space<semaphore_mem>>) src(%arg11 : memref<128x128xf32, #tpu.memory_space<vmem>>) dst(%dma_wait3A_60 : memref<128x128xf32, #tpu.memory_space<vmem_shared>>)
      tpu.yield
    }) : () -> ()
    %mul3A_18 = arith.constant 640 : i32
    %mul3A_19 = arith.muli %arg1, %mul3A_18 : i32
    %add3A_20 = arith.constant 384 : i32
    %add3A_21 = arith.addi %mul3A_19, %add3A_20 : i32
    "tpu.region"() ({
      %run_scoped3A = tpu.sem_alloc : memref<!tpu.dma_semaphore, #tpu.memory_space<semaphore_mem>>
      %dma_start3A = arith.constant 0 : i32
      %dma_start3A_55 = tpu.memref_slice %arg7[%add3A_21, %dma_start3A] : memref<10240x128xf32, #tpu.memory_space<vmem_shared>> -> memref<128x128xf32, #tpu.memory_space<vmem_shared>>
      %dma_start3A_56 = arith.constant 0 : i32
      %dma_start3A_57 = tpu.memref_slice %arg7[%add3A_21, %dma_start3A_56] : memref<10240x128xf32, #tpu.memory_space<vmem_shared>> -> memref<128x128xf32, #tpu.memory_space<vmem_shared>>
      tpu.enqueue_dma source(%arg11 : memref<128x128xf32, #tpu.memory_space<vmem>>) target(%dma_start3A_57 : memref<128x128xf32, #tpu.memory_space<vmem_shared>>) target_semaphore(%run_scoped3A : memref<!tpu.dma_semaphore, #tpu.memory_space<semaphore_mem>>)
      %dma_wait3A = arith.constant 0 : i32
      %dma_wait3A_58 = tpu.memref_slice %arg7[%add3A_21, %dma_wait3A] : memref<10240x128xf32, #tpu.memory_space<vmem_shared>> -> memref<128x128xf32, #tpu.memory_space<vmem_shared>>
      %dma_wait3A_59 = arith.constant 0 : i32
      %dma_wait3A_60 = tpu.memref_slice %arg7[%add3A_21, %dma_wait3A_59] : memref<10240x128xf32, #tpu.memory_space<vmem_shared>> -> memref<128x128xf32, #tpu.memory_space<vmem_shared>>
      tpu.wait_dma2 semaphore(%run_scoped3A : memref<!tpu.dma_semaphore, #tpu.memory_space<semaphore_mem>>) src(%arg11 : memref<128x128xf32, #tpu.memory_space<vmem>>) dst(%dma_wait3A_60 : memref<128x128xf32, #tpu.memory_space<vmem_shared>>)
      tpu.yield
    }) : () -> ()
    %mul3A_22 = arith.constant 640 : i32
    %mul3A_23 = arith.muli %arg1, %mul3A_22 : i32
    %add3A_24 = arith.constant 512 : i32
    %add3A_25 = arith.addi %mul3A_23, %add3A_24 : i32
    "tpu.region"() ({
      %run_scoped3A = tpu.sem_alloc : memref<!tpu.dma_semaphore, #tpu.memory_space<semaphore_mem>>
      %dma_start3A = arith.constant 0 : i32
      %dma_start3A_55 = tpu.memref_slice %arg7[%add3A_25, %dma_start3A] : memref<10240x128xf32, #tpu.memory_space<vmem_shared>> -> memref<128x128xf32, #tpu.memory_space<vmem_shared>>
      %dma_start3A_56 = arith.constant 0 : i32
      %dma_start3A_57 = tpu.memref_slice %arg7[%add3A_25, %dma_start3A_56] : memref<10240x128xf32, #tpu.memory_space<vmem_shared>> -> memref<128x128xf32, #tpu.memory_space<vmem_shared>>
      tpu.enqueue_dma source(%arg11 : memref<128x128xf32, #tpu.memory_space<vmem>>) target(%dma_start3A_57 : memref<128x128xf32, #tpu.memory_space<vmem_shared>>) target_semaphore(%run_scoped3A : memref<!tpu.dma_semaphore, #tpu.memory_space<semaphore_mem>>)
      %dma_wait3A = arith.constant 0 : i32
      %dma_wait3A_58 = tpu.memref_slice %arg7[%add3A_25, %dma_wait3A] : memref<10240x128xf32, #tpu.memory_space<vmem_shared>> -> memref<128x128xf32, #tpu.memory_space<vmem_shared>>
      %dma_wait3A_59 = arith.constant 0 : i32
      %dma_wait3A_60 = tpu.memref_slice %arg7[%add3A_25, %dma_wait3A_59] : memref<10240x128xf32, #tpu.memory_space<vmem_shared>> -> memref<128x128xf32, #tpu.memory_space<vmem_shared>>
      tpu.wait_dma2 semaphore(%run_scoped3A : memref<!tpu.dma_semaphore, #tpu.memory_space<semaphore_mem>>) src(%arg11 : memref<128x128xf32, #tpu.memory_space<vmem>>) dst(%dma_wait3A_60 : memref<128x128xf32, #tpu.memory_space<vmem_shared>>)
      tpu.yield
    }) : () -> ()
    %barrier3A = arith.constant 0 : index
    tpu.barrier barrier_id(%barrier3A)
    %mul3A_26 = arith.constant 10112 : i32
    %mul3A_27 = arith.muli %add3A, %mul3A_26 : i32
    %scan3A_28 = arith.constant 0 : i32
    %scan3A_29 = arith.constant 0 : i32
    %scan3A_30 = arith.constant 79 : i32
    %scan3A_31 = arith.addi %scan3A_29, %scan3A_30 : i32
    %scan3A_32 = arith.constant 1 : i32
    scf.for %scan3A_55 = %scan3A_29 to %scan3A_31 step %scan3A_32  : i32 {
      %mul3A_56 = arith.constant 128 : i32
      %mul3A_57 = arith.muli %scan3A_55, %mul3A_56 : i32
      %add3A_58 = arith.addi %mul3A_27, %mul3A_57 : i32
      "tpu.region"() ({
        %run_scoped3A = tpu.sem_alloc : memref<!tpu.dma_semaphore, #tpu.memory_space<semaphore_mem>>
        %dma_start3A_69 = tpu.memref_slice %arg2[%add3A_58] : memref<323584xi32, #tpu.memory_space<hbm>> -> memref<128xi32, #tpu.memory_space<hbm>>
        %dma_start3A_70 = tpu.memref_slice %arg2[%add3A_58] : memref<323584xi32, #tpu.memory_space<hbm>> -> memref<128xi32, #tpu.memory_space<hbm>>
        tpu.enqueue_dma source(%dma_start3A_70 : memref<128xi32, #tpu.memory_space<hbm>>) target(%arg8 : memref<128xi32, #tpu.memory_space<vmem>>) target_semaphore(%run_scoped3A : memref<!tpu.dma_semaphore, #tpu.memory_space<semaphore_mem>>)
        %dma_wait3A_71 = tpu.memref_slice %arg2[%add3A_58] : memref<323584xi32, #tpu.memory_space<hbm>> -> memref<128xi32, #tpu.memory_space<hbm>>
        %dma_wait3A_72 = tpu.memref_slice %arg2[%add3A_58] : memref<323584xi32, #tpu.memory_space<hbm>> -> memref<128xi32, #tpu.memory_space<hbm>>
        tpu.wait_dma2 semaphore(%run_scoped3A : memref<!tpu.dma_semaphore, #tpu.memory_space<semaphore_mem>>) src(%dma_wait3A_72 : memref<128xi32, #tpu.memory_space<hbm>>) dst(%arg8 : memref<128xi32, #tpu.memory_space<vmem>>)
        tpu.yield
      }) : () -> ()
      "tpu.region"() ({
        %run_scoped3A = tpu.sem_alloc : memref<!tpu.dma_semaphore, #tpu.memory_space<semaphore_mem>>
        %dma_start3A_69 = tpu.memref_slice %arg3[%add3A_58] : memref<323584xi32, #tpu.memory_space<hbm>> -> memref<128xi32, #tpu.memory_space<hbm>>
        %dma_start3A_70 = tpu.memref_slice %arg3[%add3A_58] : memref<323584xi32, #tpu.memory_space<hbm>> -> memref<128xi32, #tpu.memory_space<hbm>>
        tpu.enqueue_dma source(%dma_start3A_70 : memref<128xi32, #tpu.memory_space<hbm>>) target(%arg9 : memref<128xi32, #tpu.memory_space<vmem>>) target_semaphore(%run_scoped3A : memref<!tpu.dma_semaphore, #tpu.memory_space<semaphore_mem>>)
        %dma_wait3A_71 = tpu.memref_slice %arg3[%add3A_58] : memref<323584xi32, #tpu.memory_space<hbm>> -> memref<128xi32, #tpu.memory_space<hbm>>
        %dma_wait3A_72 = tpu.memref_slice %arg3[%add3A_58] : memref<323584xi32, #tpu.memory_space<hbm>> -> memref<128xi32, #tpu.memory_space<hbm>>
        tpu.wait_dma2 semaphore(%run_scoped3A : memref<!tpu.dma_semaphore, #tpu.memory_space<semaphore_mem>>) src(%dma_wait3A_72 : memref<128xi32, #tpu.memory_space<hbm>>) dst(%arg9 : memref<128xi32, #tpu.memory_space<vmem>>)
        tpu.yield
      }) : () -> ()
      "tpu.region"() ({
        %run_scoped3A = tpu.sem_alloc : memref<!tpu.dma_semaphore, #tpu.memory_space<semaphore_mem>>
        %dma_start3A_69 = tpu.memref_slice %arg4[%add3A_58] : memref<323584xf32, #tpu.memory_space<hbm>> -> memref<128xf32, #tpu.memory_space<hbm>>
        %dma_start3A_70 = tpu.memref_slice %arg4[%add3A_58] : memref<323584xf32, #tpu.memory_space<hbm>> -> memref<128xf32, #tpu.memory_space<hbm>>
        tpu.enqueue_dma source(%dma_start3A_70 : memref<128xf32, #tpu.memory_space<hbm>>) target(%arg10 : memref<128xf32, #tpu.memory_space<vmem>>) target_semaphore(%run_scoped3A : memref<!tpu.dma_semaphore, #tpu.memory_space<semaphore_mem>>)
        %dma_wait3A_71 = tpu.memref_slice %arg4[%add3A_58] : memref<323584xf32, #tpu.memory_space<hbm>> -> memref<128xf32, #tpu.memory_space<hbm>>
        %dma_wait3A_72 = tpu.memref_slice %arg4[%add3A_58] : memref<323584xf32, #tpu.memory_space<hbm>> -> memref<128xf32, #tpu.memory_space<hbm>>
        tpu.wait_dma2 semaphore(%run_scoped3A : memref<!tpu.dma_semaphore, #tpu.memory_space<semaphore_mem>>) src(%dma_wait3A_72 : memref<128xf32, #tpu.memory_space<hbm>>) dst(%arg10 : memref<128xf32, #tpu.memory_space<vmem>>)
        tpu.yield
      }) : () -> ()
      %dma_start3A = arith.constant 0 : i32
      %dma_start3A_59 = arith.constant 0 : i32
      %dma_start3A_60 = tpu.memref_slice %arg5[%dma_start3A, %dma_start3A_59] : memref<10000x128xf32, #tpu.memory_space<hbm>> -> memref<10000x128xf32, #tpu.memory_space<hbm>>
      tpu.enqueue_indirect_dma source(%dma_start3A_60 : memref<10000x128xf32, #tpu.memory_space<hbm>>) target(%arg11 : memref<128x128xf32, #tpu.memory_space<vmem>>) offsets(%arg8 : memref<128xi32, #tpu.memory_space<vmem>>) semaphore(%arg12 : memref<!tpu.dma_semaphore, #tpu.memory_space<semaphore_mem>>)
      %dma_wait3A = arith.constant 0 : i32
      %dma_wait3A_61 = arith.constant 0 : i32
      %dma_wait3A_62 = tpu.memref_slice %arg5[%dma_wait3A, %dma_wait3A_61] : memref<10000x128xf32, #tpu.memory_space<hbm>> -> memref<10000x128xf32, #tpu.memory_space<hbm>>
      tpu.wait_indirect_dma semaphore(%arg12 : memref<!tpu.dma_semaphore, #tpu.memory_space<semaphore_mem>>) src(%dma_wait3A_62 : memref<10000x128xf32, #tpu.memory_space<hbm>>) dst(%arg11 : memref<128x128xf32, #tpu.memory_space<vmem>>)
      %scan3A_63 = arith.constant 0 : i32
      %scan3A_64 = arith.constant 0 : i32
      %scan3A_65 = arith.constant 8 : i32
      %scan3A_66 = arith.addi %scan3A_64, %scan3A_65 : i32
      %scan3A_67 = arith.constant 1 : i32
      scf.for %scan3A_69 = %scan3A_64 to %scan3A_66 step %scan3A_67  : i32 {
        %mul3A_70 = arith.constant 16 : i32
        %mul3A_71 = arith.muli %scan3A_69, %mul3A_70 : i32
        %get3A = arith.index_cast %mul3A_71 : i32 to index
        %get3A_72 = tpu.vector_load %arg10[%get3A] {strides = array<i32>} : memref<128xf32, #tpu.memory_space<vmem>>, vector<16xf32>,
        %get3A_73 = vector.shape_cast %get3A_72 : vector<16xf32> to vector<16xf32>
        %slice3A = vector.extract_strided_slice %get3A_73 {offsets = [0], sizes = [1], strides = [1]} : vector<16xf32> to vector<1xf32>
        %squeeze3A = vector.extract %slice3A[0] : f32 from vector<1xf32>
        %broadcast_in_dim3A = vector.broadcast %squeeze3A : f32 to vector<16xf32>
        %mul3A_74 = arith.constant 16 : i32
        %mul3A_75 = arith.muli %scan3A_69, %mul3A_74 : i32
        %add3A_76 = arith.constant 0 : i32
        %add3A_77 = arith.addi %mul3A_75, %add3A_76 : i32
        %get3A_78 = arith.index_cast %add3A_77 : i32 to index
        %get3A_79 = arith.constant 0 : index
        %get3A_80 = tpu.vector_load %arg11[%get3A_78, %get3A_79] {strides = array<i32>} : memref<128x128xf32, #tpu.memory_space<vmem>>, vector<1x16xf32>,
        %get3A_81 = vector.shape_cast %get3A_80 : vector<1x16xf32> to vector<16xf32>
        %mul3A_82 = arith.mulf %get3A_81, %broadcast_in_dim3A : vector<16xf32>
        %mul3A_83 = arith.constant 16 : i32
        %mul3A_84 = arith.muli %scan3A_69, %mul3A_83 : i32
        %add3A_85 = arith.constant 0 : i32
        %add3A_86 = arith.addi %mul3A_84, %add3A_85 : i32
        %swap3A = arith.index_cast %add3A_86 : i32 to index
        %swap3A_87 = arith.constant 0 : index
        %swap3A_88 = tpu.vector_load %arg11[%swap3A, %swap3A_87] {strides = array<i32>} : memref<128x128xf32, #tpu.memory_space<vmem>>, vector<1x16xf32>,
        %swap3A_89 = vector.shape_cast %swap3A_88 : vector<1x16xf32> to vector<16xf32>
        %swap3A_90 = vector.shape_cast %mul3A_82 : vector<16xf32> to vector<1x16xf32>
        tpu.vector_store %arg11[%swap3A, %swap3A_87], %swap3A_90 {strides = array<i32>} : memref<128x128xf32, #tpu.memory_space<vmem>>, vector<1x16xf32>,
        %mul3A_91 = arith.constant 16 : i32
        %mul3A_92 = arith.muli %scan3A_69, %mul3A_91 : i32
        %add3A_93 = arith.constant 0 : i32
        %add3A_94 = arith.addi %mul3A_92, %add3A_93 : i32
        %get3A_95 = arith.index_cast %add3A_94 : i32 to index
        %get3A_96 = arith.constant 16 : index
        %get3A_97 = tpu.vector_load %arg11[%get3A_95, %get3A_96] {strides = array<i32>} : memref<128x128xf32, #tpu.memory_space<vmem>>, vector<1x16xf32>,
        %get3A_98 = vector.shape_cast %get3A_97 : vector<1x16xf32> to vector<16xf32>
        %mul3A_99 = arith.mulf %get3A_98, %broadcast_in_dim3A : vector<16xf32>
        %mul3A_100 = arith.constant 16 : i32
        %mul3A_101 = arith.muli %scan3A_69, %mul3A_100 : i32
        %add3A_102 = arith.constant 0 : i32
        %add3A_103 = arith.addi %mul3A_101, %add3A_102 : i32
        %swap3A_104 = arith.index_cast %add3A_103 : i32 to index
        %swap3A_105 = arith.constant 16 : index
        %swap3A_106 = tpu.vector_load %arg11[%swap3A_104, %swap3A_105] {strides = array<i32>} : memref<128x128xf32, #tpu.memory_space<vmem>>, vector<1x16xf32>,
        %swap3A_107 = vector.shape_cast %swap3A_106 : vector<1x16xf32> to vector<16xf32>
        %swap3A_108 = vector.shape_cast %mul3A_99 : vector<16xf32> to vector<1x16xf32>
        tpu.vector_store %arg11[%swap3A_104, %swap3A_105], %swap3A_108 {strides = array<i32>} : memref<128x128xf32, #tpu.memory_space<vmem>>, vector<1x16xf32>,
        %mul3A_109 = arith.constant 16 : i32
        %mul3A_110 = arith.muli %scan3A_69, %mul3A_109 : i32
        %add3A_111 = arith.constant 0 : i32
        %add3A_112 = arith.addi %mul3A_110, %add3A_111 : i32
        %get3A_113 = arith.index_cast %add3A_112 : i32 to index
        %get3A_114 = arith.constant 32 : index
        %get3A_115 = tpu.vector_load %arg11[%get3A_113, %get3A_114] {strides = array<i32>} : memref<128x128xf32, #tpu.memory_space<vmem>>, vector<1x16xf32>,
        %get3A_116 = vector.shape_cast %get3A_115 : vector<1x16xf32> to vector<16xf32>
        %mul3A_117 = arith.mulf %get3A_116, %broadcast_in_dim3A : vector<16xf32>
        %mul3A_118 = arith.constant 16 : i32
        %mul3A_119 = arith.muli %scan3A_69, %mul3A_118 : i32
        %add3A_120 = arith.constant 0 : i32
        %add3A_121 = arith.addi %mul3A_119, %add3A_120 : i32
        %swap3A_122 = arith.index_cast %add3A_121 : i32 to index
        %swap3A_123 = arith.constant 32 : index
        %swap3A_124 = tpu.vector_load %arg11[%swap3A_122, %swap3A_123] {strides = array<i32>} : memref<128x128xf32, #tpu.memory_space<vmem>>, vector<1x16xf32>,
        %swap3A_125 = vector.shape_cast %swap3A_124 : vector<1x16xf32> to vector<16xf32>
        %swap3A_126 = vector.shape_cast %mul3A_117 : vector<16xf32> to vector<1x16xf32>
        tpu.vector_store %arg11[%swap3A_122, %swap3A_123], %swap3A_126 {strides = array<i32>} : memref<128x128xf32, #tpu.memory_space<vmem>>, vector<1x16xf32>,
        %mul3A_127 = arith.constant 16 : i32
        %mul3A_128 = arith.muli %scan3A_69, %mul3A_127 : i32
        %add3A_129 = arith.constant 0 : i32
        %add3A_130 = arith.addi %mul3A_128, %add3A_129 : i32
        %get3A_131 = arith.index_cast %add3A_130 : i32 to index
        %get3A_132 = arith.constant 48 : index
        %get3A_133 = tpu.vector_load %arg11[%get3A_131, %get3A_132] {strides = array<i32>} : memref<128x128xf32, #tpu.memory_space<vmem>>, vector<1x16xf32>,
        %get3A_134 = vector.shape_cast %get3A_133 : vector<1x16xf32> to vector<16xf32>
        %mul3A_135 = arith.mulf %get3A_134, %broadcast_in_dim3A : vector<16xf32>
        %mul3A_136 = arith.constant 16 : i32
        %mul3A_137 = arith.muli %scan3A_69, %mul3A_136 : i32
        %add3A_138 = arith.constant 0 : i32
        %add3A_139 = arith.addi %mul3A_137, %add3A_138 : i32
        %swap3A_140 = arith.index_cast %add3A_139 : i32 to index
        %swap3A_141 = arith.constant 48 : index
        %swap3A_142 = tpu.vector_load %arg11[%swap3A_140, %swap3A_141] {strides = array<i32>} : memref<128x128xf32, #tpu.memory_space<vmem>>, vector<1x16xf32>,
        %swap3A_143 = vector.shape_cast %swap3A_142 : vector<1x16xf32> to vector<16xf32>
        %swap3A_144 = vector.shape_cast %mul3A_135 : vector<16xf32> to vector<1x16xf32>
        tpu.vector_store %arg11[%swap3A_140, %swap3A_141], %swap3A_144 {strides = array<i32>} : memref<128x128xf32, #tpu.memory_space<vmem>>, vector<1x16xf32>,
        %mul3A_145 = arith.constant 16 : i32
        %mul3A_146 = arith.muli %scan3A_69, %mul3A_145 : i32
        %add3A_147 = arith.constant 0 : i32
        %add3A_148 = arith.addi %mul3A_146, %add3A_147 : i32
        %get3A_149 = arith.index_cast %add3A_148 : i32 to index
        %get3A_150 = arith.constant 64 : index
        %get3A_151 = tpu.vector_load %arg11[%get3A_149, %get3A_150] {strides = array<i32>} : memref<128x128xf32, #tpu.memory_space<vmem>>, vector<1x16xf32>,
        %get3A_152 = vector.shape_cast %get3A_151 : vector<1x16xf32> to vector<16xf32>
        %mul3A_153 = arith.mulf %get3A_152, %broadcast_in_dim3A : vector<16xf32>
        %mul3A_154 = arith.constant 16 : i32
        %mul3A_155 = arith.muli %scan3A_69, %mul3A_154 : i32
        %add3A_156 = arith.constant 0 : i32
        %add3A_157 = arith.addi %mul3A_155, %add3A_156 : i32
        %swap3A_158 = arith.index_cast %add3A_157 : i32 to index
        %swap3A_159 = arith.constant 64 : index
        %swap3A_160 = tpu.vector_load %arg11[%swap3A_158, %swap3A_159] {strides = array<i32>} : memref<128x128xf32, #tpu.memory_space<vmem>>, vector<1x16xf32>,
        %swap3A_161 = vector.shape_cast %swap3A_160 : vector<1x16xf32> to vector<16xf32>
        %swap3A_162 = vector.shape_cast %mul3A_153 : vector<16xf32> to vector<1x16xf32>
        tpu.vector_store %arg11[%swap3A_158, %swap3A_159], %swap3A_162 {strides = array<i32>} : memref<128x128xf32, #tpu.memory_space<vmem>>, vector<1x16xf32>,
        %mul3A_163 = arith.constant 16 : i32
        %mul3A_164 = arith.muli %scan3A_69, %mul3A_163 : i32
        %add3A_165 = arith.constant 0 : i32
        %add3A_166 = arith.addi %mul3A_164, %add3A_165 : i32
        %get3A_167 = arith.index_cast %add3A_166 : i32 to index
        %get3A_168 = arith.constant 80 : index
        %get3A_169 = tpu.vector_load %arg11[%get3A_167, %get3A_168] {strides = array<i32>} : memref<128x128xf32, #tpu.memory_space<vmem>>, vector<1x16xf32>,
        %get3A_170 = vector.shape_cast %get3A_169 : vector<1x16xf32> to vector<16xf32>
        %mul3A_171 = arith.mulf %get3A_170, %broadcast_in_dim3A : vector<16xf32>
        %mul3A_172 = arith.constant 16 : i32
        %mul3A_173 = arith.muli %scan3A_69, %mul3A_172 : i32
        %add3A_174 = arith.constant 0 : i32
        %add3A_175 = arith.addi %mul3A_173, %add3A_174 : i32
        %swap3A_176 = arith.index_cast %add3A_175 : i32 to index
        %swap3A_177 = arith.constant 80 : index
        %swap3A_178 = tpu.vector_load %arg11[%swap3A_176, %swap3A_177] {strides = array<i32>} : memref<128x128xf32, #tpu.memory_space<vmem>>, vector<1x16xf32>,
        %swap3A_179 = vector.shape_cast %swap3A_178 : vector<1x16xf32> to vector<16xf32>
        %swap3A_180 = vector.shape_cast %mul3A_171 : vector<16xf32> to vector<1x16xf32>
        tpu.vector_store %arg11[%swap3A_176, %swap3A_177], %swap3A_180 {strides = array<i32>} : memref<128x128xf32, #tpu.memory_space<vmem>>, vector<1x16xf32>,
        %mul3A_181 = arith.constant 16 : i32
        %mul3A_182 = arith.muli %scan3A_69, %mul3A_181 : i32
        %add3A_183 = arith.constant 0 : i32
        %add3A_184 = arith.addi %mul3A_182, %add3A_183 : i32
        %get3A_185 = arith.index_cast %add3A_184 : i32 to index
        %get3A_186 = arith.constant 96 : index
        %get3A_187 = tpu.vector_load %arg11[%get3A_185, %get3A_186] {strides = array<i32>} : memref<128x128xf32, #tpu.memory_space<vmem>>, vector<1x16xf32>,
        %get3A_188 = vector.shape_cast %get3A_187 : vector<1x16xf32> to vector<16xf32>
        %mul3A_189 = arith.mulf %get3A_188, %broadcast_in_dim3A : vector<16xf32>
        %mul3A_190 = arith.constant 16 : i32
        %mul3A_191 = arith.muli %scan3A_69, %mul3A_190 : i32
        %add3A_192 = arith.constant 0 : i32
        %add3A_193 = arith.addi %mul3A_191, %add3A_192 : i32
        %swap3A_194 = arith.index_cast %add3A_193 : i32 to index
        %swap3A_195 = arith.constant 96 : index
        %swap3A_196 = tpu.vector_load %arg11[%swap3A_194, %swap3A_195] {strides = array<i32>} : memref<128x128xf32, #tpu.memory_space<vmem>>, vector<1x16xf32>,
        %swap3A_197 = vector.shape_cast %swap3A_196 : vector<1x16xf32> to vector<16xf32>
        %swap3A_198 = vector.shape_cast %mul3A_189 : vector<16xf32> to vector<1x16xf32>
        tpu.vector_store %arg11[%swap3A_194, %swap3A_195], %swap3A_198 {strides = array<i32>} : memref<128x128xf32, #tpu.memory_space<vmem>>, vector<1x16xf32>,
        %mul3A_199 = arith.constant 16 : i32
        %mul3A_200 = arith.muli %scan3A_69, %mul3A_199 : i32
        %add3A_201 = arith.constant 0 : i32
        %add3A_202 = arith.addi %mul3A_200, %add3A_201 : i32
        %get3A_203 = arith.index_cast %add3A_202 : i32 to index
        %get3A_204 = arith.constant 112 : index
        %get3A_205 = tpu.vector_load %arg11[%get3A_203, %get3A_204] {strides = array<i32>} : memref<128x128xf32, #tpu.memory_space<vmem>>, vector<1x16xf32>,
        %get3A_206 = vector.shape_cast %get3A_205 : vector<1x16xf32> to vector<16xf32>
        %mul3A_207 = arith.mulf %get3A_206, %broadcast_in_dim3A : vector<16xf32>
        %mul3A_208 = arith.constant 16 : i32
        %mul3A_209 = arith.muli %scan3A_69, %mul3A_208 : i32
        %add3A_210 = arith.constant 0 : i32
        %add3A_211 = arith.addi %mul3A_209, %add3A_210 : i32
        %swap3A_212 = arith.index_cast %add3A_211 : i32 to index
        %swap3A_213 = arith.constant 112 : index
        %swap3A_214 = tpu.vector_load %arg11[%swap3A_212, %swap3A_213] {strides = array<i32>} : memref<128x128xf32, #tpu.memory_space<vmem>>, vector<1x16xf32>,
        %swap3A_215 = vector.shape_cast %swap3A_214 : vector<1x16xf32> to vector<16xf32>
        %swap3A_216 = vector.shape_cast %mul3A_207 : vector<16xf32> to vector<1x16xf32>
        tpu.vector_store %arg11[%swap3A_212, %swap3A_213], %swap3A_216 {strides = array<i32>} : memref<128x128xf32, #tpu.memory_space<vmem>>, vector<1x16xf32>,
        %slice3A_217 = vector.extract_strided_slice %get3A_73 {offsets = [1], sizes = [1], strides = [1]} : vector<16xf32> to vector<1xf32>
        %squeeze3A_218 = vector.extract %slice3A_217[0] : f32 from vector<1xf32>
        %broadcast_in_dim3A_219 = vector.broadcast %squeeze3A_218 : f32 to vector<16xf32>
        %mul3A_220 = arith.constant 16 : i32
        %mul3A_221 = arith.muli %scan3A_69, %mul3A_220 : i32
        %add3A_222 = arith.constant 1 : i32
        %add3A_223 = arith.addi %mul3A_221, %add3A_222 : i32
        %get3A_224 = arith.index_cast %add3A_223 : i32 to index
        %get3A_225 = arith.constant 0 : index
        %get3A_226 = tpu.vector_load %arg11[%get3A_224, %get3A_225] {strides = array<i32>} : memref<128x128xf32, #tpu.memory_space<vmem>>, vector<1x16xf32>,
        %get3A_227 = vector.shape_cast %get3A_226 : vector<1x16xf32> to vector<16xf32>
        %mul3A_228 = arith.mulf %get3A_227, %broadcast_in_dim3A_219 : vector<16xf32>
        %mul3A_229 = arith.constant 16 : i32
        %mul3A_230 = arith.muli %scan3A_69, %mul3A_229 : i32
        %add3A_231 = arith.constant 1 : i32
        %add3A_232 = arith.addi %mul3A_230, %add3A_231 : i32
        %swap3A_233 = arith.index_cast %add3A_232 : i32 to index
        %swap3A_234 = arith.constant 0 : index
        %swap3A_235 = tpu.vector_load %arg11[%swap3A_233, %swap3A_234] {strides = array<i32>} : memref<128x128xf32, #tpu.memory_space<vmem>>, vector<1x16xf32>,
        %swap3A_236 = vector.shape_cast %swap3A_235 : vector<1x16xf32> to vector<16xf32>
        %swap3A_237 = vector.shape_cast %mul3A_228 : vector<16xf32> to vector<1x16xf32>
        tpu.vector_store %arg11[%swap3A_233, %swap3A_234], %swap3A_237 {strides = array<i32>} : memref<128x128xf32, #tpu.memory_space<vmem>>, vector<1x16xf32>,
        %mul3A_238 = arith.constant 16 : i32
        %mul3A_239 = arith.muli %scan3A_69, %mul3A_238 : i32
        %add3A_240 = arith.constant 1 : i32
        %add3A_241 = arith.addi %mul3A_239, %add3A_240 : i32
        %get3A_242 = arith.index_cast %add3A_241 : i32 to index
        %get3A_243 = arith.constant 16 : index
        %get3A_244 = tpu.vector_load %arg11[%get3A_242, %get3A_243] {strides = array<i32>} : memref<128x128xf32, #tpu.memory_space<vmem>>, vector<1x16xf32>,
        %get3A_245 = vector.shape_cast %get3A_244 : vector<1x16xf32> to vector<16xf32>
        %mul3A_246 = arith.mulf %get3A_245, %broadcast_in_dim3A_219 : vector<16xf32>
        %mul3A_247 = arith.constant 16 : i32
        %mul3A_248 = arith.muli %scan3A_69, %mul3A_247 : i32
        %add3A_249 = arith.constant 1 : i32
        %add3A_250 = arith.addi %mul3A_248, %add3A_249 : i32
        %swap3A_251 = arith.index_cast %add3A_250 : i32 to index
        %swap3A_252 = arith.constant 16 : index
        %swap3A_253 = tpu.vector_load %arg11[%swap3A_251, %swap3A_252] {strides = array<i32>} : memref<128x128xf32, #tpu.memory_space<vmem>>, vector<1x16xf32>,
        %swap3A_254 = vector.shape_cast %swap3A_253 : vector<1x16xf32> to vector<16xf32>
        %swap3A_255 = vector.shape_cast %mul3A_246 : vector<16xf32> to vector<1x16xf32>
        tpu.vector_store %arg11[%swap3A_251, %swap3A_252], %swap3A_255 {strides = array<i32>} : memref<128x128xf32, #tpu.memory_space<vmem>>, vector<1x16xf32>,
        %mul3A_256 = arith.constant 16 : i32
        %mul3A_257 = arith.muli %scan3A_69, %mul3A_256 : i32
        %add3A_258 = arith.constant 1 : i32
        %add3A_259 = arith.addi %mul3A_257, %add3A_258 : i32
        %get3A_260 = arith.index_cast %add3A_259 : i32 to index
        %get3A_261 = arith.constant 32 : index
        %get3A_262 = tpu.vector_load %arg11[%get3A_260, %get3A_261] {strides = array<i32>} : memref<128x128xf32, #tpu.memory_space<vmem>>, vector<1x16xf32>,
        %get3A_263 = vector.shape_cast %get3A_262 : vector<1x16xf32> to vector<16xf32>
        %mul3A_264 = arith.mulf %get3A_263, %broadcast_in_dim3A_219 : vector<16xf32>
        %mul3A_265 = arith.constant 16 : i32
        %mul3A_266 = arith.muli %scan3A_69, %mul3A_265 : i32
        %add3A_267 = arith.constant 1 : i32
        %add3A_268 = arith.addi %mul3A_266, %add3A_267 : i32
        %swap3A_269 = arith.index_cast %add3A_268 : i32 to index
        %swap3A_270 = arith.constant 32 : index
        %swap3A_271 = tpu.vector_load %arg11[%swap3A_269, %swap3A_270] {strides = array<i32>} : memref<128x128xf32, #tpu.memory_space<vmem>>, vector<1x16xf32>,
        %swap3A_272 = vector.shape_cast %swap3A_271 : vector<1x16xf32> to vector<16xf32>
        %swap3A_273 = vector.shape_cast %mul3A_264 : vector<16xf32> to vector<1x16xf32>
        tpu.vector_store %arg11[%swap3A_269, %swap3A_270], %swap3A_273 {strides = array<i32>} : memref<128x128xf32, #tpu.memory_space<vmem>>, vector<1x16xf32>,
        %mul3A_274 = arith.constant 16 : i32
        %mul3A_275 = arith.muli %scan3A_69, %mul3A_274 : i32
        %add3A_276 = arith.constant 1 : i32
        %add3A_277 = arith.addi %mul3A_275, %add3A_276 : i32
        %get3A_278 = arith.index_cast %add3A_277 : i32 to index
        %get3A_279 = arith.constant 48 : index
        %get3A_280 = tpu.vector_load %arg11[%get3A_278, %get3A_279] {strides = array<i32>} : memref<128x128xf32, #tpu.memory_space<vmem>>, vector<1x16xf32>,
        %get3A_281 = vector.shape_cast %get3A_280 : vector<1x16xf32> to vector<16xf32>
        %mul3A_282 = arith.mulf %get3A_281, %broadcast_in_dim3A_219 : vector<16xf32>
        %mul3A_283 = arith.constant 16 : i32
        %mul3A_284 = arith.muli %scan3A_69, %mul3A_283 : i32
        %add3A_285 = arith.constant 1 : i32
        %add3A_286 = arith.addi %mul3A_284, %add3A_285 : i32
        %swap3A_287 = arith.index_cast %add3A_286 : i32 to index
        %swap3A_288 = arith.constant 48 : index
        %swap3A_289 = tpu.vector_load %arg11[%swap3A_287, %swap3A_288] {strides = array<i32>} : memref<128x128xf32, #tpu.memory_space<vmem>>, vector<1x16xf32>,
        %swap3A_290 = vector.shape_cast %swap3A_289 : vector<1x16xf32> to vector<16xf32>
        %swap3A_291 = vector.shape_cast %mul3A_282 : vector<16xf32> to vector<1x16xf32>
        tpu.vector_store %arg11[%swap3A_287, %swap3A_288], %swap3A_291 {strides = array<i32>} : memref<128x128xf32, #tpu.memory_space<vmem>>, vector<1x16xf32>,
        %mul3A_292 = arith.constant 16 : i32
        %mul3A_293 = arith.muli %scan3A_69, %mul3A_292 : i32
        %add3A_294 = arith.constant 1 : i32
        %add3A_295 = arith.addi %mul3A_293, %add3A_294 : i32
        %get3A_296 = arith.index_cast %add3A_295 : i32 to index
        %get3A_297 = arith.constant 64 : index
        %get3A_298 = tpu.vector_load %arg11[%get3A_296, %get3A_297] {strides = array<i32>} : memref<128x128xf32, #tpu.memory_space<vmem>>, vector<1x16xf32>,
        %get3A_299 = vector.shape_cast %get3A_298 : vector<1x16xf32> to vector<16xf32>
        %mul3A_300 = arith.mulf %get3A_299, %broadcast_in_dim3A_219 : vector<16xf32>
        %mul3A_301 = arith.constant 16 : i32
        %mul3A_302 = arith.muli %scan3A_69, %mul3A_301 : i32
        %add3A_303 = arith.constant 1 : i32
        %add3A_304 = arith.addi %mul3A_302, %add3A_303 : i32
        %swap3A_305 = arith.index_cast %add3A_304 : i32 to index
        %swap3A_306 = arith.constant 64 : index
        %swap3A_307 = tpu.vector_load %arg11[%swap3A_305, %swap3A_306] {strides = array<i32>} : memref<128x128xf32, #tpu.memory_space<vmem>>, vector<1x16xf32>,
        %swap3A_308 = vector.shape_cast %swap3A_307 : vector<1x16xf32> to vector<16xf32>
        %swap3A_309 = vector.shape_cast %mul3A_300 : vector<16xf32> to vector<1x16xf32>
        tpu.vector_store %arg11[%swap3A_305, %swap3A_306], %swap3A_309 {strides = array<i32>} : memref<128x128xf32, #tpu.memory_space<vmem>>, vector<1x16xf32>,
        %mul3A_310 = arith.constant 16 : i32
        %mul3A_311 = arith.muli %scan3A_69, %mul3A_310 : i32
        %add3A_312 = arith.constant 1 : i32
        %add3A_313 = arith.addi %mul3A_311, %add3A_312 : i32
        %get3A_314 = arith.index_cast %add3A_313 : i32 to index
        %get3A_315 = arith.constant 80 : index
        %get3A_316 = tpu.vector_load %arg11[%get3A_314, %get3A_315] {strides = array<i32>} : memref<128x128xf32, #tpu.memory_space<vmem>>, vector<1x16xf32>,
        %get3A_317 = vector.shape_cast %get3A_316 : vector<1x16xf32> to vector<16xf32>
        %mul3A_318 = arith.mulf %get3A_317, %broadcast_in_dim3A_219 : vector<16xf32>
        %mul3A_319 = arith.constant 16 : i32
        %mul3A_320 = arith.muli %scan3A_69, %mul3A_319 : i32
        %add3A_321 = arith.constant 1 : i32
        %add3A_322 = arith.addi %mul3A_320, %add3A_321 : i32
        %swap3A_323 = arith.index_cast %add3A_322 : i32 to index
        %swap3A_324 = arith.constant 80 : index
        %swap3A_325 = tpu.vector_load %arg11[%swap3A_323, %swap3A_324] {strides = array<i32>} : memref<128x128xf32, #tpu.memory_space<vmem>>, vector<1x16xf32>,
        %swap3A_326 = vector.shape_cast %swap3A_325 : vector<1x16xf32> to vector<16xf32>
        %swap3A_327 = vector.shape_cast %mul3A_318 : vector<16xf32> to vector<1x16xf32>
        tpu.vector_store %arg11[%swap3A_323, %swap3A_324], %swap3A_327 {strides = array<i32>} : memref<128x128xf32, #tpu.memory_space<vmem>>, vector<1x16xf32>,
        %mul3A_328 = arith.constant 16 : i32
        %mul3A_329 = arith.muli %scan3A_69, %mul3A_328 : i32
        %add3A_330 = arith.constant 1 : i32
        %add3A_331 = arith.addi %mul3A_329, %add3A_330 : i32
        %get3A_332 = arith.index_cast %add3A_331 : i32 to index
        %get3A_333 = arith.constant 96 : index
        %get3A_334 = tpu.vector_load %arg11[%get3A_332, %get3A_333] {strides = array<i32>} : memref<128x128xf32, #tpu.memory_space<vmem>>, vector<1x16xf32>,
        %get3A_335 = vector.shape_cast %get3A_334 : vector<1x16xf32> to vector<16xf32>
        %mul3A_336 = arith.mulf %get3A_335, %broadcast_in_dim3A_219 : vector<16xf32>
        %mul3A_337 = arith.constant 16 : i32
        %mul3A_338 = arith.muli %scan3A_69, %mul3A_337 : i32
        %add3A_339 = arith.constant 1 : i32
        %add3A_340 = arith.addi %mul3A_338, %add3A_339 : i32
        %swap3A_341 = arith.index_cast %add3A_340 : i32 to index
        %swap3A_342 = arith.constant 96 : index
        %swap3A_343 = tpu.vector_load %arg11[%swap3A_341, %swap3A_342] {strides = array<i32>} : memref<128x128xf32, #tpu.memory_space<vmem>>, vector<1x16xf32>,
        %swap3A_344 = vector.shape_cast %swap3A_343 : vector<1x16xf32> to vector<16xf32>
        %swap3A_345 = vector.shape_cast %mul3A_336 : vector<16xf32> to vector<1x16xf32>
        tpu.vector_store %arg11[%swap3A_341, %swap3A_342], %swap3A_345 {strides = array<i32>} : memref<128x128xf32, #tpu.memory_space<vmem>>, vector<1x16xf32>,
        %mul3A_346 = arith.constant 16 : i32
        %mul3A_347 = arith.muli %scan3A_69, %mul3A_346 : i32
        %add3A_348 = arith.constant 1 : i32
        %add3A_349 = arith.addi %mul3A_347, %add3A_348 : i32
        %get3A_350 = arith.index_cast %add3A_349 : i32 to index
        %get3A_351 = arith.constant 112 : index
        %get3A_352 = tpu.vector_load %arg11[%get3A_350, %get3A_351] {strides = array<i32>} : memref<128x128xf32, #tpu.memory_space<vmem>>, vector<1x16xf32>,
        %get3A_353 = vector.shape_cast %get3A_352 : vector<1x16xf32> to vector<16xf32>
        %mul3A_354 = arith.mulf %get3A_353, %broadcast_in_dim3A_219 : vector<16xf32>
        %mul3A_355 = arith.constant 16 : i32
        %mul3A_356 = arith.muli %scan3A_69, %mul3A_355 : i32
        %add3A_357 = arith.constant 1 : i32
        %add3A_358 = arith.addi %mul3A_356, %add3A_357 : i32
        %swap3A_359 = arith.index_cast %add3A_358 : i32 to index
        %swap3A_360 = arith.constant 112 : index
        %swap3A_361 = tpu.vector_load %arg11[%swap3A_359, %swap3A_360] {strides = array<i32>} : memref<128x128xf32, #tpu.memory_space<vmem>>, vector<1x16xf32>,
        %swap3A_362 = vector.shape_cast %swap3A_361 : vector<1x16xf32> to vector<16xf32>
        %swap3A_363 = vector.shape_cast %mul3A_354 : vector<16xf32> to vector<1x16xf32>
        tpu.vector_store %arg11[%swap3A_359, %swap3A_360], %swap3A_363 {strides = array<i32>} : memref<128x128xf32, #tpu.memory_space<vmem>>, vector<1x16xf32>,
        %slice3A_364 = vector.extract_strided_slice %get3A_73 {offsets = [2], sizes = [1], strides = [1]} : vector<16xf32> to vector<1xf32>
        %squeeze3A_365 = vector.extract %slice3A_364[0] : f32 from vector<1xf32>
        %broadcast_in_dim3A_366 = vector.broadcast %squeeze3A_365 : f32 to vector<16xf32>
        %mul3A_367 = arith.constant 16 : i32
        %mul3A_368 = arith.muli %scan3A_69, %mul3A_367 : i32
        %add3A_369 = arith.constant 2 : i32
        %add3A_370 = arith.addi %mul3A_368, %add3A_369 : i32
        %get3A_371 = arith.index_cast %add3A_370 : i32 to index
        %get3A_372 = arith.constant 0 : index
        %get3A_373 = tpu.vector_load %arg11[%get3A_371, %get3A_372] {strides = array<i32>} : memref<128x128xf32, #tpu.memory_space<vmem>>, vector<1x16xf32>,
        %get3A_374 = vector.shape_cast %get3A_373 : vector<1x16xf32> to vector<16xf32>
        %mul3A_375 = arith.mulf %get3A_374, %broadcast_in_dim3A_366 : vector<16xf32>
        %mul3A_376 = arith.constant 16 : i32
        %mul3A_377 = arith.muli %scan3A_69, %mul3A_376 : i32
        %add3A_378 = arith.constant 2 : i32
        %add3A_379 = arith.addi %mul3A_377, %add3A_378 : i32
        %swap3A_380 = arith.index_cast %add3A_379 : i32 to index
        %swap3A_381 = arith.constant 0 : index
        %swap3A_382 = tpu.vector_load %arg11[%swap3A_380, %swap3A_381] {strides = array<i32>} : memref<128x128xf32, #tpu.memory_space<vmem>>, vector<1x16xf32>,
        %swap3A_383 = vector.shape_cast %swap3A_382 : vector<1x16xf32> to vector<16xf32>
        %swap3A_384 = vector.shape_cast %mul3A_375 : vector<16xf32> to vector<1x16xf32>
        tpu.vector_store %arg11[%swap3A_380, %swap3A_381], %swap3A_384 {strides = array<i32>} : memref<128x128xf32, #tpu.memory_space<vmem>>, vector<1x16xf32>,
        %mul3A_385 = arith.constant 16 : i32
        %mul3A_386 = arith.muli %scan3A_69, %mul3A_385 : i32
        %add3A_387 = arith.constant 2 : i32
        %add3A_388 = arith.addi %mul3A_386, %add3A_387 : i32
        %get3A_389 = arith.index_cast %add3A_388 : i32 to index
        %get3A_390 = arith.constant 16 : index
        %get3A_391 = tpu.vector_load %arg11[%get3A_389, %get3A_390] {strides = array<i32>} : memref<128x128xf32, #tpu.memory_space<vmem>>, vector<1x16xf32>,
        %get3A_392 = vector.shape_cast %get3A_391 : vector<1x16xf32> to vector<16xf32>
        %mul3A_393 = arith.mulf %get3A_392, %broadcast_in_dim3A_366 : vector<16xf32>
        %mul3A_394 = arith.constant 16 : i32
        %mul3A_395 = arith.muli %scan3A_69, %mul3A_394 : i32
        %add3A_396 = arith.constant 2 : i32
        %add3A_397 = arith.addi %mul3A_395, %add3A_396 : i32
        %swap3A_398 = arith.index_cast %add3A_397 : i32 to index
        %swap3A_399 = arith.constant 16 : index
        %swap3A_400 = tpu.vector_load %arg11[%swap3A_398, %swap3A_399] {strides = array<i32>} : memref<128x128xf32, #tpu.memory_space<vmem>>, vector<1x16xf32>,
        %swap3A_401 = vector.shape_cast %swap3A_400 : vector<1x16xf32> to vector<16xf32>
        %swap3A_402 = vector.shape_cast %mul3A_393 : vector<16xf32> to vector<1x16xf32>
        tpu.vector_store %arg11[%swap3A_398, %swap3A_399], %swap3A_402 {strides = array<i32>} : memref<128x128xf32, #tpu.memory_space<vmem>>, vector<1x16xf32>,
        %mul3A_403 = arith.constant 16 : i32
        %mul3A_404 = arith.muli %scan3A_69, %mul3A_403 : i32
        %add3A_405 = arith.constant 2 : i32
        %add3A_406 = arith.addi %mul3A_404, %add3A_405 : i32
        %get3A_407 = arith.index_cast %add3A_406 : i32 to index
        %get3A_408 = arith.constant 32 : index
        %get3A_409 = tpu.vector_load %arg11[%get3A_407, %get3A_408] {strides = array<i32>} : memref<128x128xf32, #tpu.memory_space<vmem>>, vector<1x16xf32>,
        %get3A_410 = vector.shape_cast %get3A_409 : vector<1x16xf32> to vector<16xf32>
        %mul3A_411 = arith.mulf %get3A_410, %broadcast_in_dim3A_366 : vector<16xf32>
        %mul3A_412 = arith.constant 16 : i32
        %mul3A_413 = arith.muli %scan3A_69, %mul3A_412 : i32
        %add3A_414 = arith.constant 2 : i32
        %add3A_415 = arith.addi %mul3A_413, %add3A_414 : i32
        %swap3A_416 = arith.index_cast %add3A_415 : i32 to index
        %swap3A_417 = arith.constant 32 : index
        %swap3A_418 = tpu.vector_load %arg11[%swap3A_416, %swap3A_417] {strides = array<i32>} : memref<128x128xf32, #tpu.memory_space<vmem>>, vector<1x16xf32>,
        %swap3A_419 = vector.shape_cast %swap3A_418 : vector<1x16xf32> to vector<16xf32>
        %swap3A_420 = vector.shape_cast %mul3A_411 : vector<16xf32> to vector<1x16xf32>
        tpu.vector_store %arg11[%swap3A_416, %swap3A_417], %swap3A_420 {strides = array<i32>} : memref<128x128xf32, #tpu.memory_space<vmem>>, vector<1x16xf32>,
        %mul3A_421 = arith.constant 16 : i32
        %mul3A_422 = arith.muli %scan3A_69, %mul3A_421 : i32
        %add3A_423 = arith.constant 2 : i32
        %add3A_424 = arith.addi %mul3A_422, %add3A_423 : i32
        %get3A_425 = arith.index_cast %add3A_424 : i32 to index
        %get3A_426 = arith.constant 48 : index
        %get3A_427 = tpu.vector_load %arg11[%get3A_425, %get3A_426] {strides = array<i32>} : memref<128x128xf32, #tpu.memory_space<vmem>>, vector<1x16xf32>,
        %get3A_428 = vector.shape_cast %get3A_427 : vector<1x16xf32> to vector<16xf32>
        %mul3A_429 = arith.mulf %get3A_428, %broadcast_in_dim3A_366 : vector<16xf32>
        %mul3A_430 = arith.constant 16 : i32
        %mul3A_431 = arith.muli %scan3A_69, %mul3A_430 : i32
        %add3A_432 = arith.constant 2 : i32
        %add3A_433 = arith.addi %mul3A_431, %add3A_432 : i32
        %swap3A_434 = arith.index_cast %add3A_433 : i32 to index
        %swap3A_435 = arith.constant 48 : index
        %swap3A_436 = tpu.vector_load %arg11[%swap3A_434, %swap3A_435] {strides = array<i32>} : memref<128x128xf32, #tpu.memory_space<vmem>>, vector<1x16xf32>,
        %swap3A_437 = vector.shape_cast %swap3A_436 : vector<1x16xf32> to vector<16xf32>
        %swap3A_438 = vector.shape_cast %mul3A_429 : vector<16xf32> to vector<1x16xf32>
        tpu.vector_store %arg11[%swap3A_434, %swap3A_435], %swap3A_438 {strides = array<i32>} : memref<128x128xf32, #tpu.memory_space<vmem>>, vector<1x16xf32>,
        %mul3A_439 = arith.constant 16 : i32
        %mul3A_440 = arith.muli %scan3A_69, %mul3A_439 : i32
        %add3A_441 = arith.constant 2 : i32
        %add3A_442 = arith.addi %mul3A_440, %add3A_441 : i32
        %get3A_443 = arith.index_cast %add3A_442 : i32 to index
        %get3A_444 = arith.constant 64 : index
        %get3A_445 = tpu.vector_load %arg11[%get3A_443, %get3A_444] {strides = array<i32>} : memref<128x128xf32, #tpu.memory_space<vmem>>, vector<1x16xf32>,
        %get3A_446 = vector.shape_cast %get3A_445 : vector<1x16xf32> to vector<16xf32>
        %mul3A_447 = arith.mulf %get3A_446, %broadcast_in_dim3A_366 : vector<16xf32>
        %mul3A_448 = arith.constant 16 : i32
        %mul3A_449 = arith.muli %scan3A_69, %mul3A_448 : i32
        %add3A_450 = arith.constant 2 : i32
        %add3A_451 = arith.addi %mul3A_449, %add3A_450 : i32
        %swap3A_452 = arith.index_cast %add3A_451 : i32 to index
        %swap3A_453 = arith.constant 64 : index
        %swap3A_454 = tpu.vector_load %arg11[%swap3A_452, %swap3A_453] {strides = array<i32>} : memref<128x128xf32, #tpu.memory_space<vmem>>, vector<1x16xf32>,
        %swap3A_455 = vector.shape_cast %swap3A_454 : vector<1x16xf32> to vector<16xf32>
        %swap3A_456 = vector.shape_cast %mul3A_447 : vector<16xf32> to vector<1x16xf32>
        tpu.vector_store %arg11[%swap3A_452, %swap3A_453], %swap3A_456 {strides = array<i32>} : memref<128x128xf32, #tpu.memory_space<vmem>>, vector<1x16xf32>,
        %mul3A_457 = arith.constant 16 : i32
        %mul3A_458 = arith.muli %scan3A_69, %mul3A_457 : i32
        %add3A_459 = arith.constant 2 : i32
        %add3A_460 = arith.addi %mul3A_458, %add3A_459 : i32
        %get3A_461 = arith.index_cast %add3A_460 : i32 to index
        %get3A_462 = arith.constant 80 : index
        %get3A_463 = tpu.vector_load %arg11[%get3A_461, %get3A_462] {strides = array<i32>} : memref<128x128xf32, #tpu.memory_space<vmem>>, vector<1x16xf32>,
        %get3A_464 = vector.shape_cast %get3A_463 : vector<1x16xf32> to vector<16xf32>
        %mul3A_465 = arith.mulf %get3A_464, %broadcast_in_dim3A_366 : vector<16xf32>
        %mul3A_466 = arith.constant 16 : i32
        %mul3A_467 = arith.muli %scan3A_69, %mul3A_466 : i32
        %add3A_468 = arith.constant 2 : i32
        %add3A_469 = arith.addi %mul3A_467, %add3A_468 : i32
        %swap3A_470 = arith.index_cast %add3A_469 : i32 to index
        %swap3A_471 = arith.constant 80 : index
        %swap3A_472 = tpu.vector_load %arg11[%swap3A_470, %swap3A_471] {strides = array<i32>} : memref<128x128xf32, #tpu.memory_space<vmem>>, vector<1x16xf32>,
        %swap3A_473 = vector.shape_cast %swap3A_472 : vector<1x16xf32> to vector<16xf32>
        %swap3A_474 = vector.shape_cast %mul3A_465 : vector<16xf32> to vector<1x16xf32>
        tpu.vector_store %arg11[%swap3A_470, %swap3A_471], %swap3A_474 {strides = array<i32>} : memref<128x128xf32, #tpu.memory_space<vmem>>, vector<1x16xf32>,
        %mul3A_475 = arith.constant 16 : i32
        %mul3A_476 = arith.muli %scan3A_69, %mul3A_475 : i32
        %add3A_477 = arith.constant 2 : i32
        %add3A_478 = arith.addi %mul3A_476, %add3A_477 : i32
        %get3A_479 = arith.index_cast %add3A_478 : i32 to index
        %get3A_480 = arith.constant 96 : index
        %get3A_481 = tpu.vector_load %arg11[%get3A_479, %get3A_480] {strides = array<i32>} : memref<128x128xf32, #tpu.memory_space<vmem>>, vector<1x16xf32>,
        %get3A_482 = vector.shape_cast %get3A_481 : vector<1x16xf32> to vector<16xf32>
        %mul3A_483 = arith.mulf %get3A_482, %broadcast_in_dim3A_366 : vector<16xf32>
        %mul3A_484 = arith.constant 16 : i32
        %mul3A_485 = arith.muli %scan3A_69, %mul3A_484 : i32
        %add3A_486 = arith.constant 2 : i32
        %add3A_487 = arith.addi %mul3A_485, %add3A_486 : i32
        %swap3A_488 = arith.index_cast %add3A_487 : i32 to index
        %swap3A_489 = arith.constant 96 : index
        %swap3A_490 = tpu.vector_load %arg11[%swap3A_488, %swap3A_489] {strides = array<i32>} : memref<128x128xf32, #tpu.memory_space<vmem>>, vector<1x16xf32>,
        %swap3A_491 = vector.shape_cast %swap3A_490 : vector<1x16xf32> to vector<16xf32>
        %swap3A_492 = vector.shape_cast %mul3A_483 : vector<16xf32> to vector<1x16xf32>
        tpu.vector_store %arg11[%swap3A_488, %swap3A_489], %swap3A_492 {strides = array<i32>} : memref<128x128xf32, #tpu.memory_space<vmem>>, vector<1x16xf32>,
        %mul3A_493 = arith.constant 16 : i32
        %mul3A_494 = arith.muli %scan3A_69, %mul3A_493 : i32
        %add3A_495 = arith.constant 2 : i32
        %add3A_496 = arith.addi %mul3A_494, %add3A_495 : i32
        %get3A_497 = arith.index_cast %add3A_496 : i32 to index
        %get3A_498 = arith.constant 112 : index
        %get3A_499 = tpu.vector_load %arg11[%get3A_497, %get3A_498] {strides = array<i32>} : memref<128x128xf32, #tpu.memory_space<vmem>>, vector<1x16xf32>,
        %get3A_500 = vector.shape_cast %get3A_499 : vector<1x16xf32> to vector<16xf32>
        %mul3A_501 = arith.mulf %get3A_500, %broadcast_in_dim3A_366 : vector<16xf32>
        %mul3A_502 = arith.constant 16 : i32
        %mul3A_503 = arith.muli %scan3A_69, %mul3A_502 : i32
        %add3A_504 = arith.constant 2 : i32
        %add3A_505 = arith.addi %mul3A_503, %add3A_504 : i32
        %swap3A_506 = arith.index_cast %add3A_505 : i32 to index
        %swap3A_507 = arith.constant 112 : index
        %swap3A_508 = tpu.vector_load %arg11[%swap3A_506, %swap3A_507] {strides = array<i32>} : memref<128x128xf32, #tpu.memory_space<vmem>>, vector<1x16xf32>,
        %swap3A_509 = vector.shape_cast %swap3A_508 : vector<1x16xf32> to vector<16xf32>
        %swap3A_510 = vector.shape_cast %mul3A_501 : vector<16xf32> to vector<1x16xf32>
        tpu.vector_store %arg11[%swap3A_506, %swap3A_507], %swap3A_510 {strides = array<i32>} : memref<128x128xf32, #tpu.memory_space<vmem>>, vector<1x16xf32>,
        %slice3A_511 = vector.extract_strided_slice %get3A_73 {offsets = [3], sizes = [1], strides = [1]} : vector<16xf32> to vector<1xf32>
        %squeeze3A_512 = vector.extract %slice3A_511[0] : f32 from vector<1xf32>
        %broadcast_in_dim3A_513 = vector.broadcast %squeeze3A_512 : f32 to vector<16xf32>
        %mul3A_514 = arith.constant 16 : i32
        %mul3A_515 = arith.muli %scan3A_69, %mul3A_514 : i32
        %add3A_516 = arith.constant 3 : i32
        %add3A_517 = arith.addi %mul3A_515, %add3A_516 : i32
        %get3A_518 = arith.index_cast %add3A_517 : i32 to index
        %get3A_519 = arith.constant 0 : index
        %get3A_520 = tpu.vector_load %arg11[%get3A_518, %get3A_519] {strides = array<i32>} : memref<128x128xf32, #tpu.memory_space<vmem>>, vector<1x16xf32>,
        %get3A_521 = vector.shape_cast %get3A_520 : vector<1x16xf32> to vector<16xf32>
        %mul3A_522 = arith.mulf %get3A_521, %broadcast_in_dim3A_513 : vector<16xf32>
        %mul3A_523 = arith.constant 16 : i32
        %mul3A_524 = arith.muli %scan3A_69, %mul3A_523 : i32
        %add3A_525 = arith.constant 3 : i32
        %add3A_526 = arith.addi %mul3A_524, %add3A_525 : i32
        %swap3A_527 = arith.index_cast %add3A_526 : i32 to index
        %swap3A_528 = arith.constant 0 : index
        %swap3A_529 = tpu.vector_load %arg11[%swap3A_527, %swap3A_528] {strides = array<i32>} : memref<128x128xf32, #tpu.memory_space<vmem>>, vector<1x16xf32>,
        %swap3A_530 = vector.shape_cast %swap3A_529 : vector<1x16xf32> to vector<16xf32>
        %swap3A_531 = vector.shape_cast %mul3A_522 : vector<16xf32> to vector<1x16xf32>
        tpu.vector_store %arg11[%swap3A_527, %swap3A_528], %swap3A_531 {strides = array<i32>} : memref<128x128xf32, #tpu.memory_space<vmem>>, vector<1x16xf32>,
        %mul3A_532 = arith.constant 16 : i32
        %mul3A_533 = arith.muli %scan3A_69, %mul3A_532 : i32
        %add3A_534 = arith.constant 3 : i32
        %add3A_535 = arith.addi %mul3A_533, %add3A_534 : i32
        %get3A_536 = arith.index_cast %add3A_535 : i32 to index
        %get3A_537 = arith.constant 16 : index
        %get3A_538 = tpu.vector_load %arg11[%get3A_536, %get3A_537] {strides = array<i32>} : memref<128x128xf32, #tpu.memory_space<vmem>>, vector<1x16xf32>,
        %get3A_539 = vector.shape_cast %get3A_538 : vector<1x16xf32> to vector<16xf32>
        %mul3A_540 = arith.mulf %get3A_539, %broadcast_in_dim3A_513 : vector<16xf32>
        %mul3A_541 = arith.constant 16 : i32
        %mul3A_542 = arith.muli %scan3A_69, %mul3A_541 : i32
        %add3A_543 = arith.constant 3 : i32
        %add3A_544 = arith.addi %mul3A_542, %add3A_543 : i32
        %swap3A_545 = arith.index_cast %add3A_544 : i32 to index
        %swap3A_546 = arith.constant 16 : index
        %swap3A_547 = tpu.vector_load %arg11[%swap3A_545, %swap3A_546] {strides = array<i32>} : memref<128x128xf32, #tpu.memory_space<vmem>>, vector<1x16xf32>,
        %swap3A_548 = vector.shape_cast %swap3A_547 : vector<1x16xf32> to vector<16xf32>
        %swap3A_549 = vector.shape_cast %mul3A_540 : vector<16xf32> to vector<1x16xf32>
        tpu.vector_store %arg11[%swap3A_545, %swap3A_546], %swap3A_549 {strides = array<i32>} : memref<128x128xf32, #tpu.memory_space<vmem>>, vector<1x16xf32>,
        %mul3A_550 = arith.constant 16 : i32
        %mul3A_551 = arith.muli %scan3A_69, %mul3A_550 : i32
        %add3A_552 = arith.constant 3 : i32
        %add3A_553 = arith.addi %mul3A_551, %add3A_552 : i32
        %get3A_554 = arith.index_cast %add3A_553 : i32 to index
        %get3A_555 = arith.constant 32 : index
        %get3A_556 = tpu.vector_load %arg11[%get3A_554, %get3A_555] {strides = array<i32>} : memref<128x128xf32, #tpu.memory_space<vmem>>, vector<1x16xf32>,
        %get3A_557 = vector.shape_cast %get3A_556 : vector<1x16xf32> to vector<16xf32>
        %mul3A_558 = arith.mulf %get3A_557, %broadcast_in_dim3A_513 : vector<16xf32>
        %mul3A_559 = arith.constant 16 : i32
        %mul3A_560 = arith.muli %scan3A_69, %mul3A_559 : i32
        %add3A_561 = arith.constant 3 : i32
        %add3A_562 = arith.addi %mul3A_560, %add3A_561 : i32
        %swap3A_563 = arith.index_cast %add3A_562 : i32 to index
        %swap3A_564 = arith.constant 32 : index
        %swap3A_565 = tpu.vector_load %arg11[%swap3A_563, %swap3A_564] {strides = array<i32>} : memref<128x128xf32, #tpu.memory_space<vmem>>, vector<1x16xf32>,
        %swap3A_566 = vector.shape_cast %swap3A_565 : vector<1x16xf32> to vector<16xf32>
        %swap3A_567 = vector.shape_cast %mul3A_558 : vector<16xf32> to vector<1x16xf32>
        tpu.vector_store %arg11[%swap3A_563, %swap3A_564], %swap3A_567 {strides = array<i32>} : memref<128x128xf32, #tpu.memory_space<vmem>>, vector<1x16xf32>,
        %mul3A_568 = arith.constant 16 : i32
        %mul3A_569 = arith.muli %scan3A_69, %mul3A_568 : i32
        %add3A_570 = arith.constant 3 : i32
        %add3A_571 = arith.addi %mul3A_569, %add3A_570 : i32
        %get3A_572 = arith.index_cast %add3A_571 : i32 to index
        %get3A_573 = arith.constant 48 : index
        %get3A_574 = tpu.vector_load %arg11[%get3A_572, %get3A_573] {strides = array<i32>} : memref<128x128xf32, #tpu.memory_space<vmem>>, vector<1x16xf32>,
        %get3A_575 = vector.shape_cast %get3A_574 : vector<1x16xf32> to vector<16xf32>
        %mul3A_576 = arith.mulf %get3A_575, %broadcast_in_dim3A_513 : vector<16xf32>
        %mul3A_577 = arith.constant 16 : i32
        %mul3A_578 = arith.muli %scan3A_69, %mul3A_577 : i32
        %add3A_579 = arith.constant 3 : i32
        %add3A_580 = arith.addi %mul3A_578, %add3A_579 : i32
        %swap3A_581 = arith.index_cast %add3A_580 : i32 to index
        %swap3A_582 = arith.constant 48 : index
        %swap3A_583 = tpu.vector_load %arg11[%swap3A_581, %swap3A_582] {strides = array<i32>} : memref<128x128xf32, #tpu.memory_space<vmem>>, vector<1x16xf32>,
        %swap3A_584 = vector.shape_cast %swap3A_583 : vector<1x16xf32> to vector<16xf32>
        %swap3A_585 = vector.shape_cast %mul3A_576 : vector<16xf32> to vector<1x16xf32>
        tpu.vector_store %arg11[%swap3A_581, %swap3A_582], %swap3A_585 {strides = array<i32>} : memref<128x128xf32, #tpu.memory_space<vmem>>, vector<1x16xf32>,
        %mul3A_586 = arith.constant 16 : i32
        %mul3A_587 = arith.muli %scan3A_69, %mul3A_586 : i32
        %add3A_588 = arith.constant 3 : i32
        %add3A_589 = arith.addi %mul3A_587, %add3A_588 : i32
        %get3A_590 = arith.index_cast %add3A_589 : i32 to index
        %get3A_591 = arith.constant 64 : index
        %get3A_592 = tpu.vector_load %arg11[%get3A_590, %get3A_591] {strides = array<i32>} : memref<128x128xf32, #tpu.memory_space<vmem>>, vector<1x16xf32>,
        %get3A_593 = vector.shape_cast %get3A_592 : vector<1x16xf32> to vector<16xf32>
        %mul3A_594 = arith.mulf %get3A_593, %broadcast_in_dim3A_513 : vector<16xf32>
        %mul3A_595 = arith.constant 16 : i32
        %mul3A_596 = arith.muli %scan3A_69, %mul3A_595 : i32
        %add3A_597 = arith.constant 3 : i32
        %add3A_598 = arith.addi %mul3A_596, %add3A_597 : i32
        %swap3A_599 = arith.index_cast %add3A_598 : i32 to index
        %swap3A_600 = arith.constant 64 : index
        %swap3A_601 = tpu.vector_load %arg11[%swap3A_599, %swap3A_600] {strides = array<i32>} : memref<128x128xf32, #tpu.memory_space<vmem>>, vector<1x16xf32>,
        %swap3A_602 = vector.shape_cast %swap3A_601 : vector<1x16xf32> to vector<16xf32>
        %swap3A_603 = vector.shape_cast %mul3A_594 : vector<16xf32> to vector<1x16xf32>
        tpu.vector_store %arg11[%swap3A_599, %swap3A_600], %swap3A_603 {strides = array<i32>} : memref<128x128xf32, #tpu.memory_space<vmem>>, vector<1x16xf32>,
        %mul3A_604 = arith.constant 16 : i32
        %mul3A_605 = arith.muli %scan3A_69, %mul3A_604 : i32
        %add3A_606 = arith.constant 3 : i32
        %add3A_607 = arith.addi %mul3A_605, %add3A_606 : i32
        %get3A_608 = arith.index_cast %add3A_607 : i32 to index
        %get3A_609 = arith.constant 80 : index
        %get3A_610 = tpu.vector_load %arg11[%get3A_608, %get3A_609] {strides = array<i32>} : memref<128x128xf32, #tpu.memory_space<vmem>>, vector<1x16xf32>,
        %get3A_611 = vector.shape_cast %get3A_610 : vector<1x16xf32> to vector<16xf32>
        %mul3A_612 = arith.mulf %get3A_611, %broadcast_in_dim3A_513 : vector<16xf32>
        %mul3A_613 = arith.constant 16 : i32
        %mul3A_614 = arith.muli %scan3A_69, %mul3A_613 : i32
        %add3A_615 = arith.constant 3 : i32
        %add3A_616 = arith.addi %mul3A_614, %add3A_615 : i32
        %swap3A_617 = arith.index_cast %add3A_616 : i32 to index
        %swap3A_618 = arith.constant 80 : index
        %swap3A_619 = tpu.vector_load %arg11[%swap3A_617, %swap3A_618] {strides = array<i32>} : memref<128x128xf32, #tpu.memory_space<vmem>>, vector<1x16xf32>,
        %swap3A_620 = vector.shape_cast %swap3A_619 : vector<1x16xf32> to vector<16xf32>
        %swap3A_621 = vector.shape_cast %mul3A_612 : vector<16xf32> to vector<1x16xf32>
        tpu.vector_store %arg11[%swap3A_617, %swap3A_618], %swap3A_621 {strides = array<i32>} : memref<128x128xf32, #tpu.memory_space<vmem>>, vector<1x16xf32>,
        %mul3A_622 = arith.constant 16 : i32
        %mul3A_623 = arith.muli %scan3A_69, %mul3A_622 : i32
        %add3A_624 = arith.constant 3 : i32
        %add3A_625 = arith.addi %mul3A_623, %add3A_624 : i32
        %get3A_626 = arith.index_cast %add3A_625 : i32 to index
        %get3A_627 = arith.constant 96 : index
        %get3A_628 = tpu.vector_load %arg11[%get3A_626, %get3A_627] {strides = array<i32>} : memref<128x128xf32, #tpu.memory_space<vmem>>, vector<1x16xf32>,
        %get3A_629 = vector.shape_cast %get3A_628 : vector<1x16xf32> to vector<16xf32>
        %mul3A_630 = arith.mulf %get3A_629, %broadcast_in_dim3A_513 : vector<16xf32>
        %mul3A_631 = arith.constant 16 : i32
        %mul3A_632 = arith.muli %scan3A_69, %mul3A_631 : i32
        %add3A_633 = arith.constant 3 : i32
        %add3A_634 = arith.addi %mul3A_632, %add3A_633 : i32
        %swap3A_635 = arith.index_cast %add3A_634 : i32 to index
        %swap3A_636 = arith.constant 96 : index
        %swap3A_637 = tpu.vector_load %arg11[%swap3A_635, %swap3A_636] {strides = array<i32>} : memref<128x128xf32, #tpu.memory_space<vmem>>, vector<1x16xf32>,
        %swap3A_638 = vector.shape_cast %swap3A_637 : vector<1x16xf32> to vector<16xf32>
        %swap3A_639 = vector.shape_cast %mul3A_630 : vector<16xf32> to vector<1x16xf32>
        tpu.vector_store %arg11[%swap3A_635, %swap3A_636], %swap3A_639 {strides = array<i32>} : memref<128x128xf32, #tpu.memory_space<vmem>>, vector<1x16xf32>,
        %mul3A_640 = arith.constant 16 : i32
        %mul3A_641 = arith.muli %scan3A_69, %mul3A_640 : i32
        %add3A_642 = arith.constant 3 : i32
        %add3A_643 = arith.addi %mul3A_641, %add3A_642 : i32
        %get3A_644 = arith.index_cast %add3A_643 : i32 to index
        %get3A_645 = arith.constant 112 : index
        %get3A_646 = tpu.vector_load %arg11[%get3A_644, %get3A_645] {strides = array<i32>} : memref<128x128xf32, #tpu.memory_space<vmem>>, vector<1x16xf32>,
        %get3A_647 = vector.shape_cast %get3A_646 : vector<1x16xf32> to vector<16xf32>
        %mul3A_648 = arith.mulf %get3A_647, %broadcast_in_dim3A_513 : vector<16xf32>
        %mul3A_649 = arith.constant 16 : i32
        %mul3A_650 = arith.muli %scan3A_69, %mul3A_649 : i32
        %add3A_651 = arith.constant 3 : i32
        %add3A_652 = arith.addi %mul3A_650, %add3A_651 : i32
        %swap3A_653 = arith.index_cast %add3A_652 : i32 to index
        %swap3A_654 = arith.constant 112 : index
        %swap3A_655 = tpu.vector_load %arg11[%swap3A_653, %swap3A_654] {strides = array<i32>} : memref<128x128xf32, #tpu.memory_space<vmem>>, vector<1x16xf32>,
        %swap3A_656 = vector.shape_cast %swap3A_655 : vector<1x16xf32> to vector<16xf32>
        %swap3A_657 = vector.shape_cast %mul3A_648 : vector<16xf32> to vector<1x16xf32>
        tpu.vector_store %arg11[%swap3A_653, %swap3A_654], %swap3A_657 {strides = array<i32>} : memref<128x128xf32, #tpu.memory_space<vmem>>, vector<1x16xf32>,
        %slice3A_658 = vector.extract_strided_slice %get3A_73 {offsets = [4], sizes = [1], strides = [1]} : vector<16xf32> to vector<1xf32>
        %squeeze3A_659 = vector.extract %slice3A_658[0] : f32 from vector<1xf32>
        %broadcast_in_dim3A_660 = vector.broadcast %squeeze3A_659 : f32 to vector<16xf32>
        %mul3A_661 = arith.constant 16 : i32
        %mul3A_662 = arith.muli %scan3A_69, %mul3A_661 : i32
        %add3A_663 = arith.constant 4 : i32
        %add3A_664 = arith.addi %mul3A_662, %add3A_663 : i32
        %get3A_665 = arith.index_cast %add3A_664 : i32 to index
        %get3A_666 = arith.constant 0 : index
        %get3A_667 = tpu.vector_load %arg11[%get3A_665, %get3A_666] {strides = array<i32>} : memref<128x128xf32, #tpu.memory_space<vmem>>, vector<1x16xf32>,
        %get3A_668 = vector.shape_cast %get3A_667 : vector<1x16xf32> to vector<16xf32>
        %mul3A_669 = arith.mulf %get3A_668, %broadcast_in_dim3A_660 : vector<16xf32>
        %mul3A_670 = arith.constant 16 : i32
        %mul3A_671 = arith.muli %scan3A_69, %mul3A_670 : i32
        %add3A_672 = arith.constant 4 : i32
        %add3A_673 = arith.addi %mul3A_671, %add3A_672 : i32
        %swap3A_674 = arith.index_cast %add3A_673 : i32 to index
        %swap3A_675 = arith.constant 0 : index
        %swap3A_676 = tpu.vector_load %arg11[%swap3A_674, %swap3A_675] {strides = array<i32>} : memref<128x128xf32, #tpu.memory_space<vmem>>, vector<1x16xf32>,
        %swap3A_677 = vector.shape_cast %swap3A_676 : vector<1x16xf32> to vector<16xf32>
        %swap3A_678 = vector.shape_cast %mul3A_669 : vector<16xf32> to vector<1x16xf32>
        tpu.vector_store %arg11[%swap3A_674, %swap3A_675], %swap3A_678 {strides = array<i32>} : memref<128x128xf32, #tpu.memory_space<vmem>>, vector<1x16xf32>,
        %mul3A_679 = arith.constant 16 : i32
        %mul3A_680 = arith.muli %scan3A_69, %mul3A_679 : i32
        %add3A_681 = arith.constant 4 : i32
        %add3A_682 = arith.addi %mul3A_680, %add3A_681 : i32
        %get3A_683 = arith.index_cast %add3A_682 : i32 to index
        %get3A_684 = arith.constant 16 : index
        %get3A_685 = tpu.vector_load %arg11[%get3A_683, %get3A_684] {strides = array<i32>} : memref<128x128xf32, #tpu.memory_space<vmem>>, vector<1x16xf32>,
        %get3A_686 = vector.shape_cast %get3A_685 : vector<1x16xf32> to vector<16xf32>
        %mul3A_687 = arith.mulf %get3A_686, %broadcast_in_dim3A_660 : vector<16xf32>
        %mul3A_688 = arith.constant 16 : i32
        %mul3A_689 = arith.muli %scan3A_69, %mul3A_688 : i32
        %add3A_690 = arith.constant 4 : i32
        %add3A_691 = arith.addi %mul3A_689, %add3A_690 : i32
        %swap3A_692 = arith.index_cast %add3A_691 : i32 to index
        %swap3A_693 = arith.constant 16 : index
        %swap3A_694 = tpu.vector_load %arg11[%swap3A_692, %swap3A_693] {strides = array<i32>} : memref<128x128xf32, #tpu.memory_space<vmem>>, vector<1x16xf32>,
        %swap3A_695 = vector.shape_cast %swap3A_694 : vector<1x16xf32> to vector<16xf32>
        %swap3A_696 = vector.shape_cast %mul3A_687 : vector<16xf32> to vector<1x16xf32>
        tpu.vector_store %arg11[%swap3A_692, %swap3A_693], %swap3A_696 {strides = array<i32>} : memref<128x128xf32, #tpu.memory_space<vmem>>, vector<1x16xf32>,
        %mul3A_697 = arith.constant 16 : i32
        %mul3A_698 = arith.muli %scan3A_69, %mul3A_697 : i32
        %add3A_699 = arith.constant 4 : i32
        %add3A_700 = arith.addi %mul3A_698, %add3A_699 : i32
        %get3A_701 = arith.index_cast %add3A_700 : i32 to index
        %get3A_702 = arith.constant 32 : index
        %get3A_703 = tpu.vector_load %arg11[%get3A_701, %get3A_702] {strides = array<i32>} : memref<128x128xf32, #tpu.memory_space<vmem>>, vector<1x16xf32>,
        %get3A_704 = vector.shape_cast %get3A_703 : vector<1x16xf32> to vector<16xf32>
        %mul3A_705 = arith.mulf %get3A_704, %broadcast_in_dim3A_660 : vector<16xf32>
        %mul3A_706 = arith.constant 16 : i32
        %mul3A_707 = arith.muli %scan3A_69, %mul3A_706 : i32
        %add3A_708 = arith.constant 4 : i32
        %add3A_709 = arith.addi %mul3A_707, %add3A_708 : i32
        %swap3A_710 = arith.index_cast %add3A_709 : i32 to index
        %swap3A_711 = arith.constant 32 : index
        %swap3A_712 = tpu.vector_load %arg11[%swap3A_710, %swap3A_711] {strides = array<i32>} : memref<128x128xf32, #tpu.memory_space<vmem>>, vector<1x16xf32>,
        %swap3A_713 = vector.shape_cast %swap3A_712 : vector<1x16xf32> to vector<16xf32>
        %swap3A_714 = vector.shape_cast %mul3A_705 : vector<16xf32> to vector<1x16xf32>
        tpu.vector_store %arg11[%swap3A_710, %swap3A_711], %swap3A_714 {strides = array<i32>} : memref<128x128xf32, #tpu.memory_space<vmem>>, vector<1x16xf32>,
        %mul3A_715 = arith.constant 16 : i32
        %mul3A_716 = arith.muli %scan3A_69, %mul3A_715 : i32
        %add3A_717 = arith.constant 4 : i32
        %add3A_718 = arith.addi %mul3A_716, %add3A_717 : i32
        %get3A_719 = arith.index_cast %add3A_718 : i32 to index
        %get3A_720 = arith.constant 48 : index
        %get3A_721 = tpu.vector_load %arg11[%get3A_719, %get3A_720] {strides = array<i32>} : memref<128x128xf32, #tpu.memory_space<vmem>>, vector<1x16xf32>,
        %get3A_722 = vector.shape_cast %get3A_721 : vector<1x16xf32> to vector<16xf32>
        %mul3A_723 = arith.mulf %get3A_722, %broadcast_in_dim3A_660 : vector<16xf32>
        %mul3A_724 = arith.constant 16 : i32
        %mul3A_725 = arith.muli %scan3A_69, %mul3A_724 : i32
        %add3A_726 = arith.constant 4 : i32
        %add3A_727 = arith.addi %mul3A_725, %add3A_726 : i32
        %swap3A_728 = arith.index_cast %add3A_727 : i32 to index
        %swap3A_729 = arith.constant 48 : index
        %swap3A_730 = tpu.vector_load %arg11[%swap3A_728, %swap3A_729] {strides = array<i32>} : memref<128x128xf32, #tpu.memory_space<vmem>>, vector<1x16xf32>,
        %swap3A_731 = vector.shape_cast %swap3A_730 : vector<1x16xf32> to vector<16xf32>
        %swap3A_732 = vector.shape_cast %mul3A_723 : vector<16xf32> to vector<1x16xf32>
        tpu.vector_store %arg11[%swap3A_728, %swap3A_729], %swap3A_732 {strides = array<i32>} : memref<128x128xf32, #tpu.memory_space<vmem>>, vector<1x16xf32>,
        %mul3A_733 = arith.constant 16 : i32
        %mul3A_734 = arith.muli %scan3A_69, %mul3A_733 : i32
        %add3A_735 = arith.constant 4 : i32
        %add3A_736 = arith.addi %mul3A_734, %add3A_735 : i32
        %get3A_737 = arith.index_cast %add3A_736 : i32 to index
        %get3A_738 = arith.constant 64 : index
        %get3A_739 = tpu.vector_load %arg11[%get3A_737, %get3A_738] {strides = array<i32>} : memref<128x128xf32, #tpu.memory_space<vmem>>, vector<1x16xf32>,
        %get3A_740 = vector.shape_cast %get3A_739 : vector<1x16xf32> to vector<16xf32>
        %mul3A_741 = arith.mulf %get3A_740, %broadcast_in_dim3A_660 : vector<16xf32>
        %mul3A_742 = arith.constant 16 : i32
        %mul3A_743 = arith.muli %scan3A_69, %mul3A_742 : i32
        %add3A_744 = arith.constant 4 : i32
        %add3A_745 = arith.addi %mul3A_743, %add3A_744 : i32
        %swap3A_746 = arith.index_cast %add3A_745 : i32 to index
        %swap3A_747 = arith.constant 64 : index
        %swap3A_748 = tpu.vector_load %arg11[%swap3A_746, %swap3A_747] {strides = array<i32>} : memref<128x128xf32, #tpu.memory_space<vmem>>, vector<1x16xf32>,
        %swap3A_749 = vector.shape_cast %swap3A_748 : vector<1x16xf32> to vector<16xf32>
        %swap3A_750 = vector.shape_cast %mul3A_741 : vector<16xf32> to vector<1x16xf32>
        tpu.vector_store %arg11[%swap3A_746, %swap3A_747], %swap3A_750 {strides = array<i32>} : memref<128x128xf32, #tpu.memory_space<vmem>>, vector<1x16xf32>,
        %mul3A_751 = arith.constant 16 : i32
        %mul3A_752 = arith.muli %scan3A_69, %mul3A_751 : i32
        %add3A_753 = arith.constant 4 : i32
        %add3A_754 = arith.addi %mul3A_752, %add3A_753 : i32
        %get3A_755 = arith.index_cast %add3A_754 : i32 to index
        %get3A_756 = arith.constant 80 : index
        %get3A_757 = tpu.vector_load %arg11[%get3A_755, %get3A_756] {strides = array<i32>} : memref<128x128xf32, #tpu.memory_space<vmem>>, vector<1x16xf32>,
        %get3A_758 = vector.shape_cast %get3A_757 : vector<1x16xf32> to vector<16xf32>
        %mul3A_759 = arith.mulf %get3A_758, %broadcast_in_dim3A_660 : vector<16xf32>
        %mul3A_760 = arith.constant 16 : i32
        %mul3A_761 = arith.muli %scan3A_69, %mul3A_760 : i32
        %add3A_762 = arith.constant 4 : i32
        %add3A_763 = arith.addi %mul3A_761, %add3A_762 : i32
        %swap3A_764 = arith.index_cast %add3A_763 : i32 to index
        %swap3A_765 = arith.constant 80 : index
        %swap3A_766 = tpu.vector_load %arg11[%swap3A_764, %swap3A_765] {strides = array<i32>} : memref<128x128xf32, #tpu.memory_space<vmem>>, vector<1x16xf32>,
        %swap3A_767 = vector.shape_cast %swap3A_766 : vector<1x16xf32> to vector<16xf32>
        %swap3A_768 = vector.shape_cast %mul3A_759 : vector<16xf32> to vector<1x16xf32>
        tpu.vector_store %arg11[%swap3A_764, %swap3A_765], %swap3A_768 {strides = array<i32>} : memref<128x128xf32, #tpu.memory_space<vmem>>, vector<1x16xf32>,
        %mul3A_769 = arith.constant 16 : i32
        %mul3A_770 = arith.muli %scan3A_69, %mul3A_769 : i32
        %add3A_771 = arith.constant 4 : i32
        %add3A_772 = arith.addi %mul3A_770, %add3A_771 : i32
        %get3A_773 = arith.index_cast %add3A_772 : i32 to index
        %get3A_774 = arith.constant 96 : index
        %get3A_775 = tpu.vector_load %arg11[%get3A_773, %get3A_774] {strides = array<i32>} : memref<128x128xf32, #tpu.memory_space<vmem>>, vector<1x16xf32>,
        %get3A_776 = vector.shape_cast %get3A_775 : vector<1x16xf32> to vector<16xf32>
        %mul3A_777 = arith.mulf %get3A_776, %broadcast_in_dim3A_660 : vector<16xf32>
        %mul3A_778 = arith.constant 16 : i32
        %mul3A_779 = arith.muli %scan3A_69, %mul3A_778 : i32
        %add3A_780 = arith.constant 4 : i32
        %add3A_781 = arith.addi %mul3A_779, %add3A_780 : i32
        %swap3A_782 = arith.index_cast %add3A_781 : i32 to index
        %swap3A_783 = arith.constant 96 : index
        %swap3A_784 = tpu.vector_load %arg11[%swap3A_782, %swap3A_783] {strides = array<i32>} : memref<128x128xf32, #tpu.memory_space<vmem>>, vector<1x16xf32>,
        %swap3A_785 = vector.shape_cast %swap3A_784 : vector<1x16xf32> to vector<16xf32>
        %swap3A_786 = vector.shape_cast %mul3A_777 : vector<16xf32> to vector<1x16xf32>
        tpu.vector_store %arg11[%swap3A_782, %swap3A_783], %swap3A_786 {strides = array<i32>} : memref<128x128xf32, #tpu.memory_space<vmem>>, vector<1x16xf32>,
        %mul3A_787 = arith.constant 16 : i32
        %mul3A_788 = arith.muli %scan3A_69, %mul3A_787 : i32
        %add3A_789 = arith.constant 4 : i32
        %add3A_790 = arith.addi %mul3A_788, %add3A_789 : i32
        %get3A_791 = arith.index_cast %add3A_790 : i32 to index
        %get3A_792 = arith.constant 112 : index
        %get3A_793 = tpu.vector_load %arg11[%get3A_791, %get3A_792] {strides = array<i32>} : memref<128x128xf32, #tpu.memory_space<vmem>>, vector<1x16xf32>,
        %get3A_794 = vector.shape_cast %get3A_793 : vector<1x16xf32> to vector<16xf32>
        %mul3A_795 = arith.mulf %get3A_794, %broadcast_in_dim3A_660 : vector<16xf32>
        %mul3A_796 = arith.constant 16 : i32
        %mul3A_797 = arith.muli %scan3A_69, %mul3A_796 : i32
        %add3A_798 = arith.constant 4 : i32
        %add3A_799 = arith.addi %mul3A_797, %add3A_798 : i32
        %swap3A_800 = arith.index_cast %add3A_799 : i32 to index
        %swap3A_801 = arith.constant 112 : index
        %swap3A_802 = tpu.vector_load %arg11[%swap3A_800, %swap3A_801] {strides = array<i32>} : memref<128x128xf32, #tpu.memory_space<vmem>>, vector<1x16xf32>,
        %swap3A_803 = vector.shape_cast %swap3A_802 : vector<1x16xf32> to vector<16xf32>
        %swap3A_804 = vector.shape_cast %mul3A_795 : vector<16xf32> to vector<1x16xf32>
        tpu.vector_store %arg11[%swap3A_800, %swap3A_801], %swap3A_804 {strides = array<i32>} : memref<128x128xf32, #tpu.memory_space<vmem>>, vector<1x16xf32>,
        %slice3A_805 = vector.extract_strided_slice %get3A_73 {offsets = [5], sizes = [1], strides = [1]} : vector<16xf32> to vector<1xf32>
        %squeeze3A_806 = vector.extract %slice3A_805[0] : f32 from vector<1xf32>
        %broadcast_in_dim3A_807 = vector.broadcast %squeeze3A_806 : f32 to vector<16xf32>
        %mul3A_808 = arith.constant 16 : i32
        %mul3A_809 = arith.muli %scan3A_69, %mul3A_808 : i32
        %add3A_810 = arith.constant 5 : i32
        %add3A_811 = arith.addi %mul3A_809, %add3A_810 : i32
        %get3A_812 = arith.index_cast %add3A_811 : i32 to index
        %get3A_813 = arith.constant 0 : index
        %get3A_814 = tpu.vector_load %arg11[%get3A_812, %get3A_813] {strides = array<i32>} : memref<128x128xf32, #tpu.memory_space<vmem>>, vector<1x16xf32>,
        %get3A_815 = vector.shape_cast %get3A_814 : vector<1x16xf32> to vector<16xf32>
        %mul3A_816 = arith.mulf %get3A_815, %broadcast_in_dim3A_807 : vector<16xf32>
        %mul3A_817 = arith.constant 16 : i32
        %mul3A_818 = arith.muli %scan3A_69, %mul3A_817 : i32
        %add3A_819 = arith.constant 5 : i32
        %add3A_820 = arith.addi %mul3A_818, %add3A_819 : i32
        %swap3A_821 = arith.index_cast %add3A_820 : i32 to index
        %swap3A_822 = arith.constant 0 : index
        %swap3A_823 = tpu.vector_load %arg11[%swap3A_821, %swap3A_822] {strides = array<i32>} : memref<128x128xf32, #tpu.memory_space<vmem>>, vector<1x16xf32>,
        %swap3A_824 = vector.shape_cast %swap3A_823 : vector<1x16xf32> to vector<16xf32>
        %swap3A_825 = vector.shape_cast %mul3A_816 : vector<16xf32> to vector<1x16xf32>
        tpu.vector_store %arg11[%swap3A_821, %swap3A_822], %swap3A_825 {strides = array<i32>} : memref<128x128xf32, #tpu.memory_space<vmem>>, vector<1x16xf32>,
        %mul3A_826 = arith.constant 16 : i32
        %mul3A_827 = arith.muli %scan3A_69, %mul3A_826 : i32
        %add3A_828 = arith.constant 5 : i32
        %add3A_829 = arith.addi %mul3A_827, %add3A_828 : i32
        %get3A_830 = arith.index_cast %add3A_829 : i32 to index
        %get3A_831 = arith.constant 16 : index
        %get3A_832 = tpu.vector_load %arg11[%get3A_830, %get3A_831] {strides = array<i32>} : memref<128x128xf32, #tpu.memory_space<vmem>>, vector<1x16xf32>,
        %get3A_833 = vector.shape_cast %get3A_832 : vector<1x16xf32> to vector<16xf32>
        %mul3A_834 = arith.mulf %get3A_833, %broadcast_in_dim3A_807 : vector<16xf32>
        %mul3A_835 = arith.constant 16 : i32
        %mul3A_836 = arith.muli %scan3A_69, %mul3A_835 : i32
        %add3A_837 = arith.constant 5 : i32
        %add3A_838 = arith.addi %mul3A_836, %add3A_837 : i32
        %swap3A_839 = arith.index_cast %add3A_838 : i32 to index
        %swap3A_840 = arith.constant 16 : index
        %swap3A_841 = tpu.vector_load %arg11[%swap3A_839, %swap3A_840] {strides = array<i32>} : memref<128x128xf32, #tpu.memory_space<vmem>>, vector<1x16xf32>,
        %swap3A_842 = vector.shape_cast %swap3A_841 : vector<1x16xf32> to vector<16xf32>
        %swap3A_843 = vector.shape_cast %mul3A_834 : vector<16xf32> to vector<1x16xf32>
        tpu.vector_store %arg11[%swap3A_839, %swap3A_840], %swap3A_843 {strides = array<i32>} : memref<128x128xf32, #tpu.memory_space<vmem>>, vector<1x16xf32>,
        %mul3A_844 = arith.constant 16 : i32
        %mul3A_845 = arith.muli %scan3A_69, %mul3A_844 : i32
        %add3A_846 = arith.constant 5 : i32
        %add3A_847 = arith.addi %mul3A_845, %add3A_846 : i32
        %get3A_848 = arith.index_cast %add3A_847 : i32 to index
        %get3A_849 = arith.constant 32 : index
        %get3A_850 = tpu.vector_load %arg11[%get3A_848, %get3A_849] {strides = array<i32>} : memref<128x128xf32, #tpu.memory_space<vmem>>, vector<1x16xf32>,
        %get3A_851 = vector.shape_cast %get3A_850 : vector<1x16xf32> to vector<16xf32>
        %mul3A_852 = arith.mulf %get3A_851, %broadcast_in_dim3A_807 : vector<16xf32>
        %mul3A_853 = arith.constant 16 : i32
        %mul3A_854 = arith.muli %scan3A_69, %mul3A_853 : i32
        %add3A_855 = arith.constant 5 : i32
        %add3A_856 = arith.addi %mul3A_854, %add3A_855 : i32
        %swap3A_857 = arith.index_cast %add3A_856 : i32 to index
        %swap3A_858 = arith.constant 32 : index
        %swap3A_859 = tpu.vector_load %arg11[%swap3A_857, %swap3A_858] {strides = array<i32>} : memref<128x128xf32, #tpu.memory_space<vmem>>, vector<1x16xf32>,
        %swap3A_860 = vector.shape_cast %swap3A_859 : vector<1x16xf32> to vector<16xf32>
        %swap3A_861 = vector.shape_cast %mul3A_852 : vector<16xf32> to vector<1x16xf32>
        tpu.vector_store %arg11[%swap3A_857, %swap3A_858], %swap3A_861 {strides = array<i32>} : memref<128x128xf32, #tpu.memory_space<vmem>>, vector<1x16xf32>,
        %mul3A_862 = arith.constant 16 : i32
        %mul3A_863 = arith.muli %scan3A_69, %mul3A_862 : i32
        %add3A_864 = arith.constant 5 : i32
        %add3A_865 = arith.addi %mul3A_863, %add3A_864 : i32
        %get3A_866 = arith.index_cast %add3A_865 : i32 to index
        %get3A_867 = arith.constant 48 : index
        %get3A_868 = tpu.vector_load %arg11[%get3A_866, %get3A_867] {strides = array<i32>} : memref<128x128xf32, #tpu.memory_space<vmem>>, vector<1x16xf32>,
        %get3A_869 = vector.shape_cast %get3A_868 : vector<1x16xf32> to vector<16xf32>
        %mul3A_870 = arith.mulf %get3A_869, %broadcast_in_dim3A_807 : vector<16xf32>
        %mul3A_871 = arith.constant 16 : i32
        %mul3A_872 = arith.muli %scan3A_69, %mul3A_871 : i32
        %add3A_873 = arith.constant 5 : i32
        %add3A_874 = arith.addi %mul3A_872, %add3A_873 : i32
        %swap3A_875 = arith.index_cast %add3A_874 : i32 to index
        %swap3A_876 = arith.constant 48 : index
        %swap3A_877 = tpu.vector_load %arg11[%swap3A_875, %swap3A_876] {strides = array<i32>} : memref<128x128xf32, #tpu.memory_space<vmem>>, vector<1x16xf32>,
        %swap3A_878 = vector.shape_cast %swap3A_877 : vector<1x16xf32> to vector<16xf32>
        %swap3A_879 = vector.shape_cast %mul3A_870 : vector<16xf32> to vector<1x16xf32>
        tpu.vector_store %arg11[%swap3A_875, %swap3A_876], %swap3A_879 {strides = array<i32>} : memref<128x128xf32, #tpu.memory_space<vmem>>, vector<1x16xf32>,
        %mul3A_880 = arith.constant 16 : i32
        %mul3A_881 = arith.muli %scan3A_69, %mul3A_880 : i32
        %add3A_882 = arith.constant 5 : i32
        %add3A_883 = arith.addi %mul3A_881, %add3A_882 : i32
        %get3A_884 = arith.index_cast %add3A_883 : i32 to index
        %get3A_885 = arith.constant 64 : index
        %get3A_886 = tpu.vector_load %arg11[%get3A_884, %get3A_885] {strides = array<i32>} : memref<128x128xf32, #tpu.memory_space<vmem>>, vector<1x16xf32>,
        %get3A_887 = vector.shape_cast %get3A_886 : vector<1x16xf32> to vector<16xf32>
        %mul3A_888 = arith.mulf %get3A_887, %broadcast_in_dim3A_807 : vector<16xf32>
        %mul3A_889 = arith.constant 16 : i32
        %mul3A_890 = arith.muli %scan3A_69, %mul3A_889 : i32
        %add3A_891 = arith.constant 5 : i32
        %add3A_892 = arith.addi %mul3A_890, %add3A_891 : i32
        %swap3A_893 = arith.index_cast %add3A_892 : i32 to index
        %swap3A_894 = arith.constant 64 : index
        %swap3A_895 = tpu.vector_load %arg11[%swap3A_893, %swap3A_894] {strides = array<i32>} : memref<128x128xf32, #tpu.memory_space<vmem>>, vector<1x16xf32>,
        %swap3A_896 = vector.shape_cast %swap3A_895 : vector<1x16xf32> to vector<16xf32>
        %swap3A_897 = vector.shape_cast %mul3A_888 : vector<16xf32> to vector<1x16xf32>
        tpu.vector_store %arg11[%swap3A_893, %swap3A_894], %swap3A_897 {strides = array<i32>} : memref<128x128xf32, #tpu.memory_space<vmem>>, vector<1x16xf32>,
        %mul3A_898 = arith.constant 16 : i32
        %mul3A_899 = arith.muli %scan3A_69, %mul3A_898 : i32
        %add3A_900 = arith.constant 5 : i32
        %add3A_901 = arith.addi %mul3A_899, %add3A_900 : i32
        %get3A_902 = arith.index_cast %add3A_901 : i32 to index
        %get3A_903 = arith.constant 80 : index
        %get3A_904 = tpu.vector_load %arg11[%get3A_902, %get3A_903] {strides = array<i32>} : memref<128x128xf32, #tpu.memory_space<vmem>>, vector<1x16xf32>,
        %get3A_905 = vector.shape_cast %get3A_904 : vector<1x16xf32> to vector<16xf32>
        %mul3A_906 = arith.mulf %get3A_905, %broadcast_in_dim3A_807 : vector<16xf32>
        %mul3A_907 = arith.constant 16 : i32
        %mul3A_908 = arith.muli %scan3A_69, %mul3A_907 : i32
        %add3A_909 = arith.constant 5 : i32
        %add3A_910 = arith.addi %mul3A_908, %add3A_909 : i32
        %swap3A_911 = arith.index_cast %add3A_910 : i32 to index
        %swap3A_912 = arith.constant 80 : index
        %swap3A_913 = tpu.vector_load %arg11[%swap3A_911, %swap3A_912] {strides = array<i32>} : memref<128x128xf32, #tpu.memory_space<vmem>>, vector<1x16xf32>,
        %swap3A_914 = vector.shape_cast %swap3A_913 : vector<1x16xf32> to vector<16xf32>
        %swap3A_915 = vector.shape_cast %mul3A_906 : vector<16xf32> to vector<1x16xf32>
        tpu.vector_store %arg11[%swap3A_911, %swap3A_912], %swap3A_915 {strides = array<i32>} : memref<128x128xf32, #tpu.memory_space<vmem>>, vector<1x16xf32>,
        %mul3A_916 = arith.constant 16 : i32
        %mul3A_917 = arith.muli %scan3A_69, %mul3A_916 : i32
        %add3A_918 = arith.constant 5 : i32
        %add3A_919 = arith.addi %mul3A_917, %add3A_918 : i32
        %get3A_920 = arith.index_cast %add3A_919 : i32 to index
        %get3A_921 = arith.constant 96 : index
        %get3A_922 = tpu.vector_load %arg11[%get3A_920, %get3A_921] {strides = array<i32>} : memref<128x128xf32, #tpu.memory_space<vmem>>, vector<1x16xf32>,
        %get3A_923 = vector.shape_cast %get3A_922 : vector<1x16xf32> to vector<16xf32>
        %mul3A_924 = arith.mulf %get3A_923, %broadcast_in_dim3A_807 : vector<16xf32>
        %mul3A_925 = arith.constant 16 : i32
        %mul3A_926 = arith.muli %scan3A_69, %mul3A_925 : i32
        %add3A_927 = arith.constant 5 : i32
        %add3A_928 = arith.addi %mul3A_926, %add3A_927 : i32
        %swap3A_929 = arith.index_cast %add3A_928 : i32 to index
        %swap3A_930 = arith.constant 96 : index
        %swap3A_931 = tpu.vector_load %arg11[%swap3A_929, %swap3A_930] {strides = array<i32>} : memref<128x128xf32, #tpu.memory_space<vmem>>, vector<1x16xf32>,
        %swap3A_932 = vector.shape_cast %swap3A_931 : vector<1x16xf32> to vector<16xf32>
        %swap3A_933 = vector.shape_cast %mul3A_924 : vector<16xf32> to vector<1x16xf32>
        tpu.vector_store %arg11[%swap3A_929, %swap3A_930], %swap3A_933 {strides = array<i32>} : memref<128x128xf32, #tpu.memory_space<vmem>>, vector<1x16xf32>,
        %mul3A_934 = arith.constant 16 : i32
        %mul3A_935 = arith.muli %scan3A_69, %mul3A_934 : i32
        %add3A_936 = arith.constant 5 : i32
        %add3A_937 = arith.addi %mul3A_935, %add3A_936 : i32
        %get3A_938 = arith.index_cast %add3A_937 : i32 to index
        %get3A_939 = arith.constant 112 : index
        %get3A_940 = tpu.vector_load %arg11[%get3A_938, %get3A_939] {strides = array<i32>} : memref<128x128xf32, #tpu.memory_space<vmem>>, vector<1x16xf32>,
        %get3A_941 = vector.shape_cast %get3A_940 : vector<1x16xf32> to vector<16xf32>
        %mul3A_942 = arith.mulf %get3A_941, %broadcast_in_dim3A_807 : vector<16xf32>
        %mul3A_943 = arith.constant 16 : i32
        %mul3A_944 = arith.muli %scan3A_69, %mul3A_943 : i32
        %add3A_945 = arith.constant 5 : i32
        %add3A_946 = arith.addi %mul3A_944, %add3A_945 : i32
        %swap3A_947 = arith.index_cast %add3A_946 : i32 to index
        %swap3A_948 = arith.constant 112 : index
        %swap3A_949 = tpu.vector_load %arg11[%swap3A_947, %swap3A_948] {strides = array<i32>} : memref<128x128xf32, #tpu.memory_space<vmem>>, vector<1x16xf32>,
        %swap3A_950 = vector.shape_cast %swap3A_949 : vector<1x16xf32> to vector<16xf32>
        %swap3A_951 = vector.shape_cast %mul3A_942 : vector<16xf32> to vector<1x16xf32>
        tpu.vector_store %arg11[%swap3A_947, %swap3A_948], %swap3A_951 {strides = array<i32>} : memref<128x128xf32, #tpu.memory_space<vmem>>, vector<1x16xf32>,
        %slice3A_952 = vector.extract_strided_slice %get3A_73 {offsets = [6], sizes = [1], strides = [1]} : vector<16xf32> to vector<1xf32>
        %squeeze3A_953 = vector.extract %slice3A_952[0] : f32 from vector<1xf32>
        %broadcast_in_dim3A_954 = vector.broadcast %squeeze3A_953 : f32 to vector<16xf32>
        %mul3A_955 = arith.constant 16 : i32
        %mul3A_956 = arith.muli %scan3A_69, %mul3A_955 : i32
        %add3A_957 = arith.constant 6 : i32
        %add3A_958 = arith.addi %mul3A_956, %add3A_957 : i32
        %get3A_959 = arith.index_cast %add3A_958 : i32 to index
        %get3A_960 = arith.constant 0 : index
        %get3A_961 = tpu.vector_load %arg11[%get3A_959, %get3A_960] {strides = array<i32>} : memref<128x128xf32, #tpu.memory_space<vmem>>, vector<1x16xf32>,
        %get3A_962 = vector.shape_cast %get3A_961 : vector<1x16xf32> to vector<16xf32>
        %mul3A_963 = arith.mulf %get3A_962, %broadcast_in_dim3A_954 : vector<16xf32>
        %mul3A_964 = arith.constant 16 : i32
        %mul3A_965 = arith.muli %scan3A_69, %mul3A_964 : i32
        %add3A_966 = arith.constant 6 : i32
        %add3A_967 = arith.addi %mul3A_965, %add3A_966 : i32
        %swap3A_968 = arith.index_cast %add3A_967 : i32 to index
        %swap3A_969 = arith.constant 0 : index
        %swap3A_970 = tpu.vector_load %arg11[%swap3A_968, %swap3A_969] {strides = array<i32>} : memref<128x128xf32, #tpu.memory_space<vmem>>, vector<1x16xf32>,
        %swap3A_971 = vector.shape_cast %swap3A_970 : vector<1x16xf32> to vector<16xf32>
        %swap3A_972 = vector.shape_cast %mul3A_963 : vector<16xf32> to vector<1x16xf32>
        tpu.vector_store %arg11[%swap3A_968, %swap3A_969], %swap3A_972 {strides = array<i32>} : memref<128x128xf32, #tpu.memory_space<vmem>>, vector<1x16xf32>,
        %mul3A_973 = arith.constant 16 : i32
        %mul3A_974 = arith.muli %scan3A_69, %mul3A_973 : i32
        %add3A_975 = arith.constant 6 : i32
        %add3A_976 = arith.addi %mul3A_974, %add3A_975 : i32
        %get3A_977 = arith.index_cast %add3A_976 : i32 to index
        %get3A_978 = arith.constant 16 : index
        %get3A_979 = tpu.vector_load %arg11[%get3A_977, %get3A_978] {strides = array<i32>} : memref<128x128xf32, #tpu.memory_space<vmem>>, vector<1x16xf32>,
        %get3A_980 = vector.shape_cast %get3A_979 : vector<1x16xf32> to vector<16xf32>
        %mul3A_981 = arith.mulf %get3A_980, %broadcast_in_dim3A_954 : vector<16xf32>
        %mul3A_982 = arith.constant 16 : i32
        %mul3A_983 = arith.muli %scan3A_69, %mul3A_982 : i32
        %add3A_984 = arith.constant 6 : i32
        %add3A_985 = arith.addi %mul3A_983, %add3A_984 : i32
        %swap3A_986 = arith.index_cast %add3A_985 : i32 to index
        %swap3A_987 = arith.constant 16 : index
        %swap3A_988 = tpu.vector_load %arg11[%swap3A_986, %swap3A_987] {strides = array<i32>} : memref<128x128xf32, #tpu.memory_space<vmem>>, vector<1x16xf32>,
        %swap3A_989 = vector.shape_cast %swap3A_988 : vector<1x16xf32> to vector<16xf32>
        %swap3A_990 = vector.shape_cast %mul3A_981 : vector<16xf32> to vector<1x16xf32>
        tpu.vector_store %arg11[%swap3A_986, %swap3A_987], %swap3A_990 {strides = array<i32>} : memref<128x128xf32, #tpu.memory_space<vmem>>, vector<1x16xf32>,
        %mul3A_991 = arith.constant 16 : i32
        %mul3A_992 = arith.muli %scan3A_69, %mul3A_991 : i32
        %add3A_993 = arith.constant 6 : i32
        %add3A_994 = arith.addi %mul3A_992, %add3A_993 : i32
        %get3A_995 = arith.index_cast %add3A_994 : i32 to index
        %get3A_996 = arith.constant 32 : index
        %get3A_997 = tpu.vector_load %arg11[%get3A_995, %get3A_996] {strides = array<i32>} : memref<128x128xf32, #tpu.memory_space<vmem>>, vector<1x16xf32>,
        %get3A_998 = vector.shape_cast %get3A_997 : vector<1x16xf32> to vector<16xf32>
        %mul3A_999 = arith.mulf %get3A_998, %broadcast_in_dim3A_954 : vector<16xf32>
        %mul3A_1000 = arith.constant 16 : i32
        %mul3A_1001 = arith.muli %scan3A_69, %mul3A_1000 : i32
        %add3A_1002 = arith.constant 6 : i32
        %add3A_1003 = arith.addi %mul3A_1001, %add3A_1002 : i32
        %swap3A_1004 = arith.index_cast %add3A_1003 : i32 to index
        %swap3A_1005 = arith.constant 32 : index
        %swap3A_1006 = tpu.vector_load %arg11[%swap3A_1004, %swap3A_1005] {strides = array<i32>} : memref<128x128xf32, #tpu.memory_space<vmem>>, vector<1x16xf32>,
        %swap3A_1007 = vector.shape_cast %swap3A_1006 : vector<1x16xf32> to vector<16xf32>
        %swap3A_1008 = vector.shape_cast %mul3A_999 : vector<16xf32> to vector<1x16xf32>
        tpu.vector_store %arg11[%swap3A_1004, %swap3A_1005], %swap3A_1008 {strides = array<i32>} : memref<128x128xf32, #tpu.memory_space<vmem>>, vector<1x16xf32>,
        %mul3A_1009 = arith.constant 16 : i32
        %mul3A_1010 = arith.muli %scan3A_69, %mul3A_1009 : i32
        %add3A_1011 = arith.constant 6 : i32
        %add3A_1012 = arith.addi %mul3A_1010, %add3A_1011 : i32
        %get3A_1013 = arith.index_cast %add3A_1012 : i32 to index
        %get3A_1014 = arith.constant 48 : index
        %get3A_1015 = tpu.vector_load %arg11[%get3A_1013, %get3A_1014] {strides = array<i32>} : memref<128x128xf32, #tpu.memory_space<vmem>>, vector<1x16xf32>,
        %get3A_1016 = vector.shape_cast %get3A_1015 : vector<1x16xf32> to vector<16xf32>
        %mul3A_1017 = arith.mulf %get3A_1016, %broadcast_in_dim3A_954 : vector<16xf32>
        %mul3A_1018 = arith.constant 16 : i32
        %mul3A_1019 = arith.muli %scan3A_69, %mul3A_1018 : i32
        %add3A_1020 = arith.constant 6 : i32
        %add3A_1021 = arith.addi %mul3A_1019, %add3A_1020 : i32
        %swap3A_1022 = arith.index_cast %add3A_1021 : i32 to index
        %swap3A_1023 = arith.constant 48 : index
        %swap3A_1024 = tpu.vector_load %arg11[%swap3A_1022, %swap3A_1023] {strides = array<i32>} : memref<128x128xf32, #tpu.memory_space<vmem>>, vector<1x16xf32>,
        %swap3A_1025 = vector.shape_cast %swap3A_1024 : vector<1x16xf32> to vector<16xf32>
        %swap3A_1026 = vector.shape_cast %mul3A_1017 : vector<16xf32> to vector<1x16xf32>
        tpu.vector_store %arg11[%swap3A_1022, %swap3A_1023], %swap3A_1026 {strides = array<i32>} : memref<128x128xf32, #tpu.memory_space<vmem>>, vector<1x16xf32>,
        %mul3A_1027 = arith.constant 16 : i32
        %mul3A_1028 = arith.muli %scan3A_69, %mul3A_1027 : i32
        %add3A_1029 = arith.constant 6 : i32
        %add3A_1030 = arith.addi %mul3A_1028, %add3A_1029 : i32
        %get3A_1031 = arith.index_cast %add3A_1030 : i32 to index
        %get3A_1032 = arith.constant 64 : index
        %get3A_1033 = tpu.vector_load %arg11[%get3A_1031, %get3A_1032] {strides = array<i32>} : memref<128x128xf32, #tpu.memory_space<vmem>>, vector<1x16xf32>,
        %get3A_1034 = vector.shape_cast %get3A_1033 : vector<1x16xf32> to vector<16xf32>
        %mul3A_1035 = arith.mulf %get3A_1034, %broadcast_in_dim3A_954 : vector<16xf32>
        %mul3A_1036 = arith.constant 16 : i32
        %mul3A_1037 = arith.muli %scan3A_69, %mul3A_1036 : i32
        %add3A_1038 = arith.constant 6 : i32
        %add3A_1039 = arith.addi %mul3A_1037, %add3A_1038 : i32
        %swap3A_1040 = arith.index_cast %add3A_1039 : i32 to index
        %swap3A_1041 = arith.constant 64 : index
        %swap3A_1042 = tpu.vector_load %arg11[%swap3A_1040, %swap3A_1041] {strides = array<i32>} : memref<128x128xf32, #tpu.memory_space<vmem>>, vector<1x16xf32>,
        %swap3A_1043 = vector.shape_cast %swap3A_1042 : vector<1x16xf32> to vector<16xf32>
        %swap3A_1044 = vector.shape_cast %mul3A_1035 : vector<16xf32> to vector<1x16xf32>
        tpu.vector_store %arg11[%swap3A_1040, %swap3A_1041], %swap3A_1044 {strides = array<i32>} : memref<128x128xf32, #tpu.memory_space<vmem>>, vector<1x16xf32>,
        %mul3A_1045 = arith.constant 16 : i32
        %mul3A_1046 = arith.muli %scan3A_69, %mul3A_1045 : i32
        %add3A_1047 = arith.constant 6 : i32
        %add3A_1048 = arith.addi %mul3A_1046, %add3A_1047 : i32
        %get3A_1049 = arith.index_cast %add3A_1048 : i32 to index
        %get3A_1050 = arith.constant 80 : index
        %get3A_1051 = tpu.vector_load %arg11[%get3A_1049, %get3A_1050] {strides = array<i32>} : memref<128x128xf32, #tpu.memory_space<vmem>>, vector<1x16xf32>,
        %get3A_1052 = vector.shape_cast %get3A_1051 : vector<1x16xf32> to vector<16xf32>
        %mul3A_1053 = arith.mulf %get3A_1052, %broadcast_in_dim3A_954 : vector<16xf32>
        %mul3A_1054 = arith.constant 16 : i32
        %mul3A_1055 = arith.muli %scan3A_69, %mul3A_1054 : i32
        %add3A_1056 = arith.constant 6 : i32
        %add3A_1057 = arith.addi %mul3A_1055, %add3A_1056 : i32
        %swap3A_1058 = arith.index_cast %add3A_1057 : i32 to index
        %swap3A_1059 = arith.constant 80 : index
        %swap3A_1060 = tpu.vector_load %arg11[%swap3A_1058, %swap3A_1059] {strides = array<i32>} : memref<128x128xf32, #tpu.memory_space<vmem>>, vector<1x16xf32>,
        %swap3A_1061 = vector.shape_cast %swap3A_1060 : vector<1x16xf32> to vector<16xf32>
        %swap3A_1062 = vector.shape_cast %mul3A_1053 : vector<16xf32> to vector<1x16xf32>
        tpu.vector_store %arg11[%swap3A_1058, %swap3A_1059], %swap3A_1062 {strides = array<i32>} : memref<128x128xf32, #tpu.memory_space<vmem>>, vector<1x16xf32>,
        %mul3A_1063 = arith.constant 16 : i32
        %mul3A_1064 = arith.muli %scan3A_69, %mul3A_1063 : i32
        %add3A_1065 = arith.constant 6 : i32
        %add3A_1066 = arith.addi %mul3A_1064, %add3A_1065 : i32
        %get3A_1067 = arith.index_cast %add3A_1066 : i32 to index
        %get3A_1068 = arith.constant 96 : index
        %get3A_1069 = tpu.vector_load %arg11[%get3A_1067, %get3A_1068] {strides = array<i32>} : memref<128x128xf32, #tpu.memory_space<vmem>>, vector<1x16xf32>,
        %get3A_1070 = vector.shape_cast %get3A_1069 : vector<1x16xf32> to vector<16xf32>
        %mul3A_1071 = arith.mulf %get3A_1070, %broadcast_in_dim3A_954 : vector<16xf32>
        %mul3A_1072 = arith.constant 16 : i32
        %mul3A_1073 = arith.muli %scan3A_69, %mul3A_1072 : i32
        %add3A_1074 = arith.constant 6 : i32
        %add3A_1075 = arith.addi %mul3A_1073, %add3A_1074 : i32
        %swap3A_1076 = arith.index_cast %add3A_1075 : i32 to index
        %swap3A_1077 = arith.constant 96 : index
        %swap3A_1078 = tpu.vector_load %arg11[%swap3A_1076, %swap3A_1077] {strides = array<i32>} : memref<128x128xf32, #tpu.memory_space<vmem>>, vector<1x16xf32>,
        %swap3A_1079 = vector.shape_cast %swap3A_1078 : vector<1x16xf32> to vector<16xf32>
        %swap3A_1080 = vector.shape_cast %mul3A_1071 : vector<16xf32> to vector<1x16xf32>
        tpu.vector_store %arg11[%swap3A_1076, %swap3A_1077], %swap3A_1080 {strides = array<i32>} : memref<128x128xf32, #tpu.memory_space<vmem>>, vector<1x16xf32>,
        %mul3A_1081 = arith.constant 16 : i32
        %mul3A_1082 = arith.muli %scan3A_69, %mul3A_1081 : i32
        %add3A_1083 = arith.constant 6 : i32
        %add3A_1084 = arith.addi %mul3A_1082, %add3A_1083 : i32
        %get3A_1085 = arith.index_cast %add3A_1084 : i32 to index
        %get3A_1086 = arith.constant 112 : index
        %get3A_1087 = tpu.vector_load %arg11[%get3A_1085, %get3A_1086] {strides = array<i32>} : memref<128x128xf32, #tpu.memory_space<vmem>>, vector<1x16xf32>,
        %get3A_1088 = vector.shape_cast %get3A_1087 : vector<1x16xf32> to vector<16xf32>
        %mul3A_1089 = arith.mulf %get3A_1088, %broadcast_in_dim3A_954 : vector<16xf32>
        %mul3A_1090 = arith.constant 16 : i32
        %mul3A_1091 = arith.muli %scan3A_69, %mul3A_1090 : i32
        %add3A_1092 = arith.constant 6 : i32
        %add3A_1093 = arith.addi %mul3A_1091, %add3A_1092 : i32
        %swap3A_1094 = arith.index_cast %add3A_1093 : i32 to index
        %swap3A_1095 = arith.constant 112 : index
        %swap3A_1096 = tpu.vector_load %arg11[%swap3A_1094, %swap3A_1095] {strides = array<i32>} : memref<128x128xf32, #tpu.memory_space<vmem>>, vector<1x16xf32>,
        %swap3A_1097 = vector.shape_cast %swap3A_1096 : vector<1x16xf32> to vector<16xf32>
        %swap3A_1098 = vector.shape_cast %mul3A_1089 : vector<16xf32> to vector<1x16xf32>
        tpu.vector_store %arg11[%swap3A_1094, %swap3A_1095], %swap3A_1098 {strides = array<i32>} : memref<128x128xf32, #tpu.memory_space<vmem>>, vector<1x16xf32>,
        %slice3A_1099 = vector.extract_strided_slice %get3A_73 {offsets = [7], sizes = [1], strides = [1]} : vector<16xf32> to vector<1xf32>
        %squeeze3A_1100 = vector.extract %slice3A_1099[0] : f32 from vector<1xf32>
        %broadcast_in_dim3A_1101 = vector.broadcast %squeeze3A_1100 : f32 to vector<16xf32>
        %mul3A_1102 = arith.constant 16 : i32
        %mul3A_1103 = arith.muli %scan3A_69, %mul3A_1102 : i32
        %add3A_1104 = arith.constant 7 : i32
        %add3A_1105 = arith.addi %mul3A_1103, %add3A_1104 : i32
        %get3A_1106 = arith.index_cast %add3A_1105 : i32 to index
        %get3A_1107 = arith.constant 0 : index
        %get3A_1108 = tpu.vector_load %arg11[%get3A_1106, %get3A_1107] {strides = array<i32>} : memref<128x128xf32, #tpu.memory_space<vmem>>, vector<1x16xf32>,
        %get3A_1109 = vector.shape_cast %get3A_1108 : vector<1x16xf32> to vector<16xf32>
        %mul3A_1110 = arith.mulf %get3A_1109, %broadcast_in_dim3A_1101 : vector<16xf32>
        %mul3A_1111 = arith.constant 16 : i32
        %mul3A_1112 = arith.muli %scan3A_69, %mul3A_1111 : i32
        %add3A_1113 = arith.constant 7 : i32
        %add3A_1114 = arith.addi %mul3A_1112, %add3A_1113 : i32
        %swap3A_1115 = arith.index_cast %add3A_1114 : i32 to index
        %swap3A_1116 = arith.constant 0 : index
        %swap3A_1117 = tpu.vector_load %arg11[%swap3A_1115, %swap3A_1116] {strides = array<i32>} : memref<128x128xf32, #tpu.memory_space<vmem>>, vector<1x16xf32>,
        %swap3A_1118 = vector.shape_cast %swap3A_1117 : vector<1x16xf32> to vector<16xf32>
        %swap3A_1119 = vector.shape_cast %mul3A_1110 : vector<16xf32> to vector<1x16xf32>
        tpu.vector_store %arg11[%swap3A_1115, %swap3A_1116], %swap3A_1119 {strides = array<i32>} : memref<128x128xf32, #tpu.memory_space<vmem>>, vector<1x16xf32>,
        %mul3A_1120 = arith.constant 16 : i32
        %mul3A_1121 = arith.muli %scan3A_69, %mul3A_1120 : i32
        %add3A_1122 = arith.constant 7 : i32
        %add3A_1123 = arith.addi %mul3A_1121, %add3A_1122 : i32
        %get3A_1124 = arith.index_cast %add3A_1123 : i32 to index
        %get3A_1125 = arith.constant 16 : index
        %get3A_1126 = tpu.vector_load %arg11[%get3A_1124, %get3A_1125] {strides = array<i32>} : memref<128x128xf32, #tpu.memory_space<vmem>>, vector<1x16xf32>,
        %get3A_1127 = vector.shape_cast %get3A_1126 : vector<1x16xf32> to vector<16xf32>
        %mul3A_1128 = arith.mulf %get3A_1127, %broadcast_in_dim3A_1101 : vector<16xf32>
        %mul3A_1129 = arith.constant 16 : i32
        %mul3A_1130 = arith.muli %scan3A_69, %mul3A_1129 : i32
        %add3A_1131 = arith.constant 7 : i32
        %add3A_1132 = arith.addi %mul3A_1130, %add3A_1131 : i32
        %swap3A_1133 = arith.index_cast %add3A_1132 : i32 to index
        %swap3A_1134 = arith.constant 16 : index
        %swap3A_1135 = tpu.vector_load %arg11[%swap3A_1133, %swap3A_1134] {strides = array<i32>} : memref<128x128xf32, #tpu.memory_space<vmem>>, vector<1x16xf32>,
        %swap3A_1136 = vector.shape_cast %swap3A_1135 : vector<1x16xf32> to vector<16xf32>
        %swap3A_1137 = vector.shape_cast %mul3A_1128 : vector<16xf32> to vector<1x16xf32>
        tpu.vector_store %arg11[%swap3A_1133, %swap3A_1134], %swap3A_1137 {strides = array<i32>} : memref<128x128xf32, #tpu.memory_space<vmem>>, vector<1x16xf32>,
        %mul3A_1138 = arith.constant 16 : i32
        %mul3A_1139 = arith.muli %scan3A_69, %mul3A_1138 : i32
        %add3A_1140 = arith.constant 7 : i32
        %add3A_1141 = arith.addi %mul3A_1139, %add3A_1140 : i32
        %get3A_1142 = arith.index_cast %add3A_1141 : i32 to index
        %get3A_1143 = arith.constant 32 : index
        %get3A_1144 = tpu.vector_load %arg11[%get3A_1142, %get3A_1143] {strides = array<i32>} : memref<128x128xf32, #tpu.memory_space<vmem>>, vector<1x16xf32>,
        %get3A_1145 = vector.shape_cast %get3A_1144 : vector<1x16xf32> to vector<16xf32>
        %mul3A_1146 = arith.mulf %get3A_1145, %broadcast_in_dim3A_1101 : vector<16xf32>
        %mul3A_1147 = arith.constant 16 : i32
        %mul3A_1148 = arith.muli %scan3A_69, %mul3A_1147 : i32
        %add3A_1149 = arith.constant 7 : i32
        %add3A_1150 = arith.addi %mul3A_1148, %add3A_1149 : i32
        %swap3A_1151 = arith.index_cast %add3A_1150 : i32 to index
        %swap3A_1152 = arith.constant 32 : index
        %swap3A_1153 = tpu.vector_load %arg11[%swap3A_1151, %swap3A_1152] {strides = array<i32>} : memref<128x128xf32, #tpu.memory_space<vmem>>, vector<1x16xf32>,
        %swap3A_1154 = vector.shape_cast %swap3A_1153 : vector<1x16xf32> to vector<16xf32>
        %swap3A_1155 = vector.shape_cast %mul3A_1146 : vector<16xf32> to vector<1x16xf32>
        tpu.vector_store %arg11[%swap3A_1151, %swap3A_1152], %swap3A_1155 {strides = array<i32>} : memref<128x128xf32, #tpu.memory_space<vmem>>, vector<1x16xf32>,
        %mul3A_1156 = arith.constant 16 : i32
        %mul3A_1157 = arith.muli %scan3A_69, %mul3A_1156 : i32
        %add3A_1158 = arith.constant 7 : i32
        %add3A_1159 = arith.addi %mul3A_1157, %add3A_1158 : i32
        %get3A_1160 = arith.index_cast %add3A_1159 : i32 to index
        %get3A_1161 = arith.constant 48 : index
        %get3A_1162 = tpu.vector_load %arg11[%get3A_1160, %get3A_1161] {strides = array<i32>} : memref<128x128xf32, #tpu.memory_space<vmem>>, vector<1x16xf32>,
        %get3A_1163 = vector.shape_cast %get3A_1162 : vector<1x16xf32> to vector<16xf32>
        %mul3A_1164 = arith.mulf %get3A_1163, %broadcast_in_dim3A_1101 : vector<16xf32>
        %mul3A_1165 = arith.constant 16 : i32
        %mul3A_1166 = arith.muli %scan3A_69, %mul3A_1165 : i32
        %add3A_1167 = arith.constant 7 : i32
        %add3A_1168 = arith.addi %mul3A_1166, %add3A_1167 : i32
        %swap3A_1169 = arith.index_cast %add3A_1168 : i32 to index
        %swap3A_1170 = arith.constant 48 : index
        %swap3A_1171 = tpu.vector_load %arg11[%swap3A_1169, %swap3A_1170] {strides = array<i32>} : memref<128x128xf32, #tpu.memory_space<vmem>>, vector<1x16xf32>,
        %swap3A_1172 = vector.shape_cast %swap3A_1171 : vector<1x16xf32> to vector<16xf32>
        %swap3A_1173 = vector.shape_cast %mul3A_1164 : vector<16xf32> to vector<1x16xf32>
        tpu.vector_store %arg11[%swap3A_1169, %swap3A_1170], %swap3A_1173 {strides = array<i32>} : memref<128x128xf32, #tpu.memory_space<vmem>>, vector<1x16xf32>,
        %mul3A_1174 = arith.constant 16 : i32
        %mul3A_1175 = arith.muli %scan3A_69, %mul3A_1174 : i32
        %add3A_1176 = arith.constant 7 : i32
        %add3A_1177 = arith.addi %mul3A_1175, %add3A_1176 : i32
        %get3A_1178 = arith.index_cast %add3A_1177 : i32 to index
        %get3A_1179 = arith.constant 64 : index
        %get3A_1180 = tpu.vector_load %arg11[%get3A_1178, %get3A_1179] {strides = array<i32>} : memref<128x128xf32, #tpu.memory_space<vmem>>, vector<1x16xf32>,
        %get3A_1181 = vector.shape_cast %get3A_1180 : vector<1x16xf32> to vector<16xf32>
        %mul3A_1182 = arith.mulf %get3A_1181, %broadcast_in_dim3A_1101 : vector<16xf32>
        %mul3A_1183 = arith.constant 16 : i32
        %mul3A_1184 = arith.muli %scan3A_69, %mul3A_1183 : i32
        %add3A_1185 = arith.constant 7 : i32
        %add3A_1186 = arith.addi %mul3A_1184, %add3A_1185 : i32
        %swap3A_1187 = arith.index_cast %add3A_1186 : i32 to index
        %swap3A_1188 = arith.constant 64 : index
        %swap3A_1189 = tpu.vector_load %arg11[%swap3A_1187, %swap3A_1188] {strides = array<i32>} : memref<128x128xf32, #tpu.memory_space<vmem>>, vector<1x16xf32>,
        %swap3A_1190 = vector.shape_cast %swap3A_1189 : vector<1x16xf32> to vector<16xf32>
        %swap3A_1191 = vector.shape_cast %mul3A_1182 : vector<16xf32> to vector<1x16xf32>
        tpu.vector_store %arg11[%swap3A_1187, %swap3A_1188], %swap3A_1191 {strides = array<i32>} : memref<128x128xf32, #tpu.memory_space<vmem>>, vector<1x16xf32>,
        %mul3A_1192 = arith.constant 16 : i32
        %mul3A_1193 = arith.muli %scan3A_69, %mul3A_1192 : i32
        %add3A_1194 = arith.constant 7 : i32
        %add3A_1195 = arith.addi %mul3A_1193, %add3A_1194 : i32
        %get3A_1196 = arith.index_cast %add3A_1195 : i32 to index
        %get3A_1197 = arith.constant 80 : index
        %get3A_1198 = tpu.vector_load %arg11[%get3A_1196, %get3A_1197] {strides = array<i32>} : memref<128x128xf32, #tpu.memory_space<vmem>>, vector<1x16xf32>,
        %get3A_1199 = vector.shape_cast %get3A_1198 : vector<1x16xf32> to vector<16xf32>
        %mul3A_1200 = arith.mulf %get3A_1199, %broadcast_in_dim3A_1101 : vector<16xf32>
        %mul3A_1201 = arith.constant 16 : i32
        %mul3A_1202 = arith.muli %scan3A_69, %mul3A_1201 : i32
        %add3A_1203 = arith.constant 7 : i32
        %add3A_1204 = arith.addi %mul3A_1202, %add3A_1203 : i32
        %swap3A_1205 = arith.index_cast %add3A_1204 : i32 to index
        %swap3A_1206 = arith.constant 80 : index
        %swap3A_1207 = tpu.vector_load %arg11[%swap3A_1205, %swap3A_1206] {strides = array<i32>} : memref<128x128xf32, #tpu.memory_space<vmem>>, vector<1x16xf32>,
        %swap3A_1208 = vector.shape_cast %swap3A_1207 : vector<1x16xf32> to vector<16xf32>
        %swap3A_1209 = vector.shape_cast %mul3A_1200 : vector<16xf32> to vector<1x16xf32>
        tpu.vector_store %arg11[%swap3A_1205, %swap3A_1206], %swap3A_1209 {strides = array<i32>} : memref<128x128xf32, #tpu.memory_space<vmem>>, vector<1x16xf32>,
        %mul3A_1210 = arith.constant 16 : i32
        %mul3A_1211 = arith.muli %scan3A_69, %mul3A_1210 : i32
        %add3A_1212 = arith.constant 7 : i32
        %add3A_1213 = arith.addi %mul3A_1211, %add3A_1212 : i32
        %get3A_1214 = arith.index_cast %add3A_1213 : i32 to index
        %get3A_1215 = arith.constant 96 : index
        %get3A_1216 = tpu.vector_load %arg11[%get3A_1214, %get3A_1215] {strides = array<i32>} : memref<128x128xf32, #tpu.memory_space<vmem>>, vector<1x16xf32>,
        %get3A_1217 = vector.shape_cast %get3A_1216 : vector<1x16xf32> to vector<16xf32>
        %mul3A_1218 = arith.mulf %get3A_1217, %broadcast_in_dim3A_1101 : vector<16xf32>
        %mul3A_1219 = arith.constant 16 : i32
        %mul3A_1220 = arith.muli %scan3A_69, %mul3A_1219 : i32
        %add3A_1221 = arith.constant 7 : i32
        %add3A_1222 = arith.addi %mul3A_1220, %add3A_1221 : i32
        %swap3A_1223 = arith.index_cast %add3A_1222 : i32 to index
        %swap3A_1224 = arith.constant 96 : index
        %swap3A_1225 = tpu.vector_load %arg11[%swap3A_1223, %swap3A_1224] {strides = array<i32>} : memref<128x128xf32, #tpu.memory_space<vmem>>, vector<1x16xf32>,
        %swap3A_1226 = vector.shape_cast %swap3A_1225 : vector<1x16xf32> to vector<16xf32>
        %swap3A_1227 = vector.shape_cast %mul3A_1218 : vector<16xf32> to vector<1x16xf32>
        tpu.vector_store %arg11[%swap3A_1223, %swap3A_1224], %swap3A_1227 {strides = array<i32>} : memref<128x128xf32, #tpu.memory_space<vmem>>, vector<1x16xf32>,
        %mul3A_1228 = arith.constant 16 : i32
        %mul3A_1229 = arith.muli %scan3A_69, %mul3A_1228 : i32
        %add3A_1230 = arith.constant 7 : i32
        %add3A_1231 = arith.addi %mul3A_1229, %add3A_1230 : i32
        %get3A_1232 = arith.index_cast %add3A_1231 : i32 to index
        %get3A_1233 = arith.constant 112 : index
        %get3A_1234 = tpu.vector_load %arg11[%get3A_1232, %get3A_1233] {strides = array<i32>} : memref<128x128xf32, #tpu.memory_space<vmem>>, vector<1x16xf32>,
        %get3A_1235 = vector.shape_cast %get3A_1234 : vector<1x16xf32> to vector<16xf32>
        %mul3A_1236 = arith.mulf %get3A_1235, %broadcast_in_dim3A_1101 : vector<16xf32>
        %mul3A_1237 = arith.constant 16 : i32
        %mul3A_1238 = arith.muli %scan3A_69, %mul3A_1237 : i32
        %add3A_1239 = arith.constant 7 : i32
        %add3A_1240 = arith.addi %mul3A_1238, %add3A_1239 : i32
        %swap3A_1241 = arith.index_cast %add3A_1240 : i32 to index
        %swap3A_1242 = arith.constant 112 : index
        %swap3A_1243 = tpu.vector_load %arg11[%swap3A_1241, %swap3A_1242] {strides = array<i32>} : memref<128x128xf32, #tpu.memory_space<vmem>>, vector<1x16xf32>,
        %swap3A_1244 = vector.shape_cast %swap3A_1243 : vector<1x16xf32> to vector<16xf32>
        %swap3A_1245 = vector.shape_cast %mul3A_1236 : vector<16xf32> to vector<1x16xf32>
        tpu.vector_store %arg11[%swap3A_1241, %swap3A_1242], %swap3A_1245 {strides = array<i32>} : memref<128x128xf32, #tpu.memory_space<vmem>>, vector<1x16xf32>,
        %slice3A_1246 = vector.extract_strided_slice %get3A_73 {offsets = [8], sizes = [1], strides = [1]} : vector<16xf32> to vector<1xf32>
        %squeeze3A_1247 = vector.extract %slice3A_1246[0] : f32 from vector<1xf32>
        %broadcast_in_dim3A_1248 = vector.broadcast %squeeze3A_1247 : f32 to vector<16xf32>
        %mul3A_1249 = arith.constant 16 : i32
        %mul3A_1250 = arith.muli %scan3A_69, %mul3A_1249 : i32
        %add3A_1251 = arith.constant 8 : i32
        %add3A_1252 = arith.addi %mul3A_1250, %add3A_1251 : i32
        %get3A_1253 = arith.index_cast %add3A_1252 : i32 to index
        %get3A_1254 = arith.constant 0 : index
        %get3A_1255 = tpu.vector_load %arg11[%get3A_1253, %get3A_1254] {strides = array<i32>} : memref<128x128xf32, #tpu.memory_space<vmem>>, vector<1x16xf32>,
        %get3A_1256 = vector.shape_cast %get3A_1255 : vector<1x16xf32> to vector<16xf32>
        %mul3A_1257 = arith.mulf %get3A_1256, %broadcast_in_dim3A_1248 : vector<16xf32>
        %mul3A_1258 = arith.constant 16 : i32
        %mul3A_1259 = arith.muli %scan3A_69, %mul3A_1258 : i32
        %add3A_1260 = arith.constant 8 : i32
        %add3A_1261 = arith.addi %mul3A_1259, %add3A_1260 : i32
        %swap3A_1262 = arith.index_cast %add3A_1261 : i32 to index
        %swap3A_1263 = arith.constant 0 : index
        %swap3A_1264 = tpu.vector_load %arg11[%swap3A_1262, %swap3A_1263] {strides = array<i32>} : memref<128x128xf32, #tpu.memory_space<vmem>>, vector<1x16xf32>,
        %swap3A_1265 = vector.shape_cast %swap3A_1264 : vector<1x16xf32> to vector<16xf32>
        %swap3A_1266 = vector.shape_cast %mul3A_1257 : vector<16xf32> to vector<1x16xf32>
        tpu.vector_store %arg11[%swap3A_1262, %swap3A_1263], %swap3A_1266 {strides = array<i32>} : memref<128x128xf32, #tpu.memory_space<vmem>>, vector<1x16xf32>,
        %mul3A_1267 = arith.constant 16 : i32
        %mul3A_1268 = arith.muli %scan3A_69, %mul3A_1267 : i32
        %add3A_1269 = arith.constant 8 : i32
        %add3A_1270 = arith.addi %mul3A_1268, %add3A_1269 : i32
        %get3A_1271 = arith.index_cast %add3A_1270 : i32 to index
        %get3A_1272 = arith.constant 16 : index
        %get3A_1273 = tpu.vector_load %arg11[%get3A_1271, %get3A_1272] {strides = array<i32>} : memref<128x128xf32, #tpu.memory_space<vmem>>, vector<1x16xf32>,
        %get3A_1274 = vector.shape_cast %get3A_1273 : vector<1x16xf32> to vector<16xf32>
        %mul3A_1275 = arith.mulf %get3A_1274, %broadcast_in_dim3A_1248 : vector<16xf32>
        %mul3A_1276 = arith.constant 16 : i32
        %mul3A_1277 = arith.muli %scan3A_69, %mul3A_1276 : i32
        %add3A_1278 = arith.constant 8 : i32
        %add3A_1279 = arith.addi %mul3A_1277, %add3A_1278 : i32
        %swap3A_1280 = arith.index_cast %add3A_1279 : i32 to index
        %swap3A_1281 = arith.constant 16 : index
        %swap3A_1282 = tpu.vector_load %arg11[%swap3A_1280, %swap3A_1281] {strides = array<i32>} : memref<128x128xf32, #tpu.memory_space<vmem>>, vector<1x16xf32>,
        %swap3A_1283 = vector.shape_cast %swap3A_1282 : vector<1x16xf32> to vector<16xf32>
        %swap3A_1284 = vector.shape_cast %mul3A_1275 : vector<16xf32> to vector<1x16xf32>
        tpu.vector_store %arg11[%swap3A_1280, %swap3A_1281], %swap3A_1284 {strides = array<i32>} : memref<128x128xf32, #tpu.memory_space<vmem>>, vector<1x16xf32>,
        %mul3A_1285 = arith.constant 16 : i32
        %mul3A_1286 = arith.muli %scan3A_69, %mul3A_1285 : i32
        %add3A_1287 = arith.constant 8 : i32
        %add3A_1288 = arith.addi %mul3A_1286, %add3A_1287 : i32
        %get3A_1289 = arith.index_cast %add3A_1288 : i32 to index
        %get3A_1290 = arith.constant 32 : index
        %get3A_1291 = tpu.vector_load %arg11[%get3A_1289, %get3A_1290] {strides = array<i32>} : memref<128x128xf32, #tpu.memory_space<vmem>>, vector<1x16xf32>,
        %get3A_1292 = vector.shape_cast %get3A_1291 : vector<1x16xf32> to vector<16xf32>
        %mul3A_1293 = arith.mulf %get3A_1292, %broadcast_in_dim3A_1248 : vector<16xf32>
        %mul3A_1294 = arith.constant 16 : i32
        %mul3A_1295 = arith.muli %scan3A_69, %mul3A_1294 : i32
        %add3A_1296 = arith.constant 8 : i32
        %add3A_1297 = arith.addi %mul3A_1295, %add3A_1296 : i32
        %swap3A_1298 = arith.index_cast %add3A_1297 : i32 to index
        %swap3A_1299 = arith.constant 32 : index
        %swap3A_1300 = tpu.vector_load %arg11[%swap3A_1298, %swap3A_1299] {strides = array<i32>} : memref<128x128xf32, #tpu.memory_space<vmem>>, vector<1x16xf32>,
        %swap3A_1301 = vector.shape_cast %swap3A_1300 : vector<1x16xf32> to vector<16xf32>
        %swap3A_1302 = vector.shape_cast %mul3A_1293 : vector<16xf32> to vector<1x16xf32>
        tpu.vector_store %arg11[%swap3A_1298, %swap3A_1299], %swap3A_1302 {strides = array<i32>} : memref<128x128xf32, #tpu.memory_space<vmem>>, vector<1x16xf32>,
        %mul3A_1303 = arith.constant 16 : i32
        %mul3A_1304 = arith.muli %scan3A_69, %mul3A_1303 : i32
        %add3A_1305 = arith.constant 8 : i32
        %add3A_1306 = arith.addi %mul3A_1304, %add3A_1305 : i32
        %get3A_1307 = arith.index_cast %add3A_1306 : i32 to index
        %get3A_1308 = arith.constant 48 : index
        %get3A_1309 = tpu.vector_load %arg11[%get3A_1307, %get3A_1308] {strides = array<i32>} : memref<128x128xf32, #tpu.memory_space<vmem>>, vector<1x16xf32>,
        %get3A_1310 = vector.shape_cast %get3A_1309 : vector<1x16xf32> to vector<16xf32>
        %mul3A_1311 = arith.mulf %get3A_1310, %broadcast_in_dim3A_1248 : vector<16xf32>
        %mul3A_1312 = arith.constant 16 : i32
        %mul3A_1313 = arith.muli %scan3A_69, %mul3A_1312 : i32
        %add3A_1314 = arith.constant 8 : i32
        %add3A_1315 = arith.addi %mul3A_1313, %add3A_1314 : i32
        %swap3A_1316 = arith.index_cast %add3A_1315 : i32 to index
        %swap3A_1317 = arith.constant 48 : index
        %swap3A_1318 = tpu.vector_load %arg11[%swap3A_1316, %swap3A_1317] {strides = array<i32>} : memref<128x128xf32, #tpu.memory_space<vmem>>, vector<1x16xf32>,
        %swap3A_1319 = vector.shape_cast %swap3A_1318 : vector<1x16xf32> to vector<16xf32>
        %swap3A_1320 = vector.shape_cast %mul3A_1311 : vector<16xf32> to vector<1x16xf32>
        tpu.vector_store %arg11[%swap3A_1316, %swap3A_1317], %swap3A_1320 {strides = array<i32>} : memref<128x128xf32, #tpu.memory_space<vmem>>, vector<1x16xf32>,
        %mul3A_1321 = arith.constant 16 : i32
        %mul3A_1322 = arith.muli %scan3A_69, %mul3A_1321 : i32
        %add3A_1323 = arith.constant 8 : i32
        %add3A_1324 = arith.addi %mul3A_1322, %add3A_1323 : i32
        %get3A_1325 = arith.index_cast %add3A_1324 : i32 to index
        %get3A_1326 = arith.constant 64 : index
        %get3A_1327 = tpu.vector_load %arg11[%get3A_1325, %get3A_1326] {strides = array<i32>} : memref<128x128xf32, #tpu.memory_space<vmem>>, vector<1x16xf32>,
        %get3A_1328 = vector.shape_cast %get3A_1327 : vector<1x16xf32> to vector<16xf32>
        %mul3A_1329 = arith.mulf %get3A_1328, %broadcast_in_dim3A_1248 : vector<16xf32>
        %mul3A_1330 = arith.constant 16 : i32
        %mul3A_1331 = arith.muli %scan3A_69, %mul3A_1330 : i32
        %add3A_1332 = arith.constant 8 : i32
        %add3A_1333 = arith.addi %mul3A_1331, %add3A_1332 : i32
        %swap3A_1334 = arith.index_cast %add3A_1333 : i32 to index
        %swap3A_1335 = arith.constant 64 : index
        %swap3A_1336 = tpu.vector_load %arg11[%swap3A_1334, %swap3A_1335] {strides = array<i32>} : memref<128x128xf32, #tpu.memory_space<vmem>>, vector<1x16xf32>,
        %swap3A_1337 = vector.shape_cast %swap3A_1336 : vector<1x16xf32> to vector<16xf32>
        %swap3A_1338 = vector.shape_cast %mul3A_1329 : vector<16xf32> to vector<1x16xf32>
        tpu.vector_store %arg11[%swap3A_1334, %swap3A_1335], %swap3A_1338 {strides = array<i32>} : memref<128x128xf32, #tpu.memory_space<vmem>>, vector<1x16xf32>,
        %mul3A_1339 = arith.constant 16 : i32
        %mul3A_1340 = arith.muli %scan3A_69, %mul3A_1339 : i32
        %add3A_1341 = arith.constant 8 : i32
        %add3A_1342 = arith.addi %mul3A_1340, %add3A_1341 : i32
        %get3A_1343 = arith.index_cast %add3A_1342 : i32 to index
        %get3A_1344 = arith.constant 80 : index
        %get3A_1345 = tpu.vector_load %arg11[%get3A_1343, %get3A_1344] {strides = array<i32>} : memref<128x128xf32, #tpu.memory_space<vmem>>, vector<1x16xf32>,
        %get3A_1346 = vector.shape_cast %get3A_1345 : vector<1x16xf32> to vector<16xf32>
        %mul3A_1347 = arith.mulf %get3A_1346, %broadcast_in_dim3A_1248 : vector<16xf32>
        %mul3A_1348 = arith.constant 16 : i32
        %mul3A_1349 = arith.muli %scan3A_69, %mul3A_1348 : i32
        %add3A_1350 = arith.constant 8 : i32
        %add3A_1351 = arith.addi %mul3A_1349, %add3A_1350 : i32
        %swap3A_1352 = arith.index_cast %add3A_1351 : i32 to index
        %swap3A_1353 = arith.constant 80 : index
        %swap3A_1354 = tpu.vector_load %arg11[%swap3A_1352, %swap3A_1353] {strides = array<i32>} : memref<128x128xf32, #tpu.memory_space<vmem>>, vector<1x16xf32>,
        %swap3A_1355 = vector.shape_cast %swap3A_1354 : vector<1x16xf32> to vector<16xf32>
        %swap3A_1356 = vector.shape_cast %mul3A_1347 : vector<16xf32> to vector<1x16xf32>
        tpu.vector_store %arg11[%swap3A_1352, %swap3A_1353], %swap3A_1356 {strides = array<i32>} : memref<128x128xf32, #tpu.memory_space<vmem>>, vector<1x16xf32>,
        %mul3A_1357 = arith.constant 16 : i32
        %mul3A_1358 = arith.muli %scan3A_69, %mul3A_1357 : i32
        %add3A_1359 = arith.constant 8 : i32
        %add3A_1360 = arith.addi %mul3A_1358, %add3A_1359 : i32
        %get3A_1361 = arith.index_cast %add3A_1360 : i32 to index
        %get3A_1362 = arith.constant 96 : index
        %get3A_1363 = tpu.vector_load %arg11[%get3A_1361, %get3A_1362] {strides = array<i32>} : memref<128x128xf32, #tpu.memory_space<vmem>>, vector<1x16xf32>,
        %get3A_1364 = vector.shape_cast %get3A_1363 : vector<1x16xf32> to vector<16xf32>
        %mul3A_1365 = arith.mulf %get3A_1364, %broadcast_in_dim3A_1248 : vector<16xf32>
        %mul3A_1366 = arith.constant 16 : i32
        %mul3A_1367 = arith.muli %scan3A_69, %mul3A_1366 : i32
        %add3A_1368 = arith.constant 8 : i32
        %add3A_1369 = arith.addi %mul3A_1367, %add3A_1368 : i32
        %swap3A_1370 = arith.index_cast %add3A_1369 : i32 to index
        %swap3A_1371 = arith.constant 96 : index
        %swap3A_1372 = tpu.vector_load %arg11[%swap3A_1370, %swap3A_1371] {strides = array<i32>} : memref<128x128xf32, #tpu.memory_space<vmem>>, vector<1x16xf32>,
        %swap3A_1373 = vector.shape_cast %swap3A_1372 : vector<1x16xf32> to vector<16xf32>
        %swap3A_1374 = vector.shape_cast %mul3A_1365 : vector<16xf32> to vector<1x16xf32>
        tpu.vector_store %arg11[%swap3A_1370, %swap3A_1371], %swap3A_1374 {strides = array<i32>} : memref<128x128xf32, #tpu.memory_space<vmem>>, vector<1x16xf32>,
        %mul3A_1375 = arith.constant 16 : i32
        %mul3A_1376 = arith.muli %scan3A_69, %mul3A_1375 : i32
        %add3A_1377 = arith.constant 8 : i32
        %add3A_1378 = arith.addi %mul3A_1376, %add3A_1377 : i32
        %get3A_1379 = arith.index_cast %add3A_1378 : i32 to index
        %get3A_1380 = arith.constant 112 : index
        %get3A_1381 = tpu.vector_load %arg11[%get3A_1379, %get3A_1380] {strides = array<i32>} : memref<128x128xf32, #tpu.memory_space<vmem>>, vector<1x16xf32>,
        %get3A_1382 = vector.shape_cast %get3A_1381 : vector<1x16xf32> to vector<16xf32>
        %mul3A_1383 = arith.mulf %get3A_1382, %broadcast_in_dim3A_1248 : vector<16xf32>
        %mul3A_1384 = arith.constant 16 : i32
        %mul3A_1385 = arith.muli %scan3A_69, %mul3A_1384 : i32
        %add3A_1386 = arith.constant 8 : i32
        %add3A_1387 = arith.addi %mul3A_1385, %add3A_1386 : i32
        %swap3A_1388 = arith.index_cast %add3A_1387 : i32 to index
        %swap3A_1389 = arith.constant 112 : index
        %swap3A_1390 = tpu.vector_load %arg11[%swap3A_1388, %swap3A_1389] {strides = array<i32>} : memref<128x128xf32, #tpu.memory_space<vmem>>, vector<1x16xf32>,
        %swap3A_1391 = vector.shape_cast %swap3A_1390 : vector<1x16xf32> to vector<16xf32>
        %swap3A_1392 = vector.shape_cast %mul3A_1383 : vector<16xf32> to vector<1x16xf32>
        tpu.vector_store %arg11[%swap3A_1388, %swap3A_1389], %swap3A_1392 {strides = array<i32>} : memref<128x128xf32, #tpu.memory_space<vmem>>, vector<1x16xf32>,
        %slice3A_1393 = vector.extract_strided_slice %get3A_73 {offsets = [9], sizes = [1], strides = [1]} : vector<16xf32> to vector<1xf32>
        %squeeze3A_1394 = vector.extract %slice3A_1393[0] : f32 from vector<1xf32>
        %broadcast_in_dim3A_1395 = vector.broadcast %squeeze3A_1394 : f32 to vector<16xf32>
        %mul3A_1396 = arith.constant 16 : i32
        %mul3A_1397 = arith.muli %scan3A_69, %mul3A_1396 : i32
        %add3A_1398 = arith.constant 9 : i32
        %add3A_1399 = arith.addi %mul3A_1397, %add3A_1398 : i32
        %get3A_1400 = arith.index_cast %add3A_1399 : i32 to index
        %get3A_1401 = arith.constant 0 : index
        %get3A_1402 = tpu.vector_load %arg11[%get3A_1400, %get3A_1401] {strides = array<i32>} : memref<128x128xf32, #tpu.memory_space<vmem>>, vector<1x16xf32>,
        %get3A_1403 = vector.shape_cast %get3A_1402 : vector<1x16xf32> to vector<16xf32>
        %mul3A_1404 = arith.mulf %get3A_1403, %broadcast_in_dim3A_1395 : vector<16xf32>
        %mul3A_1405 = arith.constant 16 : i32
        %mul3A_1406 = arith.muli %scan3A_69, %mul3A_1405 : i32
        %add3A_1407 = arith.constant 9 : i32
        %add3A_1408 = arith.addi %mul3A_1406, %add3A_1407 : i32
        %swap3A_1409 = arith.index_cast %add3A_1408 : i32 to index
        %swap3A_1410 = arith.constant 0 : index
        %swap3A_1411 = tpu.vector_load %arg11[%swap3A_1409, %swap3A_1410] {strides = array<i32>} : memref<128x128xf32, #tpu.memory_space<vmem>>, vector<1x16xf32>,
        %swap3A_1412 = vector.shape_cast %swap3A_1411 : vector<1x16xf32> to vector<16xf32>
        %swap3A_1413 = vector.shape_cast %mul3A_1404 : vector<16xf32> to vector<1x16xf32>
        tpu.vector_store %arg11[%swap3A_1409, %swap3A_1410], %swap3A_1413 {strides = array<i32>} : memref<128x128xf32, #tpu.memory_space<vmem>>, vector<1x16xf32>,
        %mul3A_1414 = arith.constant 16 : i32
        %mul3A_1415 = arith.muli %scan3A_69, %mul3A_1414 : i32
        %add3A_1416 = arith.constant 9 : i32
        %add3A_1417 = arith.addi %mul3A_1415, %add3A_1416 : i32
        %get3A_1418 = arith.index_cast %add3A_1417 : i32 to index
        %get3A_1419 = arith.constant 16 : index
        %get3A_1420 = tpu.vector_load %arg11[%get3A_1418, %get3A_1419] {strides = array<i32>} : memref<128x128xf32, #tpu.memory_space<vmem>>, vector<1x16xf32>,
        %get3A_1421 = vector.shape_cast %get3A_1420 : vector<1x16xf32> to vector<16xf32>
        %mul3A_1422 = arith.mulf %get3A_1421, %broadcast_in_dim3A_1395 : vector<16xf32>
        %mul3A_1423 = arith.constant 16 : i32
        %mul3A_1424 = arith.muli %scan3A_69, %mul3A_1423 : i32
        %add3A_1425 = arith.constant 9 : i32
        %add3A_1426 = arith.addi %mul3A_1424, %add3A_1425 : i32
        %swap3A_1427 = arith.index_cast %add3A_1426 : i32 to index
        %swap3A_1428 = arith.constant 16 : index
        %swap3A_1429 = tpu.vector_load %arg11[%swap3A_1427, %swap3A_1428] {strides = array<i32>} : memref<128x128xf32, #tpu.memory_space<vmem>>, vector<1x16xf32>,
        %swap3A_1430 = vector.shape_cast %swap3A_1429 : vector<1x16xf32> to vector<16xf32>
        %swap3A_1431 = vector.shape_cast %mul3A_1422 : vector<16xf32> to vector<1x16xf32>
        tpu.vector_store %arg11[%swap3A_1427, %swap3A_1428], %swap3A_1431 {strides = array<i32>} : memref<128x128xf32, #tpu.memory_space<vmem>>, vector<1x16xf32>,
        %mul3A_1432 = arith.constant 16 : i32
        %mul3A_1433 = arith.muli %scan3A_69, %mul3A_1432 : i32
        %add3A_1434 = arith.constant 9 : i32
        %add3A_1435 = arith.addi %mul3A_1433, %add3A_1434 : i32
        %get3A_1436 = arith.index_cast %add3A_1435 : i32 to index
        %get3A_1437 = arith.constant 32 : index
        %get3A_1438 = tpu.vector_load %arg11[%get3A_1436, %get3A_1437] {strides = array<i32>} : memref<128x128xf32, #tpu.memory_space<vmem>>, vector<1x16xf32>,
        %get3A_1439 = vector.shape_cast %get3A_1438 : vector<1x16xf32> to vector<16xf32>
        %mul3A_1440 = arith.mulf %get3A_1439, %broadcast_in_dim3A_1395 : vector<16xf32>
        %mul3A_1441 = arith.constant 16 : i32
        %mul3A_1442 = arith.muli %scan3A_69, %mul3A_1441 : i32
        %add3A_1443 = arith.constant 9 : i32
        %add3A_1444 = arith.addi %mul3A_1442, %add3A_1443 : i32
        %swap3A_1445 = arith.index_cast %add3A_1444 : i32 to index
        %swap3A_1446 = arith.constant 32 : index
        %swap3A_1447 = tpu.vector_load %arg11[%swap3A_1445, %swap3A_1446] {strides = array<i32>} : memref<128x128xf32, #tpu.memory_space<vmem>>, vector<1x16xf32>,
        %swap3A_1448 = vector.shape_cast %swap3A_1447 : vector<1x16xf32> to vector<16xf32>
        %swap3A_1449 = vector.shape_cast %mul3A_1440 : vector<16xf32> to vector<1x16xf32>
        tpu.vector_store %arg11[%swap3A_1445, %swap3A_1446], %swap3A_1449 {strides = array<i32>} : memref<128x128xf32, #tpu.memory_space<vmem>>, vector<1x16xf32>,
        %mul3A_1450 = arith.constant 16 : i32
        %mul3A_1451 = arith.muli %scan3A_69, %mul3A_1450 : i32
        %add3A_1452 = arith.constant 9 : i32
        %add3A_1453 = arith.addi %mul3A_1451, %add3A_1452 : i32
        %get3A_1454 = arith.index_cast %add3A_1453 : i32 to index
        %get3A_1455 = arith.constant 48 : index
        %get3A_1456 = tpu.vector_load %arg11[%get3A_1454, %get3A_1455] {strides = array<i32>} : memref<128x128xf32, #tpu.memory_space<vmem>>, vector<1x16xf32>,
        %get3A_1457 = vector.shape_cast %get3A_1456 : vector<1x16xf32> to vector<16xf32>
        %mul3A_1458 = arith.mulf %get3A_1457, %broadcast_in_dim3A_1395 : vector<16xf32>
        %mul3A_1459 = arith.constant 16 : i32
        %mul3A_1460 = arith.muli %scan3A_69, %mul3A_1459 : i32
        %add3A_1461 = arith.constant 9 : i32
        %add3A_1462 = arith.addi %mul3A_1460, %add3A_1461 : i32
        %swap3A_1463 = arith.index_cast %add3A_1462 : i32 to index
        %swap3A_1464 = arith.constant 48 : index
        %swap3A_1465 = tpu.vector_load %arg11[%swap3A_1463, %swap3A_1464] {strides = array<i32>} : memref<128x128xf32, #tpu.memory_space<vmem>>, vector<1x16xf32>,
        %swap3A_1466 = vector.shape_cast %swap3A_1465 : vector<1x16xf32> to vector<16xf32>
        %swap3A_1467 = vector.shape_cast %mul3A_1458 : vector<16xf32> to vector<1x16xf32>
        tpu.vector_store %arg11[%swap3A_1463, %swap3A_1464], %swap3A_1467 {strides = array<i32>} : memref<128x128xf32, #tpu.memory_space<vmem>>, vector<1x16xf32>,
        %mul3A_1468 = arith.constant 16 : i32
        %mul3A_1469 = arith.muli %scan3A_69, %mul3A_1468 : i32
        %add3A_1470 = arith.constant 9 : i32
        %add3A_1471 = arith.addi %mul3A_1469, %add3A_1470 : i32
        %get3A_1472 = arith.index_cast %add3A_1471 : i32 to index
        %get3A_1473 = arith.constant 64 : index
        %get3A_1474 = tpu.vector_load %arg11[%get3A_1472, %get3A_1473] {strides = array<i32>} : memref<128x128xf32, #tpu.memory_space<vmem>>, vector<1x16xf32>,
        %get3A_1475 = vector.shape_cast %get3A_1474 : vector<1x16xf32> to vector<16xf32>
        %mul3A_1476 = arith.mulf %get3A_1475, %broadcast_in_dim3A_1395 : vector<16xf32>
        %mul3A_1477 = arith.constant 16 : i32
        %mul3A_1478 = arith.muli %scan3A_69, %mul3A_1477 : i32
        %add3A_1479 = arith.constant 9 : i32
        %add3A_1480 = arith.addi %mul3A_1478, %add3A_1479 : i32
        %swap3A_1481 = arith.index_cast %add3A_1480 : i32 to index
        %swap3A_1482 = arith.constant 64 : index
        %swap3A_1483 = tpu.vector_load %arg11[%swap3A_1481, %swap3A_1482] {strides = array<i32>} : memref<128x128xf32, #tpu.memory_space<vmem>>, vector<1x16xf32>,
        %swap3A_1484 = vector.shape_cast %swap3A_1483 : vector<1x16xf32> to vector<16xf32>
        %swap3A_1485 = vector.shape_cast %mul3A_1476 : vector<16xf32> to vector<1x16xf32>
        tpu.vector_store %arg11[%swap3A_1481, %swap3A_1482], %swap3A_1485 {strides = array<i32>} : memref<128x128xf32, #tpu.memory_space<vmem>>, vector<1x16xf32>,
        %mul3A_1486 = arith.constant 16 : i32
        %mul3A_1487 = arith.muli %scan3A_69, %mul3A_1486 : i32
        %add3A_1488 = arith.constant 9 : i32
        %add3A_1489 = arith.addi %mul3A_1487, %add3A_1488 : i32
        %get3A_1490 = arith.index_cast %add3A_1489 : i32 to index
        %get3A_1491 = arith.constant 80 : index
        %get3A_1492 = tpu.vector_load %arg11[%get3A_1490, %get3A_1491] {strides = array<i32>} : memref<128x128xf32, #tpu.memory_space<vmem>>, vector<1x16xf32>,
        %get3A_1493 = vector.shape_cast %get3A_1492 : vector<1x16xf32> to vector<16xf32>
        %mul3A_1494 = arith.mulf %get3A_1493, %broadcast_in_dim3A_1395 : vector<16xf32>
        %mul3A_1495 = arith.constant 16 : i32
        %mul3A_1496 = arith.muli %scan3A_69, %mul3A_1495 : i32
        %add3A_1497 = arith.constant 9 : i32
        %add3A_1498 = arith.addi %mul3A_1496, %add3A_1497 : i32
        %swap3A_1499 = arith.index_cast %add3A_1498 : i32 to index
        %swap3A_1500 = arith.constant 80 : index
        %swap3A_1501 = tpu.vector_load %arg11[%swap3A_1499, %swap3A_1500] {strides = array<i32>} : memref<128x128xf32, #tpu.memory_space<vmem>>, vector<1x16xf32>,
        %swap3A_1502 = vector.shape_cast %swap3A_1501 : vector<1x16xf32> to vector<16xf32>
        %swap3A_1503 = vector.shape_cast %mul3A_1494 : vector<16xf32> to vector<1x16xf32>
        tpu.vector_store %arg11[%swap3A_1499, %swap3A_1500], %swap3A_1503 {strides = array<i32>} : memref<128x128xf32, #tpu.memory_space<vmem>>, vector<1x16xf32>,
        %mul3A_1504 = arith.constant 16 : i32
        %mul3A_1505 = arith.muli %scan3A_69, %mul3A_1504 : i32
        %add3A_1506 = arith.constant 9 : i32
        %add3A_1507 = arith.addi %mul3A_1505, %add3A_1506 : i32
        %get3A_1508 = arith.index_cast %add3A_1507 : i32 to index
        %get3A_1509 = arith.constant 96 : index
        %get3A_1510 = tpu.vector_load %arg11[%get3A_1508, %get3A_1509] {strides = array<i32>} : memref<128x128xf32, #tpu.memory_space<vmem>>, vector<1x16xf32>,
        %get3A_1511 = vector.shape_cast %get3A_1510 : vector<1x16xf32> to vector<16xf32>
        %mul3A_1512 = arith.mulf %get3A_1511, %broadcast_in_dim3A_1395 : vector<16xf32>
        %mul3A_1513 = arith.constant 16 : i32
        %mul3A_1514 = arith.muli %scan3A_69, %mul3A_1513 : i32
        %add3A_1515 = arith.constant 9 : i32
        %add3A_1516 = arith.addi %mul3A_1514, %add3A_1515 : i32
        %swap3A_1517 = arith.index_cast %add3A_1516 : i32 to index
        %swap3A_1518 = arith.constant 96 : index
        %swap3A_1519 = tpu.vector_load %arg11[%swap3A_1517, %swap3A_1518] {strides = array<i32>} : memref<128x128xf32, #tpu.memory_space<vmem>>, vector<1x16xf32>,
        %swap3A_1520 = vector.shape_cast %swap3A_1519 : vector<1x16xf32> to vector<16xf32>
        %swap3A_1521 = vector.shape_cast %mul3A_1512 : vector<16xf32> to vector<1x16xf32>
        tpu.vector_store %arg11[%swap3A_1517, %swap3A_1518], %swap3A_1521 {strides = array<i32>} : memref<128x128xf32, #tpu.memory_space<vmem>>, vector<1x16xf32>,
        %mul3A_1522 = arith.constant 16 : i32
        %mul3A_1523 = arith.muli %scan3A_69, %mul3A_1522 : i32
        %add3A_1524 = arith.constant 9 : i32
        %add3A_1525 = arith.addi %mul3A_1523, %add3A_1524 : i32
        %get3A_1526 = arith.index_cast %add3A_1525 : i32 to index
        %get3A_1527 = arith.constant 112 : index
        %get3A_1528 = tpu.vector_load %arg11[%get3A_1526, %get3A_1527] {strides = array<i32>} : memref<128x128xf32, #tpu.memory_space<vmem>>, vector<1x16xf32>,
        %get3A_1529 = vector.shape_cast %get3A_1528 : vector<1x16xf32> to vector<16xf32>
        %mul3A_1530 = arith.mulf %get3A_1529, %broadcast_in_dim3A_1395 : vector<16xf32>
        %mul3A_1531 = arith.constant 16 : i32
        %mul3A_1532 = arith.muli %scan3A_69, %mul3A_1531 : i32
        %add3A_1533 = arith.constant 9 : i32
        %add3A_1534 = arith.addi %mul3A_1532, %add3A_1533 : i32
        %swap3A_1535 = arith.index_cast %add3A_1534 : i32 to index
        %swap3A_1536 = arith.constant 112 : index
        %swap3A_1537 = tpu.vector_load %arg11[%swap3A_1535, %swap3A_1536] {strides = array<i32>} : memref<128x128xf32, #tpu.memory_space<vmem>>, vector<1x16xf32>,
        %swap3A_1538 = vector.shape_cast %swap3A_1537 : vector<1x16xf32> to vector<16xf32>
        %swap3A_1539 = vector.shape_cast %mul3A_1530 : vector<16xf32> to vector<1x16xf32>
        tpu.vector_store %arg11[%swap3A_1535, %swap3A_1536], %swap3A_1539 {strides = array<i32>} : memref<128x128xf32, #tpu.memory_space<vmem>>, vector<1x16xf32>,
        %slice3A_1540 = vector.extract_strided_slice %get3A_73 {offsets = [10], sizes = [1], strides = [1]} : vector<16xf32> to vector<1xf32>
        %squeeze3A_1541 = vector.extract %slice3A_1540[0] : f32 from vector<1xf32>
        %broadcast_in_dim3A_1542 = vector.broadcast %squeeze3A_1541 : f32 to vector<16xf32>
        %mul3A_1543 = arith.constant 16 : i32
        %mul3A_1544 = arith.muli %scan3A_69, %mul3A_1543 : i32
        %add3A_1545 = arith.constant 10 : i32
        %add3A_1546 = arith.addi %mul3A_1544, %add3A_1545 : i32
        %get3A_1547 = arith.index_cast %add3A_1546 : i32 to index
        %get3A_1548 = arith.constant 0 : index
        %get3A_1549 = tpu.vector_load %arg11[%get3A_1547, %get3A_1548] {strides = array<i32>} : memref<128x128xf32, #tpu.memory_space<vmem>>, vector<1x16xf32>,
        %get3A_1550 = vector.shape_cast %get3A_1549 : vector<1x16xf32> to vector<16xf32>
        %mul3A_1551 = arith.mulf %get3A_1550, %broadcast_in_dim3A_1542 : vector<16xf32>
        %mul3A_1552 = arith.constant 16 : i32
        %mul3A_1553 = arith.muli %scan3A_69, %mul3A_1552 : i32
        %add3A_1554 = arith.constant 10 : i32
        %add3A_1555 = arith.addi %mul3A_1553, %add3A_1554 : i32
        %swap3A_1556 = arith.index_cast %add3A_1555 : i32 to index
        %swap3A_1557 = arith.constant 0 : index
        %swap3A_1558 = tpu.vector_load %arg11[%swap3A_1556, %swap3A_1557] {strides = array<i32>} : memref<128x128xf32, #tpu.memory_space<vmem>>, vector<1x16xf32>,
        %swap3A_1559 = vector.shape_cast %swap3A_1558 : vector<1x16xf32> to vector<16xf32>
        %swap3A_1560 = vector.shape_cast %mul3A_1551 : vector<16xf32> to vector<1x16xf32>
        tpu.vector_store %arg11[%swap3A_1556, %swap3A_1557], %swap3A_1560 {strides = array<i32>} : memref<128x128xf32, #tpu.memory_space<vmem>>, vector<1x16xf32>,
        %mul3A_1561 = arith.constant 16 : i32
        %mul3A_1562 = arith.muli %scan3A_69, %mul3A_1561 : i32
        %add3A_1563 = arith.constant 10 : i32
        %add3A_1564 = arith.addi %mul3A_1562, %add3A_1563 : i32
        %get3A_1565 = arith.index_cast %add3A_1564 : i32 to index
        %get3A_1566 = arith.constant 16 : index
        %get3A_1567 = tpu.vector_load %arg11[%get3A_1565, %get3A_1566] {strides = array<i32>} : memref<128x128xf32, #tpu.memory_space<vmem>>, vector<1x16xf32>,
        %get3A_1568 = vector.shape_cast %get3A_1567 : vector<1x16xf32> to vector<16xf32>
        %mul3A_1569 = arith.mulf %get3A_1568, %broadcast_in_dim3A_1542 : vector<16xf32>
        %mul3A_1570 = arith.constant 16 : i32
        %mul3A_1571 = arith.muli %scan3A_69, %mul3A_1570 : i32
        %add3A_1572 = arith.constant 10 : i32
        %add3A_1573 = arith.addi %mul3A_1571, %add3A_1572 : i32
        %swap3A_1574 = arith.index_cast %add3A_1573 : i32 to index
        %swap3A_1575 = arith.constant 16 : index
        %swap3A_1576 = tpu.vector_load %arg11[%swap3A_1574, %swap3A_1575] {strides = array<i32>} : memref<128x128xf32, #tpu.memory_space<vmem>>, vector<1x16xf32>,
        %swap3A_1577 = vector.shape_cast %swap3A_1576 : vector<1x16xf32> to vector<16xf32>
        %swap3A_1578 = vector.shape_cast %mul3A_1569 : vector<16xf32> to vector<1x16xf32>
        tpu.vector_store %arg11[%swap3A_1574, %swap3A_1575], %swap3A_1578 {strides = array<i32>} : memref<128x128xf32, #tpu.memory_space<vmem>>, vector<1x16xf32>,
        %mul3A_1579 = arith.constant 16 : i32
        %mul3A_1580 = arith.muli %scan3A_69, %mul3A_1579 : i32
        %add3A_1581 = arith.constant 10 : i32
        %add3A_1582 = arith.addi %mul3A_1580, %add3A_1581 : i32
        %get3A_1583 = arith.index_cast %add3A_1582 : i32 to index
        %get3A_1584 = arith.constant 32 : index
        %get3A_1585 = tpu.vector_load %arg11[%get3A_1583, %get3A_1584] {strides = array<i32>} : memref<128x128xf32, #tpu.memory_space<vmem>>, vector<1x16xf32>,
        %get3A_1586 = vector.shape_cast %get3A_1585 : vector<1x16xf32> to vector<16xf32>
        %mul3A_1587 = arith.mulf %get3A_1586, %broadcast_in_dim3A_1542 : vector<16xf32>
        %mul3A_1588 = arith.constant 16 : i32
        %mul3A_1589 = arith.muli %scan3A_69, %mul3A_1588 : i32
        %add3A_1590 = arith.constant 10 : i32
        %add3A_1591 = arith.addi %mul3A_1589, %add3A_1590 : i32
        %swap3A_1592 = arith.index_cast %add3A_1591 : i32 to index
        %swap3A_1593 = arith.constant 32 : index
        %swap3A_1594 = tpu.vector_load %arg11[%swap3A_1592, %swap3A_1593] {strides = array<i32>} : memref<128x128xf32, #tpu.memory_space<vmem>>, vector<1x16xf32>,
        %swap3A_1595 = vector.shape_cast %swap3A_1594 : vector<1x16xf32> to vector<16xf32>
        %swap3A_1596 = vector.shape_cast %mul3A_1587 : vector<16xf32> to vector<1x16xf32>
        tpu.vector_store %arg11[%swap3A_1592, %swap3A_1593], %swap3A_1596 {strides = array<i32>} : memref<128x128xf32, #tpu.memory_space<vmem>>, vector<1x16xf32>,
        %mul3A_1597 = arith.constant 16 : i32
        %mul3A_1598 = arith.muli %scan3A_69, %mul3A_1597 : i32
        %add3A_1599 = arith.constant 10 : i32
        %add3A_1600 = arith.addi %mul3A_1598, %add3A_1599 : i32
        %get3A_1601 = arith.index_cast %add3A_1600 : i32 to index
        %get3A_1602 = arith.constant 48 : index
        %get3A_1603 = tpu.vector_load %arg11[%get3A_1601, %get3A_1602] {strides = array<i32>} : memref<128x128xf32, #tpu.memory_space<vmem>>, vector<1x16xf32>,
        %get3A_1604 = vector.shape_cast %get3A_1603 : vector<1x16xf32> to vector<16xf32>
        %mul3A_1605 = arith.mulf %get3A_1604, %broadcast_in_dim3A_1542 : vector<16xf32>
        %mul3A_1606 = arith.constant 16 : i32
        %mul3A_1607 = arith.muli %scan3A_69, %mul3A_1606 : i32
        %add3A_1608 = arith.constant 10 : i32
        %add3A_1609 = arith.addi %mul3A_1607, %add3A_1608 : i32
        %swap3A_1610 = arith.index_cast %add3A_1609 : i32 to index
        %swap3A_1611 = arith.constant 48 : index
        %swap3A_1612 = tpu.vector_load %arg11[%swap3A_1610, %swap3A_1611] {strides = array<i32>} : memref<128x128xf32, #tpu.memory_space<vmem>>, vector<1x16xf32>,
        %swap3A_1613 = vector.shape_cast %swap3A_1612 : vector<1x16xf32> to vector<16xf32>
        %swap3A_1614 = vector.shape_cast %mul3A_1605 : vector<16xf32> to vector<1x16xf32>
        tpu.vector_store %arg11[%swap3A_1610, %swap3A_1611], %swap3A_1614 {strides = array<i32>} : memref<128x128xf32, #tpu.memory_space<vmem>>, vector<1x16xf32>,
        %mul3A_1615 = arith.constant 16 : i32
        %mul3A_1616 = arith.muli %scan3A_69, %mul3A_1615 : i32
        %add3A_1617 = arith.constant 10 : i32
        %add3A_1618 = arith.addi %mul3A_1616, %add3A_1617 : i32
        %get3A_1619 = arith.index_cast %add3A_1618 : i32 to index
        %get3A_1620 = arith.constant 64 : index
        %get3A_1621 = tpu.vector_load %arg11[%get3A_1619, %get3A_1620] {strides = array<i32>} : memref<128x128xf32, #tpu.memory_space<vmem>>, vector<1x16xf32>,
        %get3A_1622 = vector.shape_cast %get3A_1621 : vector<1x16xf32> to vector<16xf32>
        %mul3A_1623 = arith.mulf %get3A_1622, %broadcast_in_dim3A_1542 : vector<16xf32>
        %mul3A_1624 = arith.constant 16 : i32
        %mul3A_1625 = arith.muli %scan3A_69, %mul3A_1624 : i32
        %add3A_1626 = arith.constant 10 : i32
        %add3A_1627 = arith.addi %mul3A_1625, %add3A_1626 : i32
        %swap3A_1628 = arith.index_cast %add3A_1627 : i32 to index
        %swap3A_1629 = arith.constant 64 : index
        %swap3A_1630 = tpu.vector_load %arg11[%swap3A_1628, %swap3A_1629] {strides = array<i32>} : memref<128x128xf32, #tpu.memory_space<vmem>>, vector<1x16xf32>,
        %swap3A_1631 = vector.shape_cast %swap3A_1630 : vector<1x16xf32> to vector<16xf32>
        %swap3A_1632 = vector.shape_cast %mul3A_1623 : vector<16xf32> to vector<1x16xf32>
        tpu.vector_store %arg11[%swap3A_1628, %swap3A_1629], %swap3A_1632 {strides = array<i32>} : memref<128x128xf32, #tpu.memory_space<vmem>>, vector<1x16xf32>,
        %mul3A_1633 = arith.constant 16 : i32
        %mul3A_1634 = arith.muli %scan3A_69, %mul3A_1633 : i32
        %add3A_1635 = arith.constant 10 : i32
        %add3A_1636 = arith.addi %mul3A_1634, %add3A_1635 : i32
        %get3A_1637 = arith.index_cast %add3A_1636 : i32 to index
        %get3A_1638 = arith.constant 80 : index
        %get3A_1639 = tpu.vector_load %arg11[%get3A_1637, %get3A_1638] {strides = array<i32>} : memref<128x128xf32, #tpu.memory_space<vmem>>, vector<1x16xf32>,
        %get3A_1640 = vector.shape_cast %get3A_1639 : vector<1x16xf32> to vector<16xf32>
        %mul3A_1641 = arith.mulf %get3A_1640, %broadcast_in_dim3A_1542 : vector<16xf32>
        %mul3A_1642 = arith.constant 16 : i32
        %mul3A_1643 = arith.muli %scan3A_69, %mul3A_1642 : i32
        %add3A_1644 = arith.constant 10 : i32
        %add3A_1645 = arith.addi %mul3A_1643, %add3A_1644 : i32
        %swap3A_1646 = arith.index_cast %add3A_1645 : i32 to index
        %swap3A_1647 = arith.constant 80 : index
        %swap3A_1648 = tpu.vector_load %arg11[%swap3A_1646, %swap3A_1647] {strides = array<i32>} : memref<128x128xf32, #tpu.memory_space<vmem>>, vector<1x16xf32>,
        %swap3A_1649 = vector.shape_cast %swap3A_1648 : vector<1x16xf32> to vector<16xf32>
        %swap3A_1650 = vector.shape_cast %mul3A_1641 : vector<16xf32> to vector<1x16xf32>
        tpu.vector_store %arg11[%swap3A_1646, %swap3A_1647], %swap3A_1650 {strides = array<i32>} : memref<128x128xf32, #tpu.memory_space<vmem>>, vector<1x16xf32>,
        %mul3A_1651 = arith.constant 16 : i32
        %mul3A_1652 = arith.muli %scan3A_69, %mul3A_1651 : i32
        %add3A_1653 = arith.constant 10 : i32
        %add3A_1654 = arith.addi %mul3A_1652, %add3A_1653 : i32
        %get3A_1655 = arith.index_cast %add3A_1654 : i32 to index
        %get3A_1656 = arith.constant 96 : index
        %get3A_1657 = tpu.vector_load %arg11[%get3A_1655, %get3A_1656] {strides = array<i32>} : memref<128x128xf32, #tpu.memory_space<vmem>>, vector<1x16xf32>,
        %get3A_1658 = vector.shape_cast %get3A_1657 : vector<1x16xf32> to vector<16xf32>
        %mul3A_1659 = arith.mulf %get3A_1658, %broadcast_in_dim3A_1542 : vector<16xf32>
        %mul3A_1660 = arith.constant 16 : i32
        %mul3A_1661 = arith.muli %scan3A_69, %mul3A_1660 : i32
        %add3A_1662 = arith.constant 10 : i32
        %add3A_1663 = arith.addi %mul3A_1661, %add3A_1662 : i32
        %swap3A_1664 = arith.index_cast %add3A_1663 : i32 to index
        %swap3A_1665 = arith.constant 96 : index
        %swap3A_1666 = tpu.vector_load %arg11[%swap3A_1664, %swap3A_1665] {strides = array<i32>} : memref<128x128xf32, #tpu.memory_space<vmem>>, vector<1x16xf32>,
        %swap3A_1667 = vector.shape_cast %swap3A_1666 : vector<1x16xf32> to vector<16xf32>
        %swap3A_1668 = vector.shape_cast %mul3A_1659 : vector<16xf32> to vector<1x16xf32>
        tpu.vector_store %arg11[%swap3A_1664, %swap3A_1665], %swap3A_1668 {strides = array<i32>} : memref<128x128xf32, #tpu.memory_space<vmem>>, vector<1x16xf32>,
        %mul3A_1669 = arith.constant 16 : i32
        %mul3A_1670 = arith.muli %scan3A_69, %mul3A_1669 : i32
        %add3A_1671 = arith.constant 10 : i32
        %add3A_1672 = arith.addi %mul3A_1670, %add3A_1671 : i32
        %get3A_1673 = arith.index_cast %add3A_1672 : i32 to index
        %get3A_1674 = arith.constant 112 : index
        %get3A_1675 = tpu.vector_load %arg11[%get3A_1673, %get3A_1674] {strides = array<i32>} : memref<128x128xf32, #tpu.memory_space<vmem>>, vector<1x16xf32>,
        %get3A_1676 = vector.shape_cast %get3A_1675 : vector<1x16xf32> to vector<16xf32>
        %mul3A_1677 = arith.mulf %get3A_1676, %broadcast_in_dim3A_1542 : vector<16xf32>
        %mul3A_1678 = arith.constant 16 : i32
        %mul3A_1679 = arith.muli %scan3A_69, %mul3A_1678 : i32
        %add3A_1680 = arith.constant 10 : i32
        %add3A_1681 = arith.addi %mul3A_1679, %add3A_1680 : i32
        %swap3A_1682 = arith.index_cast %add3A_1681 : i32 to index
        %swap3A_1683 = arith.constant 112 : index
        %swap3A_1684 = tpu.vector_load %arg11[%swap3A_1682, %swap3A_1683] {strides = array<i32>} : memref<128x128xf32, #tpu.memory_space<vmem>>, vector<1x16xf32>,
        %swap3A_1685 = vector.shape_cast %swap3A_1684 : vector<1x16xf32> to vector<16xf32>
        %swap3A_1686 = vector.shape_cast %mul3A_1677 : vector<16xf32> to vector<1x16xf32>
        tpu.vector_store %arg11[%swap3A_1682, %swap3A_1683], %swap3A_1686 {strides = array<i32>} : memref<128x128xf32, #tpu.memory_space<vmem>>, vector<1x16xf32>,
        %slice3A_1687 = vector.extract_strided_slice %get3A_73 {offsets = [11], sizes = [1], strides = [1]} : vector<16xf32> to vector<1xf32>
        %squeeze3A_1688 = vector.extract %slice3A_1687[0] : f32 from vector<1xf32>
        %broadcast_in_dim3A_1689 = vector.broadcast %squeeze3A_1688 : f32 to vector<16xf32>
        %mul3A_1690 = arith.constant 16 : i32
        %mul3A_1691 = arith.muli %scan3A_69, %mul3A_1690 : i32
        %add3A_1692 = arith.constant 11 : i32
        %add3A_1693 = arith.addi %mul3A_1691, %add3A_1692 : i32
        %get3A_1694 = arith.index_cast %add3A_1693 : i32 to index
        %get3A_1695 = arith.constant 0 : index
        %get3A_1696 = tpu.vector_load %arg11[%get3A_1694, %get3A_1695] {strides = array<i32>} : memref<128x128xf32, #tpu.memory_space<vmem>>, vector<1x16xf32>,
        %get3A_1697 = vector.shape_cast %get3A_1696 : vector<1x16xf32> to vector<16xf32>
        %mul3A_1698 = arith.mulf %get3A_1697, %broadcast_in_dim3A_1689 : vector<16xf32>
        %mul3A_1699 = arith.constant 16 : i32
        %mul3A_1700 = arith.muli %scan3A_69, %mul3A_1699 : i32
        %add3A_1701 = arith.constant 11 : i32
        %add3A_1702 = arith.addi %mul3A_1700, %add3A_1701 : i32
        %swap3A_1703 = arith.index_cast %add3A_1702 : i32 to index
        %swap3A_1704 = arith.constant 0 : index
        %swap3A_1705 = tpu.vector_load %arg11[%swap3A_1703, %swap3A_1704] {strides = array<i32>} : memref<128x128xf32, #tpu.memory_space<vmem>>, vector<1x16xf32>,
        %swap3A_1706 = vector.shape_cast %swap3A_1705 : vector<1x16xf32> to vector<16xf32>
        %swap3A_1707 = vector.shape_cast %mul3A_1698 : vector<16xf32> to vector<1x16xf32>
        tpu.vector_store %arg11[%swap3A_1703, %swap3A_1704], %swap3A_1707 {strides = array<i32>} : memref<128x128xf32, #tpu.memory_space<vmem>>, vector<1x16xf32>,
        %mul3A_1708 = arith.constant 16 : i32
        %mul3A_1709 = arith.muli %scan3A_69, %mul3A_1708 : i32
        %add3A_1710 = arith.constant 11 : i32
        %add3A_1711 = arith.addi %mul3A_1709, %add3A_1710 : i32
        %get3A_1712 = arith.index_cast %add3A_1711 : i32 to index
        %get3A_1713 = arith.constant 16 : index
        %get3A_1714 = tpu.vector_load %arg11[%get3A_1712, %get3A_1713] {strides = array<i32>} : memref<128x128xf32, #tpu.memory_space<vmem>>, vector<1x16xf32>,
        %get3A_1715 = vector.shape_cast %get3A_1714 : vector<1x16xf32> to vector<16xf32>
        %mul3A_1716 = arith.mulf %get3A_1715, %broadcast_in_dim3A_1689 : vector<16xf32>
        %mul3A_1717 = arith.constant 16 : i32
        %mul3A_1718 = arith.muli %scan3A_69, %mul3A_1717 : i32
        %add3A_1719 = arith.constant 11 : i32
        %add3A_1720 = arith.addi %mul3A_1718, %add3A_1719 : i32
        %swap3A_1721 = arith.index_cast %add3A_1720 : i32 to index
        %swap3A_1722 = arith.constant 16 : index
        %swap3A_1723 = tpu.vector_load %arg11[%swap3A_1721, %swap3A_1722] {strides = array<i32>} : memref<128x128xf32, #tpu.memory_space<vmem>>, vector<1x16xf32>,
        %swap3A_1724 = vector.shape_cast %swap3A_1723 : vector<1x16xf32> to vector<16xf32>
        %swap3A_1725 = vector.shape_cast %mul3A_1716 : vector<16xf32> to vector<1x16xf32>
        tpu.vector_store %arg11[%swap3A_1721, %swap3A_1722], %swap3A_1725 {strides = array<i32>} : memref<128x128xf32, #tpu.memory_space<vmem>>, vector<1x16xf32>,
        %mul3A_1726 = arith.constant 16 : i32
        %mul3A_1727 = arith.muli %scan3A_69, %mul3A_1726 : i32
        %add3A_1728 = arith.constant 11 : i32
        %add3A_1729 = arith.addi %mul3A_1727, %add3A_1728 : i32
        %get3A_1730 = arith.index_cast %add3A_1729 : i32 to index
        %get3A_1731 = arith.constant 32 : index
        %get3A_1732 = tpu.vector_load %arg11[%get3A_1730, %get3A_1731] {strides = array<i32>} : memref<128x128xf32, #tpu.memory_space<vmem>>, vector<1x16xf32>,
        %get3A_1733 = vector.shape_cast %get3A_1732 : vector<1x16xf32> to vector<16xf32>
        %mul3A_1734 = arith.mulf %get3A_1733, %broadcast_in_dim3A_1689 : vector<16xf32>
        %mul3A_1735 = arith.constant 16 : i32
        %mul3A_1736 = arith.muli %scan3A_69, %mul3A_1735 : i32
        %add3A_1737 = arith.constant 11 : i32
        %add3A_1738 = arith.addi %mul3A_1736, %add3A_1737 : i32
        %swap3A_1739 = arith.index_cast %add3A_1738 : i32 to index
        %swap3A_1740 = arith.constant 32 : index
        %swap3A_1741 = tpu.vector_load %arg11[%swap3A_1739, %swap3A_1740] {strides = array<i32>} : memref<128x128xf32, #tpu.memory_space<vmem>>, vector<1x16xf32>,
        %swap3A_1742 = vector.shape_cast %swap3A_1741 : vector<1x16xf32> to vector<16xf32>
        %swap3A_1743 = vector.shape_cast %mul3A_1734 : vector<16xf32> to vector<1x16xf32>
        tpu.vector_store %arg11[%swap3A_1739, %swap3A_1740], %swap3A_1743 {strides = array<i32>} : memref<128x128xf32, #tpu.memory_space<vmem>>, vector<1x16xf32>,
        %mul3A_1744 = arith.constant 16 : i32
        %mul3A_1745 = arith.muli %scan3A_69, %mul3A_1744 : i32
        %add3A_1746 = arith.constant 11 : i32
        %add3A_1747 = arith.addi %mul3A_1745, %add3A_1746 : i32
        %get3A_1748 = arith.index_cast %add3A_1747 : i32 to index
        %get3A_1749 = arith.constant 48 : index
        %get3A_1750 = tpu.vector_load %arg11[%get3A_1748, %get3A_1749] {strides = array<i32>} : memref<128x128xf32, #tpu.memory_space<vmem>>, vector<1x16xf32>,
        %get3A_1751 = vector.shape_cast %get3A_1750 : vector<1x16xf32> to vector<16xf32>
        %mul3A_1752 = arith.mulf %get3A_1751, %broadcast_in_dim3A_1689 : vector<16xf32>
        %mul3A_1753 = arith.constant 16 : i32
        %mul3A_1754 = arith.muli %scan3A_69, %mul3A_1753 : i32
        %add3A_1755 = arith.constant 11 : i32
        %add3A_1756 = arith.addi %mul3A_1754, %add3A_1755 : i32
        %swap3A_1757 = arith.index_cast %add3A_1756 : i32 to index
        %swap3A_1758 = arith.constant 48 : index
        %swap3A_1759 = tpu.vector_load %arg11[%swap3A_1757, %swap3A_1758] {strides = array<i32>} : memref<128x128xf32, #tpu.memory_space<vmem>>, vector<1x16xf32>,
        %swap3A_1760 = vector.shape_cast %swap3A_1759 : vector<1x16xf32> to vector<16xf32>
        %swap3A_1761 = vector.shape_cast %mul3A_1752 : vector<16xf32> to vector<1x16xf32>
        tpu.vector_store %arg11[%swap3A_1757, %swap3A_1758], %swap3A_1761 {strides = array<i32>} : memref<128x128xf32, #tpu.memory_space<vmem>>, vector<1x16xf32>,
        %mul3A_1762 = arith.constant 16 : i32
        %mul3A_1763 = arith.muli %scan3A_69, %mul3A_1762 : i32
        %add3A_1764 = arith.constant 11 : i32
        %add3A_1765 = arith.addi %mul3A_1763, %add3A_1764 : i32
        %get3A_1766 = arith.index_cast %add3A_1765 : i32 to index
        %get3A_1767 = arith.constant 64 : index
        %get3A_1768 = tpu.vector_load %arg11[%get3A_1766, %get3A_1767] {strides = array<i32>} : memref<128x128xf32, #tpu.memory_space<vmem>>, vector<1x16xf32>,
        %get3A_1769 = vector.shape_cast %get3A_1768 : vector<1x16xf32> to vector<16xf32>
        %mul3A_1770 = arith.mulf %get3A_1769, %broadcast_in_dim3A_1689 : vector<16xf32>
        %mul3A_1771 = arith.constant 16 : i32
        %mul3A_1772 = arith.muli %scan3A_69, %mul3A_1771 : i32
        %add3A_1773 = arith.constant 11 : i32
        %add3A_1774 = arith.addi %mul3A_1772, %add3A_1773 : i32
        %swap3A_1775 = arith.index_cast %add3A_1774 : i32 to index
        %swap3A_1776 = arith.constant 64 : index
        %swap3A_1777 = tpu.vector_load %arg11[%swap3A_1775, %swap3A_1776] {strides = array<i32>} : memref<128x128xf32, #tpu.memory_space<vmem>>, vector<1x16xf32>,
        %swap3A_1778 = vector.shape_cast %swap3A_1777 : vector<1x16xf32> to vector<16xf32>
        %swap3A_1779 = vector.shape_cast %mul3A_1770 : vector<16xf32> to vector<1x16xf32>
        tpu.vector_store %arg11[%swap3A_1775, %swap3A_1776], %swap3A_1779 {strides = array<i32>} : memref<128x128xf32, #tpu.memory_space<vmem>>, vector<1x16xf32>,
        %mul3A_1780 = arith.constant 16 : i32
        %mul3A_1781 = arith.muli %scan3A_69, %mul3A_1780 : i32
        %add3A_1782 = arith.constant 11 : i32
        %add3A_1783 = arith.addi %mul3A_1781, %add3A_1782 : i32
        %get3A_1784 = arith.index_cast %add3A_1783 : i32 to index
        %get3A_1785 = arith.constant 80 : index
        %get3A_1786 = tpu.vector_load %arg11[%get3A_1784, %get3A_1785] {strides = array<i32>} : memref<128x128xf32, #tpu.memory_space<vmem>>, vector<1x16xf32>,
        %get3A_1787 = vector.shape_cast %get3A_1786 : vector<1x16xf32> to vector<16xf32>
        %mul3A_1788 = arith.mulf %get3A_1787, %broadcast_in_dim3A_1689 : vector<16xf32>
        %mul3A_1789 = arith.constant 16 : i32
        %mul3A_1790 = arith.muli %scan3A_69, %mul3A_1789 : i32
        %add3A_1791 = arith.constant 11 : i32
        %add3A_1792 = arith.addi %mul3A_1790, %add3A_1791 : i32
        %swap3A_1793 = arith.index_cast %add3A_1792 : i32 to index
        %swap3A_1794 = arith.constant 80 : index
        %swap3A_1795 = tpu.vector_load %arg11[%swap3A_1793, %swap3A_1794] {strides = array<i32>} : memref<128x128xf32, #tpu.memory_space<vmem>>, vector<1x16xf32>,
        %swap3A_1796 = vector.shape_cast %swap3A_1795 : vector<1x16xf32> to vector<16xf32>
        %swap3A_1797 = vector.shape_cast %mul3A_1788 : vector<16xf32> to vector<1x16xf32>
        tpu.vector_store %arg11[%swap3A_1793, %swap3A_1794], %swap3A_1797 {strides = array<i32>} : memref<128x128xf32, #tpu.memory_space<vmem>>, vector<1x16xf32>,
        %mul3A_1798 = arith.constant 16 : i32
        %mul3A_1799 = arith.muli %scan3A_69, %mul3A_1798 : i32
        %add3A_1800 = arith.constant 11 : i32
        %add3A_1801 = arith.addi %mul3A_1799, %add3A_1800 : i32
        %get3A_1802 = arith.index_cast %add3A_1801 : i32 to index
        %get3A_1803 = arith.constant 96 : index
        %get3A_1804 = tpu.vector_load %arg11[%get3A_1802, %get3A_1803] {strides = array<i32>} : memref<128x128xf32, #tpu.memory_space<vmem>>, vector<1x16xf32>,
        %get3A_1805 = vector.shape_cast %get3A_1804 : vector<1x16xf32> to vector<16xf32>
        %mul3A_1806 = arith.mulf %get3A_1805, %broadcast_in_dim3A_1689 : vector<16xf32>
        %mul3A_1807 = arith.constant 16 : i32
        %mul3A_1808 = arith.muli %scan3A_69, %mul3A_1807 : i32
        %add3A_1809 = arith.constant 11 : i32
        %add3A_1810 = arith.addi %mul3A_1808, %add3A_1809 : i32
        %swap3A_1811 = arith.index_cast %add3A_1810 : i32 to index
        %swap3A_1812 = arith.constant 96 : index
        %swap3A_1813 = tpu.vector_load %arg11[%swap3A_1811, %swap3A_1812] {strides = array<i32>} : memref<128x128xf32, #tpu.memory_space<vmem>>, vector<1x16xf32>,
        %swap3A_1814 = vector.shape_cast %swap3A_1813 : vector<1x16xf32> to vector<16xf32>
        %swap3A_1815 = vector.shape_cast %mul3A_1806 : vector<16xf32> to vector<1x16xf32>
        tpu.vector_store %arg11[%swap3A_1811, %swap3A_1812], %swap3A_1815 {strides = array<i32>} : memref<128x128xf32, #tpu.memory_space<vmem>>, vector<1x16xf32>,
        %mul3A_1816 = arith.constant 16 : i32
        %mul3A_1817 = arith.muli %scan3A_69, %mul3A_1816 : i32
        %add3A_1818 = arith.constant 11 : i32
        %add3A_1819 = arith.addi %mul3A_1817, %add3A_1818 : i32
        %get3A_1820 = arith.index_cast %add3A_1819 : i32 to index
        %get3A_1821 = arith.constant 112 : index
        %get3A_1822 = tpu.vector_load %arg11[%get3A_1820, %get3A_1821] {strides = array<i32>} : memref<128x128xf32, #tpu.memory_space<vmem>>, vector<1x16xf32>,
        %get3A_1823 = vector.shape_cast %get3A_1822 : vector<1x16xf32> to vector<16xf32>
        %mul3A_1824 = arith.mulf %get3A_1823, %broadcast_in_dim3A_1689 : vector<16xf32>
        %mul3A_1825 = arith.constant 16 : i32
        %mul3A_1826 = arith.muli %scan3A_69, %mul3A_1825 : i32
        %add3A_1827 = arith.constant 11 : i32
        %add3A_1828 = arith.addi %mul3A_1826, %add3A_1827 : i32
        %swap3A_1829 = arith.index_cast %add3A_1828 : i32 to index
        %swap3A_1830 = arith.constant 112 : index
        %swap3A_1831 = tpu.vector_load %arg11[%swap3A_1829, %swap3A_1830] {strides = array<i32>} : memref<128x128xf32, #tpu.memory_space<vmem>>, vector<1x16xf32>,
        %swap3A_1832 = vector.shape_cast %swap3A_1831 : vector<1x16xf32> to vector<16xf32>
        %swap3A_1833 = vector.shape_cast %mul3A_1824 : vector<16xf32> to vector<1x16xf32>
        tpu.vector_store %arg11[%swap3A_1829, %swap3A_1830], %swap3A_1833 {strides = array<i32>} : memref<128x128xf32, #tpu.memory_space<vmem>>, vector<1x16xf32>,
        %slice3A_1834 = vector.extract_strided_slice %get3A_73 {offsets = [12], sizes = [1], strides = [1]} : vector<16xf32> to vector<1xf32>
        %squeeze3A_1835 = vector.extract %slice3A_1834[0] : f32 from vector<1xf32>
        %broadcast_in_dim3A_1836 = vector.broadcast %squeeze3A_1835 : f32 to vector<16xf32>
        %mul3A_1837 = arith.constant 16 : i32
        %mul3A_1838 = arith.muli %scan3A_69, %mul3A_1837 : i32
        %add3A_1839 = arith.constant 12 : i32
        %add3A_1840 = arith.addi %mul3A_1838, %add3A_1839 : i32
        %get3A_1841 = arith.index_cast %add3A_1840 : i32 to index
        %get3A_1842 = arith.constant 0 : index
        %get3A_1843 = tpu.vector_load %arg11[%get3A_1841, %get3A_1842] {strides = array<i32>} : memref<128x128xf32, #tpu.memory_space<vmem>>, vector<1x16xf32>,
        %get3A_1844 = vector.shape_cast %get3A_1843 : vector<1x16xf32> to vector<16xf32>
        %mul3A_1845 = arith.mulf %get3A_1844, %broadcast_in_dim3A_1836 : vector<16xf32>
        %mul3A_1846 = arith.constant 16 : i32
        %mul3A_1847 = arith.muli %scan3A_69, %mul3A_1846 : i32
        %add3A_1848 = arith.constant 12 : i32
        %add3A_1849 = arith.addi %mul3A_1847, %add3A_1848 : i32
        %swap3A_1850 = arith.index_cast %add3A_1849 : i32 to index
        %swap3A_1851 = arith.constant 0 : index
        %swap3A_1852 = tpu.vector_load %arg11[%swap3A_1850, %swap3A_1851] {strides = array<i32>} : memref<128x128xf32, #tpu.memory_space<vmem>>, vector<1x16xf32>,
        %swap3A_1853 = vector.shape_cast %swap3A_1852 : vector<1x16xf32> to vector<16xf32>
        %swap3A_1854 = vector.shape_cast %mul3A_1845 : vector<16xf32> to vector<1x16xf32>
        tpu.vector_store %arg11[%swap3A_1850, %swap3A_1851], %swap3A_1854 {strides = array<i32>} : memref<128x128xf32, #tpu.memory_space<vmem>>, vector<1x16xf32>,
        %mul3A_1855 = arith.constant 16 : i32
        %mul3A_1856 = arith.muli %scan3A_69, %mul3A_1855 : i32
        %add3A_1857 = arith.constant 12 : i32
        %add3A_1858 = arith.addi %mul3A_1856, %add3A_1857 : i32
        %get3A_1859 = arith.index_cast %add3A_1858 : i32 to index
        %get3A_1860 = arith.constant 16 : index
        %get3A_1861 = tpu.vector_load %arg11[%get3A_1859, %get3A_1860] {strides = array<i32>} : memref<128x128xf32, #tpu.memory_space<vmem>>, vector<1x16xf32>,
        %get3A_1862 = vector.shape_cast %get3A_1861 : vector<1x16xf32> to vector<16xf32>
        %mul3A_1863 = arith.mulf %get3A_1862, %broadcast_in_dim3A_1836 : vector<16xf32>
        %mul3A_1864 = arith.constant 16 : i32
        %mul3A_1865 = arith.muli %scan3A_69, %mul3A_1864 : i32
        %add3A_1866 = arith.constant 12 : i32
        %add3A_1867 = arith.addi %mul3A_1865, %add3A_1866 : i32
        %swap3A_1868 = arith.index_cast %add3A_1867 : i32 to index
        %swap3A_1869 = arith.constant 16 : index
        %swap3A_1870 = tpu.vector_load %arg11[%swap3A_1868, %swap3A_1869] {strides = array<i32>} : memref<128x128xf32, #tpu.memory_space<vmem>>, vector<1x16xf32>,
        %swap3A_1871 = vector.shape_cast %swap3A_1870 : vector<1x16xf32> to vector<16xf32>
        %swap3A_1872 = vector.shape_cast %mul3A_1863 : vector<16xf32> to vector<1x16xf32>
        tpu.vector_store %arg11[%swap3A_1868, %swap3A_1869], %swap3A_1872 {strides = array<i32>} : memref<128x128xf32, #tpu.memory_space<vmem>>, vector<1x16xf32>,
        %mul3A_1873 = arith.constant 16 : i32
        %mul3A_1874 = arith.muli %scan3A_69, %mul3A_1873 : i32
        %add3A_1875 = arith.constant 12 : i32
        %add3A_1876 = arith.addi %mul3A_1874, %add3A_1875 : i32
        %get3A_1877 = arith.index_cast %add3A_1876 : i32 to index
        %get3A_1878 = arith.constant 32 : index
        %get3A_1879 = tpu.vector_load %arg11[%get3A_1877, %get3A_1878] {strides = array<i32>} : memref<128x128xf32, #tpu.memory_space<vmem>>, vector<1x16xf32>,
        %get3A_1880 = vector.shape_cast %get3A_1879 : vector<1x16xf32> to vector<16xf32>
        %mul3A_1881 = arith.mulf %get3A_1880, %broadcast_in_dim3A_1836 : vector<16xf32>
        %mul3A_1882 = arith.constant 16 : i32
        %mul3A_1883 = arith.muli %scan3A_69, %mul3A_1882 : i32
        %add3A_1884 = arith.constant 12 : i32
        %add3A_1885 = arith.addi %mul3A_1883, %add3A_1884 : i32
        %swap3A_1886 = arith.index_cast %add3A_1885 : i32 to index
        %swap3A_1887 = arith.constant 32 : index
        %swap3A_1888 = tpu.vector_load %arg11[%swap3A_1886, %swap3A_1887] {strides = array<i32>} : memref<128x128xf32, #tpu.memory_space<vmem>>, vector<1x16xf32>,
        %swap3A_1889 = vector.shape_cast %swap3A_1888 : vector<1x16xf32> to vector<16xf32>
        %swap3A_1890 = vector.shape_cast %mul3A_1881 : vector<16xf32> to vector<1x16xf32>
        tpu.vector_store %arg11[%swap3A_1886, %swap3A_1887], %swap3A_1890 {strides = array<i32>} : memref<128x128xf32, #tpu.memory_space<vmem>>, vector<1x16xf32>,
        %mul3A_1891 = arith.constant 16 : i32
        %mul3A_1892 = arith.muli %scan3A_69, %mul3A_1891 : i32
        %add3A_1893 = arith.constant 12 : i32
        %add3A_1894 = arith.addi %mul3A_1892, %add3A_1893 : i32
        %get3A_1895 = arith.index_cast %add3A_1894 : i32 to index
        %get3A_1896 = arith.constant 48 : index
        %get3A_1897 = tpu.vector_load %arg11[%get3A_1895, %get3A_1896] {strides = array<i32>} : memref<128x128xf32, #tpu.memory_space<vmem>>, vector<1x16xf32>,
        %get3A_1898 = vector.shape_cast %get3A_1897 : vector<1x16xf32> to vector<16xf32>
        %mul3A_1899 = arith.mulf %get3A_1898, %broadcast_in_dim3A_1836 : vector<16xf32>
        %mul3A_1900 = arith.constant 16 : i32
        %mul3A_1901 = arith.muli %scan3A_69, %mul3A_1900 : i32
        %add3A_1902 = arith.constant 12 : i32
        %add3A_1903 = arith.addi %mul3A_1901, %add3A_1902 : i32
        %swap3A_1904 = arith.index_cast %add3A_1903 : i32 to index
        %swap3A_1905 = arith.constant 48 : index
        %swap3A_1906 = tpu.vector_load %arg11[%swap3A_1904, %swap3A_1905] {strides = array<i32>} : memref<128x128xf32, #tpu.memory_space<vmem>>, vector<1x16xf32>,
        %swap3A_1907 = vector.shape_cast %swap3A_1906 : vector<1x16xf32> to vector<16xf32>
        %swap3A_1908 = vector.shape_cast %mul3A_1899 : vector<16xf32> to vector<1x16xf32>
        tpu.vector_store %arg11[%swap3A_1904, %swap3A_1905], %swap3A_1908 {strides = array<i32>} : memref<128x128xf32, #tpu.memory_space<vmem>>, vector<1x16xf32>,
        %mul3A_1909 = arith.constant 16 : i32
        %mul3A_1910 = arith.muli %scan3A_69, %mul3A_1909 : i32
        %add3A_1911 = arith.constant 12 : i32
        %add3A_1912 = arith.addi %mul3A_1910, %add3A_1911 : i32
        %get3A_1913 = arith.index_cast %add3A_1912 : i32 to index
        %get3A_1914 = arith.constant 64 : index
        %get3A_1915 = tpu.vector_load %arg11[%get3A_1913, %get3A_1914] {strides = array<i32>} : memref<128x128xf32, #tpu.memory_space<vmem>>, vector<1x16xf32>,
        %get3A_1916 = vector.shape_cast %get3A_1915 : vector<1x16xf32> to vector<16xf32>
        %mul3A_1917 = arith.mulf %get3A_1916, %broadcast_in_dim3A_1836 : vector<16xf32>
        %mul3A_1918 = arith.constant 16 : i32
        %mul3A_1919 = arith.muli %scan3A_69, %mul3A_1918 : i32
        %add3A_1920 = arith.constant 12 : i32
        %add3A_1921 = arith.addi %mul3A_1919, %add3A_1920 : i32
        %swap3A_1922 = arith.index_cast %add3A_1921 : i32 to index
        %swap3A_1923 = arith.constant 64 : index
        %swap3A_1924 = tpu.vector_load %arg11[%swap3A_1922, %swap3A_1923] {strides = array<i32>} : memref<128x128xf32, #tpu.memory_space<vmem>>, vector<1x16xf32>,
        %swap3A_1925 = vector.shape_cast %swap3A_1924 : vector<1x16xf32> to vector<16xf32>
        %swap3A_1926 = vector.shape_cast %mul3A_1917 : vector<16xf32> to vector<1x16xf32>
        tpu.vector_store %arg11[%swap3A_1922, %swap3A_1923], %swap3A_1926 {strides = array<i32>} : memref<128x128xf32, #tpu.memory_space<vmem>>, vector<1x16xf32>,
        %mul3A_1927 = arith.constant 16 : i32
        %mul3A_1928 = arith.muli %scan3A_69, %mul3A_1927 : i32
        %add3A_1929 = arith.constant 12 : i32
        %add3A_1930 = arith.addi %mul3A_1928, %add3A_1929 : i32
        %get3A_1931 = arith.index_cast %add3A_1930 : i32 to index
        %get3A_1932 = arith.constant 80 : index
        %get3A_1933 = tpu.vector_load %arg11[%get3A_1931, %get3A_1932] {strides = array<i32>} : memref<128x128xf32, #tpu.memory_space<vmem>>, vector<1x16xf32>,
        %get3A_1934 = vector.shape_cast %get3A_1933 : vector<1x16xf32> to vector<16xf32>
        %mul3A_1935 = arith.mulf %get3A_1934, %broadcast_in_dim3A_1836 : vector<16xf32>
        %mul3A_1936 = arith.constant 16 : i32
        %mul3A_1937 = arith.muli %scan3A_69, %mul3A_1936 : i32
        %add3A_1938 = arith.constant 12 : i32
        %add3A_1939 = arith.addi %mul3A_1937, %add3A_1938 : i32
        %swap3A_1940 = arith.index_cast %add3A_1939 : i32 to index
        %swap3A_1941 = arith.constant 80 : index
        %swap3A_1942 = tpu.vector_load %arg11[%swap3A_1940, %swap3A_1941] {strides = array<i32>} : memref<128x128xf32, #tpu.memory_space<vmem>>, vector<1x16xf32>,
        %swap3A_1943 = vector.shape_cast %swap3A_1942 : vector<1x16xf32> to vector<16xf32>
        %swap3A_1944 = vector.shape_cast %mul3A_1935 : vector<16xf32> to vector<1x16xf32>
        tpu.vector_store %arg11[%swap3A_1940, %swap3A_1941], %swap3A_1944 {strides = array<i32>} : memref<128x128xf32, #tpu.memory_space<vmem>>, vector<1x16xf32>,
        %mul3A_1945 = arith.constant 16 : i32
        %mul3A_1946 = arith.muli %scan3A_69, %mul3A_1945 : i32
        %add3A_1947 = arith.constant 12 : i32
        %add3A_1948 = arith.addi %mul3A_1946, %add3A_1947 : i32
        %get3A_1949 = arith.index_cast %add3A_1948 : i32 to index
        %get3A_1950 = arith.constant 96 : index
        %get3A_1951 = tpu.vector_load %arg11[%get3A_1949, %get3A_1950] {strides = array<i32>} : memref<128x128xf32, #tpu.memory_space<vmem>>, vector<1x16xf32>,
        %get3A_1952 = vector.shape_cast %get3A_1951 : vector<1x16xf32> to vector<16xf32>
        %mul3A_1953 = arith.mulf %get3A_1952, %broadcast_in_dim3A_1836 : vector<16xf32>
        %mul3A_1954 = arith.constant 16 : i32
        %mul3A_1955 = arith.muli %scan3A_69, %mul3A_1954 : i32
        %add3A_1956 = arith.constant 12 : i32
        %add3A_1957 = arith.addi %mul3A_1955, %add3A_1956 : i32
        %swap3A_1958 = arith.index_cast %add3A_1957 : i32 to index
        %swap3A_1959 = arith.constant 96 : index
        %swap3A_1960 = tpu.vector_load %arg11[%swap3A_1958, %swap3A_1959] {strides = array<i32>} : memref<128x128xf32, #tpu.memory_space<vmem>>, vector<1x16xf32>,
        %swap3A_1961 = vector.shape_cast %swap3A_1960 : vector<1x16xf32> to vector<16xf32>
        %swap3A_1962 = vector.shape_cast %mul3A_1953 : vector<16xf32> to vector<1x16xf32>
        tpu.vector_store %arg11[%swap3A_1958, %swap3A_1959], %swap3A_1962 {strides = array<i32>} : memref<128x128xf32, #tpu.memory_space<vmem>>, vector<1x16xf32>,
        %mul3A_1963 = arith.constant 16 : i32
        %mul3A_1964 = arith.muli %scan3A_69, %mul3A_1963 : i32
        %add3A_1965 = arith.constant 12 : i32
        %add3A_1966 = arith.addi %mul3A_1964, %add3A_1965 : i32
        %get3A_1967 = arith.index_cast %add3A_1966 : i32 to index
        %get3A_1968 = arith.constant 112 : index
        %get3A_1969 = tpu.vector_load %arg11[%get3A_1967, %get3A_1968] {strides = array<i32>} : memref<128x128xf32, #tpu.memory_space<vmem>>, vector<1x16xf32>,
        %get3A_1970 = vector.shape_cast %get3A_1969 : vector<1x16xf32> to vector<16xf32>
        %mul3A_1971 = arith.mulf %get3A_1970, %broadcast_in_dim3A_1836 : vector<16xf32>
        %mul3A_1972 = arith.constant 16 : i32
        %mul3A_1973 = arith.muli %scan3A_69, %mul3A_1972 : i32
        %add3A_1974 = arith.constant 12 : i32
        %add3A_1975 = arith.addi %mul3A_1973, %add3A_1974 : i32
        %swap3A_1976 = arith.index_cast %add3A_1975 : i32 to index
        %swap3A_1977 = arith.constant 112 : index
        %swap3A_1978 = tpu.vector_load %arg11[%swap3A_1976, %swap3A_1977] {strides = array<i32>} : memref<128x128xf32, #tpu.memory_space<vmem>>, vector<1x16xf32>,
        %swap3A_1979 = vector.shape_cast %swap3A_1978 : vector<1x16xf32> to vector<16xf32>
        %swap3A_1980 = vector.shape_cast %mul3A_1971 : vector<16xf32> to vector<1x16xf32>
        tpu.vector_store %arg11[%swap3A_1976, %swap3A_1977], %swap3A_1980 {strides = array<i32>} : memref<128x128xf32, #tpu.memory_space<vmem>>, vector<1x16xf32>,
        %slice3A_1981 = vector.extract_strided_slice %get3A_73 {offsets = [13], sizes = [1], strides = [1]} : vector<16xf32> to vector<1xf32>
        %squeeze3A_1982 = vector.extract %slice3A_1981[0] : f32 from vector<1xf32>
        %broadcast_in_dim3A_1983 = vector.broadcast %squeeze3A_1982 : f32 to vector<16xf32>
        %mul3A_1984 = arith.constant 16 : i32
        %mul3A_1985 = arith.muli %scan3A_69, %mul3A_1984 : i32
        %add3A_1986 = arith.constant 13 : i32
        %add3A_1987 = arith.addi %mul3A_1985, %add3A_1986 : i32
        %get3A_1988 = arith.index_cast %add3A_1987 : i32 to index
        %get3A_1989 = arith.constant 0 : index
        %get3A_1990 = tpu.vector_load %arg11[%get3A_1988, %get3A_1989] {strides = array<i32>} : memref<128x128xf32, #tpu.memory_space<vmem>>, vector<1x16xf32>,
        %get3A_1991 = vector.shape_cast %get3A_1990 : vector<1x16xf32> to vector<16xf32>
        %mul3A_1992 = arith.mulf %get3A_1991, %broadcast_in_dim3A_1983 : vector<16xf32>
        %mul3A_1993 = arith.constant 16 : i32
        %mul3A_1994 = arith.muli %scan3A_69, %mul3A_1993 : i32
        %add3A_1995 = arith.constant 13 : i32
        %add3A_1996 = arith.addi %mul3A_1994, %add3A_1995 : i32
        %swap3A_1997 = arith.index_cast %add3A_1996 : i32 to index
        %swap3A_1998 = arith.constant 0 : index
        %swap3A_1999 = tpu.vector_load %arg11[%swap3A_1997, %swap3A_1998] {strides = array<i32>} : memref<128x128xf32, #tpu.memory_space<vmem>>, vector<1x16xf32>,
        %swap3A_2000 = vector.shape_cast %swap3A_1999 : vector<1x16xf32> to vector<16xf32>
        %swap3A_2001 = vector.shape_cast %mul3A_1992 : vector<16xf32> to vector<1x16xf32>
        tpu.vector_store %arg11[%swap3A_1997, %swap3A_1998], %swap3A_2001 {strides = array<i32>} : memref<128x128xf32, #tpu.memory_space<vmem>>, vector<1x16xf32>,
        %mul3A_2002 = arith.constant 16 : i32
        %mul3A_2003 = arith.muli %scan3A_69, %mul3A_2002 : i32
        %add3A_2004 = arith.constant 13 : i32
        %add3A_2005 = arith.addi %mul3A_2003, %add3A_2004 : i32
        %get3A_2006 = arith.index_cast %add3A_2005 : i32 to index
        %get3A_2007 = arith.constant 16 : index
        %get3A_2008 = tpu.vector_load %arg11[%get3A_2006, %get3A_2007] {strides = array<i32>} : memref<128x128xf32, #tpu.memory_space<vmem>>, vector<1x16xf32>,
        %get3A_2009 = vector.shape_cast %get3A_2008 : vector<1x16xf32> to vector<16xf32>
        %mul3A_2010 = arith.mulf %get3A_2009, %broadcast_in_dim3A_1983 : vector<16xf32>
        %mul3A_2011 = arith.constant 16 : i32
        %mul3A_2012 = arith.muli %scan3A_69, %mul3A_2011 : i32
        %add3A_2013 = arith.constant 13 : i32
        %add3A_2014 = arith.addi %mul3A_2012, %add3A_2013 : i32
        %swap3A_2015 = arith.index_cast %add3A_2014 : i32 to index
        %swap3A_2016 = arith.constant 16 : index
        %swap3A_2017 = tpu.vector_load %arg11[%swap3A_2015, %swap3A_2016] {strides = array<i32>} : memref<128x128xf32, #tpu.memory_space<vmem>>, vector<1x16xf32>,
        %swap3A_2018 = vector.shape_cast %swap3A_2017 : vector<1x16xf32> to vector<16xf32>
        %swap3A_2019 = vector.shape_cast %mul3A_2010 : vector<16xf32> to vector<1x16xf32>
        tpu.vector_store %arg11[%swap3A_2015, %swap3A_2016], %swap3A_2019 {strides = array<i32>} : memref<128x128xf32, #tpu.memory_space<vmem>>, vector<1x16xf32>,
        %mul3A_2020 = arith.constant 16 : i32
        %mul3A_2021 = arith.muli %scan3A_69, %mul3A_2020 : i32
        %add3A_2022 = arith.constant 13 : i32
        %add3A_2023 = arith.addi %mul3A_2021, %add3A_2022 : i32
        %get3A_2024 = arith.index_cast %add3A_2023 : i32 to index
        %get3A_2025 = arith.constant 32 : index
        %get3A_2026 = tpu.vector_load %arg11[%get3A_2024, %get3A_2025] {strides = array<i32>} : memref<128x128xf32, #tpu.memory_space<vmem>>, vector<1x16xf32>,
        %get3A_2027 = vector.shape_cast %get3A_2026 : vector<1x16xf32> to vector<16xf32>
        %mul3A_2028 = arith.mulf %get3A_2027, %broadcast_in_dim3A_1983 : vector<16xf32>
        %mul3A_2029 = arith.constant 16 : i32
        %mul3A_2030 = arith.muli %scan3A_69, %mul3A_2029 : i32
        %add3A_2031 = arith.constant 13 : i32
        %add3A_2032 = arith.addi %mul3A_2030, %add3A_2031 : i32
        %swap3A_2033 = arith.index_cast %add3A_2032 : i32 to index
        %swap3A_2034 = arith.constant 32 : index
        %swap3A_2035 = tpu.vector_load %arg11[%swap3A_2033, %swap3A_2034] {strides = array<i32>} : memref<128x128xf32, #tpu.memory_space<vmem>>, vector<1x16xf32>,
        %swap3A_2036 = vector.shape_cast %swap3A_2035 : vector<1x16xf32> to vector<16xf32>
        %swap3A_2037 = vector.shape_cast %mul3A_2028 : vector<16xf32> to vector<1x16xf32>
        tpu.vector_store %arg11[%swap3A_2033, %swap3A_2034], %swap3A_2037 {strides = array<i32>} : memref<128x128xf32, #tpu.memory_space<vmem>>, vector<1x16xf32>,
        %mul3A_2038 = arith.constant 16 : i32
        %mul3A_2039 = arith.muli %scan3A_69, %mul3A_2038 : i32
        %add3A_2040 = arith.constant 13 : i32
        %add3A_2041 = arith.addi %mul3A_2039, %add3A_2040 : i32
        %get3A_2042 = arith.index_cast %add3A_2041 : i32 to index
        %get3A_2043 = arith.constant 48 : index
        %get3A_2044 = tpu.vector_load %arg11[%get3A_2042, %get3A_2043] {strides = array<i32>} : memref<128x128xf32, #tpu.memory_space<vmem>>, vector<1x16xf32>,
        %get3A_2045 = vector.shape_cast %get3A_2044 : vector<1x16xf32> to vector<16xf32>
        %mul3A_2046 = arith.mulf %get3A_2045, %broadcast_in_dim3A_1983 : vector<16xf32>
        %mul3A_2047 = arith.constant 16 : i32
        %mul3A_2048 = arith.muli %scan3A_69, %mul3A_2047 : i32
        %add3A_2049 = arith.constant 13 : i32
        %add3A_2050 = arith.addi %mul3A_2048, %add3A_2049 : i32
        %swap3A_2051 = arith.index_cast %add3A_2050 : i32 to index
        %swap3A_2052 = arith.constant 48 : index
        %swap3A_2053 = tpu.vector_load %arg11[%swap3A_2051, %swap3A_2052] {strides = array<i32>} : memref<128x128xf32, #tpu.memory_space<vmem>>, vector<1x16xf32>,
        %swap3A_2054 = vector.shape_cast %swap3A_2053 : vector<1x16xf32> to vector<16xf32>
        %swap3A_2055 = vector.shape_cast %mul3A_2046 : vector<16xf32> to vector<1x16xf32>
        tpu.vector_store %arg11[%swap3A_2051, %swap3A_2052], %swap3A_2055 {strides = array<i32>} : memref<128x128xf32, #tpu.memory_space<vmem>>, vector<1x16xf32>,
        %mul3A_2056 = arith.constant 16 : i32
        %mul3A_2057 = arith.muli %scan3A_69, %mul3A_2056 : i32
        %add3A_2058 = arith.constant 13 : i32
        %add3A_2059 = arith.addi %mul3A_2057, %add3A_2058 : i32
        %get3A_2060 = arith.index_cast %add3A_2059 : i32 to index
        %get3A_2061 = arith.constant 64 : index
        %get3A_2062 = tpu.vector_load %arg11[%get3A_2060, %get3A_2061] {strides = array<i32>} : memref<128x128xf32, #tpu.memory_space<vmem>>, vector<1x16xf32>,
        %get3A_2063 = vector.shape_cast %get3A_2062 : vector<1x16xf32> to vector<16xf32>
        %mul3A_2064 = arith.mulf %get3A_2063, %broadcast_in_dim3A_1983 : vector<16xf32>
        %mul3A_2065 = arith.constant 16 : i32
        %mul3A_2066 = arith.muli %scan3A_69, %mul3A_2065 : i32
        %add3A_2067 = arith.constant 13 : i32
        %add3A_2068 = arith.addi %mul3A_2066, %add3A_2067 : i32
        %swap3A_2069 = arith.index_cast %add3A_2068 : i32 to index
        %swap3A_2070 = arith.constant 64 : index
        %swap3A_2071 = tpu.vector_load %arg11[%swap3A_2069, %swap3A_2070] {strides = array<i32>} : memref<128x128xf32, #tpu.memory_space<vmem>>, vector<1x16xf32>,
        %swap3A_2072 = vector.shape_cast %swap3A_2071 : vector<1x16xf32> to vector<16xf32>
        %swap3A_2073 = vector.shape_cast %mul3A_2064 : vector<16xf32> to vector<1x16xf32>
        tpu.vector_store %arg11[%swap3A_2069, %swap3A_2070], %swap3A_2073 {strides = array<i32>} : memref<128x128xf32, #tpu.memory_space<vmem>>, vector<1x16xf32>,
        %mul3A_2074 = arith.constant 16 : i32
        %mul3A_2075 = arith.muli %scan3A_69, %mul3A_2074 : i32
        %add3A_2076 = arith.constant 13 : i32
        %add3A_2077 = arith.addi %mul3A_2075, %add3A_2076 : i32
        %get3A_2078 = arith.index_cast %add3A_2077 : i32 to index
        %get3A_2079 = arith.constant 80 : index
        %get3A_2080 = tpu.vector_load %arg11[%get3A_2078, %get3A_2079] {strides = array<i32>} : memref<128x128xf32, #tpu.memory_space<vmem>>, vector<1x16xf32>,
        %get3A_2081 = vector.shape_cast %get3A_2080 : vector<1x16xf32> to vector<16xf32>
        %mul3A_2082 = arith.mulf %get3A_2081, %broadcast_in_dim3A_1983 : vector<16xf32>
        %mul3A_2083 = arith.constant 16 : i32
        %mul3A_2084 = arith.muli %scan3A_69, %mul3A_2083 : i32
        %add3A_2085 = arith.constant 13 : i32
        %add3A_2086 = arith.addi %mul3A_2084, %add3A_2085 : i32
        %swap3A_2087 = arith.index_cast %add3A_2086 : i32 to index
        %swap3A_2088 = arith.constant 80 : index
        %swap3A_2089 = tpu.vector_load %arg11[%swap3A_2087, %swap3A_2088] {strides = array<i32>} : memref<128x128xf32, #tpu.memory_space<vmem>>, vector<1x16xf32>,
        %swap3A_2090 = vector.shape_cast %swap3A_2089 : vector<1x16xf32> to vector<16xf32>
        %swap3A_2091 = vector.shape_cast %mul3A_2082 : vector<16xf32> to vector<1x16xf32>
        tpu.vector_store %arg11[%swap3A_2087, %swap3A_2088], %swap3A_2091 {strides = array<i32>} : memref<128x128xf32, #tpu.memory_space<vmem>>, vector<1x16xf32>,
        %mul3A_2092 = arith.constant 16 : i32
        %mul3A_2093 = arith.muli %scan3A_69, %mul3A_2092 : i32
        %add3A_2094 = arith.constant 13 : i32
        %add3A_2095 = arith.addi %mul3A_2093, %add3A_2094 : i32
        %get3A_2096 = arith.index_cast %add3A_2095 : i32 to index
        %get3A_2097 = arith.constant 96 : index
        %get3A_2098 = tpu.vector_load %arg11[%get3A_2096, %get3A_2097] {strides = array<i32>} : memref<128x128xf32, #tpu.memory_space<vmem>>, vector<1x16xf32>,
        %get3A_2099 = vector.shape_cast %get3A_2098 : vector<1x16xf32> to vector<16xf32>
        %mul3A_2100 = arith.mulf %get3A_2099, %broadcast_in_dim3A_1983 : vector<16xf32>
        %mul3A_2101 = arith.constant 16 : i32
        %mul3A_2102 = arith.muli %scan3A_69, %mul3A_2101 : i32
        %add3A_2103 = arith.constant 13 : i32
        %add3A_2104 = arith.addi %mul3A_2102, %add3A_2103 : i32
        %swap3A_2105 = arith.index_cast %add3A_2104 : i32 to index
        %swap3A_2106 = arith.constant 96 : index
        %swap3A_2107 = tpu.vector_load %arg11[%swap3A_2105, %swap3A_2106] {strides = array<i32>} : memref<128x128xf32, #tpu.memory_space<vmem>>, vector<1x16xf32>,
        %swap3A_2108 = vector.shape_cast %swap3A_2107 : vector<1x16xf32> to vector<16xf32>
        %swap3A_2109 = vector.shape_cast %mul3A_2100 : vector<16xf32> to vector<1x16xf32>
        tpu.vector_store %arg11[%swap3A_2105, %swap3A_2106], %swap3A_2109 {strides = array<i32>} : memref<128x128xf32, #tpu.memory_space<vmem>>, vector<1x16xf32>,
        %mul3A_2110 = arith.constant 16 : i32
        %mul3A_2111 = arith.muli %scan3A_69, %mul3A_2110 : i32
        %add3A_2112 = arith.constant 13 : i32
        %add3A_2113 = arith.addi %mul3A_2111, %add3A_2112 : i32
        %get3A_2114 = arith.index_cast %add3A_2113 : i32 to index
        %get3A_2115 = arith.constant 112 : index
        %get3A_2116 = tpu.vector_load %arg11[%get3A_2114, %get3A_2115] {strides = array<i32>} : memref<128x128xf32, #tpu.memory_space<vmem>>, vector<1x16xf32>,
        %get3A_2117 = vector.shape_cast %get3A_2116 : vector<1x16xf32> to vector<16xf32>
        %mul3A_2118 = arith.mulf %get3A_2117, %broadcast_in_dim3A_1983 : vector<16xf32>
        %mul3A_2119 = arith.constant 16 : i32
        %mul3A_2120 = arith.muli %scan3A_69, %mul3A_2119 : i32
        %add3A_2121 = arith.constant 13 : i32
        %add3A_2122 = arith.addi %mul3A_2120, %add3A_2121 : i32
        %swap3A_2123 = arith.index_cast %add3A_2122 : i32 to index
        %swap3A_2124 = arith.constant 112 : index
        %swap3A_2125 = tpu.vector_load %arg11[%swap3A_2123, %swap3A_2124] {strides = array<i32>} : memref<128x128xf32, #tpu.memory_space<vmem>>, vector<1x16xf32>,
        %swap3A_2126 = vector.shape_cast %swap3A_2125 : vector<1x16xf32> to vector<16xf32>
        %swap3A_2127 = vector.shape_cast %mul3A_2118 : vector<16xf32> to vector<1x16xf32>
        tpu.vector_store %arg11[%swap3A_2123, %swap3A_2124], %swap3A_2127 {strides = array<i32>} : memref<128x128xf32, #tpu.memory_space<vmem>>, vector<1x16xf32>,
        %slice3A_2128 = vector.extract_strided_slice %get3A_73 {offsets = [14], sizes = [1], strides = [1]} : vector<16xf32> to vector<1xf32>
        %squeeze3A_2129 = vector.extract %slice3A_2128[0] : f32 from vector<1xf32>
        %broadcast_in_dim3A_2130 = vector.broadcast %squeeze3A_2129 : f32 to vector<16xf32>
        %mul3A_2131 = arith.constant 16 : i32
        %mul3A_2132 = arith.muli %scan3A_69, %mul3A_2131 : i32
        %add3A_2133 = arith.constant 14 : i32
        %add3A_2134 = arith.addi %mul3A_2132, %add3A_2133 : i32
        %get3A_2135 = arith.index_cast %add3A_2134 : i32 to index
        %get3A_2136 = arith.constant 0 : index
        %get3A_2137 = tpu.vector_load %arg11[%get3A_2135, %get3A_2136] {strides = array<i32>} : memref<128x128xf32, #tpu.memory_space<vmem>>, vector<1x16xf32>,
        %get3A_2138 = vector.shape_cast %get3A_2137 : vector<1x16xf32> to vector<16xf32>
        %mul3A_2139 = arith.mulf %get3A_2138, %broadcast_in_dim3A_2130 : vector<16xf32>
        %mul3A_2140 = arith.constant 16 : i32
        %mul3A_2141 = arith.muli %scan3A_69, %mul3A_2140 : i32
        %add3A_2142 = arith.constant 14 : i32
        %add3A_2143 = arith.addi %mul3A_2141, %add3A_2142 : i32
        %swap3A_2144 = arith.index_cast %add3A_2143 : i32 to index
        %swap3A_2145 = arith.constant 0 : index
        %swap3A_2146 = tpu.vector_load %arg11[%swap3A_2144, %swap3A_2145] {strides = array<i32>} : memref<128x128xf32, #tpu.memory_space<vmem>>, vector<1x16xf32>,
        %swap3A_2147 = vector.shape_cast %swap3A_2146 : vector<1x16xf32> to vector<16xf32>
        %swap3A_2148 = vector.shape_cast %mul3A_2139 : vector<16xf32> to vector<1x16xf32>
        tpu.vector_store %arg11[%swap3A_2144, %swap3A_2145], %swap3A_2148 {strides = array<i32>} : memref<128x128xf32, #tpu.memory_space<vmem>>, vector<1x16xf32>,
        %mul3A_2149 = arith.constant 16 : i32
        %mul3A_2150 = arith.muli %scan3A_69, %mul3A_2149 : i32
        %add3A_2151 = arith.constant 14 : i32
        %add3A_2152 = arith.addi %mul3A_2150, %add3A_2151 : i32
        %get3A_2153 = arith.index_cast %add3A_2152 : i32 to index
        %get3A_2154 = arith.constant 16 : index
        %get3A_2155 = tpu.vector_load %arg11[%get3A_2153, %get3A_2154] {strides = array<i32>} : memref<128x128xf32, #tpu.memory_space<vmem>>, vector<1x16xf32>,
        %get3A_2156 = vector.shape_cast %get3A_2155 : vector<1x16xf32> to vector<16xf32>
        %mul3A_2157 = arith.mulf %get3A_2156, %broadcast_in_dim3A_2130 : vector<16xf32>
        %mul3A_2158 = arith.constant 16 : i32
        %mul3A_2159 = arith.muli %scan3A_69, %mul3A_2158 : i32
        %add3A_2160 = arith.constant 14 : i32
        %add3A_2161 = arith.addi %mul3A_2159, %add3A_2160 : i32
        %swap3A_2162 = arith.index_cast %add3A_2161 : i32 to index
        %swap3A_2163 = arith.constant 16 : index
        %swap3A_2164 = tpu.vector_load %arg11[%swap3A_2162, %swap3A_2163] {strides = array<i32>} : memref<128x128xf32, #tpu.memory_space<vmem>>, vector<1x16xf32>,
        %swap3A_2165 = vector.shape_cast %swap3A_2164 : vector<1x16xf32> to vector<16xf32>
        %swap3A_2166 = vector.shape_cast %mul3A_2157 : vector<16xf32> to vector<1x16xf32>
        tpu.vector_store %arg11[%swap3A_2162, %swap3A_2163], %swap3A_2166 {strides = array<i32>} : memref<128x128xf32, #tpu.memory_space<vmem>>, vector<1x16xf32>,
        %mul3A_2167 = arith.constant 16 : i32
        %mul3A_2168 = arith.muli %scan3A_69, %mul3A_2167 : i32
        %add3A_2169 = arith.constant 14 : i32
        %add3A_2170 = arith.addi %mul3A_2168, %add3A_2169 : i32
        %get3A_2171 = arith.index_cast %add3A_2170 : i32 to index
        %get3A_2172 = arith.constant 32 : index
        %get3A_2173 = tpu.vector_load %arg11[%get3A_2171, %get3A_2172] {strides = array<i32>} : memref<128x128xf32, #tpu.memory_space<vmem>>, vector<1x16xf32>,
        %get3A_2174 = vector.shape_cast %get3A_2173 : vector<1x16xf32> to vector<16xf32>
        %mul3A_2175 = arith.mulf %get3A_2174, %broadcast_in_dim3A_2130 : vector<16xf32>
        %mul3A_2176 = arith.constant 16 : i32
        %mul3A_2177 = arith.muli %scan3A_69, %mul3A_2176 : i32
        %add3A_2178 = arith.constant 14 : i32
        %add3A_2179 = arith.addi %mul3A_2177, %add3A_2178 : i32
        %swap3A_2180 = arith.index_cast %add3A_2179 : i32 to index
        %swap3A_2181 = arith.constant 32 : index
        %swap3A_2182 = tpu.vector_load %arg11[%swap3A_2180, %swap3A_2181] {strides = array<i32>} : memref<128x128xf32, #tpu.memory_space<vmem>>, vector<1x16xf32>,
        %swap3A_2183 = vector.shape_cast %swap3A_2182 : vector<1x16xf32> to vector<16xf32>
        %swap3A_2184 = vector.shape_cast %mul3A_2175 : vector<16xf32> to vector<1x16xf32>
        tpu.vector_store %arg11[%swap3A_2180, %swap3A_2181], %swap3A_2184 {strides = array<i32>} : memref<128x128xf32, #tpu.memory_space<vmem>>, vector<1x16xf32>,
        %mul3A_2185 = arith.constant 16 : i32
        %mul3A_2186 = arith.muli %scan3A_69, %mul3A_2185 : i32
        %add3A_2187 = arith.constant 14 : i32
        %add3A_2188 = arith.addi %mul3A_2186, %add3A_2187 : i32
        %get3A_2189 = arith.index_cast %add3A_2188 : i32 to index
        %get3A_2190 = arith.constant 48 : index
        %get3A_2191 = tpu.vector_load %arg11[%get3A_2189, %get3A_2190] {strides = array<i32>} : memref<128x128xf32, #tpu.memory_space<vmem>>, vector<1x16xf32>,
        %get3A_2192 = vector.shape_cast %get3A_2191 : vector<1x16xf32> to vector<16xf32>
        %mul3A_2193 = arith.mulf %get3A_2192, %broadcast_in_dim3A_2130 : vector<16xf32>
        %mul3A_2194 = arith.constant 16 : i32
        %mul3A_2195 = arith.muli %scan3A_69, %mul3A_2194 : i32
        %add3A_2196 = arith.constant 14 : i32
        %add3A_2197 = arith.addi %mul3A_2195, %add3A_2196 : i32
        %swap3A_2198 = arith.index_cast %add3A_2197 : i32 to index
        %swap3A_2199 = arith.constant 48 : index
        %swap3A_2200 = tpu.vector_load %arg11[%swap3A_2198, %swap3A_2199] {strides = array<i32>} : memref<128x128xf32, #tpu.memory_space<vmem>>, vector<1x16xf32>,
        %swap3A_2201 = vector.shape_cast %swap3A_2200 : vector<1x16xf32> to vector<16xf32>
        %swap3A_2202 = vector.shape_cast %mul3A_2193 : vector<16xf32> to vector<1x16xf32>
        tpu.vector_store %arg11[%swap3A_2198, %swap3A_2199], %swap3A_2202 {strides = array<i32>} : memref<128x128xf32, #tpu.memory_space<vmem>>, vector<1x16xf32>,
        %mul3A_2203 = arith.constant 16 : i32
        %mul3A_2204 = arith.muli %scan3A_69, %mul3A_2203 : i32
        %add3A_2205 = arith.constant 14 : i32
        %add3A_2206 = arith.addi %mul3A_2204, %add3A_2205 : i32
        %get3A_2207 = arith.index_cast %add3A_2206 : i32 to index
        %get3A_2208 = arith.constant 64 : index
        %get3A_2209 = tpu.vector_load %arg11[%get3A_2207, %get3A_2208] {strides = array<i32>} : memref<128x128xf32, #tpu.memory_space<vmem>>, vector<1x16xf32>,
        %get3A_2210 = vector.shape_cast %get3A_2209 : vector<1x16xf32> to vector<16xf32>
        %mul3A_2211 = arith.mulf %get3A_2210, %broadcast_in_dim3A_2130 : vector<16xf32>
        %mul3A_2212 = arith.constant 16 : i32
        %mul3A_2213 = arith.muli %scan3A_69, %mul3A_2212 : i32
        %add3A_2214 = arith.constant 14 : i32
        %add3A_2215 = arith.addi %mul3A_2213, %add3A_2214 : i32
        %swap3A_2216 = arith.index_cast %add3A_2215 : i32 to index
        %swap3A_2217 = arith.constant 64 : index
        %swap3A_2218 = tpu.vector_load %arg11[%swap3A_2216, %swap3A_2217] {strides = array<i32>} : memref<128x128xf32, #tpu.memory_space<vmem>>, vector<1x16xf32>,
        %swap3A_2219 = vector.shape_cast %swap3A_2218 : vector<1x16xf32> to vector<16xf32>
        %swap3A_2220 = vector.shape_cast %mul3A_2211 : vector<16xf32> to vector<1x16xf32>
        tpu.vector_store %arg11[%swap3A_2216, %swap3A_2217], %swap3A_2220 {strides = array<i32>} : memref<128x128xf32, #tpu.memory_space<vmem>>, vector<1x16xf32>,
        %mul3A_2221 = arith.constant 16 : i32
        %mul3A_2222 = arith.muli %scan3A_69, %mul3A_2221 : i32
        %add3A_2223 = arith.constant 14 : i32
        %add3A_2224 = arith.addi %mul3A_2222, %add3A_2223 : i32
        %get3A_2225 = arith.index_cast %add3A_2224 : i32 to index
        %get3A_2226 = arith.constant 80 : index
        %get3A_2227 = tpu.vector_load %arg11[%get3A_2225, %get3A_2226] {strides = array<i32>} : memref<128x128xf32, #tpu.memory_space<vmem>>, vector<1x16xf32>,
        %get3A_2228 = vector.shape_cast %get3A_2227 : vector<1x16xf32> to vector<16xf32>
        %mul3A_2229 = arith.mulf %get3A_2228, %broadcast_in_dim3A_2130 : vector<16xf32>
        %mul3A_2230 = arith.constant 16 : i32
        %mul3A_2231 = arith.muli %scan3A_69, %mul3A_2230 : i32
        %add3A_2232 = arith.constant 14 : i32
        %add3A_2233 = arith.addi %mul3A_2231, %add3A_2232 : i32
        %swap3A_2234 = arith.index_cast %add3A_2233 : i32 to index
        %swap3A_2235 = arith.constant 80 : index
        %swap3A_2236 = tpu.vector_load %arg11[%swap3A_2234, %swap3A_2235] {strides = array<i32>} : memref<128x128xf32, #tpu.memory_space<vmem>>, vector<1x16xf32>,
        %swap3A_2237 = vector.shape_cast %swap3A_2236 : vector<1x16xf32> to vector<16xf32>
        %swap3A_2238 = vector.shape_cast %mul3A_2229 : vector<16xf32> to vector<1x16xf32>
        tpu.vector_store %arg11[%swap3A_2234, %swap3A_2235], %swap3A_2238 {strides = array<i32>} : memref<128x128xf32, #tpu.memory_space<vmem>>, vector<1x16xf32>,
        %mul3A_2239 = arith.constant 16 : i32
        %mul3A_2240 = arith.muli %scan3A_69, %mul3A_2239 : i32
        %add3A_2241 = arith.constant 14 : i32
        %add3A_2242 = arith.addi %mul3A_2240, %add3A_2241 : i32
        %get3A_2243 = arith.index_cast %add3A_2242 : i32 to index
        %get3A_2244 = arith.constant 96 : index
        %get3A_2245 = tpu.vector_load %arg11[%get3A_2243, %get3A_2244] {strides = array<i32>} : memref<128x128xf32, #tpu.memory_space<vmem>>, vector<1x16xf32>,
        %get3A_2246 = vector.shape_cast %get3A_2245 : vector<1x16xf32> to vector<16xf32>
        %mul3A_2247 = arith.mulf %get3A_2246, %broadcast_in_dim3A_2130 : vector<16xf32>
        %mul3A_2248 = arith.constant 16 : i32
        %mul3A_2249 = arith.muli %scan3A_69, %mul3A_2248 : i32
        %add3A_2250 = arith.constant 14 : i32
        %add3A_2251 = arith.addi %mul3A_2249, %add3A_2250 : i32
        %swap3A_2252 = arith.index_cast %add3A_2251 : i32 to index
        %swap3A_2253 = arith.constant 96 : index
        %swap3A_2254 = tpu.vector_load %arg11[%swap3A_2252, %swap3A_2253] {strides = array<i32>} : memref<128x128xf32, #tpu.memory_space<vmem>>, vector<1x16xf32>,
        %swap3A_2255 = vector.shape_cast %swap3A_2254 : vector<1x16xf32> to vector<16xf32>
        %swap3A_2256 = vector.shape_cast %mul3A_2247 : vector<16xf32> to vector<1x16xf32>
        tpu.vector_store %arg11[%swap3A_2252, %swap3A_2253], %swap3A_2256 {strides = array<i32>} : memref<128x128xf32, #tpu.memory_space<vmem>>, vector<1x16xf32>,
        %mul3A_2257 = arith.constant 16 : i32
        %mul3A_2258 = arith.muli %scan3A_69, %mul3A_2257 : i32
        %add3A_2259 = arith.constant 14 : i32
        %add3A_2260 = arith.addi %mul3A_2258, %add3A_2259 : i32
        %get3A_2261 = arith.index_cast %add3A_2260 : i32 to index
        %get3A_2262 = arith.constant 112 : index
        %get3A_2263 = tpu.vector_load %arg11[%get3A_2261, %get3A_2262] {strides = array<i32>} : memref<128x128xf32, #tpu.memory_space<vmem>>, vector<1x16xf32>,
        %get3A_2264 = vector.shape_cast %get3A_2263 : vector<1x16xf32> to vector<16xf32>
        %mul3A_2265 = arith.mulf %get3A_2264, %broadcast_in_dim3A_2130 : vector<16xf32>
        %mul3A_2266 = arith.constant 16 : i32
        %mul3A_2267 = arith.muli %scan3A_69, %mul3A_2266 : i32
        %add3A_2268 = arith.constant 14 : i32
        %add3A_2269 = arith.addi %mul3A_2267, %add3A_2268 : i32
        %swap3A_2270 = arith.index_cast %add3A_2269 : i32 to index
        %swap3A_2271 = arith.constant 112 : index
        %swap3A_2272 = tpu.vector_load %arg11[%swap3A_2270, %swap3A_2271] {strides = array<i32>} : memref<128x128xf32, #tpu.memory_space<vmem>>, vector<1x16xf32>,
        %swap3A_2273 = vector.shape_cast %swap3A_2272 : vector<1x16xf32> to vector<16xf32>
        %swap3A_2274 = vector.shape_cast %mul3A_2265 : vector<16xf32> to vector<1x16xf32>
        tpu.vector_store %arg11[%swap3A_2270, %swap3A_2271], %swap3A_2274 {strides = array<i32>} : memref<128x128xf32, #tpu.memory_space<vmem>>, vector<1x16xf32>,
        %slice3A_2275 = vector.extract_strided_slice %get3A_73 {offsets = [15], sizes = [1], strides = [1]} : vector<16xf32> to vector<1xf32>
        %squeeze3A_2276 = vector.extract %slice3A_2275[0] : f32 from vector<1xf32>
        %broadcast_in_dim3A_2277 = vector.broadcast %squeeze3A_2276 : f32 to vector<16xf32>
        %mul3A_2278 = arith.constant 16 : i32
        %mul3A_2279 = arith.muli %scan3A_69, %mul3A_2278 : i32
        %add3A_2280 = arith.constant 15 : i32
        %add3A_2281 = arith.addi %mul3A_2279, %add3A_2280 : i32
        %get3A_2282 = arith.index_cast %add3A_2281 : i32 to index
        %get3A_2283 = arith.constant 0 : index
        %get3A_2284 = tpu.vector_load %arg11[%get3A_2282, %get3A_2283] {strides = array<i32>} : memref<128x128xf32, #tpu.memory_space<vmem>>, vector<1x16xf32>,
        %get3A_2285 = vector.shape_cast %get3A_2284 : vector<1x16xf32> to vector<16xf32>
        %mul3A_2286 = arith.mulf %get3A_2285, %broadcast_in_dim3A_2277 : vector<16xf32>
        %mul3A_2287 = arith.constant 16 : i32
        %mul3A_2288 = arith.muli %scan3A_69, %mul3A_2287 : i32
        %add3A_2289 = arith.constant 15 : i32
        %add3A_2290 = arith.addi %mul3A_2288, %add3A_2289 : i32
        %swap3A_2291 = arith.index_cast %add3A_2290 : i32 to index
        %swap3A_2292 = arith.constant 0 : index
        %swap3A_2293 = tpu.vector_load %arg11[%swap3A_2291, %swap3A_2292] {strides = array<i32>} : memref<128x128xf32, #tpu.memory_space<vmem>>, vector<1x16xf32>,
        %swap3A_2294 = vector.shape_cast %swap3A_2293 : vector<1x16xf32> to vector<16xf32>
        %swap3A_2295 = vector.shape_cast %mul3A_2286 : vector<16xf32> to vector<1x16xf32>
        tpu.vector_store %arg11[%swap3A_2291, %swap3A_2292], %swap3A_2295 {strides = array<i32>} : memref<128x128xf32, #tpu.memory_space<vmem>>, vector<1x16xf32>,
        %mul3A_2296 = arith.constant 16 : i32
        %mul3A_2297 = arith.muli %scan3A_69, %mul3A_2296 : i32
        %add3A_2298 = arith.constant 15 : i32
        %add3A_2299 = arith.addi %mul3A_2297, %add3A_2298 : i32
        %get3A_2300 = arith.index_cast %add3A_2299 : i32 to index
        %get3A_2301 = arith.constant 16 : index
        %get3A_2302 = tpu.vector_load %arg11[%get3A_2300, %get3A_2301] {strides = array<i32>} : memref<128x128xf32, #tpu.memory_space<vmem>>, vector<1x16xf32>,
        %get3A_2303 = vector.shape_cast %get3A_2302 : vector<1x16xf32> to vector<16xf32>
        %mul3A_2304 = arith.mulf %get3A_2303, %broadcast_in_dim3A_2277 : vector<16xf32>
        %mul3A_2305 = arith.constant 16 : i32
        %mul3A_2306 = arith.muli %scan3A_69, %mul3A_2305 : i32
        %add3A_2307 = arith.constant 15 : i32
        %add3A_2308 = arith.addi %mul3A_2306, %add3A_2307 : i32
        %swap3A_2309 = arith.index_cast %add3A_2308 : i32 to index
        %swap3A_2310 = arith.constant 16 : index
        %swap3A_2311 = tpu.vector_load %arg11[%swap3A_2309, %swap3A_2310] {strides = array<i32>} : memref<128x128xf32, #tpu.memory_space<vmem>>, vector<1x16xf32>,
        %swap3A_2312 = vector.shape_cast %swap3A_2311 : vector<1x16xf32> to vector<16xf32>
        %swap3A_2313 = vector.shape_cast %mul3A_2304 : vector<16xf32> to vector<1x16xf32>
        tpu.vector_store %arg11[%swap3A_2309, %swap3A_2310], %swap3A_2313 {strides = array<i32>} : memref<128x128xf32, #tpu.memory_space<vmem>>, vector<1x16xf32>,
        %mul3A_2314 = arith.constant 16 : i32
        %mul3A_2315 = arith.muli %scan3A_69, %mul3A_2314 : i32
        %add3A_2316 = arith.constant 15 : i32
        %add3A_2317 = arith.addi %mul3A_2315, %add3A_2316 : i32
        %get3A_2318 = arith.index_cast %add3A_2317 : i32 to index
        %get3A_2319 = arith.constant 32 : index
        %get3A_2320 = tpu.vector_load %arg11[%get3A_2318, %get3A_2319] {strides = array<i32>} : memref<128x128xf32, #tpu.memory_space<vmem>>, vector<1x16xf32>,
        %get3A_2321 = vector.shape_cast %get3A_2320 : vector<1x16xf32> to vector<16xf32>
        %mul3A_2322 = arith.mulf %get3A_2321, %broadcast_in_dim3A_2277 : vector<16xf32>
        %mul3A_2323 = arith.constant 16 : i32
        %mul3A_2324 = arith.muli %scan3A_69, %mul3A_2323 : i32
        %add3A_2325 = arith.constant 15 : i32
        %add3A_2326 = arith.addi %mul3A_2324, %add3A_2325 : i32
        %swap3A_2327 = arith.index_cast %add3A_2326 : i32 to index
        %swap3A_2328 = arith.constant 32 : index
        %swap3A_2329 = tpu.vector_load %arg11[%swap3A_2327, %swap3A_2328] {strides = array<i32>} : memref<128x128xf32, #tpu.memory_space<vmem>>, vector<1x16xf32>,
        %swap3A_2330 = vector.shape_cast %swap3A_2329 : vector<1x16xf32> to vector<16xf32>
        %swap3A_2331 = vector.shape_cast %mul3A_2322 : vector<16xf32> to vector<1x16xf32>
        tpu.vector_store %arg11[%swap3A_2327, %swap3A_2328], %swap3A_2331 {strides = array<i32>} : memref<128x128xf32, #tpu.memory_space<vmem>>, vector<1x16xf32>,
        %mul3A_2332 = arith.constant 16 : i32
        %mul3A_2333 = arith.muli %scan3A_69, %mul3A_2332 : i32
        %add3A_2334 = arith.constant 15 : i32
        %add3A_2335 = arith.addi %mul3A_2333, %add3A_2334 : i32
        %get3A_2336 = arith.index_cast %add3A_2335 : i32 to index
        %get3A_2337 = arith.constant 48 : index
        %get3A_2338 = tpu.vector_load %arg11[%get3A_2336, %get3A_2337] {strides = array<i32>} : memref<128x128xf32, #tpu.memory_space<vmem>>, vector<1x16xf32>,
        %get3A_2339 = vector.shape_cast %get3A_2338 : vector<1x16xf32> to vector<16xf32>
        %mul3A_2340 = arith.mulf %get3A_2339, %broadcast_in_dim3A_2277 : vector<16xf32>
        %mul3A_2341 = arith.constant 16 : i32
        %mul3A_2342 = arith.muli %scan3A_69, %mul3A_2341 : i32
        %add3A_2343 = arith.constant 15 : i32
        %add3A_2344 = arith.addi %mul3A_2342, %add3A_2343 : i32
        %swap3A_2345 = arith.index_cast %add3A_2344 : i32 to index
        %swap3A_2346 = arith.constant 48 : index
        %swap3A_2347 = tpu.vector_load %arg11[%swap3A_2345, %swap3A_2346] {strides = array<i32>} : memref<128x128xf32, #tpu.memory_space<vmem>>, vector<1x16xf32>,
        %swap3A_2348 = vector.shape_cast %swap3A_2347 : vector<1x16xf32> to vector<16xf32>
        %swap3A_2349 = vector.shape_cast %mul3A_2340 : vector<16xf32> to vector<1x16xf32>
        tpu.vector_store %arg11[%swap3A_2345, %swap3A_2346], %swap3A_2349 {strides = array<i32>} : memref<128x128xf32, #tpu.memory_space<vmem>>, vector<1x16xf32>,
        %mul3A_2350 = arith.constant 16 : i32
        %mul3A_2351 = arith.muli %scan3A_69, %mul3A_2350 : i32
        %add3A_2352 = arith.constant 15 : i32
        %add3A_2353 = arith.addi %mul3A_2351, %add3A_2352 : i32
        %get3A_2354 = arith.index_cast %add3A_2353 : i32 to index
        %get3A_2355 = arith.constant 64 : index
        %get3A_2356 = tpu.vector_load %arg11[%get3A_2354, %get3A_2355] {strides = array<i32>} : memref<128x128xf32, #tpu.memory_space<vmem>>, vector<1x16xf32>,
        %get3A_2357 = vector.shape_cast %get3A_2356 : vector<1x16xf32> to vector<16xf32>
        %mul3A_2358 = arith.mulf %get3A_2357, %broadcast_in_dim3A_2277 : vector<16xf32>
        %mul3A_2359 = arith.constant 16 : i32
        %mul3A_2360 = arith.muli %scan3A_69, %mul3A_2359 : i32
        %add3A_2361 = arith.constant 15 : i32
        %add3A_2362 = arith.addi %mul3A_2360, %add3A_2361 : i32
        %swap3A_2363 = arith.index_cast %add3A_2362 : i32 to index
        %swap3A_2364 = arith.constant 64 : index
        %swap3A_2365 = tpu.vector_load %arg11[%swap3A_2363, %swap3A_2364] {strides = array<i32>} : memref<128x128xf32, #tpu.memory_space<vmem>>, vector<1x16xf32>,
        %swap3A_2366 = vector.shape_cast %swap3A_2365 : vector<1x16xf32> to vector<16xf32>
        %swap3A_2367 = vector.shape_cast %mul3A_2358 : vector<16xf32> to vector<1x16xf32>
        tpu.vector_store %arg11[%swap3A_2363, %swap3A_2364], %swap3A_2367 {strides = array<i32>} : memref<128x128xf32, #tpu.memory_space<vmem>>, vector<1x16xf32>,
        %mul3A_2368 = arith.constant 16 : i32
        %mul3A_2369 = arith.muli %scan3A_69, %mul3A_2368 : i32
        %add3A_2370 = arith.constant 15 : i32
        %add3A_2371 = arith.addi %mul3A_2369, %add3A_2370 : i32
        %get3A_2372 = arith.index_cast %add3A_2371 : i32 to index
        %get3A_2373 = arith.constant 80 : index
        %get3A_2374 = tpu.vector_load %arg11[%get3A_2372, %get3A_2373] {strides = array<i32>} : memref<128x128xf32, #tpu.memory_space<vmem>>, vector<1x16xf32>,
        %get3A_2375 = vector.shape_cast %get3A_2374 : vector<1x16xf32> to vector<16xf32>
        %mul3A_2376 = arith.mulf %get3A_2375, %broadcast_in_dim3A_2277 : vector<16xf32>
        %mul3A_2377 = arith.constant 16 : i32
        %mul3A_2378 = arith.muli %scan3A_69, %mul3A_2377 : i32
        %add3A_2379 = arith.constant 15 : i32
        %add3A_2380 = arith.addi %mul3A_2378, %add3A_2379 : i32
        %swap3A_2381 = arith.index_cast %add3A_2380 : i32 to index
        %swap3A_2382 = arith.constant 80 : index
        %swap3A_2383 = tpu.vector_load %arg11[%swap3A_2381, %swap3A_2382] {strides = array<i32>} : memref<128x128xf32, #tpu.memory_space<vmem>>, vector<1x16xf32>,
        %swap3A_2384 = vector.shape_cast %swap3A_2383 : vector<1x16xf32> to vector<16xf32>
        %swap3A_2385 = vector.shape_cast %mul3A_2376 : vector<16xf32> to vector<1x16xf32>
        tpu.vector_store %arg11[%swap3A_2381, %swap3A_2382], %swap3A_2385 {strides = array<i32>} : memref<128x128xf32, #tpu.memory_space<vmem>>, vector<1x16xf32>,
        %mul3A_2386 = arith.constant 16 : i32
        %mul3A_2387 = arith.muli %scan3A_69, %mul3A_2386 : i32
        %add3A_2388 = arith.constant 15 : i32
        %add3A_2389 = arith.addi %mul3A_2387, %add3A_2388 : i32
        %get3A_2390 = arith.index_cast %add3A_2389 : i32 to index
        %get3A_2391 = arith.constant 96 : index
        %get3A_2392 = tpu.vector_load %arg11[%get3A_2390, %get3A_2391] {strides = array<i32>} : memref<128x128xf32, #tpu.memory_space<vmem>>, vector<1x16xf32>,
        %get3A_2393 = vector.shape_cast %get3A_2392 : vector<1x16xf32> to vector<16xf32>
        %mul3A_2394 = arith.mulf %get3A_2393, %broadcast_in_dim3A_2277 : vector<16xf32>
        %mul3A_2395 = arith.constant 16 : i32
        %mul3A_2396 = arith.muli %scan3A_69, %mul3A_2395 : i32
        %add3A_2397 = arith.constant 15 : i32
        %add3A_2398 = arith.addi %mul3A_2396, %add3A_2397 : i32
        %swap3A_2399 = arith.index_cast %add3A_2398 : i32 to index
        %swap3A_2400 = arith.constant 96 : index
        %swap3A_2401 = tpu.vector_load %arg11[%swap3A_2399, %swap3A_2400] {strides = array<i32>} : memref<128x128xf32, #tpu.memory_space<vmem>>, vector<1x16xf32>,
        %swap3A_2402 = vector.shape_cast %swap3A_2401 : vector<1x16xf32> to vector<16xf32>
        %swap3A_2403 = vector.shape_cast %mul3A_2394 : vector<16xf32> to vector<1x16xf32>
        tpu.vector_store %arg11[%swap3A_2399, %swap3A_2400], %swap3A_2403 {strides = array<i32>} : memref<128x128xf32, #tpu.memory_space<vmem>>, vector<1x16xf32>,
        %mul3A_2404 = arith.constant 16 : i32
        %mul3A_2405 = arith.muli %scan3A_69, %mul3A_2404 : i32
        %add3A_2406 = arith.constant 15 : i32
        %add3A_2407 = arith.addi %mul3A_2405, %add3A_2406 : i32
        %get3A_2408 = arith.index_cast %add3A_2407 : i32 to index
        %get3A_2409 = arith.constant 112 : index
        %get3A_2410 = tpu.vector_load %arg11[%get3A_2408, %get3A_2409] {strides = array<i32>} : memref<128x128xf32, #tpu.memory_space<vmem>>, vector<1x16xf32>,
        %get3A_2411 = vector.shape_cast %get3A_2410 : vector<1x16xf32> to vector<16xf32>
        %mul3A_2412 = arith.mulf %get3A_2411, %broadcast_in_dim3A_2277 : vector<16xf32>
        %mul3A_2413 = arith.constant 16 : i32
        %mul3A_2414 = arith.muli %scan3A_69, %mul3A_2413 : i32
        %add3A_2415 = arith.constant 15 : i32
        %add3A_2416 = arith.addi %mul3A_2414, %add3A_2415 : i32
        %swap3A_2417 = arith.index_cast %add3A_2416 : i32 to index
        %swap3A_2418 = arith.constant 112 : index
        %swap3A_2419 = tpu.vector_load %arg11[%swap3A_2417, %swap3A_2418] {strides = array<i32>} : memref<128x128xf32, #tpu.memory_space<vmem>>, vector<1x16xf32>,
        %swap3A_2420 = vector.shape_cast %swap3A_2419 : vector<1x16xf32> to vector<16xf32>
        %swap3A_2421 = vector.shape_cast %mul3A_2412 : vector<16xf32> to vector<1x16xf32>
        tpu.vector_store %arg11[%swap3A_2417, %swap3A_2418], %swap3A_2421 {strides = array<i32>} : memref<128x128xf32, #tpu.memory_space<vmem>>, vector<1x16xf32>,
      }
      %scan3A_68 = arith.constant 8 : i32
      "tpu.region"() ({
        %run_scoped3A = tpu.sem_alloc : memref<!tpu.dma_semaphore, #tpu.memory_space<semaphore_mem>>
        %dma_start3A_69 = arith.constant 0 : i32
        %dma_start3A_70 = arith.constant 0 : i32
        %dma_start3A_71 = tpu.memref_slice %arg7[%dma_start3A_69, %dma_start3A_70] : memref<10240x128xf32, #tpu.memory_space<vmem_shared>> -> memref<10240x128xf32, #tpu.memory_space<vmem_shared>>
        tpu.enqueue_indirect_dma source(%arg11 : memref<128x128xf32, #tpu.memory_space<vmem>>) target(%dma_start3A_71 : memref<10240x128xf32, #tpu.memory_space<vmem_shared>>) offsets(%arg9 : memref<128xi32, #tpu.memory_space<vmem>>) semaphore(%run_scoped3A : memref<!tpu.dma_semaphore, #tpu.memory_space<semaphore_mem>>) {add = true}
        %dma_wait3A_72 = arith.constant 0 : i32
        %dma_wait3A_73 = arith.constant 0 : i32
        %dma_wait3A_74 = tpu.memref_slice %arg7[%dma_wait3A_72, %dma_wait3A_73] : memref<10240x128xf32, #tpu.memory_space<vmem_shared>> -> memref<10240x128xf32, #tpu.memory_space<vmem_shared>>
        tpu.wait_indirect_dma semaphore(%run_scoped3A : memref<!tpu.dma_semaphore, #tpu.memory_space<semaphore_mem>>) src(%arg11 : memref<128x128xf32, #tpu.memory_space<vmem>>) dst(%dma_wait3A_74 : memref<10240x128xf32, #tpu.memory_space<vmem_shared>>)
        tpu.yield
      }) : () -> ()
    }
    %scan3A_33 = arith.constant 79 : i32
    %barrier3A_34 = arith.constant 0 : index
    tpu.barrier barrier_id(%barrier3A_34)
    %mul3A_35 = arith.constant 640 : i32
    %mul3A_36 = arith.muli %arg1, %mul3A_35 : i32
    %add3A_37 = arith.constant 0 : i32
    %add3A_38 = arith.addi %mul3A_36, %add3A_37 : i32
    "tpu.region"() ({
      %run_scoped3A = tpu.sem_alloc : memref<!tpu.dma_semaphore, #tpu.memory_space<semaphore_mem>>
      %dma_start3A = arith.constant 0 : i32
      %dma_start3A_55 = tpu.memref_slice %arg6[%arg0, %add3A_38, %dma_start3A] : memref<2x10240x128xf32, #tpu.memory_space<hbm>> -> memref<1x128x128xf32, #tpu.memory_space<hbm>>
      %dma_start3A_56 = tpu.memref_squeeze %dma_start3A_55 : memref<1x128x128xf32, #tpu.memory_space<hbm>> -> memref<128x128xf32, #tpu.memory_space<hbm>>
      %dma_start3A_57 = arith.constant 0 : i32
      %dma_start3A_58 = tpu.memref_slice %arg7[%add3A_38, %dma_start3A_57] : memref<10240x128xf32, #tpu.memory_space<vmem_shared>> -> memref<128x128xf32, #tpu.memory_space<vmem_shared>>
      tpu.enqueue_dma source(%dma_start3A_58 : memref<128x128xf32, #tpu.memory_space<vmem_shared>>) target(%dma_start3A_56 : memref<128x128xf32, #tpu.memory_space<hbm>>) target_semaphore(%run_scoped3A : memref<!tpu.dma_semaphore, #tpu.memory_space<semaphore_mem>>)
      %dma_wait3A = arith.constant 0 : i32
      %dma_wait3A_59 = tpu.memref_slice %arg6[%arg0, %add3A_38, %dma_wait3A] : memref<2x10240x128xf32, #tpu.memory_space<hbm>> -> memref<1x128x128xf32, #tpu.memory_space<hbm>>
      %dma_wait3A_60 = tpu.memref_squeeze %dma_wait3A_59 : memref<1x128x128xf32, #tpu.memory_space<hbm>> -> memref<128x128xf32, #tpu.memory_space<hbm>>
      %dma_wait3A_61 = arith.constant 0 : i32
      %dma_wait3A_62 = tpu.memref_slice %arg7[%add3A_38, %dma_wait3A_61] : memref<10240x128xf32, #tpu.memory_space<vmem_shared>> -> memref<128x128xf32, #tpu.memory_space<vmem_shared>>
      tpu.wait_dma2 semaphore(%run_scoped3A : memref<!tpu.dma_semaphore, #tpu.memory_space<semaphore_mem>>) src(%dma_wait3A_62 : memref<128x128xf32, #tpu.memory_space<vmem_shared>>) dst(%dma_wait3A_60 : memref<128x128xf32, #tpu.memory_space<hbm>>)
      tpu.yield
    }) : () -> ()
    %mul3A_39 = arith.constant 640 : i32
    %mul3A_40 = arith.muli %arg1, %mul3A_39 : i32
    %add3A_41 = arith.constant 128 : i32
    %add3A_42 = arith.addi %mul3A_40, %add3A_41 : i32
    "tpu.region"() ({
      %run_scoped3A = tpu.sem_alloc : memref<!tpu.dma_semaphore, #tpu.memory_space<semaphore_mem>>
      %dma_start3A = arith.constant 0 : i32
      %dma_start3A_55 = tpu.memref_slice %arg6[%arg0, %add3A_42, %dma_start3A] : memref<2x10240x128xf32, #tpu.memory_space<hbm>> -> memref<1x128x128xf32, #tpu.memory_space<hbm>>
      %dma_start3A_56 = tpu.memref_squeeze %dma_start3A_55 : memref<1x128x128xf32, #tpu.memory_space<hbm>> -> memref<128x128xf32, #tpu.memory_space<hbm>>
      %dma_start3A_57 = arith.constant 0 : i32
      %dma_start3A_58 = tpu.memref_slice %arg7[%add3A_42, %dma_start3A_57] : memref<10240x128xf32, #tpu.memory_space<vmem_shared>> -> memref<128x128xf32, #tpu.memory_space<vmem_shared>>
      tpu.enqueue_dma source(%dma_start3A_58 : memref<128x128xf32, #tpu.memory_space<vmem_shared>>) target(%dma_start3A_56 : memref<128x128xf32, #tpu.memory_space<hbm>>) target_semaphore(%run_scoped3A : memref<!tpu.dma_semaphore, #tpu.memory_space<semaphore_mem>>)
      %dma_wait3A = arith.constant 0 : i32
      %dma_wait3A_59 = tpu.memref_slice %arg6[%arg0, %add3A_42, %dma_wait3A] : memref<2x10240x128xf32, #tpu.memory_space<hbm>> -> memref<1x128x128xf32, #tpu.memory_space<hbm>>
      %dma_wait3A_60 = tpu.memref_squeeze %dma_wait3A_59 : memref<1x128x128xf32, #tpu.memory_space<hbm>> -> memref<128x128xf32, #tpu.memory_space<hbm>>
      %dma_wait3A_61 = arith.constant 0 : i32
      %dma_wait3A_62 = tpu.memref_slice %arg7[%add3A_42, %dma_wait3A_61] : memref<10240x128xf32, #tpu.memory_space<vmem_shared>> -> memref<128x128xf32, #tpu.memory_space<vmem_shared>>
      tpu.wait_dma2 semaphore(%run_scoped3A : memref<!tpu.dma_semaphore, #tpu.memory_space<semaphore_mem>>) src(%dma_wait3A_62 : memref<128x128xf32, #tpu.memory_space<vmem_shared>>) dst(%dma_wait3A_60 : memref<128x128xf32, #tpu.memory_space<hbm>>)
      tpu.yield
    }) : () -> ()
    %mul3A_43 = arith.constant 640 : i32
    %mul3A_44 = arith.muli %arg1, %mul3A_43 : i32
    %add3A_45 = arith.constant 256 : i32
    %add3A_46 = arith.addi %mul3A_44, %add3A_45 : i32
    "tpu.region"() ({
      %run_scoped3A = tpu.sem_alloc : memref<!tpu.dma_semaphore, #tpu.memory_space<semaphore_mem>>
      %dma_start3A = arith.constant 0 : i32
      %dma_start3A_55 = tpu.memref_slice %arg6[%arg0, %add3A_46, %dma_start3A] : memref<2x10240x128xf32, #tpu.memory_space<hbm>> -> memref<1x128x128xf32, #tpu.memory_space<hbm>>
      %dma_start3A_56 = tpu.memref_squeeze %dma_start3A_55 : memref<1x128x128xf32, #tpu.memory_space<hbm>> -> memref<128x128xf32, #tpu.memory_space<hbm>>
      %dma_start3A_57 = arith.constant 0 : i32
      %dma_start3A_58 = tpu.memref_slice %arg7[%add3A_46, %dma_start3A_57] : memref<10240x128xf32, #tpu.memory_space<vmem_shared>> -> memref<128x128xf32, #tpu.memory_space<vmem_shared>>
      tpu.enqueue_dma source(%dma_start3A_58 : memref<128x128xf32, #tpu.memory_space<vmem_shared>>) target(%dma_start3A_56 : memref<128x128xf32, #tpu.memory_space<hbm>>) target_semaphore(%run_scoped3A : memref<!tpu.dma_semaphore, #tpu.memory_space<semaphore_mem>>)
      %dma_wait3A = arith.constant 0 : i32
      %dma_wait3A_59 = tpu.memref_slice %arg6[%arg0, %add3A_46, %dma_wait3A] : memref<2x10240x128xf32, #tpu.memory_space<hbm>> -> memref<1x128x128xf32, #tpu.memory_space<hbm>>
      %dma_wait3A_60 = tpu.memref_squeeze %dma_wait3A_59 : memref<1x128x128xf32, #tpu.memory_space<hbm>> -> memref<128x128xf32, #tpu.memory_space<hbm>>
      %dma_wait3A_61 = arith.constant 0 : i32
      %dma_wait3A_62 = tpu.memref_slice %arg7[%add3A_46, %dma_wait3A_61] : memref<10240x128xf32, #tpu.memory_space<vmem_shared>> -> memref<128x128xf32, #tpu.memory_space<vmem_shared>>
      tpu.wait_dma2 semaphore(%run_scoped3A : memref<!tpu.dma_semaphore, #tpu.memory_space<semaphore_mem>>) src(%dma_wait3A_62 : memref<128x128xf32, #tpu.memory_space<vmem_shared>>) dst(%dma_wait3A_60 : memref<128x128xf32, #tpu.memory_space<hbm>>)
      tpu.yield
    }) : () -> ()
    %mul3A_47 = arith.constant 640 : i32
    %mul3A_48 = arith.muli %arg1, %mul3A_47 : i32
    %add3A_49 = arith.constant 384 : i32
    %add3A_50 = arith.addi %mul3A_48, %add3A_49 : i32
    "tpu.region"() ({
      %run_scoped3A = tpu.sem_alloc : memref<!tpu.dma_semaphore, #tpu.memory_space<semaphore_mem>>
      %dma_start3A = arith.constant 0 : i32
      %dma_start3A_55 = tpu.memref_slice %arg6[%arg0, %add3A_50, %dma_start3A] : memref<2x10240x128xf32, #tpu.memory_space<hbm>> -> memref<1x128x128xf32, #tpu.memory_space<hbm>>
      %dma_start3A_56 = tpu.memref_squeeze %dma_start3A_55 : memref<1x128x128xf32, #tpu.memory_space<hbm>> -> memref<128x128xf32, #tpu.memory_space<hbm>>
      %dma_start3A_57 = arith.constant 0 : i32
      %dma_start3A_58 = tpu.memref_slice %arg7[%add3A_50, %dma_start3A_57] : memref<10240x128xf32, #tpu.memory_space<vmem_shared>> -> memref<128x128xf32, #tpu.memory_space<vmem_shared>>
      tpu.enqueue_dma source(%dma_start3A_58 : memref<128x128xf32, #tpu.memory_space<vmem_shared>>) target(%dma_start3A_56 : memref<128x128xf32, #tpu.memory_space<hbm>>) target_semaphore(%run_scoped3A : memref<!tpu.dma_semaphore, #tpu.memory_space<semaphore_mem>>)
      %dma_wait3A = arith.constant 0 : i32
      %dma_wait3A_59 = tpu.memref_slice %arg6[%arg0, %add3A_50, %dma_wait3A] : memref<2x10240x128xf32, #tpu.memory_space<hbm>> -> memref<1x128x128xf32, #tpu.memory_space<hbm>>
      %dma_wait3A_60 = tpu.memref_squeeze %dma_wait3A_59 : memref<1x128x128xf32, #tpu.memory_space<hbm>> -> memref<128x128xf32, #tpu.memory_space<hbm>>
      %dma_wait3A_61 = arith.constant 0 : i32
      %dma_wait3A_62 = tpu.memref_slice %arg7[%add3A_50, %dma_wait3A_61] : memref<10240x128xf32, #tpu.memory_space<vmem_shared>> -> memref<128x128xf32, #tpu.memory_space<vmem_shared>>
      tpu.wait_dma2 semaphore(%run_scoped3A : memref<!tpu.dma_semaphore, #tpu.memory_space<semaphore_mem>>) src(%dma_wait3A_62 : memref<128x128xf32, #tpu.memory_space<vmem_shared>>) dst(%dma_wait3A_60 : memref<128x128xf32, #tpu.memory_space<hbm>>)
      tpu.yield
    }) : () -> ()
    %mul3A_51 = arith.constant 640 : i32
    %mul3A_52 = arith.muli %arg1, %mul3A_51 : i32
    %add3A_53 = arith.constant 512 : i32
    %add3A_54 = arith.addi %mul3A_52, %add3A_53 : i32
    "tpu.region"() ({
      %run_scoped3A = tpu.sem_alloc : memref<!tpu.dma_semaphore, #tpu.memory_space<semaphore_mem>>
      %dma_start3A = arith.constant 0 : i32
      %dma_start3A_55 = tpu.memref_slice %arg6[%arg0, %add3A_54, %dma_start3A] : memref<2x10240x128xf32, #tpu.memory_space<hbm>> -> memref<1x128x128xf32, #tpu.memory_space<hbm>>
      %dma_start3A_56 = tpu.memref_squeeze %dma_start3A_55 : memref<1x128x128xf32, #tpu.memory_space<hbm>> -> memref<128x128xf32, #tpu.memory_space<hbm>>
      %dma_start3A_57 = arith.constant 0 : i32
      %dma_start3A_58 = tpu.memref_slice %arg7[%add3A_54, %dma_start3A_57] : memref<10240x128xf32, #tpu.memory_space<vmem_shared>> -> memref<128x128xf32, #tpu.memory_space<vmem_shared>>
      tpu.enqueue_dma source(%dma_start3A_58 : memref<128x128xf32, #tpu.memory_space<vmem_shared>>) target(%dma_start3A_56 : memref<128x128xf32, #tpu.memory_space<hbm>>) target_semaphore(%run_scoped3A : memref<!tpu.dma_semaphore, #tpu.memory_space<semaphore_mem>>)
      %dma_wait3A = arith.constant 0 : i32
      %dma_wait3A_59 = tpu.memref_slice %arg6[%arg0, %add3A_54, %dma_wait3A] : memref<2x10240x128xf32, #tpu.memory_space<hbm>> -> memref<1x128x128xf32, #tpu.memory_space<hbm>>
      %dma_wait3A_60 = tpu.memref_squeeze %dma_wait3A_59 : memref<1x128x128xf32, #tpu.memory_space<hbm>> -> memref<128x128xf32, #tpu.memory_space<hbm>>
      %dma_wait3A_61 = arith.constant 0 : i32
      %dma_wait3A_62 = tpu.memref_slice %arg7[%add3A_54, %dma_wait3A_61] : memref<10240x128xf32, #tpu.memory_space<vmem_shared>> -> memref<128x128xf32, #tpu.memory_space<vmem_shared>>
      tpu.wait_dma2 semaphore(%run_scoped3A : memref<!tpu.dma_semaphore, #tpu.memory_space<semaphore_mem>>) src(%dma_wait3A_62 : memref<128x128xf32, #tpu.memory_space<vmem_shared>>) dst(%dma_wait3A_60 : memref<128x128xf32, #tpu.memory_space<hbm>>)
      tpu.yield
    }) : () -> ()
    return
  }
}

#map = affine_map<(d0, d1) -> (0)>
#map1 = affine_map<(d0, d1) -> (0, 0)>
#map2 = affine_map<(d0, d1) -> (0, 0, 0)>
module attributes {stable_mosaic.version = 14 : i64} {
  func.func @edge_kernel(%arg0: i32, %arg1: i32, %arg2: memref<323584xi32, #tpu.memory_space<hbm>>, %arg3: memref<323584xi32, #tpu.memory_space<hbm>>, %arg4: memref<323584xf32, #tpu.memory_space<hbm>>, %arg5: memref<10000x64xf32, #tpu.memory_space<hbm>>, %arg6: memref<2x10240x64xf32, #tpu.memory_space<hbm>>, %arg7: memref<10240x64xf32, #tpu.memory_space<vmem_shared>>, %arg8: memref<128xi32, #tpu.memory_space<vmem>>, %arg9: memref<128xi32, #tpu.memory_space<vmem>>, %arg10: memref<128xf32, #tpu.memory_space<vmem>>, %arg11: memref<128x64xf32, #tpu.memory_space<vmem>>, %arg12: memref<!tpu.dma_semaphore, #tpu.memory_space<semaphore_mem>>) attributes {dimension_semantics = [#tpu.dimension_semantics<core_parallel>, #tpu.dimension_semantics<subcore_parallel>], iteration_bounds = array<i64: 2, 16>, scalar_prefetch = 0 : i64, scratch_operands = 6 : i64, tpu.core_type = #tpu.core_type<sc_vector_subcore>, window_params = [{transform_indices = #map}, {transform_indices = #map}, {transform_indices = #map}, {transform_indices = #map1}, {transform_indices = #map2}]} {
    %mul3A = arith.constant 2 : i32
    %mul3A_0 = arith.muli %arg1, %mul3A : i32
    %add3A = arith.addi %mul3A_0, %arg0 : i32
    %scan3A = arith.constant 0 : i32
    %scan3A_1 = arith.constant 0 : i32
    %scan3A_2 = arith.constant 128 : i32
    %scan3A_3 = arith.addi %scan3A_1, %scan3A_2 : i32
    %scan3A_4 = arith.constant 1 : i32
    scf.for %scan3A_55 = %scan3A_1 to %scan3A_3 step %scan3A_4  : i32 {
      %broadcast_in_dim3A = arith.constant 0.000000e+00 : f32
      %broadcast_in_dim3A_56 = vector.broadcast %broadcast_in_dim3A : f32 to vector<16xf32>
      %swap3A = arith.index_cast %scan3A_55 : i32 to index
      %swap3A_57 = arith.constant 0 : index
      %swap3A_58 = tpu.vector_load %arg11[%swap3A, %swap3A_57] {strides = array<i32>} : memref<128x64xf32, #tpu.memory_space<vmem>>, vector<1x16xf32>,
      %swap3A_59 = vector.shape_cast %swap3A_58 : vector<1x16xf32> to vector<16xf32>
      %swap3A_60 = vector.shape_cast %broadcast_in_dim3A_56 : vector<16xf32> to vector<1x16xf32>
      tpu.vector_store %arg11[%swap3A, %swap3A_57], %swap3A_60 {strides = array<i32>} : memref<128x64xf32, #tpu.memory_space<vmem>>, vector<1x16xf32>,
      %broadcast_in_dim3A_61 = arith.constant 0.000000e+00 : f32
      %broadcast_in_dim3A_62 = vector.broadcast %broadcast_in_dim3A_61 : f32 to vector<16xf32>
      %swap3A_63 = arith.index_cast %scan3A_55 : i32 to index
      %swap3A_64 = arith.constant 16 : index
      %swap3A_65 = tpu.vector_load %arg11[%swap3A_63, %swap3A_64] {strides = array<i32>} : memref<128x64xf32, #tpu.memory_space<vmem>>, vector<1x16xf32>,
      %swap3A_66 = vector.shape_cast %swap3A_65 : vector<1x16xf32> to vector<16xf32>
      %swap3A_67 = vector.shape_cast %broadcast_in_dim3A_62 : vector<16xf32> to vector<1x16xf32>
      tpu.vector_store %arg11[%swap3A_63, %swap3A_64], %swap3A_67 {strides = array<i32>} : memref<128x64xf32, #tpu.memory_space<vmem>>, vector<1x16xf32>,
      %broadcast_in_dim3A_68 = arith.constant 0.000000e+00 : f32
      %broadcast_in_dim3A_69 = vector.broadcast %broadcast_in_dim3A_68 : f32 to vector<16xf32>
      %swap3A_70 = arith.index_cast %scan3A_55 : i32 to index
      %swap3A_71 = arith.constant 32 : index
      %swap3A_72 = tpu.vector_load %arg11[%swap3A_70, %swap3A_71] {strides = array<i32>} : memref<128x64xf32, #tpu.memory_space<vmem>>, vector<1x16xf32>,
      %swap3A_73 = vector.shape_cast %swap3A_72 : vector<1x16xf32> to vector<16xf32>
      %swap3A_74 = vector.shape_cast %broadcast_in_dim3A_69 : vector<16xf32> to vector<1x16xf32>
      tpu.vector_store %arg11[%swap3A_70, %swap3A_71], %swap3A_74 {strides = array<i32>} : memref<128x64xf32, #tpu.memory_space<vmem>>, vector<1x16xf32>,
      %broadcast_in_dim3A_75 = arith.constant 0.000000e+00 : f32
      %broadcast_in_dim3A_76 = vector.broadcast %broadcast_in_dim3A_75 : f32 to vector<16xf32>
      %swap3A_77 = arith.index_cast %scan3A_55 : i32 to index
      %swap3A_78 = arith.constant 48 : index
      %swap3A_79 = tpu.vector_load %arg11[%swap3A_77, %swap3A_78] {strides = array<i32>} : memref<128x64xf32, #tpu.memory_space<vmem>>, vector<1x16xf32>,
      %swap3A_80 = vector.shape_cast %swap3A_79 : vector<1x16xf32> to vector<16xf32>
      %swap3A_81 = vector.shape_cast %broadcast_in_dim3A_76 : vector<16xf32> to vector<1x16xf32>
      tpu.vector_store %arg11[%swap3A_77, %swap3A_78], %swap3A_81 {strides = array<i32>} : memref<128x64xf32, #tpu.memory_space<vmem>>, vector<1x16xf32>,
    }
    %scan3A_5 = arith.constant 128 : i32
    %mul3A_6 = arith.constant 640 : i32
    %mul3A_7 = arith.muli %arg1, %mul3A_6 : i32
    %add3A_8 = arith.constant 0 : i32
    %add3A_9 = arith.addi %mul3A_7, %add3A_8 : i32
    "tpu.region"() ({
      %run_scoped3A = tpu.sem_alloc : memref<!tpu.dma_semaphore, #tpu.memory_space<semaphore_mem>>
      %dma_start3A = arith.constant 0 : i32
      %dma_start3A_55 = tpu.memref_slice %arg7[%add3A_9, %dma_start3A] : memref<10240x64xf32, #tpu.memory_space<vmem_shared>> -> memref<128x64xf32, #tpu.memory_space<vmem_shared>>
      %dma_start3A_56 = arith.constant 0 : i32
      %dma_start3A_57 = tpu.memref_slice %arg7[%add3A_9, %dma_start3A_56] : memref<10240x64xf32, #tpu.memory_space<vmem_shared>> -> memref<128x64xf32, #tpu.memory_space<vmem_shared>>
      tpu.enqueue_dma source(%arg11 : memref<128x64xf32, #tpu.memory_space<vmem>>) target(%dma_start3A_57 : memref<128x64xf32, #tpu.memory_space<vmem_shared>>) target_semaphore(%run_scoped3A : memref<!tpu.dma_semaphore, #tpu.memory_space<semaphore_mem>>)
      %dma_wait3A = arith.constant 0 : i32
      %dma_wait3A_58 = tpu.memref_slice %arg7[%add3A_9, %dma_wait3A] : memref<10240x64xf32, #tpu.memory_space<vmem_shared>> -> memref<128x64xf32, #tpu.memory_space<vmem_shared>>
      %dma_wait3A_59 = arith.constant 0 : i32
      %dma_wait3A_60 = tpu.memref_slice %arg7[%add3A_9, %dma_wait3A_59] : memref<10240x64xf32, #tpu.memory_space<vmem_shared>> -> memref<128x64xf32, #tpu.memory_space<vmem_shared>>
      tpu.wait_dma2 semaphore(%run_scoped3A : memref<!tpu.dma_semaphore, #tpu.memory_space<semaphore_mem>>) src(%arg11 : memref<128x64xf32, #tpu.memory_space<vmem>>) dst(%dma_wait3A_60 : memref<128x64xf32, #tpu.memory_space<vmem_shared>>)
      tpu.yield
    }) : () -> ()
    %mul3A_10 = arith.constant 640 : i32
    %mul3A_11 = arith.muli %arg1, %mul3A_10 : i32
    %add3A_12 = arith.constant 128 : i32
    %add3A_13 = arith.addi %mul3A_11, %add3A_12 : i32
    "tpu.region"() ({
      %run_scoped3A = tpu.sem_alloc : memref<!tpu.dma_semaphore, #tpu.memory_space<semaphore_mem>>
      %dma_start3A = arith.constant 0 : i32
      %dma_start3A_55 = tpu.memref_slice %arg7[%add3A_13, %dma_start3A] : memref<10240x64xf32, #tpu.memory_space<vmem_shared>> -> memref<128x64xf32, #tpu.memory_space<vmem_shared>>
      %dma_start3A_56 = arith.constant 0 : i32
      %dma_start3A_57 = tpu.memref_slice %arg7[%add3A_13, %dma_start3A_56] : memref<10240x64xf32, #tpu.memory_space<vmem_shared>> -> memref<128x64xf32, #tpu.memory_space<vmem_shared>>
      tpu.enqueue_dma source(%arg11 : memref<128x64xf32, #tpu.memory_space<vmem>>) target(%dma_start3A_57 : memref<128x64xf32, #tpu.memory_space<vmem_shared>>) target_semaphore(%run_scoped3A : memref<!tpu.dma_semaphore, #tpu.memory_space<semaphore_mem>>)
      %dma_wait3A = arith.constant 0 : i32
      %dma_wait3A_58 = tpu.memref_slice %arg7[%add3A_13, %dma_wait3A] : memref<10240x64xf32, #tpu.memory_space<vmem_shared>> -> memref<128x64xf32, #tpu.memory_space<vmem_shared>>
      %dma_wait3A_59 = arith.constant 0 : i32
      %dma_wait3A_60 = tpu.memref_slice %arg7[%add3A_13, %dma_wait3A_59] : memref<10240x64xf32, #tpu.memory_space<vmem_shared>> -> memref<128x64xf32, #tpu.memory_space<vmem_shared>>
      tpu.wait_dma2 semaphore(%run_scoped3A : memref<!tpu.dma_semaphore, #tpu.memory_space<semaphore_mem>>) src(%arg11 : memref<128x64xf32, #tpu.memory_space<vmem>>) dst(%dma_wait3A_60 : memref<128x64xf32, #tpu.memory_space<vmem_shared>>)
      tpu.yield
    }) : () -> ()
    %mul3A_14 = arith.constant 640 : i32
    %mul3A_15 = arith.muli %arg1, %mul3A_14 : i32
    %add3A_16 = arith.constant 256 : i32
    %add3A_17 = arith.addi %mul3A_15, %add3A_16 : i32
    "tpu.region"() ({
      %run_scoped3A = tpu.sem_alloc : memref<!tpu.dma_semaphore, #tpu.memory_space<semaphore_mem>>
      %dma_start3A = arith.constant 0 : i32
      %dma_start3A_55 = tpu.memref_slice %arg7[%add3A_17, %dma_start3A] : memref<10240x64xf32, #tpu.memory_space<vmem_shared>> -> memref<128x64xf32, #tpu.memory_space<vmem_shared>>
      %dma_start3A_56 = arith.constant 0 : i32
      %dma_start3A_57 = tpu.memref_slice %arg7[%add3A_17, %dma_start3A_56] : memref<10240x64xf32, #tpu.memory_space<vmem_shared>> -> memref<128x64xf32, #tpu.memory_space<vmem_shared>>
      tpu.enqueue_dma source(%arg11 : memref<128x64xf32, #tpu.memory_space<vmem>>) target(%dma_start3A_57 : memref<128x64xf32, #tpu.memory_space<vmem_shared>>) target_semaphore(%run_scoped3A : memref<!tpu.dma_semaphore, #tpu.memory_space<semaphore_mem>>)
      %dma_wait3A = arith.constant 0 : i32
      %dma_wait3A_58 = tpu.memref_slice %arg7[%add3A_17, %dma_wait3A] : memref<10240x64xf32, #tpu.memory_space<vmem_shared>> -> memref<128x64xf32, #tpu.memory_space<vmem_shared>>
      %dma_wait3A_59 = arith.constant 0 : i32
      %dma_wait3A_60 = tpu.memref_slice %arg7[%add3A_17, %dma_wait3A_59] : memref<10240x64xf32, #tpu.memory_space<vmem_shared>> -> memref<128x64xf32, #tpu.memory_space<vmem_shared>>
      tpu.wait_dma2 semaphore(%run_scoped3A : memref<!tpu.dma_semaphore, #tpu.memory_space<semaphore_mem>>) src(%arg11 : memref<128x64xf32, #tpu.memory_space<vmem>>) dst(%dma_wait3A_60 : memref<128x64xf32, #tpu.memory_space<vmem_shared>>)
      tpu.yield
    }) : () -> ()
    %mul3A_18 = arith.constant 640 : i32
    %mul3A_19 = arith.muli %arg1, %mul3A_18 : i32
    %add3A_20 = arith.constant 384 : i32
    %add3A_21 = arith.addi %mul3A_19, %add3A_20 : i32
    "tpu.region"() ({
      %run_scoped3A = tpu.sem_alloc : memref<!tpu.dma_semaphore, #tpu.memory_space<semaphore_mem>>
      %dma_start3A = arith.constant 0 : i32
      %dma_start3A_55 = tpu.memref_slice %arg7[%add3A_21, %dma_start3A] : memref<10240x64xf32, #tpu.memory_space<vmem_shared>> -> memref<128x64xf32, #tpu.memory_space<vmem_shared>>
      %dma_start3A_56 = arith.constant 0 : i32
      %dma_start3A_57 = tpu.memref_slice %arg7[%add3A_21, %dma_start3A_56] : memref<10240x64xf32, #tpu.memory_space<vmem_shared>> -> memref<128x64xf32, #tpu.memory_space<vmem_shared>>
      tpu.enqueue_dma source(%arg11 : memref<128x64xf32, #tpu.memory_space<vmem>>) target(%dma_start3A_57 : memref<128x64xf32, #tpu.memory_space<vmem_shared>>) target_semaphore(%run_scoped3A : memref<!tpu.dma_semaphore, #tpu.memory_space<semaphore_mem>>)
      %dma_wait3A = arith.constant 0 : i32
      %dma_wait3A_58 = tpu.memref_slice %arg7[%add3A_21, %dma_wait3A] : memref<10240x64xf32, #tpu.memory_space<vmem_shared>> -> memref<128x64xf32, #tpu.memory_space<vmem_shared>>
      %dma_wait3A_59 = arith.constant 0 : i32
      %dma_wait3A_60 = tpu.memref_slice %arg7[%add3A_21, %dma_wait3A_59] : memref<10240x64xf32, #tpu.memory_space<vmem_shared>> -> memref<128x64xf32, #tpu.memory_space<vmem_shared>>
      tpu.wait_dma2 semaphore(%run_scoped3A : memref<!tpu.dma_semaphore, #tpu.memory_space<semaphore_mem>>) src(%arg11 : memref<128x64xf32, #tpu.memory_space<vmem>>) dst(%dma_wait3A_60 : memref<128x64xf32, #tpu.memory_space<vmem_shared>>)
      tpu.yield
    }) : () -> ()
    %mul3A_22 = arith.constant 640 : i32
    %mul3A_23 = arith.muli %arg1, %mul3A_22 : i32
    %add3A_24 = arith.constant 512 : i32
    %add3A_25 = arith.addi %mul3A_23, %add3A_24 : i32
    "tpu.region"() ({
      %run_scoped3A = tpu.sem_alloc : memref<!tpu.dma_semaphore, #tpu.memory_space<semaphore_mem>>
      %dma_start3A = arith.constant 0 : i32
      %dma_start3A_55 = tpu.memref_slice %arg7[%add3A_25, %dma_start3A] : memref<10240x64xf32, #tpu.memory_space<vmem_shared>> -> memref<128x64xf32, #tpu.memory_space<vmem_shared>>
      %dma_start3A_56 = arith.constant 0 : i32
      %dma_start3A_57 = tpu.memref_slice %arg7[%add3A_25, %dma_start3A_56] : memref<10240x64xf32, #tpu.memory_space<vmem_shared>> -> memref<128x64xf32, #tpu.memory_space<vmem_shared>>
      tpu.enqueue_dma source(%arg11 : memref<128x64xf32, #tpu.memory_space<vmem>>) target(%dma_start3A_57 : memref<128x64xf32, #tpu.memory_space<vmem_shared>>) target_semaphore(%run_scoped3A : memref<!tpu.dma_semaphore, #tpu.memory_space<semaphore_mem>>)
      %dma_wait3A = arith.constant 0 : i32
      %dma_wait3A_58 = tpu.memref_slice %arg7[%add3A_25, %dma_wait3A] : memref<10240x64xf32, #tpu.memory_space<vmem_shared>> -> memref<128x64xf32, #tpu.memory_space<vmem_shared>>
      %dma_wait3A_59 = arith.constant 0 : i32
      %dma_wait3A_60 = tpu.memref_slice %arg7[%add3A_25, %dma_wait3A_59] : memref<10240x64xf32, #tpu.memory_space<vmem_shared>> -> memref<128x64xf32, #tpu.memory_space<vmem_shared>>
      tpu.wait_dma2 semaphore(%run_scoped3A : memref<!tpu.dma_semaphore, #tpu.memory_space<semaphore_mem>>) src(%arg11 : memref<128x64xf32, #tpu.memory_space<vmem>>) dst(%dma_wait3A_60 : memref<128x64xf32, #tpu.memory_space<vmem_shared>>)
      tpu.yield
    }) : () -> ()
    %barrier3A = arith.constant 0 : index
    tpu.barrier barrier_id(%barrier3A)
    %mul3A_26 = arith.constant 10112 : i32
    %mul3A_27 = arith.muli %add3A, %mul3A_26 : i32
    %scan3A_28 = arith.constant 0 : i32
    %scan3A_29 = arith.constant 0 : i32
    %scan3A_30 = arith.constant 79 : i32
    %scan3A_31 = arith.addi %scan3A_29, %scan3A_30 : i32
    %scan3A_32 = arith.constant 1 : i32
    scf.for %scan3A_55 = %scan3A_29 to %scan3A_31 step %scan3A_32  : i32 {
      %mul3A_56 = arith.constant 128 : i32
      %mul3A_57 = arith.muli %scan3A_55, %mul3A_56 : i32
      %add3A_58 = arith.addi %mul3A_27, %mul3A_57 : i32
      "tpu.region"() ({
        %run_scoped3A = tpu.sem_alloc : memref<!tpu.dma_semaphore, #tpu.memory_space<semaphore_mem>>
        %dma_start3A_69 = tpu.memref_slice %arg2[%add3A_58] : memref<323584xi32, #tpu.memory_space<hbm>> -> memref<128xi32, #tpu.memory_space<hbm>>
        %dma_start3A_70 = tpu.memref_slice %arg2[%add3A_58] : memref<323584xi32, #tpu.memory_space<hbm>> -> memref<128xi32, #tpu.memory_space<hbm>>
        tpu.enqueue_dma source(%dma_start3A_70 : memref<128xi32, #tpu.memory_space<hbm>>) target(%arg8 : memref<128xi32, #tpu.memory_space<vmem>>) target_semaphore(%run_scoped3A : memref<!tpu.dma_semaphore, #tpu.memory_space<semaphore_mem>>)
        %dma_wait3A_71 = tpu.memref_slice %arg2[%add3A_58] : memref<323584xi32, #tpu.memory_space<hbm>> -> memref<128xi32, #tpu.memory_space<hbm>>
        %dma_wait3A_72 = tpu.memref_slice %arg2[%add3A_58] : memref<323584xi32, #tpu.memory_space<hbm>> -> memref<128xi32, #tpu.memory_space<hbm>>
        tpu.wait_dma2 semaphore(%run_scoped3A : memref<!tpu.dma_semaphore, #tpu.memory_space<semaphore_mem>>) src(%dma_wait3A_72 : memref<128xi32, #tpu.memory_space<hbm>>) dst(%arg8 : memref<128xi32, #tpu.memory_space<vmem>>)
        tpu.yield
      }) : () -> ()
      "tpu.region"() ({
        %run_scoped3A = tpu.sem_alloc : memref<!tpu.dma_semaphore, #tpu.memory_space<semaphore_mem>>
        %dma_start3A_69 = tpu.memref_slice %arg3[%add3A_58] : memref<323584xi32, #tpu.memory_space<hbm>> -> memref<128xi32, #tpu.memory_space<hbm>>
        %dma_start3A_70 = tpu.memref_slice %arg3[%add3A_58] : memref<323584xi32, #tpu.memory_space<hbm>> -> memref<128xi32, #tpu.memory_space<hbm>>
        tpu.enqueue_dma source(%dma_start3A_70 : memref<128xi32, #tpu.memory_space<hbm>>) target(%arg9 : memref<128xi32, #tpu.memory_space<vmem>>) target_semaphore(%run_scoped3A : memref<!tpu.dma_semaphore, #tpu.memory_space<semaphore_mem>>)
        %dma_wait3A_71 = tpu.memref_slice %arg3[%add3A_58] : memref<323584xi32, #tpu.memory_space<hbm>> -> memref<128xi32, #tpu.memory_space<hbm>>
        %dma_wait3A_72 = tpu.memref_slice %arg3[%add3A_58] : memref<323584xi32, #tpu.memory_space<hbm>> -> memref<128xi32, #tpu.memory_space<hbm>>
        tpu.wait_dma2 semaphore(%run_scoped3A : memref<!tpu.dma_semaphore, #tpu.memory_space<semaphore_mem>>) src(%dma_wait3A_72 : memref<128xi32, #tpu.memory_space<hbm>>) dst(%arg9 : memref<128xi32, #tpu.memory_space<vmem>>)
        tpu.yield
      }) : () -> ()
      "tpu.region"() ({
        %run_scoped3A = tpu.sem_alloc : memref<!tpu.dma_semaphore, #tpu.memory_space<semaphore_mem>>
        %dma_start3A_69 = tpu.memref_slice %arg4[%add3A_58] : memref<323584xf32, #tpu.memory_space<hbm>> -> memref<128xf32, #tpu.memory_space<hbm>>
        %dma_start3A_70 = tpu.memref_slice %arg4[%add3A_58] : memref<323584xf32, #tpu.memory_space<hbm>> -> memref<128xf32, #tpu.memory_space<hbm>>
        tpu.enqueue_dma source(%dma_start3A_70 : memref<128xf32, #tpu.memory_space<hbm>>) target(%arg10 : memref<128xf32, #tpu.memory_space<vmem>>) target_semaphore(%run_scoped3A : memref<!tpu.dma_semaphore, #tpu.memory_space<semaphore_mem>>)
        %dma_wait3A_71 = tpu.memref_slice %arg4[%add3A_58] : memref<323584xf32, #tpu.memory_space<hbm>> -> memref<128xf32, #tpu.memory_space<hbm>>
        %dma_wait3A_72 = tpu.memref_slice %arg4[%add3A_58] : memref<323584xf32, #tpu.memory_space<hbm>> -> memref<128xf32, #tpu.memory_space<hbm>>
        tpu.wait_dma2 semaphore(%run_scoped3A : memref<!tpu.dma_semaphore, #tpu.memory_space<semaphore_mem>>) src(%dma_wait3A_72 : memref<128xf32, #tpu.memory_space<hbm>>) dst(%arg10 : memref<128xf32, #tpu.memory_space<vmem>>)
        tpu.yield
      }) : () -> ()
      %dma_start3A = arith.constant 0 : i32
      %dma_start3A_59 = arith.constant 0 : i32
      %dma_start3A_60 = tpu.memref_slice %arg5[%dma_start3A, %dma_start3A_59] : memref<10000x64xf32, #tpu.memory_space<hbm>> -> memref<10000x64xf32, #tpu.memory_space<hbm>>
      tpu.enqueue_indirect_dma source(%dma_start3A_60 : memref<10000x64xf32, #tpu.memory_space<hbm>>) target(%arg11 : memref<128x64xf32, #tpu.memory_space<vmem>>) offsets(%arg8 : memref<128xi32, #tpu.memory_space<vmem>>) semaphore(%arg12 : memref<!tpu.dma_semaphore, #tpu.memory_space<semaphore_mem>>)
      %dma_wait3A = arith.constant 0 : i32
      %dma_wait3A_61 = arith.constant 0 : i32
      %dma_wait3A_62 = tpu.memref_slice %arg5[%dma_wait3A, %dma_wait3A_61] : memref<10000x64xf32, #tpu.memory_space<hbm>> -> memref<10000x64xf32, #tpu.memory_space<hbm>>
      tpu.wait_indirect_dma semaphore(%arg12 : memref<!tpu.dma_semaphore, #tpu.memory_space<semaphore_mem>>) src(%dma_wait3A_62 : memref<10000x64xf32, #tpu.memory_space<hbm>>) dst(%arg11 : memref<128x64xf32, #tpu.memory_space<vmem>>)
      %scan3A_63 = arith.constant 0 : i32
      %scan3A_64 = arith.constant 0 : i32
      %scan3A_65 = arith.constant 8 : i32
      %scan3A_66 = arith.addi %scan3A_64, %scan3A_65 : i32
      %scan3A_67 = arith.constant 1 : i32
      scf.for %scan3A_69 = %scan3A_64 to %scan3A_66 step %scan3A_67  : i32 {
        %mul3A_70 = arith.constant 16 : i32
        %mul3A_71 = arith.muli %scan3A_69, %mul3A_70 : i32
        %get3A = arith.index_cast %mul3A_71 : i32 to index
        %get3A_72 = tpu.vector_load %arg10[%get3A] {strides = array<i32>} : memref<128xf32, #tpu.memory_space<vmem>>, vector<16xf32>,
        %get3A_73 = vector.shape_cast %get3A_72 : vector<16xf32> to vector<16xf32>
        %slice3A = vector.extract_strided_slice %get3A_73 {offsets = [0], sizes = [1], strides = [1]} : vector<16xf32> to vector<1xf32>
        %squeeze3A = vector.extract %slice3A[0] : f32 from vector<1xf32>
        %broadcast_in_dim3A = vector.broadcast %squeeze3A : f32 to vector<16xf32>
        %mul3A_74 = arith.constant 16 : i32
        %mul3A_75 = arith.muli %scan3A_69, %mul3A_74 : i32
        %add3A_76 = arith.constant 0 : i32
        %add3A_77 = arith.addi %mul3A_75, %add3A_76 : i32
        %get3A_78 = arith.index_cast %add3A_77 : i32 to index
        %get3A_79 = arith.constant 0 : index
        %get3A_80 = tpu.vector_load %arg11[%get3A_78, %get3A_79] {strides = array<i32>} : memref<128x64xf32, #tpu.memory_space<vmem>>, vector<1x16xf32>,
        %get3A_81 = vector.shape_cast %get3A_80 : vector<1x16xf32> to vector<16xf32>
        %mul3A_82 = arith.mulf %get3A_81, %broadcast_in_dim3A : vector<16xf32>
        %mul3A_83 = arith.constant 16 : i32
        %mul3A_84 = arith.muli %scan3A_69, %mul3A_83 : i32
        %add3A_85 = arith.constant 0 : i32
        %add3A_86 = arith.addi %mul3A_84, %add3A_85 : i32
        %swap3A = arith.index_cast %add3A_86 : i32 to index
        %swap3A_87 = arith.constant 0 : index
        %swap3A_88 = tpu.vector_load %arg11[%swap3A, %swap3A_87] {strides = array<i32>} : memref<128x64xf32, #tpu.memory_space<vmem>>, vector<1x16xf32>,
        %swap3A_89 = vector.shape_cast %swap3A_88 : vector<1x16xf32> to vector<16xf32>
        %swap3A_90 = vector.shape_cast %mul3A_82 : vector<16xf32> to vector<1x16xf32>
        tpu.vector_store %arg11[%swap3A, %swap3A_87], %swap3A_90 {strides = array<i32>} : memref<128x64xf32, #tpu.memory_space<vmem>>, vector<1x16xf32>,
        %mul3A_91 = arith.constant 16 : i32
        %mul3A_92 = arith.muli %scan3A_69, %mul3A_91 : i32
        %add3A_93 = arith.constant 0 : i32
        %add3A_94 = arith.addi %mul3A_92, %add3A_93 : i32
        %get3A_95 = arith.index_cast %add3A_94 : i32 to index
        %get3A_96 = arith.constant 16 : index
        %get3A_97 = tpu.vector_load %arg11[%get3A_95, %get3A_96] {strides = array<i32>} : memref<128x64xf32, #tpu.memory_space<vmem>>, vector<1x16xf32>,
        %get3A_98 = vector.shape_cast %get3A_97 : vector<1x16xf32> to vector<16xf32>
        %mul3A_99 = arith.mulf %get3A_98, %broadcast_in_dim3A : vector<16xf32>
        %mul3A_100 = arith.constant 16 : i32
        %mul3A_101 = arith.muli %scan3A_69, %mul3A_100 : i32
        %add3A_102 = arith.constant 0 : i32
        %add3A_103 = arith.addi %mul3A_101, %add3A_102 : i32
        %swap3A_104 = arith.index_cast %add3A_103 : i32 to index
        %swap3A_105 = arith.constant 16 : index
        %swap3A_106 = tpu.vector_load %arg11[%swap3A_104, %swap3A_105] {strides = array<i32>} : memref<128x64xf32, #tpu.memory_space<vmem>>, vector<1x16xf32>,
        %swap3A_107 = vector.shape_cast %swap3A_106 : vector<1x16xf32> to vector<16xf32>
        %swap3A_108 = vector.shape_cast %mul3A_99 : vector<16xf32> to vector<1x16xf32>
        tpu.vector_store %arg11[%swap3A_104, %swap3A_105], %swap3A_108 {strides = array<i32>} : memref<128x64xf32, #tpu.memory_space<vmem>>, vector<1x16xf32>,
        %mul3A_109 = arith.constant 16 : i32
        %mul3A_110 = arith.muli %scan3A_69, %mul3A_109 : i32
        %add3A_111 = arith.constant 0 : i32
        %add3A_112 = arith.addi %mul3A_110, %add3A_111 : i32
        %get3A_113 = arith.index_cast %add3A_112 : i32 to index
        %get3A_114 = arith.constant 32 : index
        %get3A_115 = tpu.vector_load %arg11[%get3A_113, %get3A_114] {strides = array<i32>} : memref<128x64xf32, #tpu.memory_space<vmem>>, vector<1x16xf32>,
        %get3A_116 = vector.shape_cast %get3A_115 : vector<1x16xf32> to vector<16xf32>
        %mul3A_117 = arith.mulf %get3A_116, %broadcast_in_dim3A : vector<16xf32>
        %mul3A_118 = arith.constant 16 : i32
        %mul3A_119 = arith.muli %scan3A_69, %mul3A_118 : i32
        %add3A_120 = arith.constant 0 : i32
        %add3A_121 = arith.addi %mul3A_119, %add3A_120 : i32
        %swap3A_122 = arith.index_cast %add3A_121 : i32 to index
        %swap3A_123 = arith.constant 32 : index
        %swap3A_124 = tpu.vector_load %arg11[%swap3A_122, %swap3A_123] {strides = array<i32>} : memref<128x64xf32, #tpu.memory_space<vmem>>, vector<1x16xf32>,
        %swap3A_125 = vector.shape_cast %swap3A_124 : vector<1x16xf32> to vector<16xf32>
        %swap3A_126 = vector.shape_cast %mul3A_117 : vector<16xf32> to vector<1x16xf32>
        tpu.vector_store %arg11[%swap3A_122, %swap3A_123], %swap3A_126 {strides = array<i32>} : memref<128x64xf32, #tpu.memory_space<vmem>>, vector<1x16xf32>,
        %mul3A_127 = arith.constant 16 : i32
        %mul3A_128 = arith.muli %scan3A_69, %mul3A_127 : i32
        %add3A_129 = arith.constant 0 : i32
        %add3A_130 = arith.addi %mul3A_128, %add3A_129 : i32
        %get3A_131 = arith.index_cast %add3A_130 : i32 to index
        %get3A_132 = arith.constant 48 : index
        %get3A_133 = tpu.vector_load %arg11[%get3A_131, %get3A_132] {strides = array<i32>} : memref<128x64xf32, #tpu.memory_space<vmem>>, vector<1x16xf32>,
        %get3A_134 = vector.shape_cast %get3A_133 : vector<1x16xf32> to vector<16xf32>
        %mul3A_135 = arith.mulf %get3A_134, %broadcast_in_dim3A : vector<16xf32>
        %mul3A_136 = arith.constant 16 : i32
        %mul3A_137 = arith.muli %scan3A_69, %mul3A_136 : i32
        %add3A_138 = arith.constant 0 : i32
        %add3A_139 = arith.addi %mul3A_137, %add3A_138 : i32
        %swap3A_140 = arith.index_cast %add3A_139 : i32 to index
        %swap3A_141 = arith.constant 48 : index
        %swap3A_142 = tpu.vector_load %arg11[%swap3A_140, %swap3A_141] {strides = array<i32>} : memref<128x64xf32, #tpu.memory_space<vmem>>, vector<1x16xf32>,
        %swap3A_143 = vector.shape_cast %swap3A_142 : vector<1x16xf32> to vector<16xf32>
        %swap3A_144 = vector.shape_cast %mul3A_135 : vector<16xf32> to vector<1x16xf32>
        tpu.vector_store %arg11[%swap3A_140, %swap3A_141], %swap3A_144 {strides = array<i32>} : memref<128x64xf32, #tpu.memory_space<vmem>>, vector<1x16xf32>,
        %slice3A_145 = vector.extract_strided_slice %get3A_73 {offsets = [1], sizes = [1], strides = [1]} : vector<16xf32> to vector<1xf32>
        %squeeze3A_146 = vector.extract %slice3A_145[0] : f32 from vector<1xf32>
        %broadcast_in_dim3A_147 = vector.broadcast %squeeze3A_146 : f32 to vector<16xf32>
        %mul3A_148 = arith.constant 16 : i32
        %mul3A_149 = arith.muli %scan3A_69, %mul3A_148 : i32
        %add3A_150 = arith.constant 1 : i32
        %add3A_151 = arith.addi %mul3A_149, %add3A_150 : i32
        %get3A_152 = arith.index_cast %add3A_151 : i32 to index
        %get3A_153 = arith.constant 0 : index
        %get3A_154 = tpu.vector_load %arg11[%get3A_152, %get3A_153] {strides = array<i32>} : memref<128x64xf32, #tpu.memory_space<vmem>>, vector<1x16xf32>,
        %get3A_155 = vector.shape_cast %get3A_154 : vector<1x16xf32> to vector<16xf32>
        %mul3A_156 = arith.mulf %get3A_155, %broadcast_in_dim3A_147 : vector<16xf32>
        %mul3A_157 = arith.constant 16 : i32
        %mul3A_158 = arith.muli %scan3A_69, %mul3A_157 : i32
        %add3A_159 = arith.constant 1 : i32
        %add3A_160 = arith.addi %mul3A_158, %add3A_159 : i32
        %swap3A_161 = arith.index_cast %add3A_160 : i32 to index
        %swap3A_162 = arith.constant 0 : index
        %swap3A_163 = tpu.vector_load %arg11[%swap3A_161, %swap3A_162] {strides = array<i32>} : memref<128x64xf32, #tpu.memory_space<vmem>>, vector<1x16xf32>,
        %swap3A_164 = vector.shape_cast %swap3A_163 : vector<1x16xf32> to vector<16xf32>
        %swap3A_165 = vector.shape_cast %mul3A_156 : vector<16xf32> to vector<1x16xf32>
        tpu.vector_store %arg11[%swap3A_161, %swap3A_162], %swap3A_165 {strides = array<i32>} : memref<128x64xf32, #tpu.memory_space<vmem>>, vector<1x16xf32>,
        %mul3A_166 = arith.constant 16 : i32
        %mul3A_167 = arith.muli %scan3A_69, %mul3A_166 : i32
        %add3A_168 = arith.constant 1 : i32
        %add3A_169 = arith.addi %mul3A_167, %add3A_168 : i32
        %get3A_170 = arith.index_cast %add3A_169 : i32 to index
        %get3A_171 = arith.constant 16 : index
        %get3A_172 = tpu.vector_load %arg11[%get3A_170, %get3A_171] {strides = array<i32>} : memref<128x64xf32, #tpu.memory_space<vmem>>, vector<1x16xf32>,
        %get3A_173 = vector.shape_cast %get3A_172 : vector<1x16xf32> to vector<16xf32>
        %mul3A_174 = arith.mulf %get3A_173, %broadcast_in_dim3A_147 : vector<16xf32>
        %mul3A_175 = arith.constant 16 : i32
        %mul3A_176 = arith.muli %scan3A_69, %mul3A_175 : i32
        %add3A_177 = arith.constant 1 : i32
        %add3A_178 = arith.addi %mul3A_176, %add3A_177 : i32
        %swap3A_179 = arith.index_cast %add3A_178 : i32 to index
        %swap3A_180 = arith.constant 16 : index
        %swap3A_181 = tpu.vector_load %arg11[%swap3A_179, %swap3A_180] {strides = array<i32>} : memref<128x64xf32, #tpu.memory_space<vmem>>, vector<1x16xf32>,
        %swap3A_182 = vector.shape_cast %swap3A_181 : vector<1x16xf32> to vector<16xf32>
        %swap3A_183 = vector.shape_cast %mul3A_174 : vector<16xf32> to vector<1x16xf32>
        tpu.vector_store %arg11[%swap3A_179, %swap3A_180], %swap3A_183 {strides = array<i32>} : memref<128x64xf32, #tpu.memory_space<vmem>>, vector<1x16xf32>,
        %mul3A_184 = arith.constant 16 : i32
        %mul3A_185 = arith.muli %scan3A_69, %mul3A_184 : i32
        %add3A_186 = arith.constant 1 : i32
        %add3A_187 = arith.addi %mul3A_185, %add3A_186 : i32
        %get3A_188 = arith.index_cast %add3A_187 : i32 to index
        %get3A_189 = arith.constant 32 : index
        %get3A_190 = tpu.vector_load %arg11[%get3A_188, %get3A_189] {strides = array<i32>} : memref<128x64xf32, #tpu.memory_space<vmem>>, vector<1x16xf32>,
        %get3A_191 = vector.shape_cast %get3A_190 : vector<1x16xf32> to vector<16xf32>
        %mul3A_192 = arith.mulf %get3A_191, %broadcast_in_dim3A_147 : vector<16xf32>
        %mul3A_193 = arith.constant 16 : i32
        %mul3A_194 = arith.muli %scan3A_69, %mul3A_193 : i32
        %add3A_195 = arith.constant 1 : i32
        %add3A_196 = arith.addi %mul3A_194, %add3A_195 : i32
        %swap3A_197 = arith.index_cast %add3A_196 : i32 to index
        %swap3A_198 = arith.constant 32 : index
        %swap3A_199 = tpu.vector_load %arg11[%swap3A_197, %swap3A_198] {strides = array<i32>} : memref<128x64xf32, #tpu.memory_space<vmem>>, vector<1x16xf32>,
        %swap3A_200 = vector.shape_cast %swap3A_199 : vector<1x16xf32> to vector<16xf32>
        %swap3A_201 = vector.shape_cast %mul3A_192 : vector<16xf32> to vector<1x16xf32>
        tpu.vector_store %arg11[%swap3A_197, %swap3A_198], %swap3A_201 {strides = array<i32>} : memref<128x64xf32, #tpu.memory_space<vmem>>, vector<1x16xf32>,
        %mul3A_202 = arith.constant 16 : i32
        %mul3A_203 = arith.muli %scan3A_69, %mul3A_202 : i32
        %add3A_204 = arith.constant 1 : i32
        %add3A_205 = arith.addi %mul3A_203, %add3A_204 : i32
        %get3A_206 = arith.index_cast %add3A_205 : i32 to index
        %get3A_207 = arith.constant 48 : index
        %get3A_208 = tpu.vector_load %arg11[%get3A_206, %get3A_207] {strides = array<i32>} : memref<128x64xf32, #tpu.memory_space<vmem>>, vector<1x16xf32>,
        %get3A_209 = vector.shape_cast %get3A_208 : vector<1x16xf32> to vector<16xf32>
        %mul3A_210 = arith.mulf %get3A_209, %broadcast_in_dim3A_147 : vector<16xf32>
        %mul3A_211 = arith.constant 16 : i32
        %mul3A_212 = arith.muli %scan3A_69, %mul3A_211 : i32
        %add3A_213 = arith.constant 1 : i32
        %add3A_214 = arith.addi %mul3A_212, %add3A_213 : i32
        %swap3A_215 = arith.index_cast %add3A_214 : i32 to index
        %swap3A_216 = arith.constant 48 : index
        %swap3A_217 = tpu.vector_load %arg11[%swap3A_215, %swap3A_216] {strides = array<i32>} : memref<128x64xf32, #tpu.memory_space<vmem>>, vector<1x16xf32>,
        %swap3A_218 = vector.shape_cast %swap3A_217 : vector<1x16xf32> to vector<16xf32>
        %swap3A_219 = vector.shape_cast %mul3A_210 : vector<16xf32> to vector<1x16xf32>
        tpu.vector_store %arg11[%swap3A_215, %swap3A_216], %swap3A_219 {strides = array<i32>} : memref<128x64xf32, #tpu.memory_space<vmem>>, vector<1x16xf32>,
        %slice3A_220 = vector.extract_strided_slice %get3A_73 {offsets = [2], sizes = [1], strides = [1]} : vector<16xf32> to vector<1xf32>
        %squeeze3A_221 = vector.extract %slice3A_220[0] : f32 from vector<1xf32>
        %broadcast_in_dim3A_222 = vector.broadcast %squeeze3A_221 : f32 to vector<16xf32>
        %mul3A_223 = arith.constant 16 : i32
        %mul3A_224 = arith.muli %scan3A_69, %mul3A_223 : i32
        %add3A_225 = arith.constant 2 : i32
        %add3A_226 = arith.addi %mul3A_224, %add3A_225 : i32
        %get3A_227 = arith.index_cast %add3A_226 : i32 to index
        %get3A_228 = arith.constant 0 : index
        %get3A_229 = tpu.vector_load %arg11[%get3A_227, %get3A_228] {strides = array<i32>} : memref<128x64xf32, #tpu.memory_space<vmem>>, vector<1x16xf32>,
        %get3A_230 = vector.shape_cast %get3A_229 : vector<1x16xf32> to vector<16xf32>
        %mul3A_231 = arith.mulf %get3A_230, %broadcast_in_dim3A_222 : vector<16xf32>
        %mul3A_232 = arith.constant 16 : i32
        %mul3A_233 = arith.muli %scan3A_69, %mul3A_232 : i32
        %add3A_234 = arith.constant 2 : i32
        %add3A_235 = arith.addi %mul3A_233, %add3A_234 : i32
        %swap3A_236 = arith.index_cast %add3A_235 : i32 to index
        %swap3A_237 = arith.constant 0 : index
        %swap3A_238 = tpu.vector_load %arg11[%swap3A_236, %swap3A_237] {strides = array<i32>} : memref<128x64xf32, #tpu.memory_space<vmem>>, vector<1x16xf32>,
        %swap3A_239 = vector.shape_cast %swap3A_238 : vector<1x16xf32> to vector<16xf32>
        %swap3A_240 = vector.shape_cast %mul3A_231 : vector<16xf32> to vector<1x16xf32>
        tpu.vector_store %arg11[%swap3A_236, %swap3A_237], %swap3A_240 {strides = array<i32>} : memref<128x64xf32, #tpu.memory_space<vmem>>, vector<1x16xf32>,
        %mul3A_241 = arith.constant 16 : i32
        %mul3A_242 = arith.muli %scan3A_69, %mul3A_241 : i32
        %add3A_243 = arith.constant 2 : i32
        %add3A_244 = arith.addi %mul3A_242, %add3A_243 : i32
        %get3A_245 = arith.index_cast %add3A_244 : i32 to index
        %get3A_246 = arith.constant 16 : index
        %get3A_247 = tpu.vector_load %arg11[%get3A_245, %get3A_246] {strides = array<i32>} : memref<128x64xf32, #tpu.memory_space<vmem>>, vector<1x16xf32>,
        %get3A_248 = vector.shape_cast %get3A_247 : vector<1x16xf32> to vector<16xf32>
        %mul3A_249 = arith.mulf %get3A_248, %broadcast_in_dim3A_222 : vector<16xf32>
        %mul3A_250 = arith.constant 16 : i32
        %mul3A_251 = arith.muli %scan3A_69, %mul3A_250 : i32
        %add3A_252 = arith.constant 2 : i32
        %add3A_253 = arith.addi %mul3A_251, %add3A_252 : i32
        %swap3A_254 = arith.index_cast %add3A_253 : i32 to index
        %swap3A_255 = arith.constant 16 : index
        %swap3A_256 = tpu.vector_load %arg11[%swap3A_254, %swap3A_255] {strides = array<i32>} : memref<128x64xf32, #tpu.memory_space<vmem>>, vector<1x16xf32>,
        %swap3A_257 = vector.shape_cast %swap3A_256 : vector<1x16xf32> to vector<16xf32>
        %swap3A_258 = vector.shape_cast %mul3A_249 : vector<16xf32> to vector<1x16xf32>
        tpu.vector_store %arg11[%swap3A_254, %swap3A_255], %swap3A_258 {strides = array<i32>} : memref<128x64xf32, #tpu.memory_space<vmem>>, vector<1x16xf32>,
        %mul3A_259 = arith.constant 16 : i32
        %mul3A_260 = arith.muli %scan3A_69, %mul3A_259 : i32
        %add3A_261 = arith.constant 2 : i32
        %add3A_262 = arith.addi %mul3A_260, %add3A_261 : i32
        %get3A_263 = arith.index_cast %add3A_262 : i32 to index
        %get3A_264 = arith.constant 32 : index
        %get3A_265 = tpu.vector_load %arg11[%get3A_263, %get3A_264] {strides = array<i32>} : memref<128x64xf32, #tpu.memory_space<vmem>>, vector<1x16xf32>,
        %get3A_266 = vector.shape_cast %get3A_265 : vector<1x16xf32> to vector<16xf32>
        %mul3A_267 = arith.mulf %get3A_266, %broadcast_in_dim3A_222 : vector<16xf32>
        %mul3A_268 = arith.constant 16 : i32
        %mul3A_269 = arith.muli %scan3A_69, %mul3A_268 : i32
        %add3A_270 = arith.constant 2 : i32
        %add3A_271 = arith.addi %mul3A_269, %add3A_270 : i32
        %swap3A_272 = arith.index_cast %add3A_271 : i32 to index
        %swap3A_273 = arith.constant 32 : index
        %swap3A_274 = tpu.vector_load %arg11[%swap3A_272, %swap3A_273] {strides = array<i32>} : memref<128x64xf32, #tpu.memory_space<vmem>>, vector<1x16xf32>,
        %swap3A_275 = vector.shape_cast %swap3A_274 : vector<1x16xf32> to vector<16xf32>
        %swap3A_276 = vector.shape_cast %mul3A_267 : vector<16xf32> to vector<1x16xf32>
        tpu.vector_store %arg11[%swap3A_272, %swap3A_273], %swap3A_276 {strides = array<i32>} : memref<128x64xf32, #tpu.memory_space<vmem>>, vector<1x16xf32>,
        %mul3A_277 = arith.constant 16 : i32
        %mul3A_278 = arith.muli %scan3A_69, %mul3A_277 : i32
        %add3A_279 = arith.constant 2 : i32
        %add3A_280 = arith.addi %mul3A_278, %add3A_279 : i32
        %get3A_281 = arith.index_cast %add3A_280 : i32 to index
        %get3A_282 = arith.constant 48 : index
        %get3A_283 = tpu.vector_load %arg11[%get3A_281, %get3A_282] {strides = array<i32>} : memref<128x64xf32, #tpu.memory_space<vmem>>, vector<1x16xf32>,
        %get3A_284 = vector.shape_cast %get3A_283 : vector<1x16xf32> to vector<16xf32>
        %mul3A_285 = arith.mulf %get3A_284, %broadcast_in_dim3A_222 : vector<16xf32>
        %mul3A_286 = arith.constant 16 : i32
        %mul3A_287 = arith.muli %scan3A_69, %mul3A_286 : i32
        %add3A_288 = arith.constant 2 : i32
        %add3A_289 = arith.addi %mul3A_287, %add3A_288 : i32
        %swap3A_290 = arith.index_cast %add3A_289 : i32 to index
        %swap3A_291 = arith.constant 48 : index
        %swap3A_292 = tpu.vector_load %arg11[%swap3A_290, %swap3A_291] {strides = array<i32>} : memref<128x64xf32, #tpu.memory_space<vmem>>, vector<1x16xf32>,
        %swap3A_293 = vector.shape_cast %swap3A_292 : vector<1x16xf32> to vector<16xf32>
        %swap3A_294 = vector.shape_cast %mul3A_285 : vector<16xf32> to vector<1x16xf32>
        tpu.vector_store %arg11[%swap3A_290, %swap3A_291], %swap3A_294 {strides = array<i32>} : memref<128x64xf32, #tpu.memory_space<vmem>>, vector<1x16xf32>,
        %slice3A_295 = vector.extract_strided_slice %get3A_73 {offsets = [3], sizes = [1], strides = [1]} : vector<16xf32> to vector<1xf32>
        %squeeze3A_296 = vector.extract %slice3A_295[0] : f32 from vector<1xf32>
        %broadcast_in_dim3A_297 = vector.broadcast %squeeze3A_296 : f32 to vector<16xf32>
        %mul3A_298 = arith.constant 16 : i32
        %mul3A_299 = arith.muli %scan3A_69, %mul3A_298 : i32
        %add3A_300 = arith.constant 3 : i32
        %add3A_301 = arith.addi %mul3A_299, %add3A_300 : i32
        %get3A_302 = arith.index_cast %add3A_301 : i32 to index
        %get3A_303 = arith.constant 0 : index
        %get3A_304 = tpu.vector_load %arg11[%get3A_302, %get3A_303] {strides = array<i32>} : memref<128x64xf32, #tpu.memory_space<vmem>>, vector<1x16xf32>,
        %get3A_305 = vector.shape_cast %get3A_304 : vector<1x16xf32> to vector<16xf32>
        %mul3A_306 = arith.mulf %get3A_305, %broadcast_in_dim3A_297 : vector<16xf32>
        %mul3A_307 = arith.constant 16 : i32
        %mul3A_308 = arith.muli %scan3A_69, %mul3A_307 : i32
        %add3A_309 = arith.constant 3 : i32
        %add3A_310 = arith.addi %mul3A_308, %add3A_309 : i32
        %swap3A_311 = arith.index_cast %add3A_310 : i32 to index
        %swap3A_312 = arith.constant 0 : index
        %swap3A_313 = tpu.vector_load %arg11[%swap3A_311, %swap3A_312] {strides = array<i32>} : memref<128x64xf32, #tpu.memory_space<vmem>>, vector<1x16xf32>,
        %swap3A_314 = vector.shape_cast %swap3A_313 : vector<1x16xf32> to vector<16xf32>
        %swap3A_315 = vector.shape_cast %mul3A_306 : vector<16xf32> to vector<1x16xf32>
        tpu.vector_store %arg11[%swap3A_311, %swap3A_312], %swap3A_315 {strides = array<i32>} : memref<128x64xf32, #tpu.memory_space<vmem>>, vector<1x16xf32>,
        %mul3A_316 = arith.constant 16 : i32
        %mul3A_317 = arith.muli %scan3A_69, %mul3A_316 : i32
        %add3A_318 = arith.constant 3 : i32
        %add3A_319 = arith.addi %mul3A_317, %add3A_318 : i32
        %get3A_320 = arith.index_cast %add3A_319 : i32 to index
        %get3A_321 = arith.constant 16 : index
        %get3A_322 = tpu.vector_load %arg11[%get3A_320, %get3A_321] {strides = array<i32>} : memref<128x64xf32, #tpu.memory_space<vmem>>, vector<1x16xf32>,
        %get3A_323 = vector.shape_cast %get3A_322 : vector<1x16xf32> to vector<16xf32>
        %mul3A_324 = arith.mulf %get3A_323, %broadcast_in_dim3A_297 : vector<16xf32>
        %mul3A_325 = arith.constant 16 : i32
        %mul3A_326 = arith.muli %scan3A_69, %mul3A_325 : i32
        %add3A_327 = arith.constant 3 : i32
        %add3A_328 = arith.addi %mul3A_326, %add3A_327 : i32
        %swap3A_329 = arith.index_cast %add3A_328 : i32 to index
        %swap3A_330 = arith.constant 16 : index
        %swap3A_331 = tpu.vector_load %arg11[%swap3A_329, %swap3A_330] {strides = array<i32>} : memref<128x64xf32, #tpu.memory_space<vmem>>, vector<1x16xf32>,
        %swap3A_332 = vector.shape_cast %swap3A_331 : vector<1x16xf32> to vector<16xf32>
        %swap3A_333 = vector.shape_cast %mul3A_324 : vector<16xf32> to vector<1x16xf32>
        tpu.vector_store %arg11[%swap3A_329, %swap3A_330], %swap3A_333 {strides = array<i32>} : memref<128x64xf32, #tpu.memory_space<vmem>>, vector<1x16xf32>,
        %mul3A_334 = arith.constant 16 : i32
        %mul3A_335 = arith.muli %scan3A_69, %mul3A_334 : i32
        %add3A_336 = arith.constant 3 : i32
        %add3A_337 = arith.addi %mul3A_335, %add3A_336 : i32
        %get3A_338 = arith.index_cast %add3A_337 : i32 to index
        %get3A_339 = arith.constant 32 : index
        %get3A_340 = tpu.vector_load %arg11[%get3A_338, %get3A_339] {strides = array<i32>} : memref<128x64xf32, #tpu.memory_space<vmem>>, vector<1x16xf32>,
        %get3A_341 = vector.shape_cast %get3A_340 : vector<1x16xf32> to vector<16xf32>
        %mul3A_342 = arith.mulf %get3A_341, %broadcast_in_dim3A_297 : vector<16xf32>
        %mul3A_343 = arith.constant 16 : i32
        %mul3A_344 = arith.muli %scan3A_69, %mul3A_343 : i32
        %add3A_345 = arith.constant 3 : i32
        %add3A_346 = arith.addi %mul3A_344, %add3A_345 : i32
        %swap3A_347 = arith.index_cast %add3A_346 : i32 to index
        %swap3A_348 = arith.constant 32 : index
        %swap3A_349 = tpu.vector_load %arg11[%swap3A_347, %swap3A_348] {strides = array<i32>} : memref<128x64xf32, #tpu.memory_space<vmem>>, vector<1x16xf32>,
        %swap3A_350 = vector.shape_cast %swap3A_349 : vector<1x16xf32> to vector<16xf32>
        %swap3A_351 = vector.shape_cast %mul3A_342 : vector<16xf32> to vector<1x16xf32>
        tpu.vector_store %arg11[%swap3A_347, %swap3A_348], %swap3A_351 {strides = array<i32>} : memref<128x64xf32, #tpu.memory_space<vmem>>, vector<1x16xf32>,
        %mul3A_352 = arith.constant 16 : i32
        %mul3A_353 = arith.muli %scan3A_69, %mul3A_352 : i32
        %add3A_354 = arith.constant 3 : i32
        %add3A_355 = arith.addi %mul3A_353, %add3A_354 : i32
        %get3A_356 = arith.index_cast %add3A_355 : i32 to index
        %get3A_357 = arith.constant 48 : index
        %get3A_358 = tpu.vector_load %arg11[%get3A_356, %get3A_357] {strides = array<i32>} : memref<128x64xf32, #tpu.memory_space<vmem>>, vector<1x16xf32>,
        %get3A_359 = vector.shape_cast %get3A_358 : vector<1x16xf32> to vector<16xf32>
        %mul3A_360 = arith.mulf %get3A_359, %broadcast_in_dim3A_297 : vector<16xf32>
        %mul3A_361 = arith.constant 16 : i32
        %mul3A_362 = arith.muli %scan3A_69, %mul3A_361 : i32
        %add3A_363 = arith.constant 3 : i32
        %add3A_364 = arith.addi %mul3A_362, %add3A_363 : i32
        %swap3A_365 = arith.index_cast %add3A_364 : i32 to index
        %swap3A_366 = arith.constant 48 : index
        %swap3A_367 = tpu.vector_load %arg11[%swap3A_365, %swap3A_366] {strides = array<i32>} : memref<128x64xf32, #tpu.memory_space<vmem>>, vector<1x16xf32>,
        %swap3A_368 = vector.shape_cast %swap3A_367 : vector<1x16xf32> to vector<16xf32>
        %swap3A_369 = vector.shape_cast %mul3A_360 : vector<16xf32> to vector<1x16xf32>
        tpu.vector_store %arg11[%swap3A_365, %swap3A_366], %swap3A_369 {strides = array<i32>} : memref<128x64xf32, #tpu.memory_space<vmem>>, vector<1x16xf32>,
        %slice3A_370 = vector.extract_strided_slice %get3A_73 {offsets = [4], sizes = [1], strides = [1]} : vector<16xf32> to vector<1xf32>
        %squeeze3A_371 = vector.extract %slice3A_370[0] : f32 from vector<1xf32>
        %broadcast_in_dim3A_372 = vector.broadcast %squeeze3A_371 : f32 to vector<16xf32>
        %mul3A_373 = arith.constant 16 : i32
        %mul3A_374 = arith.muli %scan3A_69, %mul3A_373 : i32
        %add3A_375 = arith.constant 4 : i32
        %add3A_376 = arith.addi %mul3A_374, %add3A_375 : i32
        %get3A_377 = arith.index_cast %add3A_376 : i32 to index
        %get3A_378 = arith.constant 0 : index
        %get3A_379 = tpu.vector_load %arg11[%get3A_377, %get3A_378] {strides = array<i32>} : memref<128x64xf32, #tpu.memory_space<vmem>>, vector<1x16xf32>,
        %get3A_380 = vector.shape_cast %get3A_379 : vector<1x16xf32> to vector<16xf32>
        %mul3A_381 = arith.mulf %get3A_380, %broadcast_in_dim3A_372 : vector<16xf32>
        %mul3A_382 = arith.constant 16 : i32
        %mul3A_383 = arith.muli %scan3A_69, %mul3A_382 : i32
        %add3A_384 = arith.constant 4 : i32
        %add3A_385 = arith.addi %mul3A_383, %add3A_384 : i32
        %swap3A_386 = arith.index_cast %add3A_385 : i32 to index
        %swap3A_387 = arith.constant 0 : index
        %swap3A_388 = tpu.vector_load %arg11[%swap3A_386, %swap3A_387] {strides = array<i32>} : memref<128x64xf32, #tpu.memory_space<vmem>>, vector<1x16xf32>,
        %swap3A_389 = vector.shape_cast %swap3A_388 : vector<1x16xf32> to vector<16xf32>
        %swap3A_390 = vector.shape_cast %mul3A_381 : vector<16xf32> to vector<1x16xf32>
        tpu.vector_store %arg11[%swap3A_386, %swap3A_387], %swap3A_390 {strides = array<i32>} : memref<128x64xf32, #tpu.memory_space<vmem>>, vector<1x16xf32>,
        %mul3A_391 = arith.constant 16 : i32
        %mul3A_392 = arith.muli %scan3A_69, %mul3A_391 : i32
        %add3A_393 = arith.constant 4 : i32
        %add3A_394 = arith.addi %mul3A_392, %add3A_393 : i32
        %get3A_395 = arith.index_cast %add3A_394 : i32 to index
        %get3A_396 = arith.constant 16 : index
        %get3A_397 = tpu.vector_load %arg11[%get3A_395, %get3A_396] {strides = array<i32>} : memref<128x64xf32, #tpu.memory_space<vmem>>, vector<1x16xf32>,
        %get3A_398 = vector.shape_cast %get3A_397 : vector<1x16xf32> to vector<16xf32>
        %mul3A_399 = arith.mulf %get3A_398, %broadcast_in_dim3A_372 : vector<16xf32>
        %mul3A_400 = arith.constant 16 : i32
        %mul3A_401 = arith.muli %scan3A_69, %mul3A_400 : i32
        %add3A_402 = arith.constant 4 : i32
        %add3A_403 = arith.addi %mul3A_401, %add3A_402 : i32
        %swap3A_404 = arith.index_cast %add3A_403 : i32 to index
        %swap3A_405 = arith.constant 16 : index
        %swap3A_406 = tpu.vector_load %arg11[%swap3A_404, %swap3A_405] {strides = array<i32>} : memref<128x64xf32, #tpu.memory_space<vmem>>, vector<1x16xf32>,
        %swap3A_407 = vector.shape_cast %swap3A_406 : vector<1x16xf32> to vector<16xf32>
        %swap3A_408 = vector.shape_cast %mul3A_399 : vector<16xf32> to vector<1x16xf32>
        tpu.vector_store %arg11[%swap3A_404, %swap3A_405], %swap3A_408 {strides = array<i32>} : memref<128x64xf32, #tpu.memory_space<vmem>>, vector<1x16xf32>,
        %mul3A_409 = arith.constant 16 : i32
        %mul3A_410 = arith.muli %scan3A_69, %mul3A_409 : i32
        %add3A_411 = arith.constant 4 : i32
        %add3A_412 = arith.addi %mul3A_410, %add3A_411 : i32
        %get3A_413 = arith.index_cast %add3A_412 : i32 to index
        %get3A_414 = arith.constant 32 : index
        %get3A_415 = tpu.vector_load %arg11[%get3A_413, %get3A_414] {strides = array<i32>} : memref<128x64xf32, #tpu.memory_space<vmem>>, vector<1x16xf32>,
        %get3A_416 = vector.shape_cast %get3A_415 : vector<1x16xf32> to vector<16xf32>
        %mul3A_417 = arith.mulf %get3A_416, %broadcast_in_dim3A_372 : vector<16xf32>
        %mul3A_418 = arith.constant 16 : i32
        %mul3A_419 = arith.muli %scan3A_69, %mul3A_418 : i32
        %add3A_420 = arith.constant 4 : i32
        %add3A_421 = arith.addi %mul3A_419, %add3A_420 : i32
        %swap3A_422 = arith.index_cast %add3A_421 : i32 to index
        %swap3A_423 = arith.constant 32 : index
        %swap3A_424 = tpu.vector_load %arg11[%swap3A_422, %swap3A_423] {strides = array<i32>} : memref<128x64xf32, #tpu.memory_space<vmem>>, vector<1x16xf32>,
        %swap3A_425 = vector.shape_cast %swap3A_424 : vector<1x16xf32> to vector<16xf32>
        %swap3A_426 = vector.shape_cast %mul3A_417 : vector<16xf32> to vector<1x16xf32>
        tpu.vector_store %arg11[%swap3A_422, %swap3A_423], %swap3A_426 {strides = array<i32>} : memref<128x64xf32, #tpu.memory_space<vmem>>, vector<1x16xf32>,
        %mul3A_427 = arith.constant 16 : i32
        %mul3A_428 = arith.muli %scan3A_69, %mul3A_427 : i32
        %add3A_429 = arith.constant 4 : i32
        %add3A_430 = arith.addi %mul3A_428, %add3A_429 : i32
        %get3A_431 = arith.index_cast %add3A_430 : i32 to index
        %get3A_432 = arith.constant 48 : index
        %get3A_433 = tpu.vector_load %arg11[%get3A_431, %get3A_432] {strides = array<i32>} : memref<128x64xf32, #tpu.memory_space<vmem>>, vector<1x16xf32>,
        %get3A_434 = vector.shape_cast %get3A_433 : vector<1x16xf32> to vector<16xf32>
        %mul3A_435 = arith.mulf %get3A_434, %broadcast_in_dim3A_372 : vector<16xf32>
        %mul3A_436 = arith.constant 16 : i32
        %mul3A_437 = arith.muli %scan3A_69, %mul3A_436 : i32
        %add3A_438 = arith.constant 4 : i32
        %add3A_439 = arith.addi %mul3A_437, %add3A_438 : i32
        %swap3A_440 = arith.index_cast %add3A_439 : i32 to index
        %swap3A_441 = arith.constant 48 : index
        %swap3A_442 = tpu.vector_load %arg11[%swap3A_440, %swap3A_441] {strides = array<i32>} : memref<128x64xf32, #tpu.memory_space<vmem>>, vector<1x16xf32>,
        %swap3A_443 = vector.shape_cast %swap3A_442 : vector<1x16xf32> to vector<16xf32>
        %swap3A_444 = vector.shape_cast %mul3A_435 : vector<16xf32> to vector<1x16xf32>
        tpu.vector_store %arg11[%swap3A_440, %swap3A_441], %swap3A_444 {strides = array<i32>} : memref<128x64xf32, #tpu.memory_space<vmem>>, vector<1x16xf32>,
        %slice3A_445 = vector.extract_strided_slice %get3A_73 {offsets = [5], sizes = [1], strides = [1]} : vector<16xf32> to vector<1xf32>
        %squeeze3A_446 = vector.extract %slice3A_445[0] : f32 from vector<1xf32>
        %broadcast_in_dim3A_447 = vector.broadcast %squeeze3A_446 : f32 to vector<16xf32>
        %mul3A_448 = arith.constant 16 : i32
        %mul3A_449 = arith.muli %scan3A_69, %mul3A_448 : i32
        %add3A_450 = arith.constant 5 : i32
        %add3A_451 = arith.addi %mul3A_449, %add3A_450 : i32
        %get3A_452 = arith.index_cast %add3A_451 : i32 to index
        %get3A_453 = arith.constant 0 : index
        %get3A_454 = tpu.vector_load %arg11[%get3A_452, %get3A_453] {strides = array<i32>} : memref<128x64xf32, #tpu.memory_space<vmem>>, vector<1x16xf32>,
        %get3A_455 = vector.shape_cast %get3A_454 : vector<1x16xf32> to vector<16xf32>
        %mul3A_456 = arith.mulf %get3A_455, %broadcast_in_dim3A_447 : vector<16xf32>
        %mul3A_457 = arith.constant 16 : i32
        %mul3A_458 = arith.muli %scan3A_69, %mul3A_457 : i32
        %add3A_459 = arith.constant 5 : i32
        %add3A_460 = arith.addi %mul3A_458, %add3A_459 : i32
        %swap3A_461 = arith.index_cast %add3A_460 : i32 to index
        %swap3A_462 = arith.constant 0 : index
        %swap3A_463 = tpu.vector_load %arg11[%swap3A_461, %swap3A_462] {strides = array<i32>} : memref<128x64xf32, #tpu.memory_space<vmem>>, vector<1x16xf32>,
        %swap3A_464 = vector.shape_cast %swap3A_463 : vector<1x16xf32> to vector<16xf32>
        %swap3A_465 = vector.shape_cast %mul3A_456 : vector<16xf32> to vector<1x16xf32>
        tpu.vector_store %arg11[%swap3A_461, %swap3A_462], %swap3A_465 {strides = array<i32>} : memref<128x64xf32, #tpu.memory_space<vmem>>, vector<1x16xf32>,
        %mul3A_466 = arith.constant 16 : i32
        %mul3A_467 = arith.muli %scan3A_69, %mul3A_466 : i32
        %add3A_468 = arith.constant 5 : i32
        %add3A_469 = arith.addi %mul3A_467, %add3A_468 : i32
        %get3A_470 = arith.index_cast %add3A_469 : i32 to index
        %get3A_471 = arith.constant 16 : index
        %get3A_472 = tpu.vector_load %arg11[%get3A_470, %get3A_471] {strides = array<i32>} : memref<128x64xf32, #tpu.memory_space<vmem>>, vector<1x16xf32>,
        %get3A_473 = vector.shape_cast %get3A_472 : vector<1x16xf32> to vector<16xf32>
        %mul3A_474 = arith.mulf %get3A_473, %broadcast_in_dim3A_447 : vector<16xf32>
        %mul3A_475 = arith.constant 16 : i32
        %mul3A_476 = arith.muli %scan3A_69, %mul3A_475 : i32
        %add3A_477 = arith.constant 5 : i32
        %add3A_478 = arith.addi %mul3A_476, %add3A_477 : i32
        %swap3A_479 = arith.index_cast %add3A_478 : i32 to index
        %swap3A_480 = arith.constant 16 : index
        %swap3A_481 = tpu.vector_load %arg11[%swap3A_479, %swap3A_480] {strides = array<i32>} : memref<128x64xf32, #tpu.memory_space<vmem>>, vector<1x16xf32>,
        %swap3A_482 = vector.shape_cast %swap3A_481 : vector<1x16xf32> to vector<16xf32>
        %swap3A_483 = vector.shape_cast %mul3A_474 : vector<16xf32> to vector<1x16xf32>
        tpu.vector_store %arg11[%swap3A_479, %swap3A_480], %swap3A_483 {strides = array<i32>} : memref<128x64xf32, #tpu.memory_space<vmem>>, vector<1x16xf32>,
        %mul3A_484 = arith.constant 16 : i32
        %mul3A_485 = arith.muli %scan3A_69, %mul3A_484 : i32
        %add3A_486 = arith.constant 5 : i32
        %add3A_487 = arith.addi %mul3A_485, %add3A_486 : i32
        %get3A_488 = arith.index_cast %add3A_487 : i32 to index
        %get3A_489 = arith.constant 32 : index
        %get3A_490 = tpu.vector_load %arg11[%get3A_488, %get3A_489] {strides = array<i32>} : memref<128x64xf32, #tpu.memory_space<vmem>>, vector<1x16xf32>,
        %get3A_491 = vector.shape_cast %get3A_490 : vector<1x16xf32> to vector<16xf32>
        %mul3A_492 = arith.mulf %get3A_491, %broadcast_in_dim3A_447 : vector<16xf32>
        %mul3A_493 = arith.constant 16 : i32
        %mul3A_494 = arith.muli %scan3A_69, %mul3A_493 : i32
        %add3A_495 = arith.constant 5 : i32
        %add3A_496 = arith.addi %mul3A_494, %add3A_495 : i32
        %swap3A_497 = arith.index_cast %add3A_496 : i32 to index
        %swap3A_498 = arith.constant 32 : index
        %swap3A_499 = tpu.vector_load %arg11[%swap3A_497, %swap3A_498] {strides = array<i32>} : memref<128x64xf32, #tpu.memory_space<vmem>>, vector<1x16xf32>,
        %swap3A_500 = vector.shape_cast %swap3A_499 : vector<1x16xf32> to vector<16xf32>
        %swap3A_501 = vector.shape_cast %mul3A_492 : vector<16xf32> to vector<1x16xf32>
        tpu.vector_store %arg11[%swap3A_497, %swap3A_498], %swap3A_501 {strides = array<i32>} : memref<128x64xf32, #tpu.memory_space<vmem>>, vector<1x16xf32>,
        %mul3A_502 = arith.constant 16 : i32
        %mul3A_503 = arith.muli %scan3A_69, %mul3A_502 : i32
        %add3A_504 = arith.constant 5 : i32
        %add3A_505 = arith.addi %mul3A_503, %add3A_504 : i32
        %get3A_506 = arith.index_cast %add3A_505 : i32 to index
        %get3A_507 = arith.constant 48 : index
        %get3A_508 = tpu.vector_load %arg11[%get3A_506, %get3A_507] {strides = array<i32>} : memref<128x64xf32, #tpu.memory_space<vmem>>, vector<1x16xf32>,
        %get3A_509 = vector.shape_cast %get3A_508 : vector<1x16xf32> to vector<16xf32>
        %mul3A_510 = arith.mulf %get3A_509, %broadcast_in_dim3A_447 : vector<16xf32>
        %mul3A_511 = arith.constant 16 : i32
        %mul3A_512 = arith.muli %scan3A_69, %mul3A_511 : i32
        %add3A_513 = arith.constant 5 : i32
        %add3A_514 = arith.addi %mul3A_512, %add3A_513 : i32
        %swap3A_515 = arith.index_cast %add3A_514 : i32 to index
        %swap3A_516 = arith.constant 48 : index
        %swap3A_517 = tpu.vector_load %arg11[%swap3A_515, %swap3A_516] {strides = array<i32>} : memref<128x64xf32, #tpu.memory_space<vmem>>, vector<1x16xf32>,
        %swap3A_518 = vector.shape_cast %swap3A_517 : vector<1x16xf32> to vector<16xf32>
        %swap3A_519 = vector.shape_cast %mul3A_510 : vector<16xf32> to vector<1x16xf32>
        tpu.vector_store %arg11[%swap3A_515, %swap3A_516], %swap3A_519 {strides = array<i32>} : memref<128x64xf32, #tpu.memory_space<vmem>>, vector<1x16xf32>,
        %slice3A_520 = vector.extract_strided_slice %get3A_73 {offsets = [6], sizes = [1], strides = [1]} : vector<16xf32> to vector<1xf32>
        %squeeze3A_521 = vector.extract %slice3A_520[0] : f32 from vector<1xf32>
        %broadcast_in_dim3A_522 = vector.broadcast %squeeze3A_521 : f32 to vector<16xf32>
        %mul3A_523 = arith.constant 16 : i32
        %mul3A_524 = arith.muli %scan3A_69, %mul3A_523 : i32
        %add3A_525 = arith.constant 6 : i32
        %add3A_526 = arith.addi %mul3A_524, %add3A_525 : i32
        %get3A_527 = arith.index_cast %add3A_526 : i32 to index
        %get3A_528 = arith.constant 0 : index
        %get3A_529 = tpu.vector_load %arg11[%get3A_527, %get3A_528] {strides = array<i32>} : memref<128x64xf32, #tpu.memory_space<vmem>>, vector<1x16xf32>,
        %get3A_530 = vector.shape_cast %get3A_529 : vector<1x16xf32> to vector<16xf32>
        %mul3A_531 = arith.mulf %get3A_530, %broadcast_in_dim3A_522 : vector<16xf32>
        %mul3A_532 = arith.constant 16 : i32
        %mul3A_533 = arith.muli %scan3A_69, %mul3A_532 : i32
        %add3A_534 = arith.constant 6 : i32
        %add3A_535 = arith.addi %mul3A_533, %add3A_534 : i32
        %swap3A_536 = arith.index_cast %add3A_535 : i32 to index
        %swap3A_537 = arith.constant 0 : index
        %swap3A_538 = tpu.vector_load %arg11[%swap3A_536, %swap3A_537] {strides = array<i32>} : memref<128x64xf32, #tpu.memory_space<vmem>>, vector<1x16xf32>,
        %swap3A_539 = vector.shape_cast %swap3A_538 : vector<1x16xf32> to vector<16xf32>
        %swap3A_540 = vector.shape_cast %mul3A_531 : vector<16xf32> to vector<1x16xf32>
        tpu.vector_store %arg11[%swap3A_536, %swap3A_537], %swap3A_540 {strides = array<i32>} : memref<128x64xf32, #tpu.memory_space<vmem>>, vector<1x16xf32>,
        %mul3A_541 = arith.constant 16 : i32
        %mul3A_542 = arith.muli %scan3A_69, %mul3A_541 : i32
        %add3A_543 = arith.constant 6 : i32
        %add3A_544 = arith.addi %mul3A_542, %add3A_543 : i32
        %get3A_545 = arith.index_cast %add3A_544 : i32 to index
        %get3A_546 = arith.constant 16 : index
        %get3A_547 = tpu.vector_load %arg11[%get3A_545, %get3A_546] {strides = array<i32>} : memref<128x64xf32, #tpu.memory_space<vmem>>, vector<1x16xf32>,
        %get3A_548 = vector.shape_cast %get3A_547 : vector<1x16xf32> to vector<16xf32>
        %mul3A_549 = arith.mulf %get3A_548, %broadcast_in_dim3A_522 : vector<16xf32>
        %mul3A_550 = arith.constant 16 : i32
        %mul3A_551 = arith.muli %scan3A_69, %mul3A_550 : i32
        %add3A_552 = arith.constant 6 : i32
        %add3A_553 = arith.addi %mul3A_551, %add3A_552 : i32
        %swap3A_554 = arith.index_cast %add3A_553 : i32 to index
        %swap3A_555 = arith.constant 16 : index
        %swap3A_556 = tpu.vector_load %arg11[%swap3A_554, %swap3A_555] {strides = array<i32>} : memref<128x64xf32, #tpu.memory_space<vmem>>, vector<1x16xf32>,
        %swap3A_557 = vector.shape_cast %swap3A_556 : vector<1x16xf32> to vector<16xf32>
        %swap3A_558 = vector.shape_cast %mul3A_549 : vector<16xf32> to vector<1x16xf32>
        tpu.vector_store %arg11[%swap3A_554, %swap3A_555], %swap3A_558 {strides = array<i32>} : memref<128x64xf32, #tpu.memory_space<vmem>>, vector<1x16xf32>,
        %mul3A_559 = arith.constant 16 : i32
        %mul3A_560 = arith.muli %scan3A_69, %mul3A_559 : i32
        %add3A_561 = arith.constant 6 : i32
        %add3A_562 = arith.addi %mul3A_560, %add3A_561 : i32
        %get3A_563 = arith.index_cast %add3A_562 : i32 to index
        %get3A_564 = arith.constant 32 : index
        %get3A_565 = tpu.vector_load %arg11[%get3A_563, %get3A_564] {strides = array<i32>} : memref<128x64xf32, #tpu.memory_space<vmem>>, vector<1x16xf32>,
        %get3A_566 = vector.shape_cast %get3A_565 : vector<1x16xf32> to vector<16xf32>
        %mul3A_567 = arith.mulf %get3A_566, %broadcast_in_dim3A_522 : vector<16xf32>
        %mul3A_568 = arith.constant 16 : i32
        %mul3A_569 = arith.muli %scan3A_69, %mul3A_568 : i32
        %add3A_570 = arith.constant 6 : i32
        %add3A_571 = arith.addi %mul3A_569, %add3A_570 : i32
        %swap3A_572 = arith.index_cast %add3A_571 : i32 to index
        %swap3A_573 = arith.constant 32 : index
        %swap3A_574 = tpu.vector_load %arg11[%swap3A_572, %swap3A_573] {strides = array<i32>} : memref<128x64xf32, #tpu.memory_space<vmem>>, vector<1x16xf32>,
        %swap3A_575 = vector.shape_cast %swap3A_574 : vector<1x16xf32> to vector<16xf32>
        %swap3A_576 = vector.shape_cast %mul3A_567 : vector<16xf32> to vector<1x16xf32>
        tpu.vector_store %arg11[%swap3A_572, %swap3A_573], %swap3A_576 {strides = array<i32>} : memref<128x64xf32, #tpu.memory_space<vmem>>, vector<1x16xf32>,
        %mul3A_577 = arith.constant 16 : i32
        %mul3A_578 = arith.muli %scan3A_69, %mul3A_577 : i32
        %add3A_579 = arith.constant 6 : i32
        %add3A_580 = arith.addi %mul3A_578, %add3A_579 : i32
        %get3A_581 = arith.index_cast %add3A_580 : i32 to index
        %get3A_582 = arith.constant 48 : index
        %get3A_583 = tpu.vector_load %arg11[%get3A_581, %get3A_582] {strides = array<i32>} : memref<128x64xf32, #tpu.memory_space<vmem>>, vector<1x16xf32>,
        %get3A_584 = vector.shape_cast %get3A_583 : vector<1x16xf32> to vector<16xf32>
        %mul3A_585 = arith.mulf %get3A_584, %broadcast_in_dim3A_522 : vector<16xf32>
        %mul3A_586 = arith.constant 16 : i32
        %mul3A_587 = arith.muli %scan3A_69, %mul3A_586 : i32
        %add3A_588 = arith.constant 6 : i32
        %add3A_589 = arith.addi %mul3A_587, %add3A_588 : i32
        %swap3A_590 = arith.index_cast %add3A_589 : i32 to index
        %swap3A_591 = arith.constant 48 : index
        %swap3A_592 = tpu.vector_load %arg11[%swap3A_590, %swap3A_591] {strides = array<i32>} : memref<128x64xf32, #tpu.memory_space<vmem>>, vector<1x16xf32>,
        %swap3A_593 = vector.shape_cast %swap3A_592 : vector<1x16xf32> to vector<16xf32>
        %swap3A_594 = vector.shape_cast %mul3A_585 : vector<16xf32> to vector<1x16xf32>
        tpu.vector_store %arg11[%swap3A_590, %swap3A_591], %swap3A_594 {strides = array<i32>} : memref<128x64xf32, #tpu.memory_space<vmem>>, vector<1x16xf32>,
        %slice3A_595 = vector.extract_strided_slice %get3A_73 {offsets = [7], sizes = [1], strides = [1]} : vector<16xf32> to vector<1xf32>
        %squeeze3A_596 = vector.extract %slice3A_595[0] : f32 from vector<1xf32>
        %broadcast_in_dim3A_597 = vector.broadcast %squeeze3A_596 : f32 to vector<16xf32>
        %mul3A_598 = arith.constant 16 : i32
        %mul3A_599 = arith.muli %scan3A_69, %mul3A_598 : i32
        %add3A_600 = arith.constant 7 : i32
        %add3A_601 = arith.addi %mul3A_599, %add3A_600 : i32
        %get3A_602 = arith.index_cast %add3A_601 : i32 to index
        %get3A_603 = arith.constant 0 : index
        %get3A_604 = tpu.vector_load %arg11[%get3A_602, %get3A_603] {strides = array<i32>} : memref<128x64xf32, #tpu.memory_space<vmem>>, vector<1x16xf32>,
        %get3A_605 = vector.shape_cast %get3A_604 : vector<1x16xf32> to vector<16xf32>
        %mul3A_606 = arith.mulf %get3A_605, %broadcast_in_dim3A_597 : vector<16xf32>
        %mul3A_607 = arith.constant 16 : i32
        %mul3A_608 = arith.muli %scan3A_69, %mul3A_607 : i32
        %add3A_609 = arith.constant 7 : i32
        %add3A_610 = arith.addi %mul3A_608, %add3A_609 : i32
        %swap3A_611 = arith.index_cast %add3A_610 : i32 to index
        %swap3A_612 = arith.constant 0 : index
        %swap3A_613 = tpu.vector_load %arg11[%swap3A_611, %swap3A_612] {strides = array<i32>} : memref<128x64xf32, #tpu.memory_space<vmem>>, vector<1x16xf32>,
        %swap3A_614 = vector.shape_cast %swap3A_613 : vector<1x16xf32> to vector<16xf32>
        %swap3A_615 = vector.shape_cast %mul3A_606 : vector<16xf32> to vector<1x16xf32>
        tpu.vector_store %arg11[%swap3A_611, %swap3A_612], %swap3A_615 {strides = array<i32>} : memref<128x64xf32, #tpu.memory_space<vmem>>, vector<1x16xf32>,
        %mul3A_616 = arith.constant 16 : i32
        %mul3A_617 = arith.muli %scan3A_69, %mul3A_616 : i32
        %add3A_618 = arith.constant 7 : i32
        %add3A_619 = arith.addi %mul3A_617, %add3A_618 : i32
        %get3A_620 = arith.index_cast %add3A_619 : i32 to index
        %get3A_621 = arith.constant 16 : index
        %get3A_622 = tpu.vector_load %arg11[%get3A_620, %get3A_621] {strides = array<i32>} : memref<128x64xf32, #tpu.memory_space<vmem>>, vector<1x16xf32>,
        %get3A_623 = vector.shape_cast %get3A_622 : vector<1x16xf32> to vector<16xf32>
        %mul3A_624 = arith.mulf %get3A_623, %broadcast_in_dim3A_597 : vector<16xf32>
        %mul3A_625 = arith.constant 16 : i32
        %mul3A_626 = arith.muli %scan3A_69, %mul3A_625 : i32
        %add3A_627 = arith.constant 7 : i32
        %add3A_628 = arith.addi %mul3A_626, %add3A_627 : i32
        %swap3A_629 = arith.index_cast %add3A_628 : i32 to index
        %swap3A_630 = arith.constant 16 : index
        %swap3A_631 = tpu.vector_load %arg11[%swap3A_629, %swap3A_630] {strides = array<i32>} : memref<128x64xf32, #tpu.memory_space<vmem>>, vector<1x16xf32>,
        %swap3A_632 = vector.shape_cast %swap3A_631 : vector<1x16xf32> to vector<16xf32>
        %swap3A_633 = vector.shape_cast %mul3A_624 : vector<16xf32> to vector<1x16xf32>
        tpu.vector_store %arg11[%swap3A_629, %swap3A_630], %swap3A_633 {strides = array<i32>} : memref<128x64xf32, #tpu.memory_space<vmem>>, vector<1x16xf32>,
        %mul3A_634 = arith.constant 16 : i32
        %mul3A_635 = arith.muli %scan3A_69, %mul3A_634 : i32
        %add3A_636 = arith.constant 7 : i32
        %add3A_637 = arith.addi %mul3A_635, %add3A_636 : i32
        %get3A_638 = arith.index_cast %add3A_637 : i32 to index
        %get3A_639 = arith.constant 32 : index
        %get3A_640 = tpu.vector_load %arg11[%get3A_638, %get3A_639] {strides = array<i32>} : memref<128x64xf32, #tpu.memory_space<vmem>>, vector<1x16xf32>,
        %get3A_641 = vector.shape_cast %get3A_640 : vector<1x16xf32> to vector<16xf32>
        %mul3A_642 = arith.mulf %get3A_641, %broadcast_in_dim3A_597 : vector<16xf32>
        %mul3A_643 = arith.constant 16 : i32
        %mul3A_644 = arith.muli %scan3A_69, %mul3A_643 : i32
        %add3A_645 = arith.constant 7 : i32
        %add3A_646 = arith.addi %mul3A_644, %add3A_645 : i32
        %swap3A_647 = arith.index_cast %add3A_646 : i32 to index
        %swap3A_648 = arith.constant 32 : index
        %swap3A_649 = tpu.vector_load %arg11[%swap3A_647, %swap3A_648] {strides = array<i32>} : memref<128x64xf32, #tpu.memory_space<vmem>>, vector<1x16xf32>,
        %swap3A_650 = vector.shape_cast %swap3A_649 : vector<1x16xf32> to vector<16xf32>
        %swap3A_651 = vector.shape_cast %mul3A_642 : vector<16xf32> to vector<1x16xf32>
        tpu.vector_store %arg11[%swap3A_647, %swap3A_648], %swap3A_651 {strides = array<i32>} : memref<128x64xf32, #tpu.memory_space<vmem>>, vector<1x16xf32>,
        %mul3A_652 = arith.constant 16 : i32
        %mul3A_653 = arith.muli %scan3A_69, %mul3A_652 : i32
        %add3A_654 = arith.constant 7 : i32
        %add3A_655 = arith.addi %mul3A_653, %add3A_654 : i32
        %get3A_656 = arith.index_cast %add3A_655 : i32 to index
        %get3A_657 = arith.constant 48 : index
        %get3A_658 = tpu.vector_load %arg11[%get3A_656, %get3A_657] {strides = array<i32>} : memref<128x64xf32, #tpu.memory_space<vmem>>, vector<1x16xf32>,
        %get3A_659 = vector.shape_cast %get3A_658 : vector<1x16xf32> to vector<16xf32>
        %mul3A_660 = arith.mulf %get3A_659, %broadcast_in_dim3A_597 : vector<16xf32>
        %mul3A_661 = arith.constant 16 : i32
        %mul3A_662 = arith.muli %scan3A_69, %mul3A_661 : i32
        %add3A_663 = arith.constant 7 : i32
        %add3A_664 = arith.addi %mul3A_662, %add3A_663 : i32
        %swap3A_665 = arith.index_cast %add3A_664 : i32 to index
        %swap3A_666 = arith.constant 48 : index
        %swap3A_667 = tpu.vector_load %arg11[%swap3A_665, %swap3A_666] {strides = array<i32>} : memref<128x64xf32, #tpu.memory_space<vmem>>, vector<1x16xf32>,
        %swap3A_668 = vector.shape_cast %swap3A_667 : vector<1x16xf32> to vector<16xf32>
        %swap3A_669 = vector.shape_cast %mul3A_660 : vector<16xf32> to vector<1x16xf32>
        tpu.vector_store %arg11[%swap3A_665, %swap3A_666], %swap3A_669 {strides = array<i32>} : memref<128x64xf32, #tpu.memory_space<vmem>>, vector<1x16xf32>,
        %slice3A_670 = vector.extract_strided_slice %get3A_73 {offsets = [8], sizes = [1], strides = [1]} : vector<16xf32> to vector<1xf32>
        %squeeze3A_671 = vector.extract %slice3A_670[0] : f32 from vector<1xf32>
        %broadcast_in_dim3A_672 = vector.broadcast %squeeze3A_671 : f32 to vector<16xf32>
        %mul3A_673 = arith.constant 16 : i32
        %mul3A_674 = arith.muli %scan3A_69, %mul3A_673 : i32
        %add3A_675 = arith.constant 8 : i32
        %add3A_676 = arith.addi %mul3A_674, %add3A_675 : i32
        %get3A_677 = arith.index_cast %add3A_676 : i32 to index
        %get3A_678 = arith.constant 0 : index
        %get3A_679 = tpu.vector_load %arg11[%get3A_677, %get3A_678] {strides = array<i32>} : memref<128x64xf32, #tpu.memory_space<vmem>>, vector<1x16xf32>,
        %get3A_680 = vector.shape_cast %get3A_679 : vector<1x16xf32> to vector<16xf32>
        %mul3A_681 = arith.mulf %get3A_680, %broadcast_in_dim3A_672 : vector<16xf32>
        %mul3A_682 = arith.constant 16 : i32
        %mul3A_683 = arith.muli %scan3A_69, %mul3A_682 : i32
        %add3A_684 = arith.constant 8 : i32
        %add3A_685 = arith.addi %mul3A_683, %add3A_684 : i32
        %swap3A_686 = arith.index_cast %add3A_685 : i32 to index
        %swap3A_687 = arith.constant 0 : index
        %swap3A_688 = tpu.vector_load %arg11[%swap3A_686, %swap3A_687] {strides = array<i32>} : memref<128x64xf32, #tpu.memory_space<vmem>>, vector<1x16xf32>,
        %swap3A_689 = vector.shape_cast %swap3A_688 : vector<1x16xf32> to vector<16xf32>
        %swap3A_690 = vector.shape_cast %mul3A_681 : vector<16xf32> to vector<1x16xf32>
        tpu.vector_store %arg11[%swap3A_686, %swap3A_687], %swap3A_690 {strides = array<i32>} : memref<128x64xf32, #tpu.memory_space<vmem>>, vector<1x16xf32>,
        %mul3A_691 = arith.constant 16 : i32
        %mul3A_692 = arith.muli %scan3A_69, %mul3A_691 : i32
        %add3A_693 = arith.constant 8 : i32
        %add3A_694 = arith.addi %mul3A_692, %add3A_693 : i32
        %get3A_695 = arith.index_cast %add3A_694 : i32 to index
        %get3A_696 = arith.constant 16 : index
        %get3A_697 = tpu.vector_load %arg11[%get3A_695, %get3A_696] {strides = array<i32>} : memref<128x64xf32, #tpu.memory_space<vmem>>, vector<1x16xf32>,
        %get3A_698 = vector.shape_cast %get3A_697 : vector<1x16xf32> to vector<16xf32>
        %mul3A_699 = arith.mulf %get3A_698, %broadcast_in_dim3A_672 : vector<16xf32>
        %mul3A_700 = arith.constant 16 : i32
        %mul3A_701 = arith.muli %scan3A_69, %mul3A_700 : i32
        %add3A_702 = arith.constant 8 : i32
        %add3A_703 = arith.addi %mul3A_701, %add3A_702 : i32
        %swap3A_704 = arith.index_cast %add3A_703 : i32 to index
        %swap3A_705 = arith.constant 16 : index
        %swap3A_706 = tpu.vector_load %arg11[%swap3A_704, %swap3A_705] {strides = array<i32>} : memref<128x64xf32, #tpu.memory_space<vmem>>, vector<1x16xf32>,
        %swap3A_707 = vector.shape_cast %swap3A_706 : vector<1x16xf32> to vector<16xf32>
        %swap3A_708 = vector.shape_cast %mul3A_699 : vector<16xf32> to vector<1x16xf32>
        tpu.vector_store %arg11[%swap3A_704, %swap3A_705], %swap3A_708 {strides = array<i32>} : memref<128x64xf32, #tpu.memory_space<vmem>>, vector<1x16xf32>,
        %mul3A_709 = arith.constant 16 : i32
        %mul3A_710 = arith.muli %scan3A_69, %mul3A_709 : i32
        %add3A_711 = arith.constant 8 : i32
        %add3A_712 = arith.addi %mul3A_710, %add3A_711 : i32
        %get3A_713 = arith.index_cast %add3A_712 : i32 to index
        %get3A_714 = arith.constant 32 : index
        %get3A_715 = tpu.vector_load %arg11[%get3A_713, %get3A_714] {strides = array<i32>} : memref<128x64xf32, #tpu.memory_space<vmem>>, vector<1x16xf32>,
        %get3A_716 = vector.shape_cast %get3A_715 : vector<1x16xf32> to vector<16xf32>
        %mul3A_717 = arith.mulf %get3A_716, %broadcast_in_dim3A_672 : vector<16xf32>
        %mul3A_718 = arith.constant 16 : i32
        %mul3A_719 = arith.muli %scan3A_69, %mul3A_718 : i32
        %add3A_720 = arith.constant 8 : i32
        %add3A_721 = arith.addi %mul3A_719, %add3A_720 : i32
        %swap3A_722 = arith.index_cast %add3A_721 : i32 to index
        %swap3A_723 = arith.constant 32 : index
        %swap3A_724 = tpu.vector_load %arg11[%swap3A_722, %swap3A_723] {strides = array<i32>} : memref<128x64xf32, #tpu.memory_space<vmem>>, vector<1x16xf32>,
        %swap3A_725 = vector.shape_cast %swap3A_724 : vector<1x16xf32> to vector<16xf32>
        %swap3A_726 = vector.shape_cast %mul3A_717 : vector<16xf32> to vector<1x16xf32>
        tpu.vector_store %arg11[%swap3A_722, %swap3A_723], %swap3A_726 {strides = array<i32>} : memref<128x64xf32, #tpu.memory_space<vmem>>, vector<1x16xf32>,
        %mul3A_727 = arith.constant 16 : i32
        %mul3A_728 = arith.muli %scan3A_69, %mul3A_727 : i32
        %add3A_729 = arith.constant 8 : i32
        %add3A_730 = arith.addi %mul3A_728, %add3A_729 : i32
        %get3A_731 = arith.index_cast %add3A_730 : i32 to index
        %get3A_732 = arith.constant 48 : index
        %get3A_733 = tpu.vector_load %arg11[%get3A_731, %get3A_732] {strides = array<i32>} : memref<128x64xf32, #tpu.memory_space<vmem>>, vector<1x16xf32>,
        %get3A_734 = vector.shape_cast %get3A_733 : vector<1x16xf32> to vector<16xf32>
        %mul3A_735 = arith.mulf %get3A_734, %broadcast_in_dim3A_672 : vector<16xf32>
        %mul3A_736 = arith.constant 16 : i32
        %mul3A_737 = arith.muli %scan3A_69, %mul3A_736 : i32
        %add3A_738 = arith.constant 8 : i32
        %add3A_739 = arith.addi %mul3A_737, %add3A_738 : i32
        %swap3A_740 = arith.index_cast %add3A_739 : i32 to index
        %swap3A_741 = arith.constant 48 : index
        %swap3A_742 = tpu.vector_load %arg11[%swap3A_740, %swap3A_741] {strides = array<i32>} : memref<128x64xf32, #tpu.memory_space<vmem>>, vector<1x16xf32>,
        %swap3A_743 = vector.shape_cast %swap3A_742 : vector<1x16xf32> to vector<16xf32>
        %swap3A_744 = vector.shape_cast %mul3A_735 : vector<16xf32> to vector<1x16xf32>
        tpu.vector_store %arg11[%swap3A_740, %swap3A_741], %swap3A_744 {strides = array<i32>} : memref<128x64xf32, #tpu.memory_space<vmem>>, vector<1x16xf32>,
        %slice3A_745 = vector.extract_strided_slice %get3A_73 {offsets = [9], sizes = [1], strides = [1]} : vector<16xf32> to vector<1xf32>
        %squeeze3A_746 = vector.extract %slice3A_745[0] : f32 from vector<1xf32>
        %broadcast_in_dim3A_747 = vector.broadcast %squeeze3A_746 : f32 to vector<16xf32>
        %mul3A_748 = arith.constant 16 : i32
        %mul3A_749 = arith.muli %scan3A_69, %mul3A_748 : i32
        %add3A_750 = arith.constant 9 : i32
        %add3A_751 = arith.addi %mul3A_749, %add3A_750 : i32
        %get3A_752 = arith.index_cast %add3A_751 : i32 to index
        %get3A_753 = arith.constant 0 : index
        %get3A_754 = tpu.vector_load %arg11[%get3A_752, %get3A_753] {strides = array<i32>} : memref<128x64xf32, #tpu.memory_space<vmem>>, vector<1x16xf32>,
        %get3A_755 = vector.shape_cast %get3A_754 : vector<1x16xf32> to vector<16xf32>
        %mul3A_756 = arith.mulf %get3A_755, %broadcast_in_dim3A_747 : vector<16xf32>
        %mul3A_757 = arith.constant 16 : i32
        %mul3A_758 = arith.muli %scan3A_69, %mul3A_757 : i32
        %add3A_759 = arith.constant 9 : i32
        %add3A_760 = arith.addi %mul3A_758, %add3A_759 : i32
        %swap3A_761 = arith.index_cast %add3A_760 : i32 to index
        %swap3A_762 = arith.constant 0 : index
        %swap3A_763 = tpu.vector_load %arg11[%swap3A_761, %swap3A_762] {strides = array<i32>} : memref<128x64xf32, #tpu.memory_space<vmem>>, vector<1x16xf32>,
        %swap3A_764 = vector.shape_cast %swap3A_763 : vector<1x16xf32> to vector<16xf32>
        %swap3A_765 = vector.shape_cast %mul3A_756 : vector<16xf32> to vector<1x16xf32>
        tpu.vector_store %arg11[%swap3A_761, %swap3A_762], %swap3A_765 {strides = array<i32>} : memref<128x64xf32, #tpu.memory_space<vmem>>, vector<1x16xf32>,
        %mul3A_766 = arith.constant 16 : i32
        %mul3A_767 = arith.muli %scan3A_69, %mul3A_766 : i32
        %add3A_768 = arith.constant 9 : i32
        %add3A_769 = arith.addi %mul3A_767, %add3A_768 : i32
        %get3A_770 = arith.index_cast %add3A_769 : i32 to index
        %get3A_771 = arith.constant 16 : index
        %get3A_772 = tpu.vector_load %arg11[%get3A_770, %get3A_771] {strides = array<i32>} : memref<128x64xf32, #tpu.memory_space<vmem>>, vector<1x16xf32>,
        %get3A_773 = vector.shape_cast %get3A_772 : vector<1x16xf32> to vector<16xf32>
        %mul3A_774 = arith.mulf %get3A_773, %broadcast_in_dim3A_747 : vector<16xf32>
        %mul3A_775 = arith.constant 16 : i32
        %mul3A_776 = arith.muli %scan3A_69, %mul3A_775 : i32
        %add3A_777 = arith.constant 9 : i32
        %add3A_778 = arith.addi %mul3A_776, %add3A_777 : i32
        %swap3A_779 = arith.index_cast %add3A_778 : i32 to index
        %swap3A_780 = arith.constant 16 : index
        %swap3A_781 = tpu.vector_load %arg11[%swap3A_779, %swap3A_780] {strides = array<i32>} : memref<128x64xf32, #tpu.memory_space<vmem>>, vector<1x16xf32>,
        %swap3A_782 = vector.shape_cast %swap3A_781 : vector<1x16xf32> to vector<16xf32>
        %swap3A_783 = vector.shape_cast %mul3A_774 : vector<16xf32> to vector<1x16xf32>
        tpu.vector_store %arg11[%swap3A_779, %swap3A_780], %swap3A_783 {strides = array<i32>} : memref<128x64xf32, #tpu.memory_space<vmem>>, vector<1x16xf32>,
        %mul3A_784 = arith.constant 16 : i32
        %mul3A_785 = arith.muli %scan3A_69, %mul3A_784 : i32
        %add3A_786 = arith.constant 9 : i32
        %add3A_787 = arith.addi %mul3A_785, %add3A_786 : i32
        %get3A_788 = arith.index_cast %add3A_787 : i32 to index
        %get3A_789 = arith.constant 32 : index
        %get3A_790 = tpu.vector_load %arg11[%get3A_788, %get3A_789] {strides = array<i32>} : memref<128x64xf32, #tpu.memory_space<vmem>>, vector<1x16xf32>,
        %get3A_791 = vector.shape_cast %get3A_790 : vector<1x16xf32> to vector<16xf32>
        %mul3A_792 = arith.mulf %get3A_791, %broadcast_in_dim3A_747 : vector<16xf32>
        %mul3A_793 = arith.constant 16 : i32
        %mul3A_794 = arith.muli %scan3A_69, %mul3A_793 : i32
        %add3A_795 = arith.constant 9 : i32
        %add3A_796 = arith.addi %mul3A_794, %add3A_795 : i32
        %swap3A_797 = arith.index_cast %add3A_796 : i32 to index
        %swap3A_798 = arith.constant 32 : index
        %swap3A_799 = tpu.vector_load %arg11[%swap3A_797, %swap3A_798] {strides = array<i32>} : memref<128x64xf32, #tpu.memory_space<vmem>>, vector<1x16xf32>,
        %swap3A_800 = vector.shape_cast %swap3A_799 : vector<1x16xf32> to vector<16xf32>
        %swap3A_801 = vector.shape_cast %mul3A_792 : vector<16xf32> to vector<1x16xf32>
        tpu.vector_store %arg11[%swap3A_797, %swap3A_798], %swap3A_801 {strides = array<i32>} : memref<128x64xf32, #tpu.memory_space<vmem>>, vector<1x16xf32>,
        %mul3A_802 = arith.constant 16 : i32
        %mul3A_803 = arith.muli %scan3A_69, %mul3A_802 : i32
        %add3A_804 = arith.constant 9 : i32
        %add3A_805 = arith.addi %mul3A_803, %add3A_804 : i32
        %get3A_806 = arith.index_cast %add3A_805 : i32 to index
        %get3A_807 = arith.constant 48 : index
        %get3A_808 = tpu.vector_load %arg11[%get3A_806, %get3A_807] {strides = array<i32>} : memref<128x64xf32, #tpu.memory_space<vmem>>, vector<1x16xf32>,
        %get3A_809 = vector.shape_cast %get3A_808 : vector<1x16xf32> to vector<16xf32>
        %mul3A_810 = arith.mulf %get3A_809, %broadcast_in_dim3A_747 : vector<16xf32>
        %mul3A_811 = arith.constant 16 : i32
        %mul3A_812 = arith.muli %scan3A_69, %mul3A_811 : i32
        %add3A_813 = arith.constant 9 : i32
        %add3A_814 = arith.addi %mul3A_812, %add3A_813 : i32
        %swap3A_815 = arith.index_cast %add3A_814 : i32 to index
        %swap3A_816 = arith.constant 48 : index
        %swap3A_817 = tpu.vector_load %arg11[%swap3A_815, %swap3A_816] {strides = array<i32>} : memref<128x64xf32, #tpu.memory_space<vmem>>, vector<1x16xf32>,
        %swap3A_818 = vector.shape_cast %swap3A_817 : vector<1x16xf32> to vector<16xf32>
        %swap3A_819 = vector.shape_cast %mul3A_810 : vector<16xf32> to vector<1x16xf32>
        tpu.vector_store %arg11[%swap3A_815, %swap3A_816], %swap3A_819 {strides = array<i32>} : memref<128x64xf32, #tpu.memory_space<vmem>>, vector<1x16xf32>,
        %slice3A_820 = vector.extract_strided_slice %get3A_73 {offsets = [10], sizes = [1], strides = [1]} : vector<16xf32> to vector<1xf32>
        %squeeze3A_821 = vector.extract %slice3A_820[0] : f32 from vector<1xf32>
        %broadcast_in_dim3A_822 = vector.broadcast %squeeze3A_821 : f32 to vector<16xf32>
        %mul3A_823 = arith.constant 16 : i32
        %mul3A_824 = arith.muli %scan3A_69, %mul3A_823 : i32
        %add3A_825 = arith.constant 10 : i32
        %add3A_826 = arith.addi %mul3A_824, %add3A_825 : i32
        %get3A_827 = arith.index_cast %add3A_826 : i32 to index
        %get3A_828 = arith.constant 0 : index
        %get3A_829 = tpu.vector_load %arg11[%get3A_827, %get3A_828] {strides = array<i32>} : memref<128x64xf32, #tpu.memory_space<vmem>>, vector<1x16xf32>,
        %get3A_830 = vector.shape_cast %get3A_829 : vector<1x16xf32> to vector<16xf32>
        %mul3A_831 = arith.mulf %get3A_830, %broadcast_in_dim3A_822 : vector<16xf32>
        %mul3A_832 = arith.constant 16 : i32
        %mul3A_833 = arith.muli %scan3A_69, %mul3A_832 : i32
        %add3A_834 = arith.constant 10 : i32
        %add3A_835 = arith.addi %mul3A_833, %add3A_834 : i32
        %swap3A_836 = arith.index_cast %add3A_835 : i32 to index
        %swap3A_837 = arith.constant 0 : index
        %swap3A_838 = tpu.vector_load %arg11[%swap3A_836, %swap3A_837] {strides = array<i32>} : memref<128x64xf32, #tpu.memory_space<vmem>>, vector<1x16xf32>,
        %swap3A_839 = vector.shape_cast %swap3A_838 : vector<1x16xf32> to vector<16xf32>
        %swap3A_840 = vector.shape_cast %mul3A_831 : vector<16xf32> to vector<1x16xf32>
        tpu.vector_store %arg11[%swap3A_836, %swap3A_837], %swap3A_840 {strides = array<i32>} : memref<128x64xf32, #tpu.memory_space<vmem>>, vector<1x16xf32>,
        %mul3A_841 = arith.constant 16 : i32
        %mul3A_842 = arith.muli %scan3A_69, %mul3A_841 : i32
        %add3A_843 = arith.constant 10 : i32
        %add3A_844 = arith.addi %mul3A_842, %add3A_843 : i32
        %get3A_845 = arith.index_cast %add3A_844 : i32 to index
        %get3A_846 = arith.constant 16 : index
        %get3A_847 = tpu.vector_load %arg11[%get3A_845, %get3A_846] {strides = array<i32>} : memref<128x64xf32, #tpu.memory_space<vmem>>, vector<1x16xf32>,
        %get3A_848 = vector.shape_cast %get3A_847 : vector<1x16xf32> to vector<16xf32>
        %mul3A_849 = arith.mulf %get3A_848, %broadcast_in_dim3A_822 : vector<16xf32>
        %mul3A_850 = arith.constant 16 : i32
        %mul3A_851 = arith.muli %scan3A_69, %mul3A_850 : i32
        %add3A_852 = arith.constant 10 : i32
        %add3A_853 = arith.addi %mul3A_851, %add3A_852 : i32
        %swap3A_854 = arith.index_cast %add3A_853 : i32 to index
        %swap3A_855 = arith.constant 16 : index
        %swap3A_856 = tpu.vector_load %arg11[%swap3A_854, %swap3A_855] {strides = array<i32>} : memref<128x64xf32, #tpu.memory_space<vmem>>, vector<1x16xf32>,
        %swap3A_857 = vector.shape_cast %swap3A_856 : vector<1x16xf32> to vector<16xf32>
        %swap3A_858 = vector.shape_cast %mul3A_849 : vector<16xf32> to vector<1x16xf32>
        tpu.vector_store %arg11[%swap3A_854, %swap3A_855], %swap3A_858 {strides = array<i32>} : memref<128x64xf32, #tpu.memory_space<vmem>>, vector<1x16xf32>,
        %mul3A_859 = arith.constant 16 : i32
        %mul3A_860 = arith.muli %scan3A_69, %mul3A_859 : i32
        %add3A_861 = arith.constant 10 : i32
        %add3A_862 = arith.addi %mul3A_860, %add3A_861 : i32
        %get3A_863 = arith.index_cast %add3A_862 : i32 to index
        %get3A_864 = arith.constant 32 : index
        %get3A_865 = tpu.vector_load %arg11[%get3A_863, %get3A_864] {strides = array<i32>} : memref<128x64xf32, #tpu.memory_space<vmem>>, vector<1x16xf32>,
        %get3A_866 = vector.shape_cast %get3A_865 : vector<1x16xf32> to vector<16xf32>
        %mul3A_867 = arith.mulf %get3A_866, %broadcast_in_dim3A_822 : vector<16xf32>
        %mul3A_868 = arith.constant 16 : i32
        %mul3A_869 = arith.muli %scan3A_69, %mul3A_868 : i32
        %add3A_870 = arith.constant 10 : i32
        %add3A_871 = arith.addi %mul3A_869, %add3A_870 : i32
        %swap3A_872 = arith.index_cast %add3A_871 : i32 to index
        %swap3A_873 = arith.constant 32 : index
        %swap3A_874 = tpu.vector_load %arg11[%swap3A_872, %swap3A_873] {strides = array<i32>} : memref<128x64xf32, #tpu.memory_space<vmem>>, vector<1x16xf32>,
        %swap3A_875 = vector.shape_cast %swap3A_874 : vector<1x16xf32> to vector<16xf32>
        %swap3A_876 = vector.shape_cast %mul3A_867 : vector<16xf32> to vector<1x16xf32>
        tpu.vector_store %arg11[%swap3A_872, %swap3A_873], %swap3A_876 {strides = array<i32>} : memref<128x64xf32, #tpu.memory_space<vmem>>, vector<1x16xf32>,
        %mul3A_877 = arith.constant 16 : i32
        %mul3A_878 = arith.muli %scan3A_69, %mul3A_877 : i32
        %add3A_879 = arith.constant 10 : i32
        %add3A_880 = arith.addi %mul3A_878, %add3A_879 : i32
        %get3A_881 = arith.index_cast %add3A_880 : i32 to index
        %get3A_882 = arith.constant 48 : index
        %get3A_883 = tpu.vector_load %arg11[%get3A_881, %get3A_882] {strides = array<i32>} : memref<128x64xf32, #tpu.memory_space<vmem>>, vector<1x16xf32>,
        %get3A_884 = vector.shape_cast %get3A_883 : vector<1x16xf32> to vector<16xf32>
        %mul3A_885 = arith.mulf %get3A_884, %broadcast_in_dim3A_822 : vector<16xf32>
        %mul3A_886 = arith.constant 16 : i32
        %mul3A_887 = arith.muli %scan3A_69, %mul3A_886 : i32
        %add3A_888 = arith.constant 10 : i32
        %add3A_889 = arith.addi %mul3A_887, %add3A_888 : i32
        %swap3A_890 = arith.index_cast %add3A_889 : i32 to index
        %swap3A_891 = arith.constant 48 : index
        %swap3A_892 = tpu.vector_load %arg11[%swap3A_890, %swap3A_891] {strides = array<i32>} : memref<128x64xf32, #tpu.memory_space<vmem>>, vector<1x16xf32>,
        %swap3A_893 = vector.shape_cast %swap3A_892 : vector<1x16xf32> to vector<16xf32>
        %swap3A_894 = vector.shape_cast %mul3A_885 : vector<16xf32> to vector<1x16xf32>
        tpu.vector_store %arg11[%swap3A_890, %swap3A_891], %swap3A_894 {strides = array<i32>} : memref<128x64xf32, #tpu.memory_space<vmem>>, vector<1x16xf32>,
        %slice3A_895 = vector.extract_strided_slice %get3A_73 {offsets = [11], sizes = [1], strides = [1]} : vector<16xf32> to vector<1xf32>
        %squeeze3A_896 = vector.extract %slice3A_895[0] : f32 from vector<1xf32>
        %broadcast_in_dim3A_897 = vector.broadcast %squeeze3A_896 : f32 to vector<16xf32>
        %mul3A_898 = arith.constant 16 : i32
        %mul3A_899 = arith.muli %scan3A_69, %mul3A_898 : i32
        %add3A_900 = arith.constant 11 : i32
        %add3A_901 = arith.addi %mul3A_899, %add3A_900 : i32
        %get3A_902 = arith.index_cast %add3A_901 : i32 to index
        %get3A_903 = arith.constant 0 : index
        %get3A_904 = tpu.vector_load %arg11[%get3A_902, %get3A_903] {strides = array<i32>} : memref<128x64xf32, #tpu.memory_space<vmem>>, vector<1x16xf32>,
        %get3A_905 = vector.shape_cast %get3A_904 : vector<1x16xf32> to vector<16xf32>
        %mul3A_906 = arith.mulf %get3A_905, %broadcast_in_dim3A_897 : vector<16xf32>
        %mul3A_907 = arith.constant 16 : i32
        %mul3A_908 = arith.muli %scan3A_69, %mul3A_907 : i32
        %add3A_909 = arith.constant 11 : i32
        %add3A_910 = arith.addi %mul3A_908, %add3A_909 : i32
        %swap3A_911 = arith.index_cast %add3A_910 : i32 to index
        %swap3A_912 = arith.constant 0 : index
        %swap3A_913 = tpu.vector_load %arg11[%swap3A_911, %swap3A_912] {strides = array<i32>} : memref<128x64xf32, #tpu.memory_space<vmem>>, vector<1x16xf32>,
        %swap3A_914 = vector.shape_cast %swap3A_913 : vector<1x16xf32> to vector<16xf32>
        %swap3A_915 = vector.shape_cast %mul3A_906 : vector<16xf32> to vector<1x16xf32>
        tpu.vector_store %arg11[%swap3A_911, %swap3A_912], %swap3A_915 {strides = array<i32>} : memref<128x64xf32, #tpu.memory_space<vmem>>, vector<1x16xf32>,
        %mul3A_916 = arith.constant 16 : i32
        %mul3A_917 = arith.muli %scan3A_69, %mul3A_916 : i32
        %add3A_918 = arith.constant 11 : i32
        %add3A_919 = arith.addi %mul3A_917, %add3A_918 : i32
        %get3A_920 = arith.index_cast %add3A_919 : i32 to index
        %get3A_921 = arith.constant 16 : index
        %get3A_922 = tpu.vector_load %arg11[%get3A_920, %get3A_921] {strides = array<i32>} : memref<128x64xf32, #tpu.memory_space<vmem>>, vector<1x16xf32>,
        %get3A_923 = vector.shape_cast %get3A_922 : vector<1x16xf32> to vector<16xf32>
        %mul3A_924 = arith.mulf %get3A_923, %broadcast_in_dim3A_897 : vector<16xf32>
        %mul3A_925 = arith.constant 16 : i32
        %mul3A_926 = arith.muli %scan3A_69, %mul3A_925 : i32
        %add3A_927 = arith.constant 11 : i32
        %add3A_928 = arith.addi %mul3A_926, %add3A_927 : i32
        %swap3A_929 = arith.index_cast %add3A_928 : i32 to index
        %swap3A_930 = arith.constant 16 : index
        %swap3A_931 = tpu.vector_load %arg11[%swap3A_929, %swap3A_930] {strides = array<i32>} : memref<128x64xf32, #tpu.memory_space<vmem>>, vector<1x16xf32>,
        %swap3A_932 = vector.shape_cast %swap3A_931 : vector<1x16xf32> to vector<16xf32>
        %swap3A_933 = vector.shape_cast %mul3A_924 : vector<16xf32> to vector<1x16xf32>
        tpu.vector_store %arg11[%swap3A_929, %swap3A_930], %swap3A_933 {strides = array<i32>} : memref<128x64xf32, #tpu.memory_space<vmem>>, vector<1x16xf32>,
        %mul3A_934 = arith.constant 16 : i32
        %mul3A_935 = arith.muli %scan3A_69, %mul3A_934 : i32
        %add3A_936 = arith.constant 11 : i32
        %add3A_937 = arith.addi %mul3A_935, %add3A_936 : i32
        %get3A_938 = arith.index_cast %add3A_937 : i32 to index
        %get3A_939 = arith.constant 32 : index
        %get3A_940 = tpu.vector_load %arg11[%get3A_938, %get3A_939] {strides = array<i32>} : memref<128x64xf32, #tpu.memory_space<vmem>>, vector<1x16xf32>,
        %get3A_941 = vector.shape_cast %get3A_940 : vector<1x16xf32> to vector<16xf32>
        %mul3A_942 = arith.mulf %get3A_941, %broadcast_in_dim3A_897 : vector<16xf32>
        %mul3A_943 = arith.constant 16 : i32
        %mul3A_944 = arith.muli %scan3A_69, %mul3A_943 : i32
        %add3A_945 = arith.constant 11 : i32
        %add3A_946 = arith.addi %mul3A_944, %add3A_945 : i32
        %swap3A_947 = arith.index_cast %add3A_946 : i32 to index
        %swap3A_948 = arith.constant 32 : index
        %swap3A_949 = tpu.vector_load %arg11[%swap3A_947, %swap3A_948] {strides = array<i32>} : memref<128x64xf32, #tpu.memory_space<vmem>>, vector<1x16xf32>,
        %swap3A_950 = vector.shape_cast %swap3A_949 : vector<1x16xf32> to vector<16xf32>
        %swap3A_951 = vector.shape_cast %mul3A_942 : vector<16xf32> to vector<1x16xf32>
        tpu.vector_store %arg11[%swap3A_947, %swap3A_948], %swap3A_951 {strides = array<i32>} : memref<128x64xf32, #tpu.memory_space<vmem>>, vector<1x16xf32>,
        %mul3A_952 = arith.constant 16 : i32
        %mul3A_953 = arith.muli %scan3A_69, %mul3A_952 : i32
        %add3A_954 = arith.constant 11 : i32
        %add3A_955 = arith.addi %mul3A_953, %add3A_954 : i32
        %get3A_956 = arith.index_cast %add3A_955 : i32 to index
        %get3A_957 = arith.constant 48 : index
        %get3A_958 = tpu.vector_load %arg11[%get3A_956, %get3A_957] {strides = array<i32>} : memref<128x64xf32, #tpu.memory_space<vmem>>, vector<1x16xf32>,
        %get3A_959 = vector.shape_cast %get3A_958 : vector<1x16xf32> to vector<16xf32>
        %mul3A_960 = arith.mulf %get3A_959, %broadcast_in_dim3A_897 : vector<16xf32>
        %mul3A_961 = arith.constant 16 : i32
        %mul3A_962 = arith.muli %scan3A_69, %mul3A_961 : i32
        %add3A_963 = arith.constant 11 : i32
        %add3A_964 = arith.addi %mul3A_962, %add3A_963 : i32
        %swap3A_965 = arith.index_cast %add3A_964 : i32 to index
        %swap3A_966 = arith.constant 48 : index
        %swap3A_967 = tpu.vector_load %arg11[%swap3A_965, %swap3A_966] {strides = array<i32>} : memref<128x64xf32, #tpu.memory_space<vmem>>, vector<1x16xf32>,
        %swap3A_968 = vector.shape_cast %swap3A_967 : vector<1x16xf32> to vector<16xf32>
        %swap3A_969 = vector.shape_cast %mul3A_960 : vector<16xf32> to vector<1x16xf32>
        tpu.vector_store %arg11[%swap3A_965, %swap3A_966], %swap3A_969 {strides = array<i32>} : memref<128x64xf32, #tpu.memory_space<vmem>>, vector<1x16xf32>,
        %slice3A_970 = vector.extract_strided_slice %get3A_73 {offsets = [12], sizes = [1], strides = [1]} : vector<16xf32> to vector<1xf32>
        %squeeze3A_971 = vector.extract %slice3A_970[0] : f32 from vector<1xf32>
        %broadcast_in_dim3A_972 = vector.broadcast %squeeze3A_971 : f32 to vector<16xf32>
        %mul3A_973 = arith.constant 16 : i32
        %mul3A_974 = arith.muli %scan3A_69, %mul3A_973 : i32
        %add3A_975 = arith.constant 12 : i32
        %add3A_976 = arith.addi %mul3A_974, %add3A_975 : i32
        %get3A_977 = arith.index_cast %add3A_976 : i32 to index
        %get3A_978 = arith.constant 0 : index
        %get3A_979 = tpu.vector_load %arg11[%get3A_977, %get3A_978] {strides = array<i32>} : memref<128x64xf32, #tpu.memory_space<vmem>>, vector<1x16xf32>,
        %get3A_980 = vector.shape_cast %get3A_979 : vector<1x16xf32> to vector<16xf32>
        %mul3A_981 = arith.mulf %get3A_980, %broadcast_in_dim3A_972 : vector<16xf32>
        %mul3A_982 = arith.constant 16 : i32
        %mul3A_983 = arith.muli %scan3A_69, %mul3A_982 : i32
        %add3A_984 = arith.constant 12 : i32
        %add3A_985 = arith.addi %mul3A_983, %add3A_984 : i32
        %swap3A_986 = arith.index_cast %add3A_985 : i32 to index
        %swap3A_987 = arith.constant 0 : index
        %swap3A_988 = tpu.vector_load %arg11[%swap3A_986, %swap3A_987] {strides = array<i32>} : memref<128x64xf32, #tpu.memory_space<vmem>>, vector<1x16xf32>,
        %swap3A_989 = vector.shape_cast %swap3A_988 : vector<1x16xf32> to vector<16xf32>
        %swap3A_990 = vector.shape_cast %mul3A_981 : vector<16xf32> to vector<1x16xf32>
        tpu.vector_store %arg11[%swap3A_986, %swap3A_987], %swap3A_990 {strides = array<i32>} : memref<128x64xf32, #tpu.memory_space<vmem>>, vector<1x16xf32>,
        %mul3A_991 = arith.constant 16 : i32
        %mul3A_992 = arith.muli %scan3A_69, %mul3A_991 : i32
        %add3A_993 = arith.constant 12 : i32
        %add3A_994 = arith.addi %mul3A_992, %add3A_993 : i32
        %get3A_995 = arith.index_cast %add3A_994 : i32 to index
        %get3A_996 = arith.constant 16 : index
        %get3A_997 = tpu.vector_load %arg11[%get3A_995, %get3A_996] {strides = array<i32>} : memref<128x64xf32, #tpu.memory_space<vmem>>, vector<1x16xf32>,
        %get3A_998 = vector.shape_cast %get3A_997 : vector<1x16xf32> to vector<16xf32>
        %mul3A_999 = arith.mulf %get3A_998, %broadcast_in_dim3A_972 : vector<16xf32>
        %mul3A_1000 = arith.constant 16 : i32
        %mul3A_1001 = arith.muli %scan3A_69, %mul3A_1000 : i32
        %add3A_1002 = arith.constant 12 : i32
        %add3A_1003 = arith.addi %mul3A_1001, %add3A_1002 : i32
        %swap3A_1004 = arith.index_cast %add3A_1003 : i32 to index
        %swap3A_1005 = arith.constant 16 : index
        %swap3A_1006 = tpu.vector_load %arg11[%swap3A_1004, %swap3A_1005] {strides = array<i32>} : memref<128x64xf32, #tpu.memory_space<vmem>>, vector<1x16xf32>,
        %swap3A_1007 = vector.shape_cast %swap3A_1006 : vector<1x16xf32> to vector<16xf32>
        %swap3A_1008 = vector.shape_cast %mul3A_999 : vector<16xf32> to vector<1x16xf32>
        tpu.vector_store %arg11[%swap3A_1004, %swap3A_1005], %swap3A_1008 {strides = array<i32>} : memref<128x64xf32, #tpu.memory_space<vmem>>, vector<1x16xf32>,
        %mul3A_1009 = arith.constant 16 : i32
        %mul3A_1010 = arith.muli %scan3A_69, %mul3A_1009 : i32
        %add3A_1011 = arith.constant 12 : i32
        %add3A_1012 = arith.addi %mul3A_1010, %add3A_1011 : i32
        %get3A_1013 = arith.index_cast %add3A_1012 : i32 to index
        %get3A_1014 = arith.constant 32 : index
        %get3A_1015 = tpu.vector_load %arg11[%get3A_1013, %get3A_1014] {strides = array<i32>} : memref<128x64xf32, #tpu.memory_space<vmem>>, vector<1x16xf32>,
        %get3A_1016 = vector.shape_cast %get3A_1015 : vector<1x16xf32> to vector<16xf32>
        %mul3A_1017 = arith.mulf %get3A_1016, %broadcast_in_dim3A_972 : vector<16xf32>
        %mul3A_1018 = arith.constant 16 : i32
        %mul3A_1019 = arith.muli %scan3A_69, %mul3A_1018 : i32
        %add3A_1020 = arith.constant 12 : i32
        %add3A_1021 = arith.addi %mul3A_1019, %add3A_1020 : i32
        %swap3A_1022 = arith.index_cast %add3A_1021 : i32 to index
        %swap3A_1023 = arith.constant 32 : index
        %swap3A_1024 = tpu.vector_load %arg11[%swap3A_1022, %swap3A_1023] {strides = array<i32>} : memref<128x64xf32, #tpu.memory_space<vmem>>, vector<1x16xf32>,
        %swap3A_1025 = vector.shape_cast %swap3A_1024 : vector<1x16xf32> to vector<16xf32>
        %swap3A_1026 = vector.shape_cast %mul3A_1017 : vector<16xf32> to vector<1x16xf32>
        tpu.vector_store %arg11[%swap3A_1022, %swap3A_1023], %swap3A_1026 {strides = array<i32>} : memref<128x64xf32, #tpu.memory_space<vmem>>, vector<1x16xf32>,
        %mul3A_1027 = arith.constant 16 : i32
        %mul3A_1028 = arith.muli %scan3A_69, %mul3A_1027 : i32
        %add3A_1029 = arith.constant 12 : i32
        %add3A_1030 = arith.addi %mul3A_1028, %add3A_1029 : i32
        %get3A_1031 = arith.index_cast %add3A_1030 : i32 to index
        %get3A_1032 = arith.constant 48 : index
        %get3A_1033 = tpu.vector_load %arg11[%get3A_1031, %get3A_1032] {strides = array<i32>} : memref<128x64xf32, #tpu.memory_space<vmem>>, vector<1x16xf32>,
        %get3A_1034 = vector.shape_cast %get3A_1033 : vector<1x16xf32> to vector<16xf32>
        %mul3A_1035 = arith.mulf %get3A_1034, %broadcast_in_dim3A_972 : vector<16xf32>
        %mul3A_1036 = arith.constant 16 : i32
        %mul3A_1037 = arith.muli %scan3A_69, %mul3A_1036 : i32
        %add3A_1038 = arith.constant 12 : i32
        %add3A_1039 = arith.addi %mul3A_1037, %add3A_1038 : i32
        %swap3A_1040 = arith.index_cast %add3A_1039 : i32 to index
        %swap3A_1041 = arith.constant 48 : index
        %swap3A_1042 = tpu.vector_load %arg11[%swap3A_1040, %swap3A_1041] {strides = array<i32>} : memref<128x64xf32, #tpu.memory_space<vmem>>, vector<1x16xf32>,
        %swap3A_1043 = vector.shape_cast %swap3A_1042 : vector<1x16xf32> to vector<16xf32>
        %swap3A_1044 = vector.shape_cast %mul3A_1035 : vector<16xf32> to vector<1x16xf32>
        tpu.vector_store %arg11[%swap3A_1040, %swap3A_1041], %swap3A_1044 {strides = array<i32>} : memref<128x64xf32, #tpu.memory_space<vmem>>, vector<1x16xf32>,
        %slice3A_1045 = vector.extract_strided_slice %get3A_73 {offsets = [13], sizes = [1], strides = [1]} : vector<16xf32> to vector<1xf32>
        %squeeze3A_1046 = vector.extract %slice3A_1045[0] : f32 from vector<1xf32>
        %broadcast_in_dim3A_1047 = vector.broadcast %squeeze3A_1046 : f32 to vector<16xf32>
        %mul3A_1048 = arith.constant 16 : i32
        %mul3A_1049 = arith.muli %scan3A_69, %mul3A_1048 : i32
        %add3A_1050 = arith.constant 13 : i32
        %add3A_1051 = arith.addi %mul3A_1049, %add3A_1050 : i32
        %get3A_1052 = arith.index_cast %add3A_1051 : i32 to index
        %get3A_1053 = arith.constant 0 : index
        %get3A_1054 = tpu.vector_load %arg11[%get3A_1052, %get3A_1053] {strides = array<i32>} : memref<128x64xf32, #tpu.memory_space<vmem>>, vector<1x16xf32>,
        %get3A_1055 = vector.shape_cast %get3A_1054 : vector<1x16xf32> to vector<16xf32>
        %mul3A_1056 = arith.mulf %get3A_1055, %broadcast_in_dim3A_1047 : vector<16xf32>
        %mul3A_1057 = arith.constant 16 : i32
        %mul3A_1058 = arith.muli %scan3A_69, %mul3A_1057 : i32
        %add3A_1059 = arith.constant 13 : i32
        %add3A_1060 = arith.addi %mul3A_1058, %add3A_1059 : i32
        %swap3A_1061 = arith.index_cast %add3A_1060 : i32 to index
        %swap3A_1062 = arith.constant 0 : index
        %swap3A_1063 = tpu.vector_load %arg11[%swap3A_1061, %swap3A_1062] {strides = array<i32>} : memref<128x64xf32, #tpu.memory_space<vmem>>, vector<1x16xf32>,
        %swap3A_1064 = vector.shape_cast %swap3A_1063 : vector<1x16xf32> to vector<16xf32>
        %swap3A_1065 = vector.shape_cast %mul3A_1056 : vector<16xf32> to vector<1x16xf32>
        tpu.vector_store %arg11[%swap3A_1061, %swap3A_1062], %swap3A_1065 {strides = array<i32>} : memref<128x64xf32, #tpu.memory_space<vmem>>, vector<1x16xf32>,
        %mul3A_1066 = arith.constant 16 : i32
        %mul3A_1067 = arith.muli %scan3A_69, %mul3A_1066 : i32
        %add3A_1068 = arith.constant 13 : i32
        %add3A_1069 = arith.addi %mul3A_1067, %add3A_1068 : i32
        %get3A_1070 = arith.index_cast %add3A_1069 : i32 to index
        %get3A_1071 = arith.constant 16 : index
        %get3A_1072 = tpu.vector_load %arg11[%get3A_1070, %get3A_1071] {strides = array<i32>} : memref<128x64xf32, #tpu.memory_space<vmem>>, vector<1x16xf32>,
        %get3A_1073 = vector.shape_cast %get3A_1072 : vector<1x16xf32> to vector<16xf32>
        %mul3A_1074 = arith.mulf %get3A_1073, %broadcast_in_dim3A_1047 : vector<16xf32>
        %mul3A_1075 = arith.constant 16 : i32
        %mul3A_1076 = arith.muli %scan3A_69, %mul3A_1075 : i32
        %add3A_1077 = arith.constant 13 : i32
        %add3A_1078 = arith.addi %mul3A_1076, %add3A_1077 : i32
        %swap3A_1079 = arith.index_cast %add3A_1078 : i32 to index
        %swap3A_1080 = arith.constant 16 : index
        %swap3A_1081 = tpu.vector_load %arg11[%swap3A_1079, %swap3A_1080] {strides = array<i32>} : memref<128x64xf32, #tpu.memory_space<vmem>>, vector<1x16xf32>,
        %swap3A_1082 = vector.shape_cast %swap3A_1081 : vector<1x16xf32> to vector<16xf32>
        %swap3A_1083 = vector.shape_cast %mul3A_1074 : vector<16xf32> to vector<1x16xf32>
        tpu.vector_store %arg11[%swap3A_1079, %swap3A_1080], %swap3A_1083 {strides = array<i32>} : memref<128x64xf32, #tpu.memory_space<vmem>>, vector<1x16xf32>,
        %mul3A_1084 = arith.constant 16 : i32
        %mul3A_1085 = arith.muli %scan3A_69, %mul3A_1084 : i32
        %add3A_1086 = arith.constant 13 : i32
        %add3A_1087 = arith.addi %mul3A_1085, %add3A_1086 : i32
        %get3A_1088 = arith.index_cast %add3A_1087 : i32 to index
        %get3A_1089 = arith.constant 32 : index
        %get3A_1090 = tpu.vector_load %arg11[%get3A_1088, %get3A_1089] {strides = array<i32>} : memref<128x64xf32, #tpu.memory_space<vmem>>, vector<1x16xf32>,
        %get3A_1091 = vector.shape_cast %get3A_1090 : vector<1x16xf32> to vector<16xf32>
        %mul3A_1092 = arith.mulf %get3A_1091, %broadcast_in_dim3A_1047 : vector<16xf32>
        %mul3A_1093 = arith.constant 16 : i32
        %mul3A_1094 = arith.muli %scan3A_69, %mul3A_1093 : i32
        %add3A_1095 = arith.constant 13 : i32
        %add3A_1096 = arith.addi %mul3A_1094, %add3A_1095 : i32
        %swap3A_1097 = arith.index_cast %add3A_1096 : i32 to index
        %swap3A_1098 = arith.constant 32 : index
        %swap3A_1099 = tpu.vector_load %arg11[%swap3A_1097, %swap3A_1098] {strides = array<i32>} : memref<128x64xf32, #tpu.memory_space<vmem>>, vector<1x16xf32>,
        %swap3A_1100 = vector.shape_cast %swap3A_1099 : vector<1x16xf32> to vector<16xf32>
        %swap3A_1101 = vector.shape_cast %mul3A_1092 : vector<16xf32> to vector<1x16xf32>
        tpu.vector_store %arg11[%swap3A_1097, %swap3A_1098], %swap3A_1101 {strides = array<i32>} : memref<128x64xf32, #tpu.memory_space<vmem>>, vector<1x16xf32>,
        %mul3A_1102 = arith.constant 16 : i32
        %mul3A_1103 = arith.muli %scan3A_69, %mul3A_1102 : i32
        %add3A_1104 = arith.constant 13 : i32
        %add3A_1105 = arith.addi %mul3A_1103, %add3A_1104 : i32
        %get3A_1106 = arith.index_cast %add3A_1105 : i32 to index
        %get3A_1107 = arith.constant 48 : index
        %get3A_1108 = tpu.vector_load %arg11[%get3A_1106, %get3A_1107] {strides = array<i32>} : memref<128x64xf32, #tpu.memory_space<vmem>>, vector<1x16xf32>,
        %get3A_1109 = vector.shape_cast %get3A_1108 : vector<1x16xf32> to vector<16xf32>
        %mul3A_1110 = arith.mulf %get3A_1109, %broadcast_in_dim3A_1047 : vector<16xf32>
        %mul3A_1111 = arith.constant 16 : i32
        %mul3A_1112 = arith.muli %scan3A_69, %mul3A_1111 : i32
        %add3A_1113 = arith.constant 13 : i32
        %add3A_1114 = arith.addi %mul3A_1112, %add3A_1113 : i32
        %swap3A_1115 = arith.index_cast %add3A_1114 : i32 to index
        %swap3A_1116 = arith.constant 48 : index
        %swap3A_1117 = tpu.vector_load %arg11[%swap3A_1115, %swap3A_1116] {strides = array<i32>} : memref<128x64xf32, #tpu.memory_space<vmem>>, vector<1x16xf32>,
        %swap3A_1118 = vector.shape_cast %swap3A_1117 : vector<1x16xf32> to vector<16xf32>
        %swap3A_1119 = vector.shape_cast %mul3A_1110 : vector<16xf32> to vector<1x16xf32>
        tpu.vector_store %arg11[%swap3A_1115, %swap3A_1116], %swap3A_1119 {strides = array<i32>} : memref<128x64xf32, #tpu.memory_space<vmem>>, vector<1x16xf32>,
        %slice3A_1120 = vector.extract_strided_slice %get3A_73 {offsets = [14], sizes = [1], strides = [1]} : vector<16xf32> to vector<1xf32>
        %squeeze3A_1121 = vector.extract %slice3A_1120[0] : f32 from vector<1xf32>
        %broadcast_in_dim3A_1122 = vector.broadcast %squeeze3A_1121 : f32 to vector<16xf32>
        %mul3A_1123 = arith.constant 16 : i32
        %mul3A_1124 = arith.muli %scan3A_69, %mul3A_1123 : i32
        %add3A_1125 = arith.constant 14 : i32
        %add3A_1126 = arith.addi %mul3A_1124, %add3A_1125 : i32
        %get3A_1127 = arith.index_cast %add3A_1126 : i32 to index
        %get3A_1128 = arith.constant 0 : index
        %get3A_1129 = tpu.vector_load %arg11[%get3A_1127, %get3A_1128] {strides = array<i32>} : memref<128x64xf32, #tpu.memory_space<vmem>>, vector<1x16xf32>,
        %get3A_1130 = vector.shape_cast %get3A_1129 : vector<1x16xf32> to vector<16xf32>
        %mul3A_1131 = arith.mulf %get3A_1130, %broadcast_in_dim3A_1122 : vector<16xf32>
        %mul3A_1132 = arith.constant 16 : i32
        %mul3A_1133 = arith.muli %scan3A_69, %mul3A_1132 : i32
        %add3A_1134 = arith.constant 14 : i32
        %add3A_1135 = arith.addi %mul3A_1133, %add3A_1134 : i32
        %swap3A_1136 = arith.index_cast %add3A_1135 : i32 to index
        %swap3A_1137 = arith.constant 0 : index
        %swap3A_1138 = tpu.vector_load %arg11[%swap3A_1136, %swap3A_1137] {strides = array<i32>} : memref<128x64xf32, #tpu.memory_space<vmem>>, vector<1x16xf32>,
        %swap3A_1139 = vector.shape_cast %swap3A_1138 : vector<1x16xf32> to vector<16xf32>
        %swap3A_1140 = vector.shape_cast %mul3A_1131 : vector<16xf32> to vector<1x16xf32>
        tpu.vector_store %arg11[%swap3A_1136, %swap3A_1137], %swap3A_1140 {strides = array<i32>} : memref<128x64xf32, #tpu.memory_space<vmem>>, vector<1x16xf32>,
        %mul3A_1141 = arith.constant 16 : i32
        %mul3A_1142 = arith.muli %scan3A_69, %mul3A_1141 : i32
        %add3A_1143 = arith.constant 14 : i32
        %add3A_1144 = arith.addi %mul3A_1142, %add3A_1143 : i32
        %get3A_1145 = arith.index_cast %add3A_1144 : i32 to index
        %get3A_1146 = arith.constant 16 : index
        %get3A_1147 = tpu.vector_load %arg11[%get3A_1145, %get3A_1146] {strides = array<i32>} : memref<128x64xf32, #tpu.memory_space<vmem>>, vector<1x16xf32>,
        %get3A_1148 = vector.shape_cast %get3A_1147 : vector<1x16xf32> to vector<16xf32>
        %mul3A_1149 = arith.mulf %get3A_1148, %broadcast_in_dim3A_1122 : vector<16xf32>
        %mul3A_1150 = arith.constant 16 : i32
        %mul3A_1151 = arith.muli %scan3A_69, %mul3A_1150 : i32
        %add3A_1152 = arith.constant 14 : i32
        %add3A_1153 = arith.addi %mul3A_1151, %add3A_1152 : i32
        %swap3A_1154 = arith.index_cast %add3A_1153 : i32 to index
        %swap3A_1155 = arith.constant 16 : index
        %swap3A_1156 = tpu.vector_load %arg11[%swap3A_1154, %swap3A_1155] {strides = array<i32>} : memref<128x64xf32, #tpu.memory_space<vmem>>, vector<1x16xf32>,
        %swap3A_1157 = vector.shape_cast %swap3A_1156 : vector<1x16xf32> to vector<16xf32>
        %swap3A_1158 = vector.shape_cast %mul3A_1149 : vector<16xf32> to vector<1x16xf32>
        tpu.vector_store %arg11[%swap3A_1154, %swap3A_1155], %swap3A_1158 {strides = array<i32>} : memref<128x64xf32, #tpu.memory_space<vmem>>, vector<1x16xf32>,
        %mul3A_1159 = arith.constant 16 : i32
        %mul3A_1160 = arith.muli %scan3A_69, %mul3A_1159 : i32
        %add3A_1161 = arith.constant 14 : i32
        %add3A_1162 = arith.addi %mul3A_1160, %add3A_1161 : i32
        %get3A_1163 = arith.index_cast %add3A_1162 : i32 to index
        %get3A_1164 = arith.constant 32 : index
        %get3A_1165 = tpu.vector_load %arg11[%get3A_1163, %get3A_1164] {strides = array<i32>} : memref<128x64xf32, #tpu.memory_space<vmem>>, vector<1x16xf32>,
        %get3A_1166 = vector.shape_cast %get3A_1165 : vector<1x16xf32> to vector<16xf32>
        %mul3A_1167 = arith.mulf %get3A_1166, %broadcast_in_dim3A_1122 : vector<16xf32>
        %mul3A_1168 = arith.constant 16 : i32
        %mul3A_1169 = arith.muli %scan3A_69, %mul3A_1168 : i32
        %add3A_1170 = arith.constant 14 : i32
        %add3A_1171 = arith.addi %mul3A_1169, %add3A_1170 : i32
        %swap3A_1172 = arith.index_cast %add3A_1171 : i32 to index
        %swap3A_1173 = arith.constant 32 : index
        %swap3A_1174 = tpu.vector_load %arg11[%swap3A_1172, %swap3A_1173] {strides = array<i32>} : memref<128x64xf32, #tpu.memory_space<vmem>>, vector<1x16xf32>,
        %swap3A_1175 = vector.shape_cast %swap3A_1174 : vector<1x16xf32> to vector<16xf32>
        %swap3A_1176 = vector.shape_cast %mul3A_1167 : vector<16xf32> to vector<1x16xf32>
        tpu.vector_store %arg11[%swap3A_1172, %swap3A_1173], %swap3A_1176 {strides = array<i32>} : memref<128x64xf32, #tpu.memory_space<vmem>>, vector<1x16xf32>,
        %mul3A_1177 = arith.constant 16 : i32
        %mul3A_1178 = arith.muli %scan3A_69, %mul3A_1177 : i32
        %add3A_1179 = arith.constant 14 : i32
        %add3A_1180 = arith.addi %mul3A_1178, %add3A_1179 : i32
        %get3A_1181 = arith.index_cast %add3A_1180 : i32 to index
        %get3A_1182 = arith.constant 48 : index
        %get3A_1183 = tpu.vector_load %arg11[%get3A_1181, %get3A_1182] {strides = array<i32>} : memref<128x64xf32, #tpu.memory_space<vmem>>, vector<1x16xf32>,
        %get3A_1184 = vector.shape_cast %get3A_1183 : vector<1x16xf32> to vector<16xf32>
        %mul3A_1185 = arith.mulf %get3A_1184, %broadcast_in_dim3A_1122 : vector<16xf32>
        %mul3A_1186 = arith.constant 16 : i32
        %mul3A_1187 = arith.muli %scan3A_69, %mul3A_1186 : i32
        %add3A_1188 = arith.constant 14 : i32
        %add3A_1189 = arith.addi %mul3A_1187, %add3A_1188 : i32
        %swap3A_1190 = arith.index_cast %add3A_1189 : i32 to index
        %swap3A_1191 = arith.constant 48 : index
        %swap3A_1192 = tpu.vector_load %arg11[%swap3A_1190, %swap3A_1191] {strides = array<i32>} : memref<128x64xf32, #tpu.memory_space<vmem>>, vector<1x16xf32>,
        %swap3A_1193 = vector.shape_cast %swap3A_1192 : vector<1x16xf32> to vector<16xf32>
        %swap3A_1194 = vector.shape_cast %mul3A_1185 : vector<16xf32> to vector<1x16xf32>
        tpu.vector_store %arg11[%swap3A_1190, %swap3A_1191], %swap3A_1194 {strides = array<i32>} : memref<128x64xf32, #tpu.memory_space<vmem>>, vector<1x16xf32>,
        %slice3A_1195 = vector.extract_strided_slice %get3A_73 {offsets = [15], sizes = [1], strides = [1]} : vector<16xf32> to vector<1xf32>
        %squeeze3A_1196 = vector.extract %slice3A_1195[0] : f32 from vector<1xf32>
        %broadcast_in_dim3A_1197 = vector.broadcast %squeeze3A_1196 : f32 to vector<16xf32>
        %mul3A_1198 = arith.constant 16 : i32
        %mul3A_1199 = arith.muli %scan3A_69, %mul3A_1198 : i32
        %add3A_1200 = arith.constant 15 : i32
        %add3A_1201 = arith.addi %mul3A_1199, %add3A_1200 : i32
        %get3A_1202 = arith.index_cast %add3A_1201 : i32 to index
        %get3A_1203 = arith.constant 0 : index
        %get3A_1204 = tpu.vector_load %arg11[%get3A_1202, %get3A_1203] {strides = array<i32>} : memref<128x64xf32, #tpu.memory_space<vmem>>, vector<1x16xf32>,
        %get3A_1205 = vector.shape_cast %get3A_1204 : vector<1x16xf32> to vector<16xf32>
        %mul3A_1206 = arith.mulf %get3A_1205, %broadcast_in_dim3A_1197 : vector<16xf32>
        %mul3A_1207 = arith.constant 16 : i32
        %mul3A_1208 = arith.muli %scan3A_69, %mul3A_1207 : i32
        %add3A_1209 = arith.constant 15 : i32
        %add3A_1210 = arith.addi %mul3A_1208, %add3A_1209 : i32
        %swap3A_1211 = arith.index_cast %add3A_1210 : i32 to index
        %swap3A_1212 = arith.constant 0 : index
        %swap3A_1213 = tpu.vector_load %arg11[%swap3A_1211, %swap3A_1212] {strides = array<i32>} : memref<128x64xf32, #tpu.memory_space<vmem>>, vector<1x16xf32>,
        %swap3A_1214 = vector.shape_cast %swap3A_1213 : vector<1x16xf32> to vector<16xf32>
        %swap3A_1215 = vector.shape_cast %mul3A_1206 : vector<16xf32> to vector<1x16xf32>
        tpu.vector_store %arg11[%swap3A_1211, %swap3A_1212], %swap3A_1215 {strides = array<i32>} : memref<128x64xf32, #tpu.memory_space<vmem>>, vector<1x16xf32>,
        %mul3A_1216 = arith.constant 16 : i32
        %mul3A_1217 = arith.muli %scan3A_69, %mul3A_1216 : i32
        %add3A_1218 = arith.constant 15 : i32
        %add3A_1219 = arith.addi %mul3A_1217, %add3A_1218 : i32
        %get3A_1220 = arith.index_cast %add3A_1219 : i32 to index
        %get3A_1221 = arith.constant 16 : index
        %get3A_1222 = tpu.vector_load %arg11[%get3A_1220, %get3A_1221] {strides = array<i32>} : memref<128x64xf32, #tpu.memory_space<vmem>>, vector<1x16xf32>,
        %get3A_1223 = vector.shape_cast %get3A_1222 : vector<1x16xf32> to vector<16xf32>
        %mul3A_1224 = arith.mulf %get3A_1223, %broadcast_in_dim3A_1197 : vector<16xf32>
        %mul3A_1225 = arith.constant 16 : i32
        %mul3A_1226 = arith.muli %scan3A_69, %mul3A_1225 : i32
        %add3A_1227 = arith.constant 15 : i32
        %add3A_1228 = arith.addi %mul3A_1226, %add3A_1227 : i32
        %swap3A_1229 = arith.index_cast %add3A_1228 : i32 to index
        %swap3A_1230 = arith.constant 16 : index
        %swap3A_1231 = tpu.vector_load %arg11[%swap3A_1229, %swap3A_1230] {strides = array<i32>} : memref<128x64xf32, #tpu.memory_space<vmem>>, vector<1x16xf32>,
        %swap3A_1232 = vector.shape_cast %swap3A_1231 : vector<1x16xf32> to vector<16xf32>
        %swap3A_1233 = vector.shape_cast %mul3A_1224 : vector<16xf32> to vector<1x16xf32>
        tpu.vector_store %arg11[%swap3A_1229, %swap3A_1230], %swap3A_1233 {strides = array<i32>} : memref<128x64xf32, #tpu.memory_space<vmem>>, vector<1x16xf32>,
        %mul3A_1234 = arith.constant 16 : i32
        %mul3A_1235 = arith.muli %scan3A_69, %mul3A_1234 : i32
        %add3A_1236 = arith.constant 15 : i32
        %add3A_1237 = arith.addi %mul3A_1235, %add3A_1236 : i32
        %get3A_1238 = arith.index_cast %add3A_1237 : i32 to index
        %get3A_1239 = arith.constant 32 : index
        %get3A_1240 = tpu.vector_load %arg11[%get3A_1238, %get3A_1239] {strides = array<i32>} : memref<128x64xf32, #tpu.memory_space<vmem>>, vector<1x16xf32>,
        %get3A_1241 = vector.shape_cast %get3A_1240 : vector<1x16xf32> to vector<16xf32>
        %mul3A_1242 = arith.mulf %get3A_1241, %broadcast_in_dim3A_1197 : vector<16xf32>
        %mul3A_1243 = arith.constant 16 : i32
        %mul3A_1244 = arith.muli %scan3A_69, %mul3A_1243 : i32
        %add3A_1245 = arith.constant 15 : i32
        %add3A_1246 = arith.addi %mul3A_1244, %add3A_1245 : i32
        %swap3A_1247 = arith.index_cast %add3A_1246 : i32 to index
        %swap3A_1248 = arith.constant 32 : index
        %swap3A_1249 = tpu.vector_load %arg11[%swap3A_1247, %swap3A_1248] {strides = array<i32>} : memref<128x64xf32, #tpu.memory_space<vmem>>, vector<1x16xf32>,
        %swap3A_1250 = vector.shape_cast %swap3A_1249 : vector<1x16xf32> to vector<16xf32>
        %swap3A_1251 = vector.shape_cast %mul3A_1242 : vector<16xf32> to vector<1x16xf32>
        tpu.vector_store %arg11[%swap3A_1247, %swap3A_1248], %swap3A_1251 {strides = array<i32>} : memref<128x64xf32, #tpu.memory_space<vmem>>, vector<1x16xf32>,
        %mul3A_1252 = arith.constant 16 : i32
        %mul3A_1253 = arith.muli %scan3A_69, %mul3A_1252 : i32
        %add3A_1254 = arith.constant 15 : i32
        %add3A_1255 = arith.addi %mul3A_1253, %add3A_1254 : i32
        %get3A_1256 = arith.index_cast %add3A_1255 : i32 to index
        %get3A_1257 = arith.constant 48 : index
        %get3A_1258 = tpu.vector_load %arg11[%get3A_1256, %get3A_1257] {strides = array<i32>} : memref<128x64xf32, #tpu.memory_space<vmem>>, vector<1x16xf32>,
        %get3A_1259 = vector.shape_cast %get3A_1258 : vector<1x16xf32> to vector<16xf32>
        %mul3A_1260 = arith.mulf %get3A_1259, %broadcast_in_dim3A_1197 : vector<16xf32>
        %mul3A_1261 = arith.constant 16 : i32
        %mul3A_1262 = arith.muli %scan3A_69, %mul3A_1261 : i32
        %add3A_1263 = arith.constant 15 : i32
        %add3A_1264 = arith.addi %mul3A_1262, %add3A_1263 : i32
        %swap3A_1265 = arith.index_cast %add3A_1264 : i32 to index
        %swap3A_1266 = arith.constant 48 : index
        %swap3A_1267 = tpu.vector_load %arg11[%swap3A_1265, %swap3A_1266] {strides = array<i32>} : memref<128x64xf32, #tpu.memory_space<vmem>>, vector<1x16xf32>,
        %swap3A_1268 = vector.shape_cast %swap3A_1267 : vector<1x16xf32> to vector<16xf32>
        %swap3A_1269 = vector.shape_cast %mul3A_1260 : vector<16xf32> to vector<1x16xf32>
        tpu.vector_store %arg11[%swap3A_1265, %swap3A_1266], %swap3A_1269 {strides = array<i32>} : memref<128x64xf32, #tpu.memory_space<vmem>>, vector<1x16xf32>,
      }
      %scan3A_68 = arith.constant 8 : i32
      "tpu.region"() ({
        %run_scoped3A = tpu.sem_alloc : memref<!tpu.dma_semaphore, #tpu.memory_space<semaphore_mem>>
        %dma_start3A_69 = arith.constant 0 : i32
        %dma_start3A_70 = arith.constant 0 : i32
        %dma_start3A_71 = tpu.memref_slice %arg7[%dma_start3A_69, %dma_start3A_70] : memref<10240x64xf32, #tpu.memory_space<vmem_shared>> -> memref<10240x64xf32, #tpu.memory_space<vmem_shared>>
        tpu.enqueue_indirect_dma source(%arg11 : memref<128x64xf32, #tpu.memory_space<vmem>>) target(%dma_start3A_71 : memref<10240x64xf32, #tpu.memory_space<vmem_shared>>) offsets(%arg9 : memref<128xi32, #tpu.memory_space<vmem>>) semaphore(%run_scoped3A : memref<!tpu.dma_semaphore, #tpu.memory_space<semaphore_mem>>) {add = true}
        %dma_wait3A_72 = arith.constant 0 : i32
        %dma_wait3A_73 = arith.constant 0 : i32
        %dma_wait3A_74 = tpu.memref_slice %arg7[%dma_wait3A_72, %dma_wait3A_73] : memref<10240x64xf32, #tpu.memory_space<vmem_shared>> -> memref<10240x64xf32, #tpu.memory_space<vmem_shared>>
        tpu.wait_indirect_dma semaphore(%run_scoped3A : memref<!tpu.dma_semaphore, #tpu.memory_space<semaphore_mem>>) src(%arg11 : memref<128x64xf32, #tpu.memory_space<vmem>>) dst(%dma_wait3A_74 : memref<10240x64xf32, #tpu.memory_space<vmem_shared>>)
        tpu.yield
      }) : () -> ()
    }
    %scan3A_33 = arith.constant 79 : i32
    %barrier3A_34 = arith.constant 0 : index
    tpu.barrier barrier_id(%barrier3A_34)
    %mul3A_35 = arith.constant 640 : i32
    %mul3A_36 = arith.muli %arg1, %mul3A_35 : i32
    %add3A_37 = arith.constant 0 : i32
    %add3A_38 = arith.addi %mul3A_36, %add3A_37 : i32
    "tpu.region"() ({
      %run_scoped3A = tpu.sem_alloc : memref<!tpu.dma_semaphore, #tpu.memory_space<semaphore_mem>>
      %dma_start3A = arith.constant 0 : i32
      %dma_start3A_55 = tpu.memref_slice %arg6[%arg0, %add3A_38, %dma_start3A] : memref<2x10240x64xf32, #tpu.memory_space<hbm>> -> memref<1x128x64xf32, #tpu.memory_space<hbm>>
      %dma_start3A_56 = tpu.memref_squeeze %dma_start3A_55 : memref<1x128x64xf32, #tpu.memory_space<hbm>> -> memref<128x64xf32, #tpu.memory_space<hbm>>
      %dma_start3A_57 = arith.constant 0 : i32
      %dma_start3A_58 = tpu.memref_slice %arg7[%add3A_38, %dma_start3A_57] : memref<10240x64xf32, #tpu.memory_space<vmem_shared>> -> memref<128x64xf32, #tpu.memory_space<vmem_shared>>
      tpu.enqueue_dma source(%dma_start3A_58 : memref<128x64xf32, #tpu.memory_space<vmem_shared>>) target(%dma_start3A_56 : memref<128x64xf32, #tpu.memory_space<hbm>>) target_semaphore(%run_scoped3A : memref<!tpu.dma_semaphore, #tpu.memory_space<semaphore_mem>>)
      %dma_wait3A = arith.constant 0 : i32
      %dma_wait3A_59 = tpu.memref_slice %arg6[%arg0, %add3A_38, %dma_wait3A] : memref<2x10240x64xf32, #tpu.memory_space<hbm>> -> memref<1x128x64xf32, #tpu.memory_space<hbm>>
      %dma_wait3A_60 = tpu.memref_squeeze %dma_wait3A_59 : memref<1x128x64xf32, #tpu.memory_space<hbm>> -> memref<128x64xf32, #tpu.memory_space<hbm>>
      %dma_wait3A_61 = arith.constant 0 : i32
      %dma_wait3A_62 = tpu.memref_slice %arg7[%add3A_38, %dma_wait3A_61] : memref<10240x64xf32, #tpu.memory_space<vmem_shared>> -> memref<128x64xf32, #tpu.memory_space<vmem_shared>>
      tpu.wait_dma2 semaphore(%run_scoped3A : memref<!tpu.dma_semaphore, #tpu.memory_space<semaphore_mem>>) src(%dma_wait3A_62 : memref<128x64xf32, #tpu.memory_space<vmem_shared>>) dst(%dma_wait3A_60 : memref<128x64xf32, #tpu.memory_space<hbm>>)
      tpu.yield
    }) : () -> ()
    %mul3A_39 = arith.constant 640 : i32
    %mul3A_40 = arith.muli %arg1, %mul3A_39 : i32
    %add3A_41 = arith.constant 128 : i32
    %add3A_42 = arith.addi %mul3A_40, %add3A_41 : i32
    "tpu.region"() ({
      %run_scoped3A = tpu.sem_alloc : memref<!tpu.dma_semaphore, #tpu.memory_space<semaphore_mem>>
      %dma_start3A = arith.constant 0 : i32
      %dma_start3A_55 = tpu.memref_slice %arg6[%arg0, %add3A_42, %dma_start3A] : memref<2x10240x64xf32, #tpu.memory_space<hbm>> -> memref<1x128x64xf32, #tpu.memory_space<hbm>>
      %dma_start3A_56 = tpu.memref_squeeze %dma_start3A_55 : memref<1x128x64xf32, #tpu.memory_space<hbm>> -> memref<128x64xf32, #tpu.memory_space<hbm>>
      %dma_start3A_57 = arith.constant 0 : i32
      %dma_start3A_58 = tpu.memref_slice %arg7[%add3A_42, %dma_start3A_57] : memref<10240x64xf32, #tpu.memory_space<vmem_shared>> -> memref<128x64xf32, #tpu.memory_space<vmem_shared>>
      tpu.enqueue_dma source(%dma_start3A_58 : memref<128x64xf32, #tpu.memory_space<vmem_shared>>) target(%dma_start3A_56 : memref<128x64xf32, #tpu.memory_space<hbm>>) target_semaphore(%run_scoped3A : memref<!tpu.dma_semaphore, #tpu.memory_space<semaphore_mem>>)
      %dma_wait3A = arith.constant 0 : i32
      %dma_wait3A_59 = tpu.memref_slice %arg6[%arg0, %add3A_42, %dma_wait3A] : memref<2x10240x64xf32, #tpu.memory_space<hbm>> -> memref<1x128x64xf32, #tpu.memory_space<hbm>>
      %dma_wait3A_60 = tpu.memref_squeeze %dma_wait3A_59 : memref<1x128x64xf32, #tpu.memory_space<hbm>> -> memref<128x64xf32, #tpu.memory_space<hbm>>
      %dma_wait3A_61 = arith.constant 0 : i32
      %dma_wait3A_62 = tpu.memref_slice %arg7[%add3A_42, %dma_wait3A_61] : memref<10240x64xf32, #tpu.memory_space<vmem_shared>> -> memref<128x64xf32, #tpu.memory_space<vmem_shared>>
      tpu.wait_dma2 semaphore(%run_scoped3A : memref<!tpu.dma_semaphore, #tpu.memory_space<semaphore_mem>>) src(%dma_wait3A_62 : memref<128x64xf32, #tpu.memory_space<vmem_shared>>) dst(%dma_wait3A_60 : memref<128x64xf32, #tpu.memory_space<hbm>>)
      tpu.yield
    }) : () -> ()
    %mul3A_43 = arith.constant 640 : i32
    %mul3A_44 = arith.muli %arg1, %mul3A_43 : i32
    %add3A_45 = arith.constant 256 : i32
    %add3A_46 = arith.addi %mul3A_44, %add3A_45 : i32
    "tpu.region"() ({
      %run_scoped3A = tpu.sem_alloc : memref<!tpu.dma_semaphore, #tpu.memory_space<semaphore_mem>>
      %dma_start3A = arith.constant 0 : i32
      %dma_start3A_55 = tpu.memref_slice %arg6[%arg0, %add3A_46, %dma_start3A] : memref<2x10240x64xf32, #tpu.memory_space<hbm>> -> memref<1x128x64xf32, #tpu.memory_space<hbm>>
      %dma_start3A_56 = tpu.memref_squeeze %dma_start3A_55 : memref<1x128x64xf32, #tpu.memory_space<hbm>> -> memref<128x64xf32, #tpu.memory_space<hbm>>
      %dma_start3A_57 = arith.constant 0 : i32
      %dma_start3A_58 = tpu.memref_slice %arg7[%add3A_46, %dma_start3A_57] : memref<10240x64xf32, #tpu.memory_space<vmem_shared>> -> memref<128x64xf32, #tpu.memory_space<vmem_shared>>
      tpu.enqueue_dma source(%dma_start3A_58 : memref<128x64xf32, #tpu.memory_space<vmem_shared>>) target(%dma_start3A_56 : memref<128x64xf32, #tpu.memory_space<hbm>>) target_semaphore(%run_scoped3A : memref<!tpu.dma_semaphore, #tpu.memory_space<semaphore_mem>>)
      %dma_wait3A = arith.constant 0 : i32
      %dma_wait3A_59 = tpu.memref_slice %arg6[%arg0, %add3A_46, %dma_wait3A] : memref<2x10240x64xf32, #tpu.memory_space<hbm>> -> memref<1x128x64xf32, #tpu.memory_space<hbm>>
      %dma_wait3A_60 = tpu.memref_squeeze %dma_wait3A_59 : memref<1x128x64xf32, #tpu.memory_space<hbm>> -> memref<128x64xf32, #tpu.memory_space<hbm>>
      %dma_wait3A_61 = arith.constant 0 : i32
      %dma_wait3A_62 = tpu.memref_slice %arg7[%add3A_46, %dma_wait3A_61] : memref<10240x64xf32, #tpu.memory_space<vmem_shared>> -> memref<128x64xf32, #tpu.memory_space<vmem_shared>>
      tpu.wait_dma2 semaphore(%run_scoped3A : memref<!tpu.dma_semaphore, #tpu.memory_space<semaphore_mem>>) src(%dma_wait3A_62 : memref<128x64xf32, #tpu.memory_space<vmem_shared>>) dst(%dma_wait3A_60 : memref<128x64xf32, #tpu.memory_space<hbm>>)
      tpu.yield
    }) : () -> ()
    %mul3A_47 = arith.constant 640 : i32
    %mul3A_48 = arith.muli %arg1, %mul3A_47 : i32
    %add3A_49 = arith.constant 384 : i32
    %add3A_50 = arith.addi %mul3A_48, %add3A_49 : i32
    "tpu.region"() ({
      %run_scoped3A = tpu.sem_alloc : memref<!tpu.dma_semaphore, #tpu.memory_space<semaphore_mem>>
      %dma_start3A = arith.constant 0 : i32
      %dma_start3A_55 = tpu.memref_slice %arg6[%arg0, %add3A_50, %dma_start3A] : memref<2x10240x64xf32, #tpu.memory_space<hbm>> -> memref<1x128x64xf32, #tpu.memory_space<hbm>>
      %dma_start3A_56 = tpu.memref_squeeze %dma_start3A_55 : memref<1x128x64xf32, #tpu.memory_space<hbm>> -> memref<128x64xf32, #tpu.memory_space<hbm>>
      %dma_start3A_57 = arith.constant 0 : i32
      %dma_start3A_58 = tpu.memref_slice %arg7[%add3A_50, %dma_start3A_57] : memref<10240x64xf32, #tpu.memory_space<vmem_shared>> -> memref<128x64xf32, #tpu.memory_space<vmem_shared>>
      tpu.enqueue_dma source(%dma_start3A_58 : memref<128x64xf32, #tpu.memory_space<vmem_shared>>) target(%dma_start3A_56 : memref<128x64xf32, #tpu.memory_space<hbm>>) target_semaphore(%run_scoped3A : memref<!tpu.dma_semaphore, #tpu.memory_space<semaphore_mem>>)
      %dma_wait3A = arith.constant 0 : i32
      %dma_wait3A_59 = tpu.memref_slice %arg6[%arg0, %add3A_50, %dma_wait3A] : memref<2x10240x64xf32, #tpu.memory_space<hbm>> -> memref<1x128x64xf32, #tpu.memory_space<hbm>>
      %dma_wait3A_60 = tpu.memref_squeeze %dma_wait3A_59 : memref<1x128x64xf32, #tpu.memory_space<hbm>> -> memref<128x64xf32, #tpu.memory_space<hbm>>
      %dma_wait3A_61 = arith.constant 0 : i32
      %dma_wait3A_62 = tpu.memref_slice %arg7[%add3A_50, %dma_wait3A_61] : memref<10240x64xf32, #tpu.memory_space<vmem_shared>> -> memref<128x64xf32, #tpu.memory_space<vmem_shared>>
      tpu.wait_dma2 semaphore(%run_scoped3A : memref<!tpu.dma_semaphore, #tpu.memory_space<semaphore_mem>>) src(%dma_wait3A_62 : memref<128x64xf32, #tpu.memory_space<vmem_shared>>) dst(%dma_wait3A_60 : memref<128x64xf32, #tpu.memory_space<hbm>>)
      tpu.yield
    }) : () -> ()
    %mul3A_51 = arith.constant 640 : i32
    %mul3A_52 = arith.muli %arg1, %mul3A_51 : i32
    %add3A_53 = arith.constant 512 : i32
    %add3A_54 = arith.addi %mul3A_52, %add3A_53 : i32
    "tpu.region"() ({
      %run_scoped3A = tpu.sem_alloc : memref<!tpu.dma_semaphore, #tpu.memory_space<semaphore_mem>>
      %dma_start3A = arith.constant 0 : i32
      %dma_start3A_55 = tpu.memref_slice %arg6[%arg0, %add3A_54, %dma_start3A] : memref<2x10240x64xf32, #tpu.memory_space<hbm>> -> memref<1x128x64xf32, #tpu.memory_space<hbm>>
      %dma_start3A_56 = tpu.memref_squeeze %dma_start3A_55 : memref<1x128x64xf32, #tpu.memory_space<hbm>> -> memref<128x64xf32, #tpu.memory_space<hbm>>
      %dma_start3A_57 = arith.constant 0 : i32
      %dma_start3A_58 = tpu.memref_slice %arg7[%add3A_54, %dma_start3A_57] : memref<10240x64xf32, #tpu.memory_space<vmem_shared>> -> memref<128x64xf32, #tpu.memory_space<vmem_shared>>
      tpu.enqueue_dma source(%dma_start3A_58 : memref<128x64xf32, #tpu.memory_space<vmem_shared>>) target(%dma_start3A_56 : memref<128x64xf32, #tpu.memory_space<hbm>>) target_semaphore(%run_scoped3A : memref<!tpu.dma_semaphore, #tpu.memory_space<semaphore_mem>>)
      %dma_wait3A = arith.constant 0 : i32
      %dma_wait3A_59 = tpu.memref_slice %arg6[%arg0, %add3A_54, %dma_wait3A] : memref<2x10240x64xf32, #tpu.memory_space<hbm>> -> memref<1x128x64xf32, #tpu.memory_space<hbm>>
      %dma_wait3A_60 = tpu.memref_squeeze %dma_wait3A_59 : memref<1x128x64xf32, #tpu.memory_space<hbm>> -> memref<128x64xf32, #tpu.memory_space<hbm>>
      %dma_wait3A_61 = arith.constant 0 : i32
      %dma_wait3A_62 = tpu.memref_slice %arg7[%add3A_54, %dma_wait3A_61] : memref<10240x64xf32, #tpu.memory_space<vmem_shared>> -> memref<128x64xf32, #tpu.memory_space<vmem_shared>>
      tpu.wait_dma2 semaphore(%run_scoped3A : memref<!tpu.dma_semaphore, #tpu.memory_space<semaphore_mem>>) src(%dma_wait3A_62 : memref<128x64xf32, #tpu.memory_space<vmem_shared>>) dst(%dma_wait3A_60 : memref<128x64xf32, #tpu.memory_space<hbm>>)
      tpu.yield
    }) : () -> ()
    return
  }
}

module attributes {stable_mosaic.version = 14 : i64} {
  func.func @body(%arg0: i32, %arg1: memref<1000x1xf32, #tpu.memory_space<vmem>>, %arg2: memref<1000x1xf32, #tpu.memory_space<vmem>>, %arg3: memref<1000x128xf32, #tpu.memory_space<vmem>>, %arg4: memref<128x128xf32, #tpu.memory_space<vmem>>, %arg5: memref<1000x128xf32, #tpu.memory_space<vmem>>, %arg6: memref<1000x1xf32, #tpu.memory_space<vmem>>) attributes {dimension_semantics = [#tpu.dimension_semantics<arbitrary>], iteration_bounds = array<i64: 10>, scalar_prefetch = 0 : i64, scratch_operands = 0 : i64, tpu.core_type = #tpu.core_type<tc>, window_params = [{transform_indices = @transform_0, window_bounds = array<i64: 1000, 1>}, {transform_indices = @transform_1, window_bounds = array<i64: 1000, 1>}, {transform_indices = @transform_2, window_bounds = array<i64: 1000, 128>}, {pipeline_mode = #tpu.pipeline_mode<synchronous>, transform_indices = @transform_3, window_bounds = array<i64: 128, 128>}, {transform_indices = @transform_4, window_bounds = array<i64: 1000, 128>}, {transform_indices = @transform_5, window_bounds = array<i64: 1000, 1>}]} {
    %get3A = arith.constant 0 : index
    %get3A_0 = arith.constant 0 : index
    %get3A_1 = vector.load %arg1[%get3A, %get3A_0] : memref<1000x1xf32, #tpu.memory_space<vmem>>, vector<1000x1xf32>
    %get3A_2 = arith.constant 0 : index
    %get3A_3 = arith.constant 0 : index
    %get3A_4 = vector.load %arg2[%get3A_2, %get3A_3] : memref<1000x1xf32, #tpu.memory_space<vmem>>, vector<1000x1xf32>
    %add3A = arith.addf %get3A_1, %get3A_4 : vector<1000x1xf32>
    %add3A_5 = arith.constant 1.000000e+00 : f32
    %add3A_6 = vector.broadcast %add3A_5 : f32 to vector<1000x1xf32>
    %add3A_7 = arith.addf %add3A, %add3A_6 : vector<1000x1xf32>
    %rsqrt3A = math.rsqrt %add3A_7 : vector<1000x1xf32>
    %swap3A = arith.constant 0 : index
    %swap3A_8 = arith.constant 0 : index
    %swap3A_9 = vector.load %arg6[%swap3A, %swap3A_8] : memref<1000x1xf32, #tpu.memory_space<vmem>>, vector<1000x1xf32>
    tpu.vector_store %arg6[%swap3A, %swap3A_8], %rsqrt3A {strides = array<i32>} : memref<1000x1xf32, #tpu.memory_space<vmem>>, vector<1000x1xf32>,
    %get3A_10 = arith.constant 0 : index
    %get3A_11 = arith.constant 0 : index
    %get3A_12 = vector.load %arg3[%get3A_10, %get3A_11] : memref<1000x128xf32, #tpu.memory_space<vmem>>, vector<1000x128xf32>
    %get3A_13 = arith.constant 0 : index
    %get3A_14 = arith.constant 0 : index
    %get3A_15 = vector.load %arg4[%get3A_13, %get3A_14] : memref<128x128xf32, #tpu.memory_space<vmem>>, vector<128x128xf32>
    %dot_general3A = arith.constant dense<0.000000e+00> : vector<1000x128xf32>
    %dot_general3A_16 = tpu.matmul %get3A_12, %get3A_15, %dot_general3A {dimension_numbers = #tpu.dot_dimension_numbers<[1], [0], [0], [1], [0, 0, 1, 1], [], []>, transpose_lhs_hint = false} : vector<1000x128xf32>, vector<128x128xf32>, vector<1000x128xf32> -> vector<1000x128xf32>
    %mul3A = vector.broadcast %rsqrt3A : vector<1000x1xf32> to vector<1000x128xf32>
    %mul3A_17 = arith.mulf %dot_general3A_16, %mul3A : vector<1000x128xf32>
    %swap3A_18 = arith.constant 0 : index
    %swap3A_19 = arith.constant 0 : index
    %swap3A_20 = vector.load %arg5[%swap3A_18, %swap3A_19] : memref<1000x128xf32, #tpu.memory_space<vmem>>, vector<1000x128xf32>
    tpu.vector_store %arg5[%swap3A_18, %swap3A_19], %mul3A_17 {strides = array<i32>} : memref<1000x128xf32, #tpu.memory_space<vmem>>, vector<1000x128xf32>,
    return
  }
  func.func @transform_0(%arg0: i32) -> (i32, i32) {
    %c0_i32 = arith.constant 0 : i32
    %c0_i32_0 = arith.constant 0 : i32
    return %arg0, %c0_i32 : i32, i32
  }
  func.func @transform_1(%arg0: i32) -> (i32, i32) {
    %c0_i32 = arith.constant 0 : i32
    %c0_i32_0 = arith.constant 0 : i32
    return %arg0, %c0_i32 : i32, i32
  }
  func.func @transform_2(%arg0: i32) -> (i32, i32) {
    %c0_i32 = arith.constant 0 : i32
    %c0_i32_0 = arith.constant 0 : i32
    return %arg0, %c0_i32 : i32, i32
  }
  func.func @transform_3(%arg0: i32) -> (i32, i32) {
    %c0_i32 = arith.constant 0 : i32
    %c0_i32_0 = arith.constant 0 : i32
    %c0_i32_1 = arith.constant 0 : i32
    return %c0_i32, %c0_i32_0 : i32, i32
  }
  func.func @transform_4(%arg0: i32) -> (i32, i32) {
    %c0_i32 = arith.constant 0 : i32
    %c0_i32_0 = arith.constant 0 : i32
    return %arg0, %c0_i32 : i32, i32
  }
  func.func @transform_5(%arg0: i32) -> (i32, i32) {
    %c0_i32 = arith.constant 0 : i32
    %c0_i32_0 = arith.constant 0 : i32
    return %arg0, %c0_i32 : i32, i32
  }
}

module attributes {stable_mosaic.version = 14 : i64} {
  func.func @body(%arg0: i32, %arg1: memref<1000x128xf32, #tpu.memory_space<vmem>>, %arg2: memref<1000x128xf32, #tpu.memory_space<vmem>>, %arg3: memref<1000x128xf32, #tpu.memory_space<vmem>>, %arg4: memref<1000x1xf32, #tpu.memory_space<vmem>>, %arg5: memref<1x128xf32, #tpu.memory_space<vmem>>, %arg6: memref<128x64xf32, #tpu.memory_space<vmem>>, %arg7: memref<1000x64xf32, #tpu.memory_space<vmem>>) attributes {dimension_semantics = [#tpu.dimension_semantics<arbitrary>], iteration_bounds = array<i64: 10>, scalar_prefetch = 0 : i64, scratch_operands = 0 : i64, tpu.core_type = #tpu.core_type<tc>, window_params = [{transform_indices = @transform_0, window_bounds = array<i64: 1000, 128>}, {transform_indices = @transform_1, window_bounds = array<i64: 1000, 128>}, {transform_indices = @transform_2, window_bounds = array<i64: 1000, 128>}, {transform_indices = @transform_3, window_bounds = array<i64: 1000, 1>}, {pipeline_mode = #tpu.pipeline_mode<synchronous>, transform_indices = @transform_4, window_bounds = array<i64: 1, 128>}, {pipeline_mode = #tpu.pipeline_mode<synchronous>, transform_indices = @transform_5, window_bounds = array<i64: 128, 64>}, {transform_indices = @transform_6, window_bounds = array<i64: 1000, 64>}]} {
    %get3A = arith.constant 0 : index
    %get3A_0 = arith.constant 0 : index
    %get3A_1 = vector.load %arg1[%get3A, %get3A_0] : memref<1000x128xf32, #tpu.memory_space<vmem>>, vector<1000x128xf32>
    %get3A_2 = arith.constant 0 : index
    %get3A_3 = arith.constant 0 : index
    %get3A_4 = vector.load %arg2[%get3A_2, %get3A_3] : memref<1000x128xf32, #tpu.memory_space<vmem>>, vector<1000x128xf32>
    %add3A = arith.addf %get3A_1, %get3A_4 : vector<1000x128xf32>
    %get3A_5 = arith.constant 0 : index
    %get3A_6 = arith.constant 0 : index
    %get3A_7 = vector.load %arg3[%get3A_5, %get3A_6] : memref<1000x128xf32, #tpu.memory_space<vmem>>, vector<1000x128xf32>
    %add3A_8 = arith.addf %add3A, %get3A_7 : vector<1000x128xf32>
    %get3A_9 = arith.constant 0 : index
    %get3A_10 = arith.constant 0 : index
    %get3A_11 = vector.load %arg4[%get3A_9, %get3A_10] : memref<1000x1xf32, #tpu.memory_space<vmem>>, vector<1000x1xf32>
    %mul3A = vector.broadcast %get3A_11 : vector<1000x1xf32> to vector<1000x128xf32>
    %mul3A_12 = arith.mulf %add3A_8, %mul3A : vector<1000x128xf32>
    %get3A_13 = arith.constant 0 : index
    %get3A_14 = arith.constant 0 : index
    %get3A_15 = vector.load %arg5[%get3A_13, %get3A_14] : memref<1x128xf32, #tpu.memory_space<vmem>>, vector<1x128xf32>
    %add3A_16 = vector.broadcast %get3A_15 : vector<1x128xf32> to vector<1000x128xf32>
    %add3A_17 = arith.addf %mul3A_12, %add3A_16 : vector<1000x128xf32>
    %max3A = arith.constant 0.000000e+00 : f32
    %max3A_18 = vector.broadcast %max3A : f32 to vector<1000x128xf32>
    %max3A_19 = arith.maximumf %add3A_17, %max3A_18 : vector<1000x128xf32>
    %get3A_20 = arith.constant 0 : index
    %get3A_21 = arith.constant 0 : index
    %get3A_22 = vector.load %arg6[%get3A_20, %get3A_21] : memref<128x64xf32, #tpu.memory_space<vmem>>, vector<128x64xf32>
    %dot_general3A = arith.constant dense<0.000000e+00> : vector<1000x64xf32>
    %dot_general3A_23 = tpu.matmul %max3A_19, %get3A_22, %dot_general3A {dimension_numbers = #tpu.dot_dimension_numbers<[1], [0], [0], [1], [0, 0, 1, 1], [], []>, transpose_lhs_hint = false} : vector<1000x128xf32>, vector<128x64xf32>, vector<1000x64xf32> -> vector<1000x64xf32>
    %get3A_24 = arith.constant 0 : index
    %get3A_25 = arith.constant 0 : index
    %get3A_26 = vector.load %arg4[%get3A_24, %get3A_25] : memref<1000x1xf32, #tpu.memory_space<vmem>>, vector<1000x1xf32>
    %mul3A_27 = vector.broadcast %get3A_26 : vector<1000x1xf32> to vector<1000x64xf32>
    %mul3A_28 = arith.mulf %dot_general3A_23, %mul3A_27 : vector<1000x64xf32>
    %swap3A = arith.constant 0 : index
    %swap3A_29 = arith.constant 0 : index
    %swap3A_30 = vector.load %arg7[%swap3A, %swap3A_29] : memref<1000x64xf32, #tpu.memory_space<vmem>>, vector<1000x64xf32>
    tpu.vector_store %arg7[%swap3A, %swap3A_29], %mul3A_28 {strides = array<i32>} : memref<1000x64xf32, #tpu.memory_space<vmem>>, vector<1000x64xf32>,
    return
  }
  func.func @transform_0(%arg0: i32) -> (i32, i32) {
    %c0_i32 = arith.constant 0 : i32
    %c0_i32_0 = arith.constant 0 : i32
    return %arg0, %c0_i32 : i32, i32
  }
  func.func @transform_1(%arg0: i32) -> (i32, i32) {
    %c0_i32 = arith.constant 0 : i32
    %c0_i32_0 = arith.constant 0 : i32
    return %arg0, %c0_i32 : i32, i32
  }
  func.func @transform_2(%arg0: i32) -> (i32, i32) {
    %c0_i32 = arith.constant 0 : i32
    %c0_i32_0 = arith.constant 0 : i32
    return %arg0, %c0_i32 : i32, i32
  }
  func.func @transform_3(%arg0: i32) -> (i32, i32) {
    %c0_i32 = arith.constant 0 : i32
    %c0_i32_0 = arith.constant 0 : i32
    return %arg0, %c0_i32 : i32, i32
  }
  func.func @transform_4(%arg0: i32) -> (i32, i32) {
    %c0_i32 = arith.constant 0 : i32
    %c0_i32_0 = arith.constant 0 : i32
    %c0_i32_1 = arith.constant 0 : i32
    return %c0_i32, %c0_i32_0 : i32, i32
  }
  func.func @transform_5(%arg0: i32) -> (i32, i32) {
    %c0_i32 = arith.constant 0 : i32
    %c0_i32_0 = arith.constant 0 : i32
    %c0_i32_1 = arith.constant 0 : i32
    return %c0_i32, %c0_i32_0 : i32, i32
  }
  func.func @transform_6(%arg0: i32) -> (i32, i32) {
    %c0_i32 = arith.constant 0 : i32
    %c0_i32_0 = arith.constant 0 : i32
    return %arg0, %c0_i32 : i32, i32
  }
}

module attributes {stable_mosaic.version = 14 : i64} {
  func.func @body(%arg0: i32, %arg1: memref<1000x64xf32, #tpu.memory_space<vmem>>, %arg2: memref<1000x64xf32, #tpu.memory_space<vmem>>, %arg3: memref<1000x64xf32, #tpu.memory_space<vmem>>, %arg4: memref<1000x1xf32, #tpu.memory_space<vmem>>, %arg5: memref<1x64xf32, #tpu.memory_space<vmem>>, %arg6: memref<64x8xf32, #tpu.memory_space<vmem>>, %arg7: memref<1x8xf32, #tpu.memory_space<vmem>>, %arg8: memref<1000x8xf32, #tpu.memory_space<vmem>>) attributes {dimension_semantics = [#tpu.dimension_semantics<arbitrary>], iteration_bounds = array<i64: 10>, scalar_prefetch = 0 : i64, scratch_operands = 0 : i64, tpu.core_type = #tpu.core_type<tc>, window_params = [{transform_indices = @transform_0, window_bounds = array<i64: 1000, 64>}, {transform_indices = @transform_1, window_bounds = array<i64: 1000, 64>}, {transform_indices = @transform_2, window_bounds = array<i64: 1000, 64>}, {transform_indices = @transform_3, window_bounds = array<i64: 1000, 1>}, {pipeline_mode = #tpu.pipeline_mode<synchronous>, transform_indices = @transform_4, window_bounds = array<i64: 1, 64>}, {pipeline_mode = #tpu.pipeline_mode<synchronous>, transform_indices = @transform_5, window_bounds = array<i64: 64, 8>}, {pipeline_mode = #tpu.pipeline_mode<synchronous>, transform_indices = @transform_6, window_bounds = array<i64: 1, 8>}, {transform_indices = @transform_7, window_bounds = array<i64: 1000, 8>}]} {
    %get3A = arith.constant 0 : index
    %get3A_0 = arith.constant 0 : index
    %get3A_1 = vector.load %arg1[%get3A, %get3A_0] : memref<1000x64xf32, #tpu.memory_space<vmem>>, vector<1000x64xf32>
    %get3A_2 = arith.constant 0 : index
    %get3A_3 = arith.constant 0 : index
    %get3A_4 = vector.load %arg2[%get3A_2, %get3A_3] : memref<1000x64xf32, #tpu.memory_space<vmem>>, vector<1000x64xf32>
    %add3A = arith.addf %get3A_1, %get3A_4 : vector<1000x64xf32>
    %get3A_5 = arith.constant 0 : index
    %get3A_6 = arith.constant 0 : index
    %get3A_7 = vector.load %arg3[%get3A_5, %get3A_6] : memref<1000x64xf32, #tpu.memory_space<vmem>>, vector<1000x64xf32>
    %add3A_8 = arith.addf %add3A, %get3A_7 : vector<1000x64xf32>
    %get3A_9 = arith.constant 0 : index
    %get3A_10 = arith.constant 0 : index
    %get3A_11 = vector.load %arg4[%get3A_9, %get3A_10] : memref<1000x1xf32, #tpu.memory_space<vmem>>, vector<1000x1xf32>
    %mul3A = vector.broadcast %get3A_11 : vector<1000x1xf32> to vector<1000x64xf32>
    %mul3A_12 = arith.mulf %add3A_8, %mul3A : vector<1000x64xf32>
    %get3A_13 = arith.constant 0 : index
    %get3A_14 = arith.constant 0 : index
    %get3A_15 = vector.load %arg5[%get3A_13, %get3A_14] : memref<1x64xf32, #tpu.memory_space<vmem>>, vector<1x64xf32>
    %add3A_16 = vector.broadcast %get3A_15 : vector<1x64xf32> to vector<1000x64xf32>
    %add3A_17 = arith.addf %mul3A_12, %add3A_16 : vector<1000x64xf32>
    %get3A_18 = arith.constant 0 : index
    %get3A_19 = arith.constant 0 : index
    %get3A_20 = vector.load %arg6[%get3A_18, %get3A_19] : memref<64x8xf32, #tpu.memory_space<vmem>>, vector<64x8xf32>
    %dot_general3A = arith.constant dense<0.000000e+00> : vector<1000x8xf32>
    %dot_general3A_21 = tpu.matmul %add3A_17, %get3A_20, %dot_general3A {dimension_numbers = #tpu.dot_dimension_numbers<[1], [0], [0], [1], [0, 0, 1, 1], [], []>, transpose_lhs_hint = false} : vector<1000x64xf32>, vector<64x8xf32>, vector<1000x8xf32> -> vector<1000x8xf32>
    %get3A_22 = arith.constant 0 : index
    %get3A_23 = arith.constant 0 : index
    %get3A_24 = vector.load %arg7[%get3A_22, %get3A_23] : memref<1x8xf32, #tpu.memory_space<vmem>>, vector<1x8xf32>
    %add3A_25 = vector.broadcast %get3A_24 : vector<1x8xf32> to vector<1000x8xf32>
    %add3A_26 = arith.addf %dot_general3A_21, %add3A_25 : vector<1000x8xf32>
    %swap3A = arith.constant 0 : index
    %swap3A_27 = arith.constant 0 : index
    %swap3A_28 = vector.load %arg8[%swap3A, %swap3A_27] : memref<1000x8xf32, #tpu.memory_space<vmem>>, vector<1000x8xf32>
    tpu.vector_store %arg8[%swap3A, %swap3A_27], %add3A_26 {strides = array<i32>} : memref<1000x8xf32, #tpu.memory_space<vmem>>, vector<1000x8xf32>,
    return
  }
  func.func @transform_0(%arg0: i32) -> (i32, i32) {
    %c0_i32 = arith.constant 0 : i32
    %c0_i32_0 = arith.constant 0 : i32
    return %arg0, %c0_i32 : i32, i32
  }
  func.func @transform_1(%arg0: i32) -> (i32, i32) {
    %c0_i32 = arith.constant 0 : i32
    %c0_i32_0 = arith.constant 0 : i32
    return %arg0, %c0_i32 : i32, i32
  }
  func.func @transform_2(%arg0: i32) -> (i32, i32) {
    %c0_i32 = arith.constant 0 : i32
    %c0_i32_0 = arith.constant 0 : i32
    return %arg0, %c0_i32 : i32, i32
  }
  func.func @transform_3(%arg0: i32) -> (i32, i32) {
    %c0_i32 = arith.constant 0 : i32
    %c0_i32_0 = arith.constant 0 : i32
    return %arg0, %c0_i32 : i32, i32
  }
  func.func @transform_4(%arg0: i32) -> (i32, i32) {
    %c0_i32 = arith.constant 0 : i32
    %c0_i32_0 = arith.constant 0 : i32
    %c0_i32_1 = arith.constant 0 : i32
    return %c0_i32, %c0_i32_0 : i32, i32
  }
  func.func @transform_5(%arg0: i32) -> (i32, i32) {
    %c0_i32 = arith.constant 0 : i32
    %c0_i32_0 = arith.constant 0 : i32
    %c0_i32_1 = arith.constant 0 : i32
    return %c0_i32, %c0_i32_0 : i32, i32
  }
  func.func @transform_6(%arg0: i32) -> (i32, i32) {
    %c0_i32 = arith.constant 0 : i32
    %c0_i32_0 = arith.constant 0 : i32
    %c0_i32_1 = arith.constant 0 : i32
    return %c0_i32, %c0_i32_0 : i32, i32
  }
  func.func @transform_7(%arg0: i32) -> (i32, i32) {
    %c0_i32 = arith.constant 0 : i32
    %c0_i32_0 = arith.constant 0 : i32
    return %arg0, %c0_i32 : i32, i32
  }
}

</mosaic_0001>

<sc_bundles>
// kernel: kernel.11.cloned.1.call-start
scs
__scs_entry_jumppad:
0x0: {  	(pc) =	sbr.rel $0x88, $3  }
0x1: {  	(tag) =	ssettag $0x0;
	lr =	simm.s32 $0x1  }
0x2: {  	[smem:$0x3F98] =	sst lr;
	_ =	strace $0xD0000000  }
0x3: {  	_ = 	snop  }
0x4: {  	_ = 	snop  }
0x5: {  	_ = 	snop  }
0x6: {  	_ = 	snop  }
0x7: {  	_ = 	snop  }
__scs_overlays_trampoline_lowered:
0x8: {  	[smem:$0x3FA7] =	sst s0  }
0x9: {  	[smem:$0x3FA8] =	sst s1  }
0xa: {  	[smem:$0x3FA9] =	sst s2  }
0xb: {  	[smem:$0x3FAA] =	sst s3  }
0xc: {  	[smem:$0x3FAB] =	sst s4  }
0xd: {  	[smem:$0x3FAC] =	sst s5  }
0xe: {  	[smem:$0x3FAD] =	sst s6  }
0xf: {  	[smem:$0x3FAE] =	sst s7  }
0x10: {  	[smem:$0x3FAF] =	sst s8  }
0x11: {  	[smem:$0x3FB0] =	sst s9;
	s0 =	simm.s32 @!p0 $0x0  }
0x12: {  	s1 =	sld [smem:$0x3F96];
	s0 =	simm.s32 @p0 $0x1  }
0x13: {  	[smem:$0x3FB1] =	sst s0;
	s0 =	simm.s32 @!p1 $0x0  }
0x14: {  	s2 =	sld [smem:$0x3F95];
	s0 =	simm.s32 @p1 $0x1  }
0x15: {  	[smem:$0x3FB2] =	sst s0;
	s0 =	simm.s32 @!p2 $0x0  }
0x16: {  	s3 =	sld [smem:$0x3FDB];
	s0 =	simm.s32 @p2 $0x1  }
0x17: {  	s4 =	simm.s32 $0x1BF5;
	[smem:$0x3FB4] =	sst s0  }
0x18: {  	s0 =	sld [smem:$0x3F97];
	_ =	swait.ge [sflag:s4], $0x0  }
0x19: {  	s7 =	sld [smem:$0x3F98]  }
0x1a: {  	s8 =	sadd.s32 $0xFFFFE003, lr  }
0x1b: {  	s9 =	sadd.s32 $0xFFFFFEF7, lr;
	s5 =	simm.s32 $0xFFFFFFFF;
	p2 =	slt.u32 s8, $0xFFFFF086  }
0x1c: {  	p1 =	slt.u32 s9, $0xF7A;
	s5 =	simm.s32 @!p2 $0x0  }
0x1d: {  	s5 =	simm.s32 @p1 $0x1;
	p0 =	seq.s32 s7, s2  }
0x1e: {  	s7 =	smul.u32 @!p0 $0xF7A, s2;
	p2 =	seq.s32 @!p0 s5, $0x0  }
0x1f: {  	s9 =	smul.u32 $0xF7A, s1;
	s8 =	simm.s32 @!p0 $0x1BF5;
	p2 =	por !p2, p0  }
0x20: {  	[sflag:s8] =	ssyncset.s32 @!p0 $0xFFFFF086;
	s6 =	sadd.s32 @!p0 s3, s7;
	s7 =	simm.s32 @!p0 $0x108  }
0x21: {  	s3 =	sadd.s32 s3, s9;
	s6 =	sadd.s32 @!p0 $0x88, s6;
	s7 =	simm.s32 @p2 $0x1082  }
0x22: {  	[simem:s7], [sflag:s8] =	dma.local @!p0 [hbm:s6], $0xF7A  }
0x23: {  	s9 =	sor.u32 $0xD0000000, s2;
	s6 =	simm.s32 $0x108;
	_ =	swait.ge @!p0 [sflag:s8], $0x0  }
0x24: {  	s3 =	sadd.s32 $0x88, s3;
	s6 =	simm.s32 @!p1 $0x1082;
	[sflag:s4] =	ssyncset.s32 $0xFFFFF086  }
0x25: {  	[simem:s6], [sflag:s4] =	dma.local [hbm:s3], $0xF7A  }
0x26: {  	[smem:$0x3F98] =	sst s1;
	(tag) =	ssettag s2;
	_ =	strace s9  }
0x27: {  	s1 =	sld [smem:$0x3FA8]  }
0x28: {  	s2 =	sld [smem:$0x3FA9]  }
0x29: {  	s4 =	sld [smem:$0x3FAB]  }
0x2a: {  	p0 =	seq.s32 s5, $0x0;
	s5 =	sld [smem:$0x3FAC]  }
0x2b: {  	s6 =	sld [smem:$0x3FAD]  }
0x2c: {  	s7 =	sld [smem:$0x3FAE]  }
0x2d: {  	s3 =	simm.s32 $0x108;
	s8 =	sld [smem:$0x3FAF]  }
0x2e: {  	s3 =	simm.s32 @!p0 $0x1082;
	s9 =	sld [smem:$0x3FB0]  }
0x2f: {  	lr =	sadd.s32 s0, s3;
	s0 =	sld [smem:$0x3FA7]  }
0x30: {  	s3 =	sld [smem:$0x3FAA]  }
0x31: {  	[smem:$0x3FB3] =	sst s10  }
0x32: {  	s10 =	sld [smem:$0x3FB1];
	_ =	sdelay $0x3  }
0x33: {  	p0 =	seq.s32 s10, $0x1;
	s10 =	sld [smem:$0x3FB3];
	_ =	sdelay $0x3  }
0x34: {  	[smem:$0x3FB3] =	sst s10  }
0x35: {  	s10 =	sld [smem:$0x3FB2];
	_ =	sdelay $0x3  }
0x36: {  	p1 =	seq.s32 s10, $0x1;
	s10 =	sld [smem:$0x3FB3];
	_ =	sdelay $0x3  }
0x37: {  	[smem:$0x3FB3] =	sst s10  }
0x38: {  	s10 =	sld [smem:$0x3FB4]  }
0x39: {  	_ = 	snop;
	(pc) =	sbr.ind lr, $3  }
0x3a: {  	_ = 	snop  }
0x3b: {  	_ = 	snop  }
0x3c: {  	p2 =	seq.s32 s10, $0x1;
	s10 =	sld [smem:$0x3FB3]  }
0x3d: {  	_ =	shalt  }
0x3e: {  	_ =	shalt  }
0x3f: {  	_ =	shalt  }
0x40: {  	_ =	shalt  }
0x41: {  	_ =	shalt  }
0x42: {  	_ =	shalt  }
0x43: {  	_ =	shalt  }
0x44: {  	_ =	shalt  }
0x45: {  	_ =	shalt  }
0x46: {  	_ =	shalt  }
0x47: {  	_ =	shalt  }
0x48: {  	_ =	shalt  }
0x49: {  	_ =	shalt  }
0x4a: {  	_ =	shalt  }
0x4b: {  	_ =	shalt  }
0x4c: {  	_ =	shalt  }
0x4d: {  	_ =	shalt  }
0x4e: {  	_ =	shalt  }
0x4f: {  	_ =	shalt  }
0x50: {  	_ =	shalt  }
0x51: {  	_ =	shalt  }
0x52: {  	_ =	shalt  }
0x53: {  	_ =	shalt  }
0x54: {  	_ =	shalt  }
0x55: {  	_ =	shalt  }
0x56: {  	_ =	shalt  }
0x57: {  	_ =	shalt  }
0x58: {  	_ =	shalt  }
0x59: {  	_ =	shalt  }
0x5a: {  	_ =	shalt  }
0x5b: {  	_ =	shalt  }
0x5c: {  	_ =	shalt  }
0x5d: {  	_ =	shalt  }
0x5e: {  	_ =	shalt  }
0x5f: {  	_ =	shalt  }
0x60: {  	_ =	shalt  }
0x61: {  	_ =	shalt  }
0x62: {  	_ =	shalt  }
0x63: {  	_ =	shalt  }
0x64: {  	_ =	shalt  }
0x65: {  	_ =	shalt  }
0x66: {  	_ =	shalt  }
0x67: {  	_ =	shalt  }
0x68: {  	_ =	shalt  }
0x69: {  	_ =	shalt  }
0x6a: {  	_ =	shalt  }
0x6b: {  	_ =	shalt  }
0x6c: {  	_ =	shalt  }
0x6d: {  	_ =	shalt  }
0x6e: {  	_ =	shalt  }
0x6f: {  	_ =	shalt  }
0x70: {  	_ =	shalt  }
0x71: {  	_ =	shalt  }
0x72: {  	_ =	shalt  }
0x73: {  	_ =	shalt  }
0x74: {  	_ =	shalt  }
0x75: {  	_ =	shalt  }
0x76: {  	_ =	shalt  }
0x77: {  	_ =	shalt  }
0x78: {  	_ =	shalt  }
0x79: {  	_ =	shalt  }
0x7a: {  	_ =	shalt  }
0x7b: {  	_ =	shalt  }
0x7c: {  	_ =	shalt  }
0x7d: {  	_ =	shalt  }
0x7e: {  	_ =	shalt  }
0x7f: {  	_ =	shalt  }
0x80: {  	_ =	shalt  }
0x81: {  	_ =	shalt  }
0x82: {  	_ =	shalt  }
0x83: {  	_ =	shalt  }
0x84: {  	_ =	shalt  }
0x85: {  	_ =	shalt  }
0x86: {  	_ =	shalt  }
0x87: {  	_ =	shalt  }
.Lfunc_end0:
.L_simem_size_0:
called_computation.1_lowered:
.L_overlay_start_0:
0x88: {  	s2 =	sld [smem:$0x3FD9]  }
0x89: {  	s3 =	sld [smem:$0x3FFE];
	_ =	sdelay $0x1  }
0x8a: {  	s1 =	srdreg.scid  }
0x8b: {  	s0 =	sand.u32 $0x1, s1  }
0x8c: {  	s16 =	sshll.u32 s0, $0xA;
	s2 =	sadd.s32 s3, s2  }
0x8d: {  	s2 =	sadd.s32 s2, s16  }
0x8e: {  	[smem:$0x3FBF] =	sst s2  }
0x8f: {  	_ = 	snop  }
0x90: {  	(tm) =	ssettm $0x1  }
0x91: {  	s17 =	sld [smem:$0x3FFB];
	_ =	sdelay $0x3  }
0x92: {  	_ =	strace s17  }
0x93: {  	s2 =	sld [smem:$0x3FFC];
	_ =	sdelay $0x3  }
0x94: {  	_ =	strace s2  }
0x95: {  	s2 =	sld [smem:$0x3FFD];
	_ =	sdelay $0x3  }
0x96: {  	_ =	strace s2  }
0x97: {  	_ =	strace $0x8FFFFFFF  }
0x98: {  	s18 =	sld [smem:$0x3FDB];
	_ =	sdelay $0x1  }
0x99: {  	s19 =	simm.s32 $_scs_section_size  }
0x9a: {  	s4 =	simm.s32 $_size__tile_overlayer_lowered;
	s5 =	simm.s32 $_tile_overlayer_lowered  }
0x9b: {  	s22 =	simm.s32 $0x1BFF;
	s21 =	sshll.u32 s5, $0x1;
	s2 =	sadd.s32 s19, s18  }
0x9c: {  	s6 =	simm.s32 $0x0;
	s20 =	sshll.u32 s4, $0x1;
	s4 =	sadd.s32 s21, s2  }
0x9d: {  	[timem:s6], [sflag:s22] =	dma.local [hbm:s4], s20  }
0x9e: {  	_ =	swait.ge [sflag:s22], s20  }
0x9f: {  	s3 =	ssub.s32 $0x0, s20;
	[sflag:s22] =	ssyncset.done $0x0  }
0xa0: {  	[sflag:s22] =	ssyncadd.s32 s3;
	_ =	sdelay $0x1  }
0xa1: {  	s23 =	simm.s32 $0x1B8B  }
0xa2: {  	_ =	swait.ge [sflag:s23], $0x1  }
0xa3: {  	[sflag:s23] =	ssyncset.done $0x0  }
0xa4: {  	s25 =	simm.s32 $0x1B8E;
	s24 =	sld [smem:$0x3FFE];
	[sflag:s23] =	ssyncadd.s32 $0xFFFFFFFF  }
0xa5: {  	s26 =	simm.s32 $execute0_lowered;
	[smem:$0x3FD2] =	sst s25  }
0xa6: {  	s4 =	sshll.u32 s26, $0x1;
	_ =	strace $0x80000049;
	[dreg:$0x1] =	wrdreg $0xFFFFFFFF  }
0xa7: {  	s28 =	simm.s32 $_size_execute0_lowered;
	s2 =	sadd.s32 s2, s4;
	[dreg:$0x0] =	wrdreg $0x0  }
0xa8: {  	s4 =	sshll.u32 s28, $0x1;
	[dreg:$0x2] =	wrdreg s2  }
0xa9: {  	[dreg:$0x3] =	wrdreg s4  }
0xaa: {  	[dreg:$0x4] =	wrdreg $0xC0  }
0xab: {  	_ =	task [dreg:s6], $0x5FFFF  }
0xac: {  	[dreg:$0x1] =	wrdreg $0xFFFFFFFF  }
0xad: {  	[dreg:$0x0] =	wrdreg $0x60  }
0xae: {  	[dreg:$0x2] =	wrdreg s24  }
0xaf: {  	[dreg:$0x3] =	wrdreg $0x0  }
0xb0: {  	[dreg:$0x4] =	wrdreg $0x9  }
0xb1: {  	_ =	task.clear_ibuf [dreg:s6], $0x5FFFF;
	_ =	strace $0x90000049  }
0xb2: {  	s29 =	simm.s32 $0x9;
	_ =	strace $0x8000004B  }
0xb3: {  	_ =	swait.ge [sflag:s29], $0x1  }
0xb4: {  	[sflag:s29] =	ssyncadd.s32 $0xFFFFFFFF  }
0xb5: {  	_ =	strace $0x9000004B  }
0xb6: {  	_ =	sfence  }
0xb7: {  	s30 =	sld [smem:$0x0];
	_ =	sdelay $0x2  }
0xb8: {  	s31 =	sshll.u32 s1, $0xD;
	s1 =	sshrl.u32 s1, $0x2  }
0xb9: {  	s3 =	sand.u32 $0x4000, s31;
	s1 =	sadd.s32 s1, s30  }
0xba: {  	s0 =	sor.u32 s3, s0;
	s1 =	sshll.u32 s1, $0x11  }
0xbb: {  	s0 =	sor.u32 s1, s0  }
0xbc: {  	s0 =	sadd.s32 $0x8F2B, s0  }
0xbd: {  	[sflag:s0] =	ssyncadd.remote.s32 $0x1  }
0xbe: {  	_ =	sfence.sel $0xFFFF  }
0xbf: {  	[dreg:$0x0] =	wrdreg $0xFFFFFFFF;
	(pc) =	sbr.abs _section_cstart, $3  }
0xc0: {  	[dreg:$0x1] =	wrdreg $0xFFFFFFFF  }
0xc1: {  	_ =	task.clear_ibuf [dreg:s6], $0x2FFFF;
	_ =	strace $0x9FFFFFFF  }
0xc2: {  	(tm) =	ssettm $0x7FFFFFFF  }
0xc3: {  	_ =	shalt  }
tec
execute0_lowered:
.L_overlay_start_1:
0x0: {  	(tag) =	ssettag $0x1  }
0x1: {  	s8 =	rddreg [dreg:$0x0]  }
0x2: {  	s1 =	rddreg [dreg:$0x1]  }
0x3: {  	s0 =	rddreg [dreg:$0x2]  }
0x4: {  	s2 =	simm.s32 $0x0;
	s7 =	srdreg.scid;
	s3 =	stileid.u32  }
0x5: {  	s23 =	simm.s32 $0x14080;
	s24 =	simm.s32 $0x14100;
	s25 =	simm.s32 $0x80  }
0x6: {  	s26 =	simm.s32 $0x1;
	[smem:$0x7FF] =	sst s2;
	s4 =	sadd.s32 $0x15C00, s8  }
0x7: {  	s5 =	sadd.s32 $0x2000, s8;
	s6 =	sadd.s32 $0xBE00, s8;
	s9 =	sand.u32 $0x1, s7  }
0x8: {  	s7 =	sadd.s32 $0x1FA00, s8;
	s12 =	smul.u32 $0x14000, s3;
	s18 =	sadd.s32 $0x6DE00, s8  }
0x9: {  	s11 =	sshll.u32 s3, $0x1;
	_ =	strace $0x8000004A;
	s10 =	ssub.s32 $0x2, s9  }
0xa: {  	s13 =	sor.u32 s9, s11;
	s17 =	smul.u32 $0x140000, s9;
	s29 =	sshrl.u32 s10, $0x1  }
0xb: {  	s8 =	sadd.s32 s12, s1;
	s14 =	sadd.s32 $0x4000, s12;
	s16 =	sadd.s32 $0x8000, s12  }
0xc: {  	s20 =	sadd.s32 $0xC000, s12;
	s21 =	sadd.s32 $0x10000, s12;
	s13 =	smul.u32 $0x2780, s13  }
0xd: {  	s19 =	ssub.s32 s10, s29;
	s9 =	sadd.s32 s14, s1;
	s10 =	sadd.s32 s16, s1  }
0xe: {  	s11 =	sadd.s32 s20, s1;
	s15 =	sadd.s32 s12, s17;
	s12 =	sadd.s32 s21, s1  }
0xf: {  	s22 =	sadd.s32 s17, s14;
	s16 =	sadd.s32 s17, s16;
	s20 =	sadd.s32 s17, s20  }
0x10: {  	s21 =	sadd.s32 s17, s21;
	s15 =	sshrl.u32 s15, $0x3;
	s30 =	sshrl.u32 s22, $0x3  }
0x11: {  	s16 =	sshrl.u32 s16, $0x3;
	s20 =	sshrl.u32 s20, $0x3;
	s31 =	sshrl.u32 s21, $0x3  }
0x12: {  	s19 =	smax.u32 s19, $0x1;
	s21 =	simm.s32 $0x2;
	s22 =	simm.s32 $0x14000  }
0x13: {  	s14 =	sadd.s32 s18, s15;
	s15 =	sadd.s32 s18, s30;
	s16 =	sadd.s32 s18, s16  }
0x14: {  	v0 =	vimm.f32 $0.0e+00;
	s17 =	sadd.s32 s18, s20;
	s18 =	sadd.s32 s18, s31;
	s20 =	simm.s32 $0x14180  }
.LBB2_1:
0x15: {  	s28 =	simm.s32 $0x0;
	s29 =	simm.s32 $0x200  }
.LBB2_2:
0x16: {  	p0 =	sne.s32 s29, $0xFE00;
	[tilespmem:s28+$0x141F0] =	vst v0  }
0x17: {  	[tilespmem:s28+$0x14180] =	vst v0  }
0x18: {  	[tilespmem:s28+$0x14190] =	vst v0  }
.Ltmp0:
0x19: {  	[tilespmem:s28+$0x141A0] =	vst v0;
	(pc) =	sbr.rel @p0 .LBB2_2-.Ltmp0, $4  }
0x1a: {  	[tilespmem:s28+$0x141B0] =	vst v0  }
0x1b: {  	[tilespmem:s28+$0x141C0] =	vst v0  }
0x1c: {  	[tilespmem:s28+$0x141D0] =	vst v0  }
0x1d: {  	[tilespmem:s28+$0x141E0] =	vst v0;
	s28 =	sshra.s32 s29, $0x2;
	s29 =	sadd.s32 $0x200, s29  }
0x1e: {  	[tilespmem:s28+$0x141F0] =	vst v0  }
0x1f: {  	[tilespmem:s28+$0x14180] =	vst v0  }
0x20: {  	[tilespmem:s28+$0x14190] =	vst v0  }
0x21: {  	[tilespmem:s28+$0x141A0] =	vst v0  }
0x22: {  	[tilespmem:s28+$0x141B0] =	vst v0  }
0x23: {  	[tilespmem:s28+$0x141C0] =	vst v0  }
0x24: {  	[tilespmem:s28+$0x141D0] =	vst v0  }
0x25: {  	[tilespmem:s28+$0x141E0] =	vst v0  }
0x26: {  	[spmem:s8] =	stream.linear.scatter [tilespmem:s20], [sflag:$0x2], $0x4000, $0x38;
	[tilespmem:$0x18180] =	vst v63  }
0x27: {  	_ =	swait.ge [sflag:s21], $0x4000  }
0x28: {  	[sflag:s21] =	ssyncset.done $0x0  }
0x29: {  	[sflag:s21] =	ssyncadd.s32 $0xFFFFC000  }
0x2a: {  	[spmem:s9] =	stream.linear.scatter [tilespmem:s20], [sflag:$0x2], $0x4000, $0x38;
	[tilespmem:$0x18180] =	vst v63  }
0x2b: {  	_ =	swait.ge [sflag:s21], $0x4000  }
0x2c: {  	[sflag:s21] =	ssyncset.done $0x0  }
0x2d: {  	[sflag:s21] =	ssyncadd.s32 $0xFFFFC000  }
0x2e: {  	[spmem:s10] =	stream.linear.scatter [tilespmem:s20], [sflag:$0x2], $0x4000, $0x38;
	[tilespmem:$0x18180] =	vst v63  }
0x2f: {  	_ =	swait.ge [sflag:s21], $0x4000  }
0x30: {  	[sflag:s21] =	ssyncset.done $0x0  }
0x31: {  	[sflag:s21] =	ssyncadd.s32 $0xFFFFC000  }
0x32: {  	[spmem:s11] =	stream.linear.scatter [tilespmem:s20], [sflag:$0x2], $0x4000, $0x38;
	[tilespmem:$0x18180] =	vst v63  }
0x33: {  	_ =	swait.ge [sflag:s21], $0x4000  }
0x34: {  	[sflag:s21] =	ssyncset.done $0x0  }
0x35: {  	[sflag:s21] =	ssyncadd.s32 $0xFFFFC000  }
0x36: {  	[spmem:s12] =	stream.linear.scatter [tilespmem:s20], [sflag:$0x2], $0x4000, $0x38;
	[tilespmem:$0x18180] =	vst v63  }
0x37: {  	_ =	swait.ge [sflag:s21], $0x4000  }
0x38: {  	[sflag:s21] =	ssyncset.done $0x0  }
0x39: {  	[sflag:s21] =	ssyncadd.s32 $0xFFFFC000  }
0x3a: {  	s28 =	simm.s32 $0x0;
	s29 =	simm.s32 $0x0;
	[bflag:$0x0] =	sbarrier.arrive $0xFFFF  }
.LBB2_4:
0x3b: {  	s30 =	sshll.u32 s29, $0x7  }
0x3c: {  	s30 =	sadd.s32 s13, s30  }
0x3d: {  	s30 =	sshrl.u32 s30, $0x3  }
0x3e: {  	s31 =	sadd.s32 s4, s30  }
0x3f: {  	[tilespmem:s22], [sflag:$0x2] =	stream.linear.gather [hbm4b:s31+s28], $0x80, $0x38;
	[tilespmem:$0x18180] =	vst v63  }
0x40: {  	_ =	swait.ge [sflag:s21], $0x80  }
0x41: {  	[sflag:s21] =	ssyncset.done $0x0  }
0x42: {  	s31 =	sadd.s32 s5, s30;
	[sflag:s21] =	ssyncadd.s32 $0xFFFFFF80  }
0x43: {  	[tilespmem:s23], [sflag:$0x2] =	stream.linear.gather [hbm4b:s31+s28], $0x80, $0x38;
	[tilespmem:$0x18180] =	vst v63  }
0x44: {  	_ =	swait.ge [sflag:s21], $0x80  }
0x45: {  	[sflag:s21] =	ssyncset.done $0x0  }
0x46: {  	s30 =	sadd.s32 s6, s30;
	[sflag:s21] =	ssyncadd.s32 $0xFFFFFF80  }
0x47: {  	[tilespmem:s24], [sflag:$0x2] =	stream.linear.gather [hbm4b:s30+s28], $0x80, $0x38;
	[tilespmem:$0x18180] =	vst v63  }
0x48: {  	_ =	swait.ge [sflag:s21], $0x80  }
0x49: {  	[sflag:s21] =	ssyncset.done $0x0  }
0x4a: {  	[sflag:s21] =	ssyncadd.s32 $0xFFFFFF80  }
0x4b: {  	[tilespmem:s20], [sflag:$0x1] =	stream.indirect.gather [hbm4b:s7+s25], $0x80, s22, s25, $0xb8;
	[tilespmem:$0x18180] =	vst v63  }
0x4c: {  	_ =	swait.ge [sflag:s26], $0x4000  }
0x4d: {  	[sflag:s26] =	ssyncset.done $0x0  }
0x4e: {  	s30 =	simm.s32 $0x0;
	[sflag:s26] =	ssyncadd.s32 $0xFFFFC000  }
.LBB2_5:
0x4f: {  	s31 =	sshll.u32 s30, $0x4  }
0x50: {  	s31 =	sand.u32 $0x3FFFFFF0, s31  }
0x51: {  	v1 =	vld [tilespmem:s31+$0x14100];
	s31 =	sshll.u32 s30, $0xB  }
0x52: {  	s31 =	sand.u32 $0x3FFFF800, s31  }
0x53: {  	v2 =	vld [tilespmem:s31+$0x14180]  }
0x54: {  	v3 =	vld [tilespmem:s31+$0x14190]  }
0x55: {  	v4 =	vld [tilespmem:s31+$0x141A0]  }
0x56: {  	v6 =	vld [tilespmem:s31+$0x141B0];
	v5 =	vbroadcast v1, $0x0  }
0x57: {  	v7 =	vld [tilespmem:s31+$0x141C0]  }
0x58: {  	v8 =	vld [tilespmem:s31+$0x141D0];
	v2 =	vmul.f32 v5, v2  }
0x59: {  	v9 =	vld [tilespmem:s31+$0x141E0];
	v3 =	vmul.f32 v3, v5  }
0x5a: {  	v34 =	vld [tilespmem:s31+$0x141F0];
	[tilespmem:s31+$0x14180] =	vst v2;
	v2 =	vmul.f32 v4, v5  }
0x5b: {  	v35 =	vld [tilespmem:s31+$0x14200];
	[tilespmem:s31+$0x14190] =	vst v3;
	v3 =	vmul.f32 v6, v5  }
0x5c: {  	v36 =	vld [tilespmem:s31+$0x14210];
	[tilespmem:s31+$0x141A0] =	vst v2;
	v2 =	vmul.f32 v7, v5  }
0x5d: {  	v37 =	vld [tilespmem:s31+$0x14220];
	[tilespmem:s31+$0x141B0] =	vst v3;
	v3 =	vmul.f32 v8, v5  }
0x5e: {  	v10 =	vld [tilespmem:s31+$0x14230];
	v38 =	vbroadcast v1, $0x1;
	[tilespmem:s31+$0x141C0] =	vst v2;
	v2 =	vmul.f32 v9, v5  }
0x5f: {  	v39 =	vld [tilespmem:s31+$0x14240];
	[tilespmem:s31+$0x141D0] =	vst v3;
	v3 =	vmul.f32 v34, v5  }
0x60: {  	v40 =	vld [tilespmem:s31+$0x14250];
	[tilespmem:s31+$0x141E0] =	vst v2;
	v2 =	vmul.f32 v35, v38  }
0x61: {  	v41 =	vld [tilespmem:s31+$0x14260];
	[tilespmem:s31+$0x141F0] =	vst v3;
	v3 =	vmul.f32 v36, v38  }
0x62: {  	v42 =	vld [tilespmem:s31+$0x14270];
	[tilespmem:s31+$0x14200] =	vst v2;
	v2 =	vmul.f32 v37, v38  }
0x63: {  	v43 =	vld [tilespmem:s31+$0x14280];
	[tilespmem:s31+$0x14210] =	vst v3;
	v3 =	vmul.f32 v10, v38  }
0x64: {  	v44 =	vld [tilespmem:s31+$0x14290];
	[tilespmem:s31+$0x14220] =	vst v2;
	v2 =	vmul.f32 v39, v38  }
0x65: {  	v45 =	vld [tilespmem:s31+$0x142A0];
	[tilespmem:s31+$0x14230] =	vst v3;
	v3 =	vmul.f32 v40, v38  }
0x66: {  	v47 =	vld [tilespmem:s31+$0x142B0];
	v46 =	vbroadcast v1, $0x2;
	[tilespmem:s31+$0x14240] =	vst v2;
	v2 =	vmul.f32 v41, v38  }
0x67: {  	v48 =	vld [tilespmem:s31+$0x142C0];
	[tilespmem:s31+$0x14250] =	vst v3;
	v3 =	vmul.f32 v42, v38  }
0x68: {  	v49 =	vld [tilespmem:s31+$0x142D0];
	[tilespmem:s31+$0x14260] =	vst v2;
	v2 =	vmul.f32 v43, v46  }
0x69: {  	v50 =	vld [tilespmem:s31+$0x142E0];
	[tilespmem:s31+$0x14270] =	vst v3;
	v3 =	vmul.f32 v44, v46  }
0x6a: {  	v51 =	vld [tilespmem:s31+$0x142F0];
	[tilespmem:s31+$0x14280] =	vst v2;
	v2 =	vmul.f32 v45, v46  }
0x6b: {  	v52 =	vld [tilespmem:s31+$0x14300];
	[tilespmem:s31+$0x14290] =	vst v3;
	v3 =	vmul.f32 v47, v46  }
0x6c: {  	v53 =	vld [tilespmem:s31+$0x14310];
	[tilespmem:s31+$0x142A0] =	vst v2;
	v2 =	vmul.f32 v48, v46  }
0x6d: {  	v54 =	vld [tilespmem:s31+$0x14320];
	[tilespmem:s31+$0x142B0] =	vst v3;
	v3 =	vmul.f32 v49, v46  }
0x6e: {  	v56 =	vld [tilespmem:s31+$0x14330];
	v55 =	vbroadcast v1, $0x3;
	[tilespmem:s31+$0x142C0] =	vst v2;
	v2 =	vmul.f32 v50, v46  }
0x6f: {  	v57 =	vld [tilespmem:s31+$0x14340];
	[tilespmem:s31+$0x142D0] =	vst v3;
	v3 =	vmul.f32 v51, v46  }
0x70: {  	v58 =	vld [tilespmem:s31+$0x14350];
	[tilespmem:s31+$0x142E0] =	vst v2;
	v2 =	vmul.f32 v52, v55  }
0x71: {  	v59 =	vld [tilespmem:s31+$0x14360];
	[tilespmem:s31+$0x142F0] =	vst v3;
	v3 =	vmul.f32 v53, v55  }
0x72: {  	v60 =	vld [tilespmem:s31+$0x14370];
	[tilespmem:s31+$0x14300] =	vst v2;
	v2 =	vmul.f32 v54, v55  }
0x73: {  	v61 =	vld [tilespmem:s31+$0x14380];
	[tilespmem:s31+$0x14310] =	vst v3;
	v3 =	vmul.f32 v56, v55  }
0x74: {  	v62 =	vld [tilespmem:s31+$0x14390];
	[tilespmem:s31+$0x14320] =	vst v2;
	v2 =	vmul.f32 v57, v55  }
0x75: {  	v63 =	vld [tilespmem:s31+$0x143A0];
	[tilespmem:s31+$0x14330] =	vst v3;
	v3 =	vmul.f32 v58, v55  }
0x76: {  	v13 =	vld [tilespmem:s31+$0x143B0];
	v12 =	vbroadcast v1, $0x4;
	[tilespmem:s31+$0x14340] =	vst v2;
	v2 =	vmul.f32 v59, v55  }
0x77: {  	v14 =	vld [tilespmem:s31+$0x143C0];
	[tilespmem:s31+$0x14350] =	vst v3;
	v3 =	vmul.f32 v60, v55  }
0x78: {  	v15 =	vld [tilespmem:s31+$0x143D0];
	[tilespmem:s31+$0x14360] =	vst v2;
	v2 =	vmul.f32 v61, v12  }
0x79: {  	v16 =	vld [tilespmem:s31+$0x143E0];
	[tilespmem:s31+$0x14370] =	vst v3;
	v3 =	vmul.f32 v62, v12  }
0x7a: {  	v17 =	vld [tilespmem:s31+$0x143F0];
	[tilespmem:s31+$0x14380] =	vst v2;
	v2 =	vmul.f32 v63, v12  }
0x7b: {  	v18 =	vld [tilespmem:s31+$0x14400];
	[tilespmem:s31+$0x14390] =	vst v3;
	v3 =	vmul.f32 v13, v12  }
0x7c: {  	v19 =	vld [tilespmem:s31+$0x14410];
	[tilespmem:s31+$0x143A0] =	vst v2;
	v2 =	vmul.f32 v14, v12  }
0x7d: {  	v20 =	vld [tilespmem:s31+$0x14420];
	[tilespmem:s31+$0x143B0] =	vst v3;
	v3 =	vmul.f32 v15, v12  }
0x7e: {  	v22 =	vld [tilespmem:s31+$0x14430];
	v21 =	vbroadcast v1, $0x5;
	[tilespmem:s31+$0x143C0] =	vst v2;
	v2 =	vmul.f32 v16, v12  }
0x7f: {  	v23 =	vld [tilespmem:s31+$0x14440];
	[tilespmem:s31+$0x143D0] =	vst v3;
	v3 =	vmul.f32 v17, v12  }
0x80: {  	v24 =	vld [tilespmem:s31+$0x14450];
	[tilespmem:s31+$0x143E0] =	vst v2;
	v2 =	vmul.f32 v18, v21  }
0x81: {  	v25 =	vld [tilespmem:s31+$0x14460];
	[tilespmem:s31+$0x143F0] =	vst v3;
	v3 =	vmul.f32 v19, v21  }
0x82: {  	v26 =	vld [tilespmem:s31+$0x14470];
	[tilespmem:s31+$0x14400] =	vst v2;
	v2 =	vmul.f32 v20, v21  }
0x83: {  	v27 =	vld [tilespmem:s31+$0x14480];
	[tilespmem:s31+$0x14410] =	vst v3;
	v3 =	vmul.f32 v22, v21  }
0x84: {  	v28 =	vld [tilespmem:s31+$0x14490];
	[tilespmem:s31+$0x14420] =	vst v2;
	v2 =	vmul.f32 v23, v21  }
0x85: {  	v29 =	vld [tilespmem:s31+$0x144A0];
	[tilespmem:s31+$0x14430] =	vst v3;
	v3 =	vmul.f32 v24, v21  }
0x86: {  	v31 =	vld [tilespmem:s31+$0x144B0];
	v30 =	vbroadcast v1, $0x6;
	[tilespmem:s31+$0x14440] =	vst v2;
	v2 =	vmul.f32 v25, v21  }
0x87: {  	v32 =	vld [tilespmem:s31+$0x144C0];
	[tilespmem:s31+$0x14450] =	vst v3;
	v3 =	vmul.f32 v26, v21  }
0x88: {  	v33 =	vld [tilespmem:s31+$0x144D0];
	[tilespmem:s31+$0x14460] =	vst v2;
	v2 =	vmul.f32 v27, v30  }
0x89: {  	v34 =	vld [tilespmem:s31+$0x144E0];
	[tilespmem:s31+$0x14470] =	vst v3;
	v3 =	vmul.f32 v28, v30  }
0x8a: {  	v35 =	vld [tilespmem:s31+$0x144F0];
	[tilespmem:s31+$0x14480] =	vst v2;
	v2 =	vmul.f32 v29, v30  }
0x8b: {  	v36 =	vld [tilespmem:s31+$0x14500];
	[tilespmem:s31+$0x14490] =	vst v3;
	v3 =	vmul.f32 v31, v30  }
0x8c: {  	v37 =	vld [tilespmem:s31+$0x14510];
	[tilespmem:s31+$0x144A0] =	vst v2;
	v2 =	vmul.f32 v32, v30  }
0x8d: {  	v38 =	vld [tilespmem:s31+$0x14520];
	[tilespmem:s31+$0x144B0] =	vst v3;
	v3 =	vmul.f32 v33, v30  }
0x8e: {  	v39 =	vbroadcast v1, $0x7;
	v40 =	vld [tilespmem:s31+$0x14530];
	[tilespmem:s31+$0x144C0] =	vst v2;
	v2 =	vmul.f32 v34, v30  }
0x8f: {  	v41 =	vld [tilespmem:s31+$0x14540];
	[tilespmem:s31+$0x144D0] =	vst v3;
	v3 =	vmul.f32 v35, v30  }
0x90: {  	v42 =	vld [tilespmem:s31+$0x14550];
	[tilespmem:s31+$0x144E0] =	vst v2;
	v2 =	vmul.f32 v36, v39  }
0x91: {  	v43 =	vld [tilespmem:s31+$0x14560];
	[tilespmem:s31+$0x144F0] =	vst v3;
	v3 =	vmul.f32 v37, v39  }
0x92: {  	v44 =	vld [tilespmem:s31+$0x14570];
	[tilespmem:s31+$0x14500] =	vst v2;
	v2 =	vmul.f32 v38, v39  }
0x93: {  	v45 =	vld [tilespmem:s31+$0x14580];
	[tilespmem:s31+$0x14510] =	vst v3;
	v3 =	vmul.f32 v40, v39  }
0x94: {  	v46 =	vld [tilespmem:s31+$0x14590];
	[tilespmem:s31+$0x14520] =	vst v2;
	v2 =	vmul.f32 v41, v39  }
0x95: {  	v47 =	vld [tilespmem:s31+$0x145A0];
	[tilespmem:s31+$0x14530] =	vst v3;
	v3 =	vmul.f32 v42, v39  }
0x96: {  	v48 =	vbroadcast v1, $0x8;
	v49 =	vld [tilespmem:s31+$0x145B0];
	[tilespmem:s31+$0x14540] =	vst v2;
	v2 =	vmul.f32 v43, v39  }
0x97: {  	v50 =	vld [tilespmem:s31+$0x145C0];
	[tilespmem:s31+$0x14550] =	vst v3;
	v3 =	vmul.f32 v44, v39  }
0x98: {  	v51 =	vld [tilespmem:s31+$0x145D0];
	[tilespmem:s31+$0x14560] =	vst v2;
	v2 =	vmul.f32 v45, v48  }
0x99: {  	v52 =	vld [tilespmem:s31+$0x145E0];
	[tilespmem:s31+$0x14570] =	vst v3;
	v3 =	vmul.f32 v46, v48  }
0x9a: {  	v53 =	vld [tilespmem:s31+$0x145F0];
	[tilespmem:s31+$0x14580] =	vst v2;
	v2 =	vmul.f32 v47, v48  }
0x9b: {  	v54 =	vld [tilespmem:s31+$0x14600];
	[tilespmem:s31+$0x14590] =	vst v3;
	v3 =	vmul.f32 v49, v48  }
0x9c: {  	v55 =	vld [tilespmem:s31+$0x14610];
	[tilespmem:s31+$0x145A0] =	vst v2;
	v2 =	vmul.f32 v50, v48  }
0x9d: {  	v56 =	vld [tilespmem:s31+$0x14620];
	[tilespmem:s31+$0x145B0] =	vst v3;
	v3 =	vmul.f32 v51, v48  }
0x9e: {  	v57 =	vbroadcast v1, $0x9;
	v58 =	vld [tilespmem:s31+$0x14630];
	[tilespmem:s31+$0x145C0] =	vst v2;
	v2 =	vmul.f32 v52, v48  }
0x9f: {  	v59 =	vld [tilespmem:s31+$0x14640];
	[tilespmem:s31+$0x145D0] =	vst v3;
	v3 =	vmul.f32 v53, v48  }
0xa0: {  	v60 =	vld [tilespmem:s31+$0x14650];
	[tilespmem:s31+$0x145E0] =	vst v2;
	v2 =	vmul.f32 v54, v57  }
0xa1: {  	v61 =	vld [tilespmem:s31+$0x14660];
	[tilespmem:s31+$0x145F0] =	vst v3;
	v3 =	vmul.f32 v55, v57  }
0xa2: {  	v62 =	vld [tilespmem:s31+$0x14670];
	[tilespmem:s31+$0x14600] =	vst v2;
	v2 =	vmul.f32 v56, v57  }
0xa3: {  	v63 =	vld [tilespmem:s31+$0x14680];
	[tilespmem:s31+$0x14610] =	vst v3;
	v3 =	vmul.f32 v58, v57  }
0xa4: {  	v12 =	vld [tilespmem:s31+$0x14690];
	[tilespmem:s31+$0x14620] =	vst v2;
	v2 =	vmul.f32 v59, v57  }
0xa5: {  	v13 =	vld [tilespmem:s31+$0x146A0];
	[tilespmem:s31+$0x14630] =	vst v3;
	v3 =	vmul.f32 v60, v57  }
0xa6: {  	v14 =	vbroadcast v1, $0xA;
	v15 =	vld [tilespmem:s31+$0x146B0];
	[tilespmem:s31+$0x14640] =	vst v2;
	v2 =	vmul.f32 v61, v57  }
0xa7: {  	v16 =	vld [tilespmem:s31+$0x146C0];
	[tilespmem:s31+$0x14650] =	vst v3;
	v3 =	vmul.f32 v62, v57  }
0xa8: {  	v17 =	vld [tilespmem:s31+$0x146D0];
	[tilespmem:s31+$0x14660] =	vst v2;
	v2 =	vmul.f32 v63, v14  }
0xa9: {  	v18 =	vld [tilespmem:s31+$0x146E0];
	[tilespmem:s31+$0x14670] =	vst v3;
	v3 =	vmul.f32 v12, v14  }
0xaa: {  	v19 =	vld [tilespmem:s31+$0x146F0];
	[tilespmem:s31+$0x14680] =	vst v2;
	v2 =	vmul.f32 v13, v14  }
0xab: {  	v20 =	vld [tilespmem:s31+$0x14700];
	[tilespmem:s31+$0x14690] =	vst v3;
	v3 =	vmul.f32 v15, v14  }
0xac: {  	v21 =	vld [tilespmem:s31+$0x14710];
	[tilespmem:s31+$0x146A0] =	vst v2;
	v2 =	vmul.f32 v16, v14  }
0xad: {  	v22 =	vld [tilespmem:s31+$0x14720];
	[tilespmem:s31+$0x146B0] =	vst v3;
	v3 =	vmul.f32 v17, v14  }
0xae: {  	v23 =	vbroadcast v1, $0xB;
	v24 =	vld [tilespmem:s31+$0x14730];
	[tilespmem:s31+$0x146C0] =	vst v2;
	v2 =	vmul.f32 v18, v14  }
0xaf: {  	v25 =	vld [tilespmem:s31+$0x14740];
	[tilespmem:s31+$0x146D0] =	vst v3;
	v3 =	vmul.f32 v19, v14  }
0xb0: {  	v26 =	vld [tilespmem:s31+$0x14750];
	[tilespmem:s31+$0x146E0] =	vst v2;
	v2 =	vmul.f32 v20, v23  }
0xb1: {  	v27 =	vld [tilespmem:s31+$0x14760];
	[tilespmem:s31+$0x146F0] =	vst v3;
	v3 =	vmul.f32 v21, v23  }
0xb2: {  	v28 =	vld [tilespmem:s31+$0x14770];
	[tilespmem:s31+$0x14700] =	vst v2;
	v2 =	vmul.f32 v22, v23  }
0xb3: {  	v29 =	vld [tilespmem:s31+$0x14780];
	[tilespmem:s31+$0x14710] =	vst v3;
	v3 =	vmul.f32 v24, v23  }
0xb4: {  	v30 =	vld [tilespmem:s31+$0x14790];
	[tilespmem:s31+$0x14720] =	vst v2;
	v2 =	vmul.f32 v25, v23  }
0xb5: {  	v31 =	vld [tilespmem:s31+$0x147A0];
	[tilespmem:s31+$0x14730] =	vst v3;
	v3 =	vmul.f32 v26, v23  }
0xb6: {  	v32 =	vbroadcast v1, $0xC;
	v33 =	vld [tilespmem:s31+$0x147B0];
	[tilespmem:s31+$0x14740] =	vst v2;
	v2 =	vmul.f32 v27, v23  }
0xb7: {  	v34 =	vld [tilespmem:s31+$0x147C0];
	[tilespmem:s31+$0x14750] =	vst v3;
	v3 =	vmul.f32 v28, v23  }
0xb8: {  	v35 =	vld [tilespmem:s31+$0x147D0];
	[tilespmem:s31+$0x14760] =	vst v2;
	v2 =	vmul.f32 v29, v32  }
0xb9: {  	v36 =	vld [tilespmem:s31+$0x147E0];
	[tilespmem:s31+$0x14770] =	vst v3;
	v3 =	vmul.f32 v30, v32  }
0xba: {  	v37 =	vld [tilespmem:s31+$0x147F0];
	[tilespmem:s31+$0x14780] =	vst v2;
	v2 =	vmul.f32 v31, v32  }
0xbb: {  	v38 =	vld [tilespmem:s31+$0x14800];
	[tilespmem:s31+$0x14790] =	vst v3;
	v3 =	vmul.f32 v33, v32  }
0xbc: {  	v39 =	vld [tilespmem:s31+$0x14810];
	[tilespmem:s31+$0x147A0] =	vst v2;
	v2 =	vmul.f32 v34, v32  }
0xbd: {  	v40 =	vld [tilespmem:s31+$0x14820];
	[tilespmem:s31+$0x147B0] =	vst v3;
	v3 =	vmul.f32 v35, v32  }
0xbe: {  	v41 =	vbroadcast v1, $0xD;
	v42 =	vld [tilespmem:s31+$0x14830];
	[tilespmem:s31+$0x147C0] =	vst v2;
	v2 =	vmul.f32 v36, v32  }
0xbf: {  	v43 =	vld [tilespmem:s31+$0x14840];
	[tilespmem:s31+$0x147D0] =	vst v3;
	v3 =	vmul.f32 v37, v32  }
0xc0: {  	v44 =	vld [tilespmem:s31+$0x14850];
	[tilespmem:s31+$0x147E0] =	vst v2;
	v2 =	vmul.f32 v38, v41  }
0xc1: {  	v45 =	vld [tilespmem:s31+$0x14860];
	[tilespmem:s31+$0x147F0] =	vst v3;
	v3 =	vmul.f32 v39, v41  }
0xc2: {  	v46 =	vld [tilespmem:s31+$0x14870];
	[tilespmem:s31+$0x14800] =	vst v2;
	v2 =	vmul.f32 v40, v41  }
0xc3: {  	v47 =	vld [tilespmem:s31+$0x14880];
	[tilespmem:s31+$0x14810] =	vst v3;
	v3 =	vmul.f32 v42, v41  }
0xc4: {  	v48 =	vld [tilespmem:s31+$0x14890];
	[tilespmem:s31+$0x14820] =	vst v2;
	v2 =	vmul.f32 v43, v41  }
0xc5: {  	v49 =	vld [tilespmem:s31+$0x148A0];
	[tilespmem:s31+$0x14830] =	vst v3;
	v3 =	vmul.f32 v44, v41  }
0xc6: {  	v50 =	vbroadcast v1, $0xE;
	v51 =	vld [tilespmem:s31+$0x148B0];
	[tilespmem:s31+$0x14840] =	vst v2;
	v2 =	vmul.f32 v45, v41  }
0xc7: {  	v52 =	vld [tilespmem:s31+$0x148C0];
	[tilespmem:s31+$0x14850] =	vst v3;
	v3 =	vmul.f32 v46, v41  }
0xc8: {  	v53 =	vld [tilespmem:s31+$0x148D0];
	[tilespmem:s31+$0x14860] =	vst v2;
	v2 =	vmul.f32 v47, v50  }
0xc9: {  	v54 =	vld [tilespmem:s31+$0x148E0];
	[tilespmem:s31+$0x14870] =	vst v3;
	v3 =	vmul.f32 v48, v50  }
0xca: {  	v55 =	vld [tilespmem:s31+$0x148F0];
	[tilespmem:s31+$0x14880] =	vst v2;
	v2 =	vmul.f32 v49, v50  }
0xcb: {  	v56 =	vld [tilespmem:s31+$0x14900];
	[tilespmem:s31+$0x14890] =	vst v3;
	v3 =	vmul.f32 v51, v50  }
0xcc: {  	v57 =	vld [tilespmem:s31+$0x14910];
	[tilespmem:s31+$0x148A0] =	vst v2;
	v2 =	vmul.f32 v52, v50  }
0xcd: {  	v58 =	vld [tilespmem:s31+$0x14920];
	[tilespmem:s31+$0x148B0] =	vst v3;
	v3 =	vmul.f32 v53, v50  }
0xce: {  	v1 =	vbroadcast v1, $0xF;
	v59 =	vld [tilespmem:s31+$0x14930];
	[tilespmem:s31+$0x148C0] =	vst v2;
	v2 =	vmul.f32 v54, v50  }
0xcf: {  	v60 =	vld [tilespmem:s31+$0x14940];
	[tilespmem:s31+$0x148D0] =	vst v3;
	v3 =	vmul.f32 v55, v50  }
0xd0: {  	v61 =	vld [tilespmem:s31+$0x14950];
	[tilespmem:s31+$0x148E0] =	vst v2;
	v2 =	vmul.f32 v56, v1  }
0xd1: {  	v62 =	vld [tilespmem:s31+$0x14960];
	[tilespmem:s31+$0x148F0] =	vst v3;
	v3 =	vmul.f32 v57, v1  }
0xd2: {  	v63 =	vld [tilespmem:s31+$0x14970];
	[tilespmem:s31+$0x14900] =	vst v2;
	v2 =	vmul.f32 v58, v1  }
0xd3: {  	[tilespmem:s31+$0x14910] =	vst v3;
	v3 =	vmul.f32 v59, v1  }
0xd4: {  	p0 =	sne.s32 s30, $0x7;
	[tilespmem:s31+$0x14920] =	vst v2;
	v2 =	vmul.f32 v60, v1  }
.Ltmp1:
0xd5: {  	[tilespmem:s31+$0x14930] =	vst v3;
	v3 =	vmul.f32 v61, v1;
	(pc) =	sbr.rel @p0 .LBB2_5-.Ltmp1, $4  }
0xd6: {  	[tilespmem:s31+$0x14940] =	vst v2;
	v2 =	vmul.f32 v62, v1  }
0xd7: {  	[tilespmem:s31+$0x14950] =	vst v3;
	v1 =	vmul.f32 v63, v1  }
0xd8: {  	[tilespmem:s31+$0x14960] =	vst v2  }
0xd9: {  	s30 =	sadd.s32 $0x1, s30;
	[tilespmem:s31+$0x14970] =	vst v1  }
0xda: {  	s29 =	sadd.s32 $0x1, s29  }
0xdb: {  	p0 =	sne.s32 s29, $0x4F  }
.Ltmp2:
0xdc: {  	_ = 	snop;
	(pc) =	sbr.rel @p0 .LBB2_4-.Ltmp2, $4  }
0xdd: {  	[spmem:s1] =	stream.indirect.scatter.add.f32 [tilespmem:s20], [sflag:$0x2], $0x80, s23, s25, $0xb8;
	[tilespmem:$0x18180] =	vst v63  }
0xde: {  	_ =	swait.ge [sflag:s21], $0x4000  }
0xdf: {  	[sflag:s21] =	ssyncset.done $0x0  }
0xe0: {  	[sflag:s21] =	ssyncadd.s32 $0xFFFFC000  }
0xe1: {  	s28 =	sshll.u32 s3, $0x6  }
0xe2: {  	[bflag:$0x0] =	sbarrier.arrive $0xFFFF;
	s29 =	sshrl.u32 s8, $0x3;
	s28 =	sor.u32 $0x1C02, s28  }
0xe3: {  	[hbm:s14], [sflag:s28] =	dma.local [spmem:s29], $0x800  }
0xe4: {  	_ =	swait.ge [sflag:s21], $0x800  }
0xe5: {  	[sflag:s21] =	ssyncset.done $0x0  }
0xe6: {  	s30 =	sshrl.u32 s9, $0x3;
	[sflag:s21] =	ssyncadd.s32 $0xFFFFF800  }
0xe7: {  	[hbm:s15], [sflag:s28] =	dma.local [spmem:s30], $0x800  }
0xe8: {  	_ =	swait.ge [sflag:s21], $0x800  }
0xe9: {  	[sflag:s21] =	ssyncset.done $0x0  }
0xea: {  	s31 =	sshrl.u32 s10, $0x3;
	[sflag:s21] =	ssyncadd.s32 $0xFFFFF800  }
0xeb: {  	[hbm:s16], [sflag:s28] =	dma.local [spmem:s31], $0x800  }
0xec: {  	_ =	swait.ge [sflag:s21], $0x800  }
0xed: {  	[sflag:s21] =	ssyncset.done $0x0  }
0xee: {  	s30 =	sshrl.u32 s11, $0x3;
	[sflag:s21] =	ssyncadd.s32 $0xFFFFF800  }
0xef: {  	[hbm:s17], [sflag:s28] =	dma.local [spmem:s30], $0x800  }
0xf0: {  	s2 =	sadd.s32 $0x1, s2;
	_ =	swait.ge [sflag:s21], $0x800  }
0xf1: {  	p0 =	sne.s32 s2, s19;
	[sflag:s21] =	ssyncset.done $0x0  }
.Ltmp3:
0xf2: {  	s31 =	sshrl.u32 s12, $0x3;
	[sflag:s21] =	ssyncadd.s32 $0xFFFFF800;
	(pc) =	sbr.rel @p0 .LBB2_1-.Ltmp3, $4  }
0xf3: {  	[hbm:s18], [sflag:s28] =	dma.local [spmem:s31], $0x800  }
0xf4: {  	_ =	swait.ge [sflag:s21], $0x800  }
0xf5: {  	[sflag:s21] =	ssyncset.done $0x0  }
0xf6: {  	[sflag:s21] =	ssyncadd.s32 $0xFFFFF800  }
0xf7: {  	_ =	sfence.sel $0x180000  }
0xf8: {  	[bflag:$0x0] =	sbarrier.arrive $0xFFFF  }
0xf9: {  	p0 =	sne.s32 s3, $0x0;
	_ =	strace $0x9000004A  }
0xfa: {  	s0 =	sadd.s32 @!p0 $0x100000, s0;
	[bflag:$0x2] =	sbarrier.arrive $0xFFFF  }
0xfb: {  	[sflag:s0] =	ssyncadd.tile.s32 @!p0 $0x1;
	_ =	shalt  }
.Lfunc_end2:
_tile_overlayer_lowered:
.L_overlay_start_2:
0xfc: {  	(tag) =	ssettag $0x2  }
0xfd: {  	s0 =	rddreg [dreg:$0x0];
	s2 =	stileid.u32  }
0xfe: {  	s1 =	rddreg [dreg:$0x1];
	p0 =	sne.s32 s2, $0x0  }
0xff: {  	s3 =	rddreg [dreg:$0x2];
	[bflag:$0x3] =	sbarrier.arrive $0xFFFF;
	s2 =	simm.s32 @!p0 $0x1C02  }
0x100: {  	[timem:s3], [sflag:s2] =	dma.local @!p0 [hbm:s0], s1  }
0x101: {  	s0 =	simm.s32 @!p0 $0x2  }
0x102: {  	_ =	swait.ge @!p0 [sflag:s0], s1  }
0x103: {  	s1 =	ssub.s32 @!p0 $0x0, s1;
	[sflag:s0] =	ssyncset.done @!p0 $0x0  }
0x104: {  	[sflag:s0] =	ssyncadd.s32 @!p0 s1  }
0x105: {  	[bflag:$0x3] =	sbarrier.arrive $0xFFFF  }
0x106: {  	_ =	shalt  }

// kernel: kernel.14.cloned.1.call-start
scs
__scs_entry_jumppad:
0x0: {  	(pc) =	sbr.rel $0x88, $3  }
0x1: {  	(tag) =	ssettag $0x0;
	lr =	simm.s32 $0x1  }
0x2: {  	[smem:$0x3F98] =	sst lr;
	_ =	strace $0xD0000000  }
0x3: {  	_ = 	snop  }
0x4: {  	_ = 	snop  }
0x5: {  	_ = 	snop  }
0x6: {  	_ = 	snop  }
0x7: {  	_ = 	snop  }
__scs_overlays_trampoline_lowered:
0x8: {  	[smem:$0x3FA7] =	sst s0  }
0x9: {  	[smem:$0x3FA8] =	sst s1  }
0xa: {  	[smem:$0x3FA9] =	sst s2  }
0xb: {  	[smem:$0x3FAA] =	sst s3  }
0xc: {  	[smem:$0x3FAB] =	sst s4  }
0xd: {  	[smem:$0x3FAC] =	sst s5  }
0xe: {  	[smem:$0x3FAD] =	sst s6  }
0xf: {  	[smem:$0x3FAE] =	sst s7  }
0x10: {  	[smem:$0x3FAF] =	sst s8  }
0x11: {  	[smem:$0x3FB0] =	sst s9;
	s0 =	simm.s32 @!p0 $0x0  }
0x12: {  	s1 =	sld [smem:$0x3F96];
	s0 =	simm.s32 @p0 $0x1  }
0x13: {  	[smem:$0x3FB1] =	sst s0;
	s0 =	simm.s32 @!p1 $0x0  }
0x14: {  	s2 =	sld [smem:$0x3F95];
	s0 =	simm.s32 @p1 $0x1  }
0x15: {  	[smem:$0x3FB2] =	sst s0;
	s0 =	simm.s32 @!p2 $0x0  }
0x16: {  	s3 =	sld [smem:$0x3FDB];
	s0 =	simm.s32 @p2 $0x1  }
0x17: {  	s4 =	simm.s32 $0x1BF5;
	[smem:$0x3FB4] =	sst s0  }
0x18: {  	s0 =	sld [smem:$0x3F97];
	_ =	swait.ge [sflag:s4], $0x0  }
0x19: {  	s7 =	sld [smem:$0x3F98]  }
0x1a: {  	s8 =	sadd.s32 $0xFFFFE003, lr  }
0x1b: {  	s9 =	sadd.s32 $0xFFFFFEF7, lr;
	s5 =	simm.s32 $0xFFFFFFFF;
	p2 =	slt.u32 s8, $0xFFFFF086  }
0x1c: {  	p1 =	slt.u32 s9, $0xF7A;
	s5 =	simm.s32 @!p2 $0x0  }
0x1d: {  	s5 =	simm.s32 @p1 $0x1;
	p0 =	seq.s32 s7, s2  }
0x1e: {  	s7 =	smul.u32 @!p0 $0xF7A, s2;
	p2 =	seq.s32 @!p0 s5, $0x0  }
0x1f: {  	s9 =	smul.u32 $0xF7A, s1;
	s8 =	simm.s32 @!p0 $0x1BF5;
	p2 =	por !p2, p0  }
0x20: {  	[sflag:s8] =	ssyncset.s32 @!p0 $0xFFFFF086;
	s6 =	sadd.s32 @!p0 s3, s7;
	s7 =	simm.s32 @!p0 $0x108  }
0x21: {  	s3 =	sadd.s32 s3, s9;
	s6 =	sadd.s32 @!p0 $0x88, s6;
	s7 =	simm.s32 @p2 $0x1082  }
0x22: {  	[simem:s7], [sflag:s8] =	dma.local @!p0 [hbm:s6], $0xF7A  }
0x23: {  	s9 =	sor.u32 $0xD0000000, s2;
	s6 =	simm.s32 $0x108;
	_ =	swait.ge @!p0 [sflag:s8], $0x0  }
0x24: {  	s3 =	sadd.s32 $0x88, s3;
	s6 =	simm.s32 @!p1 $0x1082;
	[sflag:s4] =	ssyncset.s32 $0xFFFFF086  }
0x25: {  	[simem:s6], [sflag:s4] =	dma.local [hbm:s3], $0xF7A  }
0x26: {  	[smem:$0x3F98] =	sst s1;
	(tag) =	ssettag s2;
	_ =	strace s9  }
0x27: {  	s1 =	sld [smem:$0x3FA8]  }
0x28: {  	s2 =	sld [smem:$0x3FA9]  }
0x29: {  	s4 =	sld [smem:$0x3FAB]  }
0x2a: {  	p0 =	seq.s32 s5, $0x0;
	s5 =	sld [smem:$0x3FAC]  }
0x2b: {  	s6 =	sld [smem:$0x3FAD]  }
0x2c: {  	s7 =	sld [smem:$0x3FAE]  }
0x2d: {  	s3 =	simm.s32 $0x108;
	s8 =	sld [smem:$0x3FAF]  }
0x2e: {  	s3 =	simm.s32 @!p0 $0x1082;
	s9 =	sld [smem:$0x3FB0]  }
0x2f: {  	lr =	sadd.s32 s0, s3;
	s0 =	sld [smem:$0x3FA7]  }
0x30: {  	s3 =	sld [smem:$0x3FAA]  }
0x31: {  	[smem:$0x3FB3] =	sst s10  }
0x32: {  	s10 =	sld [smem:$0x3FB1];
	_ =	sdelay $0x3  }
0x33: {  	p0 =	seq.s32 s10, $0x1;
	s10 =	sld [smem:$0x3FB3];
	_ =	sdelay $0x3  }
0x34: {  	[smem:$0x3FB3] =	sst s10  }
0x35: {  	s10 =	sld [smem:$0x3FB2];
	_ =	sdelay $0x3  }
0x36: {  	p1 =	seq.s32 s10, $0x1;
	s10 =	sld [smem:$0x3FB3];
	_ =	sdelay $0x3  }
0x37: {  	[smem:$0x3FB3] =	sst s10  }
0x38: {  	s10 =	sld [smem:$0x3FB4]  }
0x39: {  	_ = 	snop;
	(pc) =	sbr.ind lr, $3  }
0x3a: {  	_ = 	snop  }
0x3b: {  	_ = 	snop  }
0x3c: {  	p2 =	seq.s32 s10, $0x1;
	s10 =	sld [smem:$0x3FB3]  }
0x3d: {  	_ =	shalt  }
0x3e: {  	_ =	shalt  }
0x3f: {  	_ =	shalt  }
0x40: {  	_ =	shalt  }
0x41: {  	_ =	shalt  }
0x42: {  	_ =	shalt  }
0x43: {  	_ =	shalt  }
0x44: {  	_ =	shalt  }
0x45: {  	_ =	shalt  }
0x46: {  	_ =	shalt  }
0x47: {  	_ =	shalt  }
0x48: {  	_ =	shalt  }
0x49: {  	_ =	shalt  }
0x4a: {  	_ =	shalt  }
0x4b: {  	_ =	shalt  }
0x4c: {  	_ =	shalt  }
0x4d: {  	_ =	shalt  }
0x4e: {  	_ =	shalt  }
0x4f: {  	_ =	shalt  }
0x50: {  	_ =	shalt  }
0x51: {  	_ =	shalt  }
0x52: {  	_ =	shalt  }
0x53: {  	_ =	shalt  }
0x54: {  	_ =	shalt  }
0x55: {  	_ =	shalt  }
0x56: {  	_ =	shalt  }
0x57: {  	_ =	shalt  }
0x58: {  	_ =	shalt  }
0x59: {  	_ =	shalt  }
0x5a: {  	_ =	shalt  }
0x5b: {  	_ =	shalt  }
0x5c: {  	_ =	shalt  }
0x5d: {  	_ =	shalt  }
0x5e: {  	_ =	shalt  }
0x5f: {  	_ =	shalt  }
0x60: {  	_ =	shalt  }
0x61: {  	_ =	shalt  }
0x62: {  	_ =	shalt  }
0x63: {  	_ =	shalt  }
0x64: {  	_ =	shalt  }
0x65: {  	_ =	shalt  }
0x66: {  	_ =	shalt  }
0x67: {  	_ =	shalt  }
0x68: {  	_ =	shalt  }
0x69: {  	_ =	shalt  }
0x6a: {  	_ =	shalt  }
0x6b: {  	_ =	shalt  }
0x6c: {  	_ =	shalt  }
0x6d: {  	_ =	shalt  }
0x6e: {  	_ =	shalt  }
0x6f: {  	_ =	shalt  }
0x70: {  	_ =	shalt  }
0x71: {  	_ =	shalt  }
0x72: {  	_ =	shalt  }
0x73: {  	_ =	shalt  }
0x74: {  	_ =	shalt  }
0x75: {  	_ =	shalt  }
0x76: {  	_ =	shalt  }
0x77: {  	_ =	shalt  }
0x78: {  	_ =	shalt  }
0x79: {  	_ =	shalt  }
0x7a: {  	_ =	shalt  }
0x7b: {  	_ =	shalt  }
0x7c: {  	_ =	shalt  }
0x7d: {  	_ =	shalt  }
0x7e: {  	_ =	shalt  }
0x7f: {  	_ =	shalt  }
0x80: {  	_ =	shalt  }
0x81: {  	_ =	shalt  }
0x82: {  	_ =	shalt  }
0x83: {  	_ =	shalt  }
0x84: {  	_ =	shalt  }
0x85: {  	_ =	shalt  }
0x86: {  	_ =	shalt  }
0x87: {  	_ =	shalt  }
.Lfunc_end0:
.L_simem_size_0:
called_computation.2_lowered:
.L_overlay_start_0:
0x88: {  	s2 =	sld [smem:$0x3FD9]  }
0x89: {  	s3 =	sld [smem:$0x3FFE];
	_ =	sdelay $0x1  }
0x8a: {  	s1 =	srdreg.scid  }
0x8b: {  	s0 =	sand.u32 $0x1, s1  }
0x8c: {  	s16 =	sshll.u32 s0, $0xA;
	s2 =	sadd.s32 s3, s2  }
0x8d: {  	s2 =	sadd.s32 s2, s16  }
0x8e: {  	[smem:$0x3FBF] =	sst s2  }
0x8f: {  	_ = 	snop  }
0x90: {  	(tm) =	ssettm $0x1  }
0x91: {  	s17 =	sld [smem:$0x3FFB];
	_ =	sdelay $0x3  }
0x92: {  	_ =	strace s17  }
0x93: {  	s2 =	sld [smem:$0x3FFC];
	_ =	sdelay $0x3  }
0x94: {  	_ =	strace s2  }
0x95: {  	s2 =	sld [smem:$0x3FFD];
	_ =	sdelay $0x3  }
0x96: {  	_ =	strace s2  }
0x97: {  	_ =	strace $0x8FFFFFFF  }
0x98: {  	s18 =	sld [smem:$0x3FDB];
	_ =	sdelay $0x1  }
0x99: {  	s19 =	simm.s32 $_scs_section_size  }
0x9a: {  	s4 =	simm.s32 $_size__tile_overlayer_lowered;
	s5 =	simm.s32 $_tile_overlayer_lowered  }
0x9b: {  	s22 =	simm.s32 $0x1BFF;
	s21 =	sshll.u32 s5, $0x1;
	s2 =	sadd.s32 s19, s18  }
0x9c: {  	s6 =	simm.s32 $0x0;
	s20 =	sshll.u32 s4, $0x1;
	s4 =	sadd.s32 s21, s2  }
0x9d: {  	[timem:s6], [sflag:s22] =	dma.local [hbm:s4], s20  }
0x9e: {  	_ =	swait.ge [sflag:s22], s20  }
0x9f: {  	s3 =	ssub.s32 $0x0, s20;
	[sflag:s22] =	ssyncset.done $0x0  }
0xa0: {  	[sflag:s22] =	ssyncadd.s32 s3;
	_ =	sdelay $0x1  }
0xa1: {  	s23 =	simm.s32 $0x1B8B  }
0xa2: {  	_ =	swait.ge [sflag:s23], $0x1  }
0xa3: {  	[sflag:s23] =	ssyncset.done $0x0  }
0xa4: {  	s25 =	simm.s32 $0x1B8E;
	s24 =	sld [smem:$0x3FFE];
	[sflag:s23] =	ssyncadd.s32 $0xFFFFFFFF  }
0xa5: {  	s26 =	simm.s32 $execute0_lowered;
	[smem:$0x3FD2] =	sst s25  }
0xa6: {  	s4 =	sshll.u32 s26, $0x1;
	_ =	strace $0x8000004C;
	[dreg:$0x1] =	wrdreg $0xFFFFFFFF  }
0xa7: {  	s28 =	simm.s32 $_size_execute0_lowered;
	s2 =	sadd.s32 s2, s4;
	[dreg:$0x0] =	wrdreg $0x0  }
0xa8: {  	s4 =	sshll.u32 s28, $0x1;
	[dreg:$0x2] =	wrdreg s2  }
0xa9: {  	[dreg:$0x3] =	wrdreg s4  }
0xaa: {  	[dreg:$0x4] =	wrdreg $0xC0  }
0xab: {  	_ =	task [dreg:s6], $0x5FFFF  }
0xac: {  	[dreg:$0x1] =	wrdreg $0xFFFFFFFF  }
0xad: {  	[dreg:$0x0] =	wrdreg $0x60  }
0xae: {  	[dreg:$0x2] =	wrdreg s24  }
0xaf: {  	[dreg:$0x3] =	wrdreg $0x0  }
0xb0: {  	[dreg:$0x4] =	wrdreg $0x9  }
0xb1: {  	_ =	task.clear_ibuf [dreg:s6], $0x5FFFF;
	_ =	strace $0x9000004C  }
0xb2: {  	s29 =	simm.s32 $0x9;
	_ =	strace $0x8000004E  }
0xb3: {  	_ =	swait.ge [sflag:s29], $0x1  }
0xb4: {  	[sflag:s29] =	ssyncadd.s32 $0xFFFFFFFF  }
0xb5: {  	_ =	strace $0x9000004E  }
0xb6: {  	_ =	sfence  }
0xb7: {  	s30 =	sld [smem:$0x0];
	_ =	sdelay $0x2  }
0xb8: {  	s31 =	sshll.u32 s1, $0xD;
	s1 =	sshrl.u32 s1, $0x2  }
0xb9: {  	s3 =	sand.u32 $0x4000, s31;
	s1 =	sadd.s32 s1, s30  }
0xba: {  	s0 =	sor.u32 s3, s0;
	s1 =	sshll.u32 s1, $0x11  }
0xbb: {  	s0 =	sor.u32 s1, s0  }
0xbc: {  	s0 =	sadd.s32 $0x8F2B, s0  }
0xbd: {  	[sflag:s0] =	ssyncadd.remote.s32 $0x1  }
0xbe: {  	_ =	sfence.sel $0xFFFF  }
0xbf: {  	[dreg:$0x0] =	wrdreg $0xFFFFFFFF;
	(pc) =	sbr.abs _section_cstart, $3  }
0xc0: {  	[dreg:$0x1] =	wrdreg $0xFFFFFFFF  }
0xc1: {  	_ =	task.clear_ibuf [dreg:s6], $0x2FFFF;
	_ =	strace $0x9FFFFFFF  }
0xc2: {  	(tm) =	ssettm $0x7FFFFFFF  }
0xc3: {  	_ =	shalt  }
tec
execute0_lowered:
.L_overlay_start_1:
0x0: {  	(tag) =	ssettag $0x1  }
0x1: {  	s8 =	rddreg [dreg:$0x0]  }
0x2: {  	s1 =	rddreg [dreg:$0x1]  }
0x3: {  	s2 =	simm.s32 $0x0;
	s7 =	srdreg.scid;
	s3 =	stileid.u32  }
0x4: {  	s23 =	simm.s32 $0xA080;
	s24 =	simm.s32 $0xA100;
	s25 =	simm.s32 $0x80  }
0x5: {  	s26 =	simm.s32 $0x1;
	[smem:$0x7FF] =	sst s2;
	s4 =	sadd.s32 $0x15C00, s8  }
0x6: {  	s5 =	sadd.s32 $0x2000, s8;
	s6 =	sadd.s32 $0xBE00, s8;
	s9 =	sand.u32 $0x1, s7  }
0x7: {  	s7 =	sadd.s32 $0x1FA00, s8;
	s12 =	smul.u32 $0xA000, s3;
	s18 =	sadd.s32 $0x6DE00, s8  }
0x8: {  	s11 =	sshll.u32 s3, $0x1;
	_ =	strace $0x8000004D;
	s10 =	ssub.s32 $0x2, s9  }
0x9: {  	s13 =	sor.u32 s9, s11;
	s17 =	smul.u32 $0xA0000, s9;
	s29 =	sshrl.u32 s10, $0x1  }
0xa: {  	s8 =	sadd.s32 s12, s1;
	s14 =	sadd.s32 $0x2000, s12;
	s16 =	sadd.s32 $0x4000, s12  }
0xb: {  	s20 =	sadd.s32 $0x6000, s12;
	s21 =	sadd.s32 $0x8000, s12;
	s13 =	smul.u32 $0x2780, s13  }
0xc: {  	s19 =	ssub.s32 s10, s29;
	s9 =	sadd.s32 s14, s1;
	s10 =	sadd.s32 s16, s1  }
0xd: {  	s11 =	sadd.s32 s20, s1;
	s15 =	sadd.s32 s12, s17;
	s12 =	sadd.s32 s21, s1  }
0xe: {  	s22 =	sadd.s32 s17, s14;
	s16 =	sadd.s32 s17, s16;
	s20 =	sadd.s32 s17, s20  }
0xf: {  	s21 =	sadd.s32 s17, s21;
	s15 =	sshrl.u32 s15, $0x3;
	s30 =	sshrl.u32 s22, $0x3  }
0x10: {  	s16 =	sshrl.u32 s16, $0x3;
	s20 =	sshrl.u32 s20, $0x3;
	s31 =	sshrl.u32 s21, $0x3  }
0x11: {  	s19 =	smax.u32 s19, $0x1;
	s21 =	simm.s32 $0x2;
	s22 =	simm.s32 $0xA000  }
0x12: {  	s14 =	sadd.s32 s18, s15;
	s15 =	sadd.s32 s18, s30;
	s16 =	sadd.s32 s18, s16  }
0x13: {  	v0 =	vimm.f32 $0.0e+00;
	s17 =	sadd.s32 s18, s20;
	s18 =	sadd.s32 s18, s31;
	s20 =	simm.s32 $0xA180  }
.LBB2_1:
0x14: {  	s29 =	simm.s32 $0x100;
	s28 =	simm.s32 $0x0  }
.LBB2_2:
0x15: {  	p0 =	sne.s32 s29, $0x7F00;
	[tilespmem:s28+$0xA1B0] =	vst v0;
	s30 =	smov.u32 s29;
	s29 =	sadd.s32 $0x100, s29  }
.Ltmp0:
0x16: {  	[tilespmem:s28+$0xA1A0] =	vst v0;
	(pc) =	sbr.rel @p0 .LBB2_2-.Ltmp0, $3  }
0x17: {  	[tilespmem:s28+$0xA180] =	vst v0  }
0x18: {  	[tilespmem:s28+$0xA190] =	vst v0;
	_ =	sdelay $0x1  }
0x19: {  	s28 =	sshra.s32 s30, $0x2  }
0x1a: {  	[tilespmem:s28+$0xA1B0] =	vst v0  }
0x1b: {  	[tilespmem:s28+$0xA1A0] =	vst v0  }
0x1c: {  	[tilespmem:s28+$0xA180] =	vst v0  }
0x1d: {  	[tilespmem:s28+$0xA190] =	vst v0  }
0x1e: {  	[spmem:s8] =	stream.linear.scatter [tilespmem:s20], [sflag:$0x2], $0x2000, $0x38;
	[tilespmem:$0xC180] =	vst v63  }
0x1f: {  	_ =	swait.ge [sflag:s21], $0x2000  }
0x20: {  	[sflag:s21] =	ssyncset.done $0x0  }
0x21: {  	[sflag:s21] =	ssyncadd.s32 $0xFFFFE000  }
0x22: {  	[spmem:s9] =	stream.linear.scatter [tilespmem:s20], [sflag:$0x2], $0x2000, $0x38;
	[tilespmem:$0xC180] =	vst v63  }
0x23: {  	_ =	swait.ge [sflag:s21], $0x2000  }
0x24: {  	[sflag:s21] =	ssyncset.done $0x0  }
0x25: {  	[sflag:s21] =	ssyncadd.s32 $0xFFFFE000  }
0x26: {  	[spmem:s10] =	stream.linear.scatter [tilespmem:s20], [sflag:$0x2], $0x2000, $0x38;
	[tilespmem:$0xC180] =	vst v63  }
0x27: {  	_ =	swait.ge [sflag:s21], $0x2000  }
0x28: {  	[sflag:s21] =	ssyncset.done $0x0  }
0x29: {  	[sflag:s21] =	ssyncadd.s32 $0xFFFFE000  }
0x2a: {  	[spmem:s11] =	stream.linear.scatter [tilespmem:s20], [sflag:$0x2], $0x2000, $0x38;
	[tilespmem:$0xC180] =	vst v63  }
0x2b: {  	_ =	swait.ge [sflag:s21], $0x2000  }
0x2c: {  	[sflag:s21] =	ssyncset.done $0x0  }
0x2d: {  	[sflag:s21] =	ssyncadd.s32 $0xFFFFE000  }
0x2e: {  	[spmem:s12] =	stream.linear.scatter [tilespmem:s20], [sflag:$0x2], $0x2000, $0x38;
	[tilespmem:$0xC180] =	vst v63  }
0x2f: {  	_ =	swait.ge [sflag:s21], $0x2000  }
0x30: {  	[sflag:s21] =	ssyncset.done $0x0  }
0x31: {  	[sflag:s21] =	ssyncadd.s32 $0xFFFFE000  }
0x32: {  	s28 =	simm.s32 $0x0;
	s29 =	simm.s32 $0x0;
	[bflag:$0x0] =	sbarrier.arrive $0xFFFF  }
.LBB2_4:
0x33: {  	s30 =	sshll.u32 s29, $0x7  }
0x34: {  	s30 =	sadd.s32 s13, s30  }
0x35: {  	s30 =	sshrl.u32 s30, $0x3  }
0x36: {  	s31 =	sadd.s32 s4, s30  }
0x37: {  	[tilespmem:s22], [sflag:$0x2] =	stream.linear.gather [hbm4b:s31+s28], $0x80, $0x38;
	[tilespmem:$0xC180] =	vst v63  }
0x38: {  	_ =	swait.ge [sflag:s21], $0x80  }
0x39: {  	[sflag:s21] =	ssyncset.done $0x0  }
0x3a: {  	s31 =	sadd.s32 s5, s30;
	[sflag:s21] =	ssyncadd.s32 $0xFFFFFF80  }
0x3b: {  	[tilespmem:s23], [sflag:$0x2] =	stream.linear.gather [hbm4b:s31+s28], $0x80, $0x38;
	[tilespmem:$0xC180] =	vst v63  }
0x3c: {  	_ =	swait.ge [sflag:s21], $0x80  }
0x3d: {  	[sflag:s21] =	ssyncset.done $0x0  }
0x3e: {  	s30 =	sadd.s32 s6, s30;
	[sflag:s21] =	ssyncadd.s32 $0xFFFFFF80  }
0x3f: {  	[tilespmem:s24], [sflag:$0x2] =	stream.linear.gather [hbm4b:s30+s28], $0x80, $0x38;
	[tilespmem:$0xC180] =	vst v63  }
0x40: {  	_ =	swait.ge [sflag:s21], $0x80  }
0x41: {  	[sflag:s21] =	ssyncset.done $0x0  }
0x42: {  	[sflag:s21] =	ssyncadd.s32 $0xFFFFFF80  }
0x43: {  	[tilespmem:s20], [sflag:$0x1] =	stream.indirect.gather [hbm4b:s7+s25], $0x40, s22, s25, $0xb8;
	[tilespmem:$0xC180] =	vst v63  }
0x44: {  	_ =	swait.ge [sflag:s26], $0x2000  }
0x45: {  	[sflag:s26] =	ssyncset.done $0x0  }
0x46: {  	s31 =	simm.s32 $0x0;
	s30 =	simm.s32 $0xA380;
	[sflag:s26] =	ssyncadd.s32 $0xFFFFE000  }
.LBB2_5:
0x47: {  	s0 =	sshra.s32 s31, $0x2  }
0x48: {  	v1 =	vld [tilespmem:s0+$0xA100];
	_ =	sdelay $0x1  }
0x49: {  	v2 =	vld [tilespmem:s30+$0xFFFFFE00];
	_ =	sdelay $0x2  }
0x4a: {  	v3 =	vbroadcast v1, $0x0;
	_ =	sdelay $0x1  }
0x4b: {  	v2 =	vmul.f32 v3, v2;
	_ =	sdelay $0x1  }
0x4c: {  	[tilespmem:s30+$0xFFFFFE00] =	vst v2;
	v2 =	vld [tilespmem:s30+$0xFFFFFE10];
	_ =	sdelay $0x4  }
0x4d: {  	v2 =	vmul.f32 v2, v3;
	_ =	sdelay $0x1  }
0x4e: {  	[tilespmem:s30+$0xFFFFFE10] =	vst v2;
	v2 =	vld [tilespmem:s30+$0xFFFFFE20];
	_ =	sdelay $0x4  }
0x4f: {  	v2 =	vmul.f32 v2, v3;
	_ =	sdelay $0x1  }
0x50: {  	[tilespmem:s30+$0xFFFFFE20] =	vst v2;
	v2 =	vld [tilespmem:s30+$0xFFFFFE30];
	_ =	sdelay $0x4  }
0x51: {  	v2 =	vmul.f32 v2, v3;
	_ =	sdelay $0x1  }
0x52: {  	[tilespmem:s30+$0xFFFFFE30] =	vst v2;
	v2 =	vld [tilespmem:s30+$0xFFFFFE40];
	_ =	sdelay $0x2  }
0x53: {  	v3 =	vbroadcast v1, $0x1;
	_ =	sdelay $0x1  }
0x54: {  	v2 =	vmul.f32 v2, v3;
	_ =	sdelay $0x1  }
0x55: {  	[tilespmem:s30+$0xFFFFFE40] =	vst v2;
	v2 =	vld [tilespmem:s30+$0xFFFFFE50];
	_ =	sdelay $0x4  }
0x56: {  	v2 =	vmul.f32 v2, v3;
	_ =	sdelay $0x1  }
0x57: {  	[tilespmem:s30+$0xFFFFFE50] =	vst v2;
	v2 =	vld [tilespmem:s30+$0xFFFFFE60];
	_ =	sdelay $0x4  }
0x58: {  	v2 =	vmul.f32 v2, v3;
	_ =	sdelay $0x1  }
0x59: {  	[tilespmem:s30+$0xFFFFFE60] =	vst v2;
	v2 =	vld [tilespmem:s30+$0xFFFFFE70];
	_ =	sdelay $0x4  }
0x5a: {  	v2 =	vmul.f32 v2, v3;
	_ =	sdelay $0x1  }
0x5b: {  	[tilespmem:s30+$0xFFFFFE70] =	vst v2;
	v2 =	vld [tilespmem:s30+$0xFFFFFE80];
	_ =	sdelay $0x2  }
0x5c: {  	v3 =	vbroadcast v1, $0x2;
	_ =	sdelay $0x1  }
0x5d: {  	v2 =	vmul.f32 v2, v3;
	_ =	sdelay $0x1  }
0x5e: {  	[tilespmem:s30+$0xFFFFFE80] =	vst v2;
	v2 =	vld [tilespmem:s30+$0xFFFFFE90];
	_ =	sdelay $0x4  }
0x5f: {  	v2 =	vmul.f32 v2, v3;
	_ =	sdelay $0x1  }
0x60: {  	[tilespmem:s30+$0xFFFFFE90] =	vst v2;
	v2 =	vld [tilespmem:s30+$0xFFFFFEA0];
	_ =	sdelay $0x4  }
0x61: {  	v2 =	vmul.f32 v2, v3;
	_ =	sdelay $0x1  }
0x62: {  	[tilespmem:s30+$0xFFFFFEA0] =	vst v2;
	v2 =	vld [tilespmem:s30+$0xFFFFFEB0];
	_ =	sdelay $0x4  }
0x63: {  	v2 =	vmul.f32 v2, v3;
	_ =	sdelay $0x1  }
0x64: {  	[tilespmem:s30+$0xFFFFFEB0] =	vst v2;
	v2 =	vld [tilespmem:s30+$0xFFFFFEC0];
	_ =	sdelay $0x2  }
0x65: {  	v3 =	vbroadcast v1, $0x3;
	_ =	sdelay $0x1  }
0x66: {  	v2 =	vmul.f32 v2, v3;
	_ =	sdelay $0x1  }
0x67: {  	[tilespmem:s30+$0xFFFFFEC0] =	vst v2;
	v2 =	vld [tilespmem:s30+$0xFFFFFED0];
	_ =	sdelay $0x4  }
0x68: {  	v2 =	vmul.f32 v2, v3;
	_ =	sdelay $0x1  }
0x69: {  	[tilespmem:s30+$0xFFFFFED0] =	vst v2;
	v2 =	vld [tilespmem:s30+$0xFFFFFEE0];
	_ =	sdelay $0x4  }
0x6a: {  	v2 =	vmul.f32 v2, v3;
	_ =	sdelay $0x1  }
0x6b: {  	[tilespmem:s30+$0xFFFFFEE0] =	vst v2;
	v2 =	vld [tilespmem:s30+$0xFFFFFEF0];
	_ =	sdelay $0x4  }
0x6c: {  	v2 =	vmul.f32 v2, v3;
	_ =	sdelay $0x1  }
0x6d: {  	[tilespmem:s30+$0xFFFFFEF0] =	vst v2;
	v2 =	vld [tilespmem:s30+$0xFFFFFF00];
	_ =	sdelay $0x2  }
0x6e: {  	v3 =	vbroadcast v1, $0x4;
	_ =	sdelay $0x1  }
0x6f: {  	v2 =	vmul.f32 v2, v3;
	_ =	sdelay $0x1  }
0x70: {  	[tilespmem:s30+$0xFFFFFF00] =	vst v2;
	v2 =	vld [tilespmem:s30+$0xFFFFFF10];
	_ =	sdelay $0x4  }
0x71: {  	v2 =	vmul.f32 v2, v3;
	_ =	sdelay $0x1  }
0x72: {  	[tilespmem:s30+$0xFFFFFF10] =	vst v2;
	v2 =	vld [tilespmem:s30+$0xFFFFFF20];
	_ =	sdelay $0x4  }
0x73: {  	v2 =	vmul.f32 v2, v3;
	_ =	sdelay $0x1  }
0x74: {  	[tilespmem:s30+$0xFFFFFF20] =	vst v2;
	v2 =	vld [tilespmem:s30+$0xFFFFFF30];
	_ =	sdelay $0x4  }
0x75: {  	v2 =	vmul.f32 v2, v3;
	_ =	sdelay $0x1  }
0x76: {  	[tilespmem:s30+$0xFFFFFF30] =	vst v2;
	v2 =	vld [tilespmem:s30+$0xFFFFFF40];
	_ =	sdelay $0x2  }
0x77: {  	v3 =	vbroadcast v1, $0x5;
	_ =	sdelay $0x1  }
0x78: {  	v2 =	vmul.f32 v2, v3;
	_ =	sdelay $0x1  }
0x79: {  	[tilespmem:s30+$0xFFFFFF40] =	vst v2;
	v2 =	vld [tilespmem:s30+$0xFFFFFF50];
	_ =	sdelay $0x4  }
0x7a: {  	v2 =	vmul.f32 v2, v3;
	_ =	sdelay $0x1  }
0x7b: {  	[tilespmem:s30+$0xFFFFFF50] =	vst v2;
	v2 =	vld [tilespmem:s30+$0xFFFFFF60];
	_ =	sdelay $0x4  }
0x7c: {  	v2 =	vmul.f32 v2, v3;
	_ =	sdelay $0x1  }
0x7d: {  	[tilespmem:s30+$0xFFFFFF60] =	vst v2;
	v2 =	vld [tilespmem:s30+$0xFFFFFF70];
	_ =	sdelay $0x4  }
0x7e: {  	v2 =	vmul.f32 v2, v3;
	_ =	sdelay $0x1  }
0x7f: {  	[tilespmem:s30+$0xFFFFFF70] =	vst v2;
	v2 =	vld [tilespmem:s30+$0xFFFFFF80];
	_ =	sdelay $0x2  }
0x80: {  	v3 =	vbroadcast v1, $0x6;
	_ =	sdelay $0x1  }
0x81: {  	v2 =	vmul.f32 v2, v3;
	_ =	sdelay $0x1  }
0x82: {  	[tilespmem:s30+$0xFFFFFF80] =	vst v2;
	v2 =	vld [tilespmem:s30+$0xFFFFFF90];
	_ =	sdelay $0x4  }
0x83: {  	v2 =	vmul.f32 v2, v3;
	_ =	sdelay $0x1  }
0x84: {  	[tilespmem:s30+$0xFFFFFF90] =	vst v2;
	v2 =	vld [tilespmem:s30+$0xFFFFFFA0];
	_ =	sdelay $0x4  }
0x85: {  	v2 =	vmul.f32 v2, v3;
	_ =	sdelay $0x1  }
0x86: {  	[tilespmem:s30+$0xFFFFFFA0] =	vst v2;
	v2 =	vld [tilespmem:s30+$0xFFFFFFB0];
	_ =	sdelay $0x4  }
0x87: {  	v2 =	vmul.f32 v2, v3;
	_ =	sdelay $0x1  }
0x88: {  	[tilespmem:s30+$0xFFFFFFB0] =	vst v2;
	v2 =	vld [tilespmem:s30+$0xFFFFFFC0];
	_ =	sdelay $0x2  }
0x89: {  	v3 =	vbroadcast v1, $0x7;
	_ =	sdelay $0x1  }
0x8a: {  	v2 =	vmul.f32 v2, v3;
	_ =	sdelay $0x1  }
0x8b: {  	[tilespmem:s30+$0xFFFFFFC0] =	vst v2;
	v2 =	vld [tilespmem:s30+$0xFFFFFFD0];
	_ =	sdelay $0x4  }
0x8c: {  	v2 =	vmul.f32 v2, v3;
	_ =	sdelay $0x1  }
0x8d: {  	[tilespmem:s30+$0xFFFFFFD0] =	vst v2;
	v2 =	vld [tilespmem:s30+$0xFFFFFFE0];
	_ =	sdelay $0x4  }
0x8e: {  	v2 =	vmul.f32 v2, v3;
	_ =	sdelay $0x1  }
0x8f: {  	[tilespmem:s30+$0xFFFFFFE0] =	vst v2;
	v2 =	vld [tilespmem:s30+$0xFFFFFFF0];
	_ =	sdelay $0x4  }
0x90: {  	v2 =	vmul.f32 v2, v3;
	_ =	sdelay $0x1  }
0x91: {  	[tilespmem:s30+$0xFFFFFFF0] =	vst v2;
	v2 =	vld [tilespmem:s30+$0x0];
	_ =	sdelay $0x2  }
0x92: {  	v3 =	vbroadcast v1, $0x8;
	_ =	sdelay $0x1  }
0x93: {  	v2 =	vmul.f32 v2, v3;
	_ =	sdelay $0x1  }
0x94: {  	[tilespmem:s30+$0x0] =	vst v2;
	v2 =	vld [tilespmem:s30+$0x10];
	_ =	sdelay $0x4  }
0x95: {  	v2 =	vmul.f32 v2, v3;
	_ =	sdelay $0x1  }
0x96: {  	[tilespmem:s30+$0x10] =	vst v2;
	v2 =	vld [tilespmem:s30+$0x20];
	_ =	sdelay $0x4  }
0x97: {  	v2 =	vmul.f32 v2, v3;
	_ =	sdelay $0x1  }
0x98: {  	[tilespmem:s30+$0x20] =	vst v2;
	v2 =	vld [tilespmem:s30+$0x30];
	_ =	sdelay $0x4  }
0x99: {  	v2 =	vmul.f32 v2, v3;
	_ =	sdelay $0x1  }
0x9a: {  	[tilespmem:s30+$0x30] =	vst v2;
	v2 =	vld [tilespmem:s30+$0x40];
	_ =	sdelay $0x2  }
0x9b: {  	v3 =	vbroadcast v1, $0x9;
	_ =	sdelay $0x1  }
0x9c: {  	v2 =	vmul.f32 v2, v3;
	_ =	sdelay $0x1  }
0x9d: {  	[tilespmem:s30+$0x40] =	vst v2;
	v2 =	vld [tilespmem:s30+$0x50];
	_ =	sdelay $0x4  }
0x9e: {  	v2 =	vmul.f32 v2, v3;
	_ =	sdelay $0x1  }
0x9f: {  	[tilespmem:s30+$0x50] =	vst v2;
	v2 =	vld [tilespmem:s30+$0x60];
	_ =	sdelay $0x4  }
0xa0: {  	v2 =	vmul.f32 v2, v3;
	_ =	sdelay $0x1  }
0xa1: {  	[tilespmem:s30+$0x60] =	vst v2;
	v2 =	vld [tilespmem:s30+$0x70];
	_ =	sdelay $0x4  }
0xa2: {  	v2 =	vmul.f32 v2, v3;
	_ =	sdelay $0x1  }
0xa3: {  	[tilespmem:s30+$0x70] =	vst v2;
	v2 =	vld [tilespmem:s30+$0x80];
	_ =	sdelay $0x2  }
0xa4: {  	v3 =	vbroadcast v1, $0xA;
	_ =	sdelay $0x1  }
0xa5: {  	v2 =	vmul.f32 v2, v3;
	_ =	sdelay $0x1  }
0xa6: {  	[tilespmem:s30+$0x80] =	vst v2;
	v2 =	vld [tilespmem:s30+$0x90];
	_ =	sdelay $0x4  }
0xa7: {  	v2 =	vmul.f32 v2, v3;
	_ =	sdelay $0x1  }
0xa8: {  	[tilespmem:s30+$0x90] =	vst v2;
	v2 =	vld [tilespmem:s30+$0xA0];
	_ =	sdelay $0x4  }
0xa9: {  	v2 =	vmul.f32 v2, v3;
	_ =	sdelay $0x1  }
0xaa: {  	[tilespmem:s30+$0xA0] =	vst v2;
	v2 =	vld [tilespmem:s30+$0xB0];
	_ =	sdelay $0x4  }
0xab: {  	v2 =	vmul.f32 v2, v3;
	_ =	sdelay $0x1  }
0xac: {  	[tilespmem:s30+$0xB0] =	vst v2;
	v2 =	vld [tilespmem:s30+$0xC0];
	_ =	sdelay $0x2  }
0xad: {  	v3 =	vbroadcast v1, $0xB;
	_ =	sdelay $0x1  }
0xae: {  	v2 =	vmul.f32 v2, v3;
	_ =	sdelay $0x1  }
0xaf: {  	[tilespmem:s30+$0xC0] =	vst v2;
	v2 =	vld [tilespmem:s30+$0xD0];
	_ =	sdelay $0x4  }
0xb0: {  	v2 =	vmul.f32 v2, v3;
	_ =	sdelay $0x1  }
0xb1: {  	[tilespmem:s30+$0xD0] =	vst v2;
	v2 =	vld [tilespmem:s30+$0xE0];
	_ =	sdelay $0x4  }
0xb2: {  	v2 =	vmul.f32 v2, v3;
	_ =	sdelay $0x1  }
0xb3: {  	[tilespmem:s30+$0xE0] =	vst v2;
	v2 =	vld [tilespmem:s30+$0xF0];
	_ =	sdelay $0x4  }
0xb4: {  	v2 =	vmul.f32 v2, v3;
	_ =	sdelay $0x1  }
0xb5: {  	[tilespmem:s30+$0xF0] =	vst v2;
	v2 =	vld [tilespmem:s30+$0x100];
	_ =	sdelay $0x2  }
0xb6: {  	v3 =	vbroadcast v1, $0xC;
	_ =	sdelay $0x1  }
0xb7: {  	v2 =	vmul.f32 v2, v3;
	_ =	sdelay $0x1  }
0xb8: {  	[tilespmem:s30+$0x100] =	vst v2;
	v2 =	vld [tilespmem:s30+$0x110];
	_ =	sdelay $0x4  }
0xb9: {  	v2 =	vmul.f32 v2, v3;
	_ =	sdelay $0x1  }
0xba: {  	[tilespmem:s30+$0x110] =	vst v2;
	v2 =	vld [tilespmem:s30+$0x120];
	_ =	sdelay $0x4  }
0xbb: {  	v2 =	vmul.f32 v2, v3;
	_ =	sdelay $0x1  }
0xbc: {  	[tilespmem:s30+$0x120] =	vst v2;
	v2 =	vld [tilespmem:s30+$0x130];
	_ =	sdelay $0x4  }
0xbd: {  	v2 =	vmul.f32 v2, v3;
	_ =	sdelay $0x1  }
0xbe: {  	[tilespmem:s30+$0x130] =	vst v2;
	v2 =	vld [tilespmem:s30+$0x140];
	_ =	sdelay $0x2  }
0xbf: {  	v3 =	vbroadcast v1, $0xD;
	_ =	sdelay $0x1  }
0xc0: {  	v2 =	vmul.f32 v2, v3;
	_ =	sdelay $0x1  }
0xc1: {  	[tilespmem:s30+$0x140] =	vst v2;
	v2 =	vld [tilespmem:s30+$0x150];
	_ =	sdelay $0x4  }
0xc2: {  	v2 =	vmul.f32 v2, v3;
	_ =	sdelay $0x1  }
0xc3: {  	[tilespmem:s30+$0x150] =	vst v2;
	v2 =	vld [tilespmem:s30+$0x160];
	_ =	sdelay $0x4  }
0xc4: {  	v2 =	vmul.f32 v2, v3;
	_ =	sdelay $0x1  }
0xc5: {  	[tilespmem:s30+$0x160] =	vst v2;
	v2 =	vld [tilespmem:s30+$0x170];
	_ =	sdelay $0x4  }
0xc6: {  	v2 =	vmul.f32 v2, v3;
	_ =	sdelay $0x1  }
0xc7: {  	[tilespmem:s30+$0x170] =	vst v2;
	v2 =	vld [tilespmem:s30+$0x180];
	_ =	sdelay $0x2  }
0xc8: {  	v3 =	vbroadcast v1, $0xE;
	_ =	sdelay $0x1  }
0xc9: {  	v2 =	vmul.f32 v2, v3;
	_ =	sdelay $0x1  }
0xca: {  	[tilespmem:s30+$0x180] =	vst v2;
	v2 =	vld [tilespmem:s30+$0x190];
	_ =	sdelay $0x4  }
0xcb: {  	v2 =	vmul.f32 v2, v3;
	_ =	sdelay $0x1  }
0xcc: {  	[tilespmem:s30+$0x190] =	vst v2;
	v2 =	vld [tilespmem:s30+$0x1A0];
	_ =	sdelay $0x4  }
0xcd: {  	v2 =	vmul.f32 v2, v3;
	_ =	sdelay $0x1  }
0xce: {  	[tilespmem:s30+$0x1A0] =	vst v2;
	v2 =	vld [tilespmem:s30+$0x1B0];
	_ =	sdelay $0x4  }
0xcf: {  	v2 =	vmul.f32 v2, v3;
	_ =	sdelay $0x1  }
0xd0: {  	[tilespmem:s30+$0x1B0] =	vst v2;
	v2 =	vld [tilespmem:s30+$0x1C0];
	_ =	sdelay $0x2  }
0xd1: {  	v1 =	vbroadcast v1, $0xF;
	_ =	sdelay $0x1  }
0xd2: {  	v2 =	vmul.f32 v2, v1;
	_ =	sdelay $0x1  }
0xd3: {  	[tilespmem:s30+$0x1C0] =	vst v2;
	v2 =	vld [tilespmem:s30+$0x1D0];
	_ =	sdelay $0x4  }
0xd4: {  	v2 =	vmul.f32 v2, v1;
	_ =	sdelay $0x1  }
0xd5: {  	[tilespmem:s30+$0x1D0] =	vst v2;
	v2 =	vld [tilespmem:s30+$0x1E0];
	_ =	sdelay $0x4  }
0xd6: {  	v2 =	vmul.f32 v2, v1;
	_ =	sdelay $0x1  }
0xd7: {  	[tilespmem:s30+$0x1E0] =	vst v2;
	v2 =	vld [tilespmem:s30+$0x1F0];
	_ =	sdelay $0x1  }
0xd8: {  	p0 =	sne.s32 s31, $0x1C0  }
.Ltmp1:
0xd9: {  	_ = 	snop;
	(pc) =	sbr.rel @p0 .LBB2_5-.Ltmp1, $3  }
0xda: {  	_ = 	snop  }
0xdb: {  	v1 =	vmul.f32 v2, v1;
	_ =	sdelay $0x1  }
0xdc: {  	s31 =	sadd.s32 $0x40, s31;
	[tilespmem:s30+$0x1F0] =	vst v1;
	s30 =	sadd.s32 $0x400, s30  }
0xdd: {  	s29 =	sadd.s32 $0x1, s29  }
0xde: {  	p0 =	sne.s32 s29, $0x4F  }
.Ltmp2:
0xdf: {  	_ = 	snop;
	(pc) =	sbr.rel @p0 .LBB2_4-.Ltmp2, $4  }
0xe0: {  	[spmem:s1] =	stream.indirect.scatter.add.f32 [tilespmem:s20], [sflag:$0x2], $0x40, s23, s25, $0xb8;
	[tilespmem:$0xC180] =	vst v63  }
0xe1: {  	_ =	swait.ge [sflag:s21], $0x2000  }
0xe2: {  	[sflag:s21] =	ssyncset.done $0x0  }
0xe3: {  	[sflag:s21] =	ssyncadd.s32 $0xFFFFE000  }
0xe4: {  	s0 =	sshll.u32 s3, $0x6  }
0xe5: {  	[bflag:$0x0] =	sbarrier.arrive $0xFFFF;
	s28 =	sshrl.u32 s8, $0x3;
	s0 =	sor.u32 $0x1C02, s0  }
0xe6: {  	[hbm:s14], [sflag:s0] =	dma.local [spmem:s28], $0x400  }
0xe7: {  	_ =	swait.ge [sflag:s21], $0x400  }
0xe8: {  	[sflag:s21] =	ssyncset.done $0x0  }
0xe9: {  	s31 =	sshrl.u32 s9, $0x3;
	[sflag:s21] =	ssyncadd.s32 $0xFFFFFC00  }
0xea: {  	[hbm:s15], [sflag:s0] =	dma.local [spmem:s31], $0x400  }
0xeb: {  	_ =	swait.ge [sflag:s21], $0x400  }
0xec: {  	[sflag:s21] =	ssyncset.done $0x0  }
0xed: {  	s29 =	sshrl.u32 s10, $0x3;
	[sflag:s21] =	ssyncadd.s32 $0xFFFFFC00  }
0xee: {  	[hbm:s16], [sflag:s0] =	dma.local [spmem:s29], $0x400  }
0xef: {  	_ =	swait.ge [sflag:s21], $0x400  }
0xf0: {  	[sflag:s21] =	ssyncset.done $0x0  }
0xf1: {  	s30 =	sshrl.u32 s11, $0x3;
	[sflag:s21] =	ssyncadd.s32 $0xFFFFFC00  }
0xf2: {  	[hbm:s17], [sflag:s0] =	dma.local [spmem:s30], $0x400  }
0xf3: {  	s2 =	sadd.s32 $0x1, s2;
	_ =	swait.ge [sflag:s21], $0x400  }
0xf4: {  	p0 =	sne.s32 s2, s19;
	[sflag:s21] =	ssyncset.done $0x0  }
.Ltmp3:
0xf5: {  	s31 =	sshrl.u32 s12, $0x3;
	[sflag:s21] =	ssyncadd.s32 $0xFFFFFC00;
	(pc) =	sbr.rel @p0 .LBB2_1-.Ltmp3, $4  }
0xf6: {  	[hbm:s18], [sflag:s0] =	dma.local [spmem:s31], $0x400  }
0xf7: {  	_ =	swait.ge [sflag:s21], $0x400  }
0xf8: {  	[sflag:s21] =	ssyncset.done $0x0  }
0xf9: {  	[sflag:s21] =	ssyncadd.s32 $0xFFFFFC00  }
0xfa: {  	_ =	sfence.sel $0x180000  }
0xfb: {  	[bflag:$0x0] =	sbarrier.arrive $0xFFFF  }
0xfc: {  	_ =	strace $0x9000004D  }
0xfd: {  	[bflag:$0x2] =	sbarrier.arrive $0xFFFF  }
0xfe: {  	p0 =	sne.s32 s3, $0x0;
	s0 =	rddreg [dreg:$0x2]  }
0xff: {  	s0 =	sadd.s32 @!p0 $0x100000, s0  }
0x100: {  	[sflag:s0] =	ssyncadd.tile.s32 @!p0 $0x1;
	_ =	shalt  }
.Lfunc_end2:
_tile_overlayer_lowered:
.L_overlay_start_2:
0x101: {  	(tag) =	ssettag $0x2  }
0x102: {  	s0 =	rddreg [dreg:$0x0];
	s2 =	stileid.u32  }
0x103: {  	s1 =	rddreg [dreg:$0x1];
	p0 =	sne.s32 s2, $0x0  }
0x104: {  	s3 =	rddreg [dreg:$0x2];
	[bflag:$0x3] =	sbarrier.arrive $0xFFFF;
	s2 =	simm.s32 @!p0 $0x1C02  }
0x105: {  	[timem:s3], [sflag:s2] =	dma.local @!p0 [hbm:s0], s1  }
0x106: {  	s0 =	simm.s32 @!p0 $0x2  }
0x107: {  	_ =	swait.ge @!p0 [sflag:s0], s1  }
0x108: {  	s1 =	ssub.s32 @!p0 $0x0, s1;
	[sflag:s0] =	ssyncset.done @!p0 $0x0  }
0x109: {  	[sflag:s0] =	ssyncadd.s32 @!p0 s1  }
0x10a: {  	[bflag:$0x3] =	sbarrier.arrive $0xFFFF  }
0x10b: {  	_ =	shalt  }

// kernel: kernel.8.cloned.1.call-start
scs
__scs_entry_jumppad:
0x0: {  	(pc) =	sbr.rel $0x88, $3  }
0x1: {  	(tag) =	ssettag $0x0;
	lr =	simm.s32 $0x1  }
0x2: {  	[smem:$0x3F98] =	sst lr;
	_ =	strace $0xD0000000  }
0x3: {  	_ = 	snop  }
0x4: {  	_ = 	snop  }
0x5: {  	_ = 	snop  }
0x6: {  	_ = 	snop  }
0x7: {  	_ = 	snop  }
__scs_overlays_trampoline_lowered:
0x8: {  	[smem:$0x3FA7] =	sst s0  }
0x9: {  	[smem:$0x3FA8] =	sst s1  }
0xa: {  	[smem:$0x3FA9] =	sst s2  }
0xb: {  	[smem:$0x3FAA] =	sst s3  }
0xc: {  	[smem:$0x3FAB] =	sst s4  }
0xd: {  	[smem:$0x3FAC] =	sst s5  }
0xe: {  	[smem:$0x3FAD] =	sst s6  }
0xf: {  	[smem:$0x3FAE] =	sst s7  }
0x10: {  	[smem:$0x3FAF] =	sst s8  }
0x11: {  	[smem:$0x3FB0] =	sst s9;
	s0 =	simm.s32 @!p0 $0x0  }
0x12: {  	s1 =	sld [smem:$0x3F96];
	s0 =	simm.s32 @p0 $0x1  }
0x13: {  	[smem:$0x3FB1] =	sst s0;
	s0 =	simm.s32 @!p1 $0x0  }
0x14: {  	s2 =	sld [smem:$0x3F95];
	s0 =	simm.s32 @p1 $0x1  }
0x15: {  	[smem:$0x3FB2] =	sst s0;
	s0 =	simm.s32 @!p2 $0x0  }
0x16: {  	s3 =	sld [smem:$0x3FDB];
	s0 =	simm.s32 @p2 $0x1  }
0x17: {  	s4 =	simm.s32 $0x1BF5;
	[smem:$0x3FB4] =	sst s0  }
0x18: {  	s0 =	sld [smem:$0x3F97];
	_ =	swait.ge [sflag:s4], $0x0  }
0x19: {  	s7 =	sld [smem:$0x3F98]  }
0x1a: {  	s8 =	sadd.s32 $0xFFFFE003, lr  }
0x1b: {  	s9 =	sadd.s32 $0xFFFFFEF7, lr;
	s5 =	simm.s32 $0xFFFFFFFF;
	p2 =	slt.u32 s8, $0xFFFFF086  }
0x1c: {  	p1 =	slt.u32 s9, $0xF7A;
	s5 =	simm.s32 @!p2 $0x0  }
0x1d: {  	s5 =	simm.s32 @p1 $0x1;
	p0 =	seq.s32 s7, s2  }
0x1e: {  	s7 =	smul.u32 @!p0 $0xF7A, s2;
	p2 =	seq.s32 @!p0 s5, $0x0  }
0x1f: {  	s9 =	smul.u32 $0xF7A, s1;
	s8 =	simm.s32 @!p0 $0x1BF5;
	p2 =	por !p2, p0  }
0x20: {  	[sflag:s8] =	ssyncset.s32 @!p0 $0xFFFFF086;
	s6 =	sadd.s32 @!p0 s3, s7;
	s7 =	simm.s32 @!p0 $0x108  }
0x21: {  	s3 =	sadd.s32 s3, s9;
	s6 =	sadd.s32 @!p0 $0x88, s6;
	s7 =	simm.s32 @p2 $0x1082  }
0x22: {  	[simem:s7], [sflag:s8] =	dma.local @!p0 [hbm:s6], $0xF7A  }
0x23: {  	s9 =	sor.u32 $0xD0000000, s2;
	s6 =	simm.s32 $0x108;
	_ =	swait.ge @!p0 [sflag:s8], $0x0  }
0x24: {  	s3 =	sadd.s32 $0x88, s3;
	s6 =	simm.s32 @!p1 $0x1082;
	[sflag:s4] =	ssyncset.s32 $0xFFFFF086  }
0x25: {  	[simem:s6], [sflag:s4] =	dma.local [hbm:s3], $0xF7A  }
0x26: {  	[smem:$0x3F98] =	sst s1;
	(tag) =	ssettag s2;
	_ =	strace s9  }
0x27: {  	s1 =	sld [smem:$0x3FA8]  }
0x28: {  	s2 =	sld [smem:$0x3FA9]  }
0x29: {  	s4 =	sld [smem:$0x3FAB]  }
0x2a: {  	p0 =	seq.s32 s5, $0x0;
	s5 =	sld [smem:$0x3FAC]  }
0x2b: {  	s6 =	sld [smem:$0x3FAD]  }
0x2c: {  	s7 =	sld [smem:$0x3FAE]  }
0x2d: {  	s3 =	simm.s32 $0x108;
	s8 =	sld [smem:$0x3FAF]  }
0x2e: {  	s3 =	simm.s32 @!p0 $0x1082;
	s9 =	sld [smem:$0x3FB0]  }
0x2f: {  	lr =	sadd.s32 s0, s3;
	s0 =	sld [smem:$0x3FA7]  }
0x30: {  	s3 =	sld [smem:$0x3FAA]  }
0x31: {  	[smem:$0x3FB3] =	sst s10  }
0x32: {  	s10 =	sld [smem:$0x3FB1];
	_ =	sdelay $0x3  }
0x33: {  	p0 =	seq.s32 s10, $0x1;
	s10 =	sld [smem:$0x3FB3];
	_ =	sdelay $0x3  }
0x34: {  	[smem:$0x3FB3] =	sst s10  }
0x35: {  	s10 =	sld [smem:$0x3FB2];
	_ =	sdelay $0x3  }
0x36: {  	p1 =	seq.s32 s10, $0x1;
	s10 =	sld [smem:$0x3FB3];
	_ =	sdelay $0x3  }
0x37: {  	[smem:$0x3FB3] =	sst s10  }
0x38: {  	s10 =	sld [smem:$0x3FB4]  }
0x39: {  	_ = 	snop;
	(pc) =	sbr.ind lr, $3  }
0x3a: {  	_ = 	snop  }
0x3b: {  	_ = 	snop  }
0x3c: {  	p2 =	seq.s32 s10, $0x1;
	s10 =	sld [smem:$0x3FB3]  }
0x3d: {  	_ =	shalt  }
0x3e: {  	_ =	shalt  }
0x3f: {  	_ =	shalt  }
0x40: {  	_ =	shalt  }
0x41: {  	_ =	shalt  }
0x42: {  	_ =	shalt  }
0x43: {  	_ =	shalt  }
0x44: {  	_ =	shalt  }
0x45: {  	_ =	shalt  }
0x46: {  	_ =	shalt  }
0x47: {  	_ =	shalt  }
0x48: {  	_ =	shalt  }
0x49: {  	_ =	shalt  }
0x4a: {  	_ =	shalt  }
0x4b: {  	_ =	shalt  }
0x4c: {  	_ =	shalt  }
0x4d: {  	_ =	shalt  }
0x4e: {  	_ =	shalt  }
0x4f: {  	_ =	shalt  }
0x50: {  	_ =	shalt  }
0x51: {  	_ =	shalt  }
0x52: {  	_ =	shalt  }
0x53: {  	_ =	shalt  }
0x54: {  	_ =	shalt  }
0x55: {  	_ =	shalt  }
0x56: {  	_ =	shalt  }
0x57: {  	_ =	shalt  }
0x58: {  	_ =	shalt  }
0x59: {  	_ =	shalt  }
0x5a: {  	_ =	shalt  }
0x5b: {  	_ =	shalt  }
0x5c: {  	_ =	shalt  }
0x5d: {  	_ =	shalt  }
0x5e: {  	_ =	shalt  }
0x5f: {  	_ =	shalt  }
0x60: {  	_ =	shalt  }
0x61: {  	_ =	shalt  }
0x62: {  	_ =	shalt  }
0x63: {  	_ =	shalt  }
0x64: {  	_ =	shalt  }
0x65: {  	_ =	shalt  }
0x66: {  	_ =	shalt  }
0x67: {  	_ =	shalt  }
0x68: {  	_ =	shalt  }
0x69: {  	_ =	shalt  }
0x6a: {  	_ =	shalt  }
0x6b: {  	_ =	shalt  }
0x6c: {  	_ =	shalt  }
0x6d: {  	_ =	shalt  }
0x6e: {  	_ =	shalt  }
0x6f: {  	_ =	shalt  }
0x70: {  	_ =	shalt  }
0x71: {  	_ =	shalt  }
0x72: {  	_ =	shalt  }
0x73: {  	_ =	shalt  }
0x74: {  	_ =	shalt  }
0x75: {  	_ =	shalt  }
0x76: {  	_ =	shalt  }
0x77: {  	_ =	shalt  }
0x78: {  	_ =	shalt  }
0x79: {  	_ =	shalt  }
0x7a: {  	_ =	shalt  }
0x7b: {  	_ =	shalt  }
0x7c: {  	_ =	shalt  }
0x7d: {  	_ =	shalt  }
0x7e: {  	_ =	shalt  }
0x7f: {  	_ =	shalt  }
0x80: {  	_ =	shalt  }
0x81: {  	_ =	shalt  }
0x82: {  	_ =	shalt  }
0x83: {  	_ =	shalt  }
0x84: {  	_ =	shalt  }
0x85: {  	_ =	shalt  }
0x86: {  	_ =	shalt  }
0x87: {  	_ =	shalt  }
.Lfunc_end0:
.L_simem_size_0:
called_computation_lowered:
.L_overlay_start_0:
0x88: {  	s2 =	sld [smem:$0x3FD9]  }
0x89: {  	s3 =	sld [smem:$0x3FFE];
	_ =	sdelay $0x1  }
0x8a: {  	s1 =	srdreg.scid  }
0x8b: {  	s0 =	sand.u32 $0x1, s1  }
0x8c: {  	s17 =	sshll.u32 s0, $0xA;
	s2 =	sadd.s32 s3, s2  }
0x8d: {  	s2 =	sadd.s32 s2, s17  }
0x8e: {  	[smem:$0x3FBF] =	sst s2  }
0x8f: {  	_ = 	snop  }
0x90: {  	s2 =	sld [smem:$0x3FD0];
	(tm) =	ssettm $0x1  }
0x91: {  	s18 =	sld [smem:$0x3FFB];
	_ =	sdelay $0x3  }
0x92: {  	_ =	strace s18  }
0x93: {  	s3 =	sld [smem:$0x3FFC];
	_ =	sdelay $0x3  }
0x94: {  	_ =	strace s3  }
0x95: {  	s3 =	sld [smem:$0x3FFD];
	_ =	sdelay $0x3  }
0x96: {  	_ =	strace s3  }
0x97: {  	_ =	strace $0x8FFFFFFF  }
0x98: {  	s19 =	sld [smem:$0x3FDB];
	_ =	sdelay $0x1  }
0x99: {  	s4 =	simm.s32 $_scs_section_size  }
0x9a: {  	s5 =	simm.s32 $_size__tile_overlayer_lowered;
	s6 =	simm.s32 $_tile_overlayer_lowered  }
0x9b: {  	s22 =	simm.s32 $0x1BFF;
	s21 =	sshll.u32 s6, $0x1;
	s3 =	sadd.s32 s4, s19  }
0x9c: {  	s7 =	simm.s32 $0x0;
	s20 =	sshll.u32 s5, $0x1;
	s5 =	sadd.s32 s21, s3  }
0x9d: {  	[timem:s7], [sflag:s22] =	dma.local [hbm:s5], s20  }
0x9e: {  	_ =	swait.ge [sflag:s22], s20  }
0x9f: {  	s4 =	ssub.s32 $0x0, s20;
	[sflag:s22] =	ssyncset.done $0x0  }
0xa0: {  	[sflag:s22] =	ssyncadd.s32 s4;
	_ =	sdelay $0x1  }
0xa1: {  	s23 =	simm.s32 $0x1B8B  }
0xa2: {  	_ =	swait.ge [sflag:s23], $0x1  }
0xa3: {  	[sflag:s23] =	ssyncset.done $0x0  }
0xa4: {  	s25 =	simm.s32 $0x1B8E;
	s24 =	sld [smem:$0x3FFE];
	[sflag:s23] =	ssyncadd.s32 $0xFFFFFFFF  }
0xa5: {  	s26 =	simm.s32 $execute0_lowered;
	[smem:$0x3FD2] =	sst s25  }
0xa6: {  	s5 =	sshll.u32 s26, $0x1;
	_ =	strace $0x80000046;
	[dreg:$0x1] =	wrdreg $0xFFFFFFFF  }
0xa7: {  	s28 =	simm.s32 $_size_execute0_lowered;
	s3 =	sadd.s32 s3, s5;
	[dreg:$0x0] =	wrdreg $0x0  }
0xa8: {  	s5 =	sshll.u32 s28, $0x1;
	[dreg:$0x2] =	wrdreg s3  }
0xa9: {  	[dreg:$0x3] =	wrdreg s5  }
0xaa: {  	[dreg:$0x4] =	wrdreg $0xC0  }
0xab: {  	_ =	task [dreg:s7], $0x5FFFF  }
0xac: {  	[dreg:$0x1] =	wrdreg $0xFFFFFFFF  }
0xad: {  	[dreg:$0x0] =	wrdreg $0x60  }
0xae: {  	[dreg:$0x2] =	wrdreg s24  }
0xaf: {  	[dreg:$0x3] =	wrdreg s2  }
0xb0: {  	[dreg:$0x4] =	wrdreg $0x0  }
0xb1: {  	[dreg:$0x5] =	wrdreg $0x9  }
0xb2: {  	_ =	task.clear_ibuf [dreg:s7], $0x6FFFF;
	_ =	strace $0x90000046  }
0xb3: {  	s29 =	simm.s32 $0x9;
	_ =	strace $0x80000048  }
0xb4: {  	_ =	swait.ge [sflag:s29], $0x1  }
0xb5: {  	[sflag:s29] =	ssyncadd.s32 $0xFFFFFFFF  }
0xb6: {  	_ =	strace $0x90000048  }
0xb7: {  	_ =	sfence  }
0xb8: {  	s30 =	sld [smem:$0x0];
	_ =	sdelay $0x2  }
0xb9: {  	s31 =	sshll.u32 s1, $0xD;
	s1 =	sshrl.u32 s1, $0x2  }
0xba: {  	s3 =	sand.u32 $0x4000, s31;
	s1 =	sadd.s32 s1, s30  }
0xbb: {  	s0 =	sor.u32 s3, s0;
	s1 =	sshll.u32 s1, $0x11  }
0xbc: {  	s0 =	sor.u32 s1, s0  }
0xbd: {  	s0 =	sadd.s32 $0x8F2B, s0  }
0xbe: {  	[sflag:s0] =	ssyncadd.remote.s32 $0x1  }
0xbf: {  	_ =	sfence.sel $0xFFFF  }
0xc0: {  	[dreg:$0x0] =	wrdreg $0xFFFFFFFF;
	(pc) =	sbr.abs _section_cstart, $3  }
0xc1: {  	[dreg:$0x1] =	wrdreg $0xFFFFFFFF  }
0xc2: {  	_ =	task.clear_ibuf [dreg:s7], $0x2FFFF;
	_ =	strace $0x9FFFFFFF  }
0xc3: {  	(tm) =	ssettm $0x7FFFFFFF  }
tec
execute0_lowered:
.L_overlay_start_1:
0x0: {  	(tag) =	ssettag $0x1  }
0x1: {  	s4 =	rddreg [dreg:$0x0]  }
0x2: {  	s5 =	rddreg [dreg:$0x1]  }
0x3: {  	s2 =	rddreg [dreg:$0x2]  }
0x4: {  	s0 =	rddreg [dreg:$0x3];
	s3 =	simm.s32 $0x0;
	s1 =	stileid.u32  }
0x5: {  	s7 =	srdreg.scid;
	s12 =	simm.s32 $0x580;
	s13 =	simm.s32 $0x80  }
0x6: {  	s16 =	simm.s32 $0x20;
	s17 =	simm.s32 $0x10;
	s6 =	smul.u32 $0x9E0, s1  }
0x7: {  	s18 =	simm.s32 $0x0;
	[smem:$0x7FF] =	sst s3;
	s8 =	smul.u32 $0xA00, s1  }
0x8: {  	s7 =	sand.u32 $0x1, s7;
	s9 =	smul.u32 $0x500, s1;
	s14 =	sshll.u32 s1, $0x6  }
0x9: {  	_ =	strace $0x80000047;
	s28 =	ssub.s32 $0x2, s7;
	s11 =	sshll.u32 s7, $0x7  }
0xa: {  	s7 =	smul.u32 $0x4F0, s7;
	s14 =	sor.u32 $0x1C01, s14;
	s6 =	sadd.s32 s6, s4  }
0xb: {  	s10 =	sshrl.u32 s28, $0x1;
	s29 =	sshrl.u32 s8, $0x2;
	s30 =	sor.u32 s11, s9  }
0xc: {  	s9 =	simm.s32 $0x280;
	s11 =	simm.s32 $0x500;
	s10 =	ssub.s32 s28, s10  }
0xd: {  	s4 =	sadd.s32 s29, s2;
	s8 =	sshrl.u32 s30, $0x3;
	s31 =	sadd.s32 s7, s6  }
0xe: {  	s5 =	sadd.s32 s5, s8;
	s6 =	smax.u32 s10, $0x1;
	s7 =	sadd.s32 $0xBE00, s31  }
0xf: {  	v0 =	vimm.f32 $0.0e+00;
	s8 =	sadd.s32 $0x2000, s31;
	s10 =	simm.s32 $0x1;
	s15 =	sshrl.u32 s4, $0x3  }
.LBB2_1:
0x10: {  	[tilespmem:$0x280] =	vst v0  }
0x11: {  	[tilespmem:$0x290] =	vst v0  }
0x12: {  	[tilespmem:$0x2A0] =	vst v0  }
0x13: {  	[tilespmem:$0x2B0] =	vst v0  }
0x14: {  	[tilespmem:$0x2C0] =	vst v0  }
0x15: {  	[tilespmem:$0x2D0] =	vst v0  }
0x16: {  	[tilespmem:$0x2E0] =	vst v0  }
0x17: {  	[tilespmem:$0x2F0] =	vst v0  }
0x18: {  	[tilespmem:$0x300] =	vst v0  }
0x19: {  	[tilespmem:$0x310] =	vst v0  }
0x1a: {  	[tilespmem:$0x320] =	vst v0  }
0x1b: {  	[tilespmem:$0x330] =	vst v0  }
0x1c: {  	[tilespmem:$0x340] =	vst v0  }
0x1d: {  	[tilespmem:$0x350] =	vst v0  }
0x1e: {  	[tilespmem:$0x360] =	vst v0  }
0x1f: {  	[tilespmem:$0x370] =	vst v0  }
0x20: {  	[tilespmem:$0x380] =	vst v0  }
0x21: {  	[tilespmem:$0x390] =	vst v0  }
0x22: {  	[tilespmem:$0x3A0] =	vst v0  }
0x23: {  	[tilespmem:$0x3B0] =	vst v0  }
0x24: {  	[tilespmem:$0x3C0] =	vst v0  }
0x25: {  	[tilespmem:$0x3D0] =	vst v0  }
0x26: {  	[tilespmem:$0x3E0] =	vst v0  }
0x27: {  	[tilespmem:$0x3F0] =	vst v0  }
0x28: {  	[tilespmem:$0x400] =	vst v0  }
0x29: {  	[tilespmem:$0x410] =	vst v0  }
0x2a: {  	[tilespmem:$0x420] =	vst v0  }
0x2b: {  	[tilespmem:$0x430] =	vst v0  }
0x2c: {  	[tilespmem:$0x440] =	vst v0  }
0x2d: {  	[tilespmem:$0x450] =	vst v0  }
0x2e: {  	[tilespmem:$0x460] =	vst v0  }
0x2f: {  	[tilespmem:$0x470] =	vst v0  }
0x30: {  	[tilespmem:$0x480] =	vst v0  }
0x31: {  	[tilespmem:$0x490] =	vst v0  }
0x32: {  	[tilespmem:$0x4A0] =	vst v0  }
0x33: {  	[tilespmem:$0x4B0] =	vst v0  }
0x34: {  	[tilespmem:$0x4C0] =	vst v0  }
0x35: {  	[tilespmem:$0x4D0] =	vst v0  }
0x36: {  	[tilespmem:$0x4E0] =	vst v0  }
0x37: {  	[tilespmem:$0x4F0] =	vst v0  }
0x38: {  	[spmem:s4] =	stream.linear.scatter [tilespmem:s9], [sflag:$0x1], $0x280, $0x38;
	[tilespmem:$0x600] =	vst v63  }
0x39: {  	_ =	swait.ge [sflag:s10], $0x280  }
0x3a: {  	[sflag:s10] =	ssyncset.done $0x0  }
0x3b: {  	[sflag:s10] =	ssyncadd.s32 $0xFFFFFD80  }
0x3c: {  	s19 =	sadd.s32 $0x0, s8;
	[bflag:$0x0] =	sbarrier.arrive $0xFFFF  }
0x3d: {  	[tilespmem:s11], [sflag:$0x1] =	stream.linear.gather [hbm4b:s19+s3], $0x80, $0x38;
	[tilespmem:$0x600] =	vst v63  }
0x3e: {  	_ =	swait.ge [sflag:s10], $0x80  }
0x3f: {  	[sflag:s10] =	ssyncset.done $0x0  }
0x40: {  	s31 =	sadd.s32 $0x0, s7;
	[sflag:s10] =	ssyncadd.s32 $0xFFFFFF80  }
0x41: {  	[tilespmem:s12], [sflag:$0x1] =	stream.linear.gather [hbm4b:s31+s3], $0x80, $0x38;
	[tilespmem:$0x600] =	vst v63  }
0x42: {  	_ =	swait.ge [sflag:s10], $0x80  }
0x43: {  	[sflag:s10] =	ssyncset.done $0x0  }
0x44: {  	[sflag:s10] =	ssyncadd.s32 $0xFFFFFF80  }
0x45: {  	[spmem:s2] =	stream.indirect.scatter.add.f32 [tilespmem:s12], [sflag:$0x1], $0x1, s11, s13, $0xb8;
	[tilespmem:$0x600] =	vst v63  }
0x46: {  	_ =	swait.ge [sflag:s10], $0x80  }
0x47: {  	s20 =	simm.s32 $0x20;
	s19 =	simm.s32 $0x10;
	[sflag:s10] =	ssyncset.done $0x0  }
.LBB2_2:
0x48: {  	s21 =	sadd.s32 s19, s8  }
0x49: {  	[sflag:s10] =	ssyncadd.s32 $0xFFFFFF80;
	s22 =	smov.u32 s20;
	s23 =	sadd.s32 $0x10, s20  }
0x4a: {  	[tilespmem:s11], [sflag:$0x1] =	stream.linear.gather [hbm4b:s21+s3], $0x80, $0x38;
	[tilespmem:$0x600] =	vst v63  }
0x4b: {  	p0 =	sne.s32 s20, $0x4E0;
	_ =	swait.ge [sflag:s10], $0x80  }
0x4c: {  	[sflag:s10] =	ssyncset.done $0x0  }
0x4d: {  	s20 =	sadd.s32 s19, s7;
	s19 =	smov.u32 s22;
	[sflag:s10] =	ssyncadd.s32 $0xFFFFFF80  }
0x4e: {  	[tilespmem:s12], [sflag:$0x1] =	stream.linear.gather [hbm4b:s20+s3], $0x80, $0x38;
	[tilespmem:$0x600] =	vst v63  }
0x4f: {  	_ =	swait.ge [sflag:s10], $0x80  }
.Ltmp0:
0x50: {  	[sflag:s10] =	ssyncset.done $0x0;
	(pc) =	sbr.rel @p0 .LBB2_2-.Ltmp0, $4  }
0x51: {  	[sflag:s10] =	ssyncadd.s32 $0xFFFFFF80  }
0x52: {  	[spmem:s2] =	stream.indirect.scatter.add.f32 [tilespmem:s12], [sflag:$0x1], $0x1, s11, s13, $0xb8;
	[tilespmem:$0x600] =	vst v63  }
0x53: {  	_ =	swait.ge [sflag:s10], $0x80  }
0x54: {  	s20 =	smov.u32 s23;
	[sflag:s10] =	ssyncset.done $0x0  }
0x55: {  	s20 =	sadd.s32 s19, s8;
	[sflag:s10] =	ssyncadd.s32 $0xFFFFFF80  }
0x56: {  	[tilespmem:s11], [sflag:$0x1] =	stream.linear.gather [hbm4b:s20+s3], $0x80, $0x38;
	[tilespmem:$0x600] =	vst v63  }
0x57: {  	_ =	swait.ge [sflag:s10], $0x80  }
0x58: {  	[sflag:s10] =	ssyncset.done $0x0  }
0x59: {  	s31 =	sadd.s32 s19, s7;
	[sflag:s10] =	ssyncadd.s32 $0xFFFFFF80  }
0x5a: {  	[tilespmem:s12], [sflag:$0x1] =	stream.linear.gather [hbm4b:s31+s3], $0x80, $0x38;
	[tilespmem:$0x600] =	vst v63  }
0x5b: {  	_ =	swait.ge [sflag:s10], $0x80  }
0x5c: {  	[sflag:s10] =	ssyncset.done $0x0  }
0x5d: {  	[sflag:s10] =	ssyncadd.s32 $0xFFFFFF80  }
0x5e: {  	[spmem:s2] =	stream.indirect.scatter.add.f32 [tilespmem:s12], [sflag:$0x1], $0x1, s11, s13, $0xb8;
	[tilespmem:$0x600] =	vst v63  }
0x5f: {  	_ =	swait.ge [sflag:s10], $0x80  }
0x60: {  	s18 =	sadd.s32 $0x1, s18;
	[sflag:s10] =	ssyncset.done $0x0  }
0x61: {  	p0 =	sne.s32 s18, s6;
	[sflag:s10] =	ssyncadd.s32 $0xFFFFFF80  }
.Ltmp1:
0x62: {  	[bflag:$0x0] =	sbarrier.arrive $0xFFFF;
	(pc) =	sbr.rel @p0 .LBB2_1-.Ltmp1, $4  }
0x63: {  	[hbm:s5@s16], [sflag:s14] =	dma.strided [spmem:s15@s17], $0x50, s10, $0x10   }
0x64: {  	_ =	swait.ge [sflag:s10], $0x50  }
0x65: {  	[sflag:s10] =	ssyncset.done $0x0  }
0x66: {  	[sflag:s10] =	ssyncadd.s32 $0xFFFFFFB0  }
0x67: {  	_ =	sfence.sel $0x180000  }
0x68: {  	[bflag:$0x0] =	sbarrier.arrive $0xFFFF  }
0x69: {  	p0 =	sne.s32 s1, $0x0;
	_ =	strace $0x90000047  }
0x6a: {  	s0 =	sadd.s32 @!p0 $0x100000, s0;
	[bflag:$0x2] =	sbarrier.arrive $0xFFFF  }
0x6b: {  	[sflag:s0] =	ssyncadd.tile.s32 @!p0 $0x1;
	_ =	shalt  }
.Lfunc_end2:
_tile_overlayer_lowered:
.L_overlay_start_2:
0x6c: {  	(tag) =	ssettag $0x2  }
0x6d: {  	s0 =	rddreg [dreg:$0x0];
	s2 =	stileid.u32  }
0x6e: {  	s1 =	rddreg [dreg:$0x1];
	p0 =	sne.s32 s2, $0x0  }
0x6f: {  	s3 =	rddreg [dreg:$0x2];
	[bflag:$0x3] =	sbarrier.arrive $0xFFFF;
	s2 =	simm.s32 @!p0 $0x1C01  }
0x70: {  	[timem:s3], [sflag:s2] =	dma.local @!p0 [hbm:s0], s1  }
0x71: {  	s0 =	simm.s32 @!p0 $0x1  }
0x72: {  	_ =	swait.ge @!p0 [sflag:s0], s1  }
0x73: {  	s1 =	ssub.s32 @!p0 $0x0, s1;
	[sflag:s0] =	ssyncset.done @!p0 $0x0  }
0x74: {  	[sflag:s0] =	ssyncadd.s32 @!p0 s1  }
0x75: {  	[bflag:$0x3] =	sbarrier.arrive $0xFFFF  }
0x76: {  	_ =	shalt  }

</sc_bundles>
